<compile_context>
chip_gen: v7x
topology: tpu7x:2x2x1
jax: 0.10.2.dev20260603
libtpu: 0.0.44.dev20260713+nightly
codegen_flags: <defaults>
</compile_context>

<pallas_src>
import functools

import jax
import jax.numpy as jnp
from jax import lax
from jax.experimental import pallas as pl
from jax.experimental.pallas import tpu as pltpu
from jax.experimental.pallas import tpu_sc as plsc

N_NODES = 10000
N_REL = 8
N_BASES = 4
D = 256
L = 16
NPAD = 10240
NC = 2
NS = 16
NW = NC * NS
CH = 128
ACC_ROWS = N_REL * NPAD
ROWS_PER_TILE = ACC_ROWS // NS
ZROWS = 128
BN = 512
NPASS = D // L
RING = 16
LAG = 8


def _mesh():
    return plsc.VectorSubcoreMesh(
        core_axis_name="c", subcore_axis_name="s", num_cores=NC, num_subcores=NS)


@functools.cache
def _make_counts_kernel(nch0, nch1):
    @functools.partial(
        pl.kernel,
        out_type=jax.ShapeDtypeStruct((NC, ACC_ROWS, L), jnp.float32),
        mesh=_mesh(),
        scratch_types=[
            pltpu.VMEM((max(nch0, nch1), CH), jnp.int32),
            pltpu.VMEM((CH, L), jnp.float32),
            pltpu.VMEM((ZROWS, L), jnp.float32),
            pltpu.VMEM_SHARED((ACC_ROWS, L), jnp.float32),
            pltpu.SemaphoreType.DMA,
        ],
        compiler_params=pltpu.CompilerParams(use_tc_tiling_on_sc=False),
    )
    def cntk(sidx_hbm, cnt_out, sidx_v, ones_v, zbuf, acc, sem):
        cid = lax.axis_index("c")
        sid = lax.axis_index("s")
        wid = sid * NC + cid
        nch_w = jnp.where(cid == 0, nch0, nch1)
        pltpu.sync_copy(sidx_hbm.at[wid], sidx_v)

        def setz(i, _):
            zbuf[i, :] = jnp.zeros((L,), jnp.float32)
            return 0
        lax.fori_loop(0, ZROWS, setz, 0)

        def set1(i, _):
            ones_v[i, :] = jnp.ones((L,), jnp.float32)
            return 0
        lax.fori_loop(0, CH, set1, 0)

        base = sid * ROWS_PER_TILE

        def clr(i, _):
            pltpu.sync_copy(zbuf, acc.at[pl.ds(base + i * ZROWS, ZROWS)])
            return 0
        lax.fori_loop(0, ROWS_PER_TILE // ZROWS, clr, 0)
        plsc.subcore_barrier()

        def cfire(j, _):
            pltpu.async_copy(ones_v, acc.at[sidx_v.at[j]], sem, add=True)
            return 0
        lax.fori_loop(0, nch_w, cfire, 0)

        def cdrain(j, _):
            pltpu.make_async_copy(ones_v, acc.at[sidx_v.at[j]], sem).wait()
            return 0
        lax.fori_loop(0, nch_w, cdrain, 0)
        plsc.subcore_barrier()
        pltpu.sync_copy(acc.at[pl.ds(base, ROWS_PER_TILE)],
                        cnt_out.at[cid, pl.ds(base, ROWS_PER_TILE)])
    return cntk


@functools.cache
def _make_agg_kernel(nch0, nch1):
    nch = max(nch0, nch1)
    @functools.partial(
        pl.kernel,
        out_type=jax.ShapeDtypeStruct((NC, ACC_ROWS, L, L), jnp.float32),
        mesh=_mesh(),
        scratch_types=[
            pltpu.VMEM((nch, CH), jnp.int32),
            pltpu.VMEM((nch, CH), jnp.int32),
            pltpu.VMEM((RING, CH, L), jnp.float32),
            pltpu.VMEM((ZROWS, L), jnp.float32),
            pltpu.VMEM_SHARED((ACC_ROWS, L), jnp.float32),
            pltpu.SemaphoreType.DMA,
            pltpu.SemaphoreType.DMA,
            pltpu.SemaphoreType.DMA,
        ],
        compiler_params=pltpu.CompilerParams(use_tc_tiling_on_sc=False),
    )
    def aggk(xflat, src16_hbm, sidx_hbm, agg_out,
             idx_v, sidx_v, rows, zbuf, acc, sem_g, sem_s, sem_d):
        cid = lax.axis_index("c")
        sid = lax.axis_index("s")
        wid = sid * NC + cid
        nch_w = jnp.where(cid == 0, nch0, nch1)
        pltpu.sync_copy(src16_hbm.at[wid], idx_v)
        pltpu.sync_copy(sidx_hbm.at[wid], sidx_v)

        def setz(i, _):
            zbuf[i, :] = jnp.zeros((L,), jnp.float32)
            return 0
        lax.fori_loop(0, ZROWS, setz, 0)

        base = sid * ROWS_PER_TILE
        nclr = ROWS_PER_TILE // ZROWS

        def gfire(j):
            pltpu.async_copy(
                xflat.at[idx_v.at[j]], rows.at[lax.rem(j, RING)], sem_g)

        def gwait(j):
            pltpu.make_async_copy(
                xflat.at[idx_v.at[j]], rows.at[lax.rem(j, RING)], sem_g).wait()

        def sfire(j):
            pltpu.async_copy(
                rows.at[lax.rem(j, RING)], acc.at[sidx_v.at[j]], sem_s,
                add=True)

        def swait(j):
            pltpu.make_async_copy(
                rows.at[lax.rem(j, RING)], acc.at[sidx_v.at[j]], sem_s).wait()

        dseg = ROWS_PER_TILE // 4

        def dump_fire(dp):
            for k in range(4):
                pltpu.async_copy(
                    acc.at[pl.ds(base + k * dseg, dseg)],
                    agg_out.at[cid, pl.ds(base + k * dseg, dseg), dp], sem_d)

        def dump_wait(dp):
            for k in range(4):
                pltpu.make_async_copy(
                    acc.at[pl.ds(base + k * dseg, dseg)],
                    agg_out.at[cid, pl.ds(base + k * dseg, dseg), dp],
                    sem_d).wait()

        def pass_body(dp, _):
            def p1(j, _):
                gfire(j)
                return 0
            lax.fori_loop(0, LAG, p1, 0)

            @pl.when(dp > 0)
            def _():
                dump_wait(dp - 1)

            def clr_f(i, _):
                pltpu.async_copy(
                    zbuf, acc.at[pl.ds(base + i * ZROWS, ZROWS)], sem_s)
                return 0
            lax.fori_loop(0, nclr, clr_f, 0)

            def clr_d(i, _):
                pltpu.make_async_copy(
                    zbuf, acc.at[pl.ds(base + i * ZROWS, ZROWS)], sem_s).wait()
                return 0
            lax.fori_loop(0, nclr, clr_d, 0)
            plsc.subcore_barrier()

            def p2(j, _):
                gwait(j)
                sfire(j)
                gfire(j + LAG)
                return 0
            lax.fori_loop(0, RING - LAG, p2, 0)

            def p3(j, _):
                gwait(j)
                sfire(j)
                swait(j - LAG)
                gfire(j + LAG)
                return 0
            lax.fori_loop(RING - LAG, nch_w - LAG, p3, 0)

            def p4(j, _):
                gwait(j)
                sfire(j)
                return 0
            lax.fori_loop(nch_w - LAG, nch_w, p4, 0)

            def inc(j, _):
                for c in range(CH // L):
                    sl = pl.ds(c * L, L)
                    idx_v[j, sl] = idx_v[j, sl] + 1
                return 0
            lax.fori_loop(0, nch_w, inc, 0)

            def p5(j, _):
                swait(j)
                return 0
            lax.fori_loop(nch_w - RING, nch_w, p5, 0)
            plsc.subcore_barrier()
            dump_fire(dp)
            return 0
        lax.fori_loop(0, NPASS, pass_body, 0)
        dump_wait(NPASS - 1)
    return aggk


def _dense_body(comp_ref, x_ref, agg_ref, cnt_ref, root_ref, basis_ref,
                bias_ref, gamma_ref, beta_ref, out_ref):
    x = x_ref[...]
    acc = jnp.dot(x, root_ref[...], preferred_element_type=jnp.float32)
    acc = acc + bias_ref[...]
    cnt = cnt_ref[0] + cnt_ref[1]
    rec = 1.0 / jnp.clip(cnt[..., :1], 1.0, None)
    agg = agg_ref[0] + agg_ref[1]
    aggm = [agg[r] * rec[r] for r in range(N_REL)]
    for b in range(N_BASES):
        cb = aggm[0] * comp_ref[0, b]
        for r in range(1, N_REL):
            cb = cb + aggm[r] * comp_ref[r, b]
        acc = acc + jnp.dot(cb, basis_ref[b], preferred_element_type=jnp.float32)
    mu = jnp.mean(acc, axis=-1, keepdims=True)
    xc = acc - mu
    var = jnp.mean(xc * xc, axis=-1, keepdims=True)
    y = xc * lax.rsqrt(var + 1e-5) * gamma_ref[...] + beta_ref[...]
    out_ref[...] = jnp.where(y >= 0, y, 0.1 * y)


@functools.cache
def _make_dense():
    return pl.pallas_call(
        _dense_body,
        grid=(NPAD // BN,),
        in_specs=[
            pl.BlockSpec(memory_space=pltpu.SMEM),
            pl.BlockSpec((BN, D), lambda i: (i, 0)),
            pl.BlockSpec((NC, N_REL, BN, D), lambda i: (0, 0, i, 0)),
            pl.BlockSpec((NC, N_REL, BN, L), lambda i: (0, 0, i, 0)),
            pl.BlockSpec((D, D), lambda i: (0, 0)),
            pl.BlockSpec((N_BASES, D, D), lambda i: (0, 0, 0)),
            pl.BlockSpec((1, D), lambda i: (0, 0)),
            pl.BlockSpec((1, D), lambda i: (0, 0)),
            pl.BlockSpec((1, D), lambda i: (0, 0)),
        ],
        out_specs=pl.BlockSpec((BN, D), lambda i: (i, 0)),
        out_shape=jax.ShapeDtypeStruct((NPAD, D), jnp.float32),
    )


def _split_edges(flat, nch0, nch1):
    nch = max(nch0, nch1)
    e0 = NS * nch0 * CH
    p0 = flat[:e0].reshape(NS, nch0, CH)
    p1 = flat[e0:].reshape(NS, nch1, CH)
    p0 = jnp.pad(p0, ((0, 0), (0, nch - nch0), (0, 0)))
    p1 = jnp.pad(p1, ((0, 0), (0, nch - nch1), (0, 0)))
    return jnp.stack([p0, p1], axis=1).reshape(NW, nch, CH)


def kernel(entity, train_pos_edge_index, train_pos_edge_types,
           basis0, comp0, root0, bias0, gamma0, beta0,
           basis1, comp1, root1, bias1, gamma1, beta1):
    E = train_pos_edge_types.shape[0]
    src = train_pos_edge_index[0].astype(jnp.int32)
    dst = train_pos_edge_index[1].astype(jnp.int32)
    et = train_pos_edge_types.astype(jnp.int32)

    pairs = -(-E // (NS * CH))
    epad = pairs * NS * CH
    nch0 = max(RING, round(pairs * 0.32))
    nch1 = pairs - nch0
    pad = epad - E
    src16_flat = jnp.concatenate([src * L, jnp.zeros((pad,), jnp.int32)])
    sidx_flat = jnp.concatenate(
        [et * NPAD + dst, jnp.full((pad,), N_NODES, jnp.int32)])
    src16 = _split_edges(src16_flat, nch0, nch1)
    sidx = _split_edges(sidx_flat, nch0, nch1)

    xp = jnp.pad(entity, ((0, NPAD - N_NODES), (0, 0)))
    cnt = _make_counts_kernel(nch0, nch1)(sidx).reshape(NC, N_REL, NPAD, L)
    aggk = _make_agg_kernel(nch0, nch1)
    dense = _make_dense()
    for (basis, comp, root, bias, gamma, beta) in (
            (basis0, comp0, root0, bias0, gamma0, beta0),
            (basis1, comp1, root1, bias1, gamma1, beta1)):
        agg = aggk(xp.reshape(NPAD * L, L), src16, sidx)
        agg = agg.reshape(NC, N_REL, NPAD, D)
        xp = dense(comp, xp, agg, cnt, root, basis,
                   bias.reshape(1, D), gamma.reshape(1, D), beta.reshape(1, D))
    return xp[:N_NODES]

# --- scband reference (transcript-rebuilt; emitter-appended) ---
"""Pipeline reference for scband-rgcnlink-prediction-79852031967539 (READ-ONLY COPY).

The authoritative reference and input builder live on the scoring server;
editing this copy changes nothing except your own understanding.
"""

import jax, jax.numpy as jnp
import numpy as np

N_NODES = 10000
N_EDGES = 160000
N_REL = 8
N_BASES = 4
D = 256
NUM_LAYERS = 2


def setup_inputs(seed: int = 0) -> dict:
    key = jax.random.key(seed)
    ks = jax.random.split(key, 20)
    inp = {}
    inp['entity'] = jax.random.normal(ks[0], (N_NODES, D), dtype=jnp.float32)
    inp['train_pos_edge_index'] = jax.random.randint(ks[1], (2, N_EDGES), 0, N_NODES, dtype=jnp.int64)
    inp['train_pos_edge_types'] = jax.random.randint(ks[2], (N_EDGES,), 0, N_REL, dtype=jnp.int64)
    scale = 1.0 / np.sqrt(D)
    for l in range(NUM_LAYERS):
        inp[f'basis{l}'] = jax.random.normal(ks[3 + 6 * l], (N_BASES, D, D), dtype=jnp.float32) * scale
        inp[f'comp{l}'] = jax.random.normal(ks[4 + 6 * l], (N_REL, N_BASES), dtype=jnp.float32)
        inp[f'root{l}'] = jax.random.normal(ks[5 + 6 * l], (D, D), dtype=jnp.float32) * scale
        inp[f'bias{l}'] = jnp.zeros((D,), dtype=jnp.float32)
        inp[f'gamma{l}'] = jnp.ones((D,), dtype=jnp.float32)
        inp[f'beta{l}'] = jnp.zeros((D,), dtype=jnp.float32)
    return inp


def _layer_norm(x, gamma, beta, eps=1e-5):
    mu = jnp.mean(x, axis=-1, keepdims=True)
    var = jnp.var(x, axis=-1, keepdims=True)
    return (x - mu) / jnp.sqrt(var + eps) * gamma + beta


def _leaky_relu(x, slope=0.1):
    return jnp.where(x >= 0, x, slope * x)


def _rgcn_conv(x, src, dst, etype, basis, comp, root_w, bias):
    # PyG RGCNConv with basis decomposition, aggr='mean' per relation
    n = x.shape[0]
    out_dim = basis.shape[2]
    out = x @ root_w + bias
    for r in range(N_REL):
        w_r = jnp.einsum('b,bio->io', comp[r], basis)  # [in, out]
        xw = x @ w_r                                   # [N, out]
        mask = (etype == r).astype(x.dtype)            # [E]
        m = xw[src] * mask[:, None]                    # gather + mask
        s = jnp.zeros((n, out_dim), x.dtype).at[dst].add(m)
        cnt = jnp.zeros((n,), x.dtype).at[dst].add(mask)
        out = out + s / jnp.clip(cnt, 1.0, None)[:, None]
    return out


def reference(entity, train_pos_edge_index, train_pos_edge_types,
              basis0, comp0, root0, bias0, gamma0, beta0,
              basis1, comp1, root1, bias1, gamma1, beta1):
    src = train_pos_edge_index[0]
    dst = train_pos_edge_index[1]
    et = train_pos_edge_types
    x = entity
    # layer 0
    x = _rgcn_conv(x, src, dst, et, basis0, comp0, root0, bias0)
    x = _layer_norm(x, gamma0, beta0)
    x = _leaky_relu(x)
    # dropout: eval mode -> identity
    # layer 1
    x = _rgcn_conv(x, src, dst, et, basis1, comp1, root1, bias1)
    x = _layer_norm(x, gamma1, beta1)
    x = _leaky_relu(x)
    return x

if __name__ == "__main__":
    import jax
    _d = setup_inputs()
    print(jax.jit(kernel)(*tuple(_d.values())))

</pallas_src>

<mosaic_0001>
#map = affine_map<(d0, d1) -> (0, 0)>
#map1 = affine_map<(d0, d1) -> (0, 0, 0)>
#map2 = affine_map<(d0, d1) -> (0, 0, 0, 0)>
module attributes {stable_mosaic.version = 14 : i64} {
  func.func @aggk(%arg0: i32, %arg1: i32, %arg2: memref<163840x16xf32, #tpu.memory_space<hbm>>, %arg3: memref<32x54x128xi32, #tpu.memory_space<hbm>>, %arg4: memref<32x54x128xi32, #tpu.memory_space<hbm>>, %arg5: memref<2x81920x16x16xf32, #tpu.memory_space<hbm>>, %arg6: memref<54x128xi32, #tpu.memory_space<vmem>>, %arg7: memref<54x128xi32, #tpu.memory_space<vmem>>, %arg8: memref<16x128x16xf32, #tpu.memory_space<vmem>>, %arg9: memref<128x16xf32, #tpu.memory_space<vmem>>, %arg10: memref<81920x16xf32, #tpu.memory_space<vmem_shared>>, %arg11: memref<!tpu.dma_semaphore, #tpu.memory_space<semaphore_mem>>, %arg12: memref<!tpu.dma_semaphore, #tpu.memory_space<semaphore_mem>>, %arg13: memref<!tpu.dma_semaphore, #tpu.memory_space<semaphore_mem>>) attributes {dimension_semantics = [#tpu.dimension_semantics<core_parallel>, #tpu.dimension_semantics<subcore_parallel>], iteration_bounds = array<i64: 2, 16>, scalar_prefetch = 0 : i64, scratch_operands = 8 : i64, tpu.core_type = #tpu.core_type<sc_vector_subcore>, window_params = [{transform_indices = #map}, {transform_indices = #map1}, {transform_indices = #map1}, {transform_indices = #map2}]} {
    %mul3A = arith.constant 2 : i32
    %mul3A_0 = arith.muli %arg1, %mul3A : i32
    %add3A = arith.addi %mul3A_0, %arg0 : i32
    %eq3A = arith.constant 0 : i32
    %eq3A_1 = arith.cmpi eq, %arg0, %eq3A : i32
    %jit3A = arith.constant 25 : i32
    %jit3A_2 = arith.constant 54 : i32
    %select_n3A = arith.select %eq3A_1, %jit3A, %jit3A_2 : i32
    "tpu.region"() ({
      %run_scoped3A = tpu.sem_alloc : memref<!tpu.dma_semaphore, #tpu.memory_space<semaphore_mem>>
      %dma_start3A = arith.constant 0 : i32
      %dma_start3A_57 = arith.constant 0 : i32
      %dma_start3A_58 = tpu.memref_slice %arg3[%add3A, %dma_start3A, %dma_start3A_57] : memref<32x54x128xi32, #tpu.memory_space<hbm>> -> memref<1x54x128xi32, #tpu.memory_space<hbm>>
      %dma_start3A_59 = tpu.memref_squeeze %dma_start3A_58 : memref<1x54x128xi32, #tpu.memory_space<hbm>> -> memref<54x128xi32, #tpu.memory_space<hbm>>
      %dma_start3A_60 = arith.constant 0 : i32
      %dma_start3A_61 = arith.constant 0 : i32
      %dma_start3A_62 = tpu.memref_slice %arg3[%add3A, %dma_start3A_60, %dma_start3A_61] : memref<32x54x128xi32, #tpu.memory_space<hbm>> -> memref<1x54x128xi32, #tpu.memory_space<hbm>>
      %dma_start3A_63 = tpu.memref_squeeze %dma_start3A_62 : memref<1x54x128xi32, #tpu.memory_space<hbm>> -> memref<54x128xi32, #tpu.memory_space<hbm>>
      tpu.enqueue_dma source(%dma_start3A_63 : memref<54x128xi32, #tpu.memory_space<hbm>>) target(%arg6 : memref<54x128xi32, #tpu.memory_space<vmem>>) target_semaphore(%run_scoped3A : memref<!tpu.dma_semaphore, #tpu.memory_space<semaphore_mem>>)
      %dma_wait3A_64 = arith.constant 0 : i32
      %dma_wait3A_65 = arith.constant 0 : i32
      %dma_wait3A_66 = tpu.memref_slice %arg3[%add3A, %dma_wait3A_64, %dma_wait3A_65] : memref<32x54x128xi32, #tpu.memory_space<hbm>> -> memref<1x54x128xi32, #tpu.memory_space<hbm>>
      %dma_wait3A_67 = tpu.memref_squeeze %dma_wait3A_66 : memref<1x54x128xi32, #tpu.memory_space<hbm>> -> memref<54x128xi32, #tpu.memory_space<hbm>>
      %dma_wait3A_68 = arith.constant 0 : i32
      %dma_wait3A_69 = arith.constant 0 : i32
      %dma_wait3A_70 = tpu.memref_slice %arg3[%add3A, %dma_wait3A_68, %dma_wait3A_69] : memref<32x54x128xi32, #tpu.memory_space<hbm>> -> memref<1x54x128xi32, #tpu.memory_space<hbm>>
      %dma_wait3A_71 = tpu.memref_squeeze %dma_wait3A_70 : memref<1x54x128xi32, #tpu.memory_space<hbm>> -> memref<54x128xi32, #tpu.memory_space<hbm>>
      tpu.wait_dma2 semaphore(%run_scoped3A : memref<!tpu.dma_semaphore, #tpu.memory_space<semaphore_mem>>) src(%dma_wait3A_71 : memref<54x128xi32, #tpu.memory_space<hbm>>) dst(%arg6 : memref<54x128xi32, #tpu.memory_space<vmem>>)
      tpu.yield
    }) : () -> ()
    "tpu.region"() ({
      %run_scoped3A = tpu.sem_alloc : memref<!tpu.dma_semaphore, #tpu.memory_space<semaphore_mem>>
      %dma_start3A = arith.constant 0 : i32
      %dma_start3A_57 = arith.constant 0 : i32
      %dma_start3A_58 = tpu.memref_slice %arg4[%add3A, %dma_start3A, %dma_start3A_57] : memref<32x54x128xi32, #tpu.memory_space<hbm>> -> memref<1x54x128xi32, #tpu.memory_space<hbm>>
      %dma_start3A_59 = tpu.memref_squeeze %dma_start3A_58 : memref<1x54x128xi32, #tpu.memory_space<hbm>> -> memref<54x128xi32, #tpu.memory_space<hbm>>
      %dma_start3A_60 = arith.constant 0 : i32
      %dma_start3A_61 = arith.constant 0 : i32
      %dma_start3A_62 = tpu.memref_slice %arg4[%add3A, %dma_start3A_60, %dma_start3A_61] : memref<32x54x128xi32, #tpu.memory_space<hbm>> -> memref<1x54x128xi32, #tpu.memory_space<hbm>>
      %dma_start3A_63 = tpu.memref_squeeze %dma_start3A_62 : memref<1x54x128xi32, #tpu.memory_space<hbm>> -> memref<54x128xi32, #tpu.memory_space<hbm>>
      tpu.enqueue_dma source(%dma_start3A_63 : memref<54x128xi32, #tpu.memory_space<hbm>>) target(%arg7 : memref<54x128xi32, #tpu.memory_space<vmem>>) target_semaphore(%run_scoped3A : memref<!tpu.dma_semaphore, #tpu.memory_space<semaphore_mem>>)
      %dma_wait3A_64 = arith.constant 0 : i32
      %dma_wait3A_65 = arith.constant 0 : i32
      %dma_wait3A_66 = tpu.memref_slice %arg4[%add3A, %dma_wait3A_64, %dma_wait3A_65] : memref<32x54x128xi32, #tpu.memory_space<hbm>> -> memref<1x54x128xi32, #tpu.memory_space<hbm>>
      %dma_wait3A_67 = tpu.memref_squeeze %dma_wait3A_66 : memref<1x54x128xi32, #tpu.memory_space<hbm>> -> memref<54x128xi32, #tpu.memory_space<hbm>>
      %dma_wait3A_68 = arith.constant 0 : i32
      %dma_wait3A_69 = arith.constant 0 : i32
      %dma_wait3A_70 = tpu.memref_slice %arg4[%add3A, %dma_wait3A_68, %dma_wait3A_69] : memref<32x54x128xi32, #tpu.memory_space<hbm>> -> memref<1x54x128xi32, #tpu.memory_space<hbm>>
      %dma_wait3A_71 = tpu.memref_squeeze %dma_wait3A_70 : memref<1x54x128xi32, #tpu.memory_space<hbm>> -> memref<54x128xi32, #tpu.memory_space<hbm>>
      tpu.wait_dma2 semaphore(%run_scoped3A : memref<!tpu.dma_semaphore, #tpu.memory_space<semaphore_mem>>) src(%dma_wait3A_71 : memref<54x128xi32, #tpu.memory_space<hbm>>) dst(%arg7 : memref<54x128xi32, #tpu.memory_space<vmem>>)
      tpu.yield
    }) : () -> ()
    %scan3A = arith.constant 0 : i32
    %scan3A_3 = arith.constant 0 : i32
    %scan3A_4 = arith.constant 128 : i32
    %scan3A_5 = arith.addi %scan3A_3, %scan3A_4 : i32
    %scan3A_6 = arith.constant 1 : i32
    %scan3A_7 = scf.for %scan3A_57 = %scan3A_3 to %scan3A_5 step %scan3A_6 iter_args(%scan3A_58 = %scan3A) -> (i32)  : i32 {
      %broadcast_in_dim3A = arith.constant 0.000000e+00 : f32
      %broadcast_in_dim3A_59 = vector.broadcast %broadcast_in_dim3A : f32 to vector<16xf32>
      %swap3A = arith.index_cast %scan3A_57 : i32 to index
      %swap3A_60 = arith.constant 0 : index
      %swap3A_61 = tpu.vector_load %arg9[%swap3A, %swap3A_60] {strides = array<i32>} : memref<128x16xf32, #tpu.memory_space<vmem>>, vector<1x16xf32>,
      %swap3A_62 = vector.shape_cast %swap3A_61 : vector<1x16xf32> to vector<16xf32>
      %swap3A_63 = vector.shape_cast %broadcast_in_dim3A_59 : vector<16xf32> to vector<1x16xf32>
      tpu.vector_store %arg9[%swap3A, %swap3A_60], %swap3A_63 {strides = array<i32>} : memref<128x16xf32, #tpu.memory_space<vmem>>, vector<1x16xf32>,
      %scan3A_64 = arith.constant 0 : i32
      scf.yield %scan3A_64 : i32
    }
    %scan3A_8 = arith.constant 128 : i32
    %mul3A_9 = arith.constant 5120 : i32
    %mul3A_10 = arith.muli %arg1, %mul3A_9 : i32
    %scan3A_11 = arith.constant 0 : i32
    %scan3A_12 = arith.constant 0 : i32
    %scan3A_13 = arith.constant 16 : i32
    %scan3A_14 = arith.addi %scan3A_12, %scan3A_13 : i32
    %scan3A_15 = arith.constant 1 : i32
    %scan3A_16 = scf.for %scan3A_57 = %scan3A_12 to %scan3A_14 step %scan3A_15 iter_args(%scan3A_58 = %scan3A_11) -> (i32)  : i32 {
      %scan3A_59 = arith.constant 0 : i32
      %scan3A_60 = arith.constant 0 : i32
      %scan3A_61 = arith.constant 8 : i32
      %scan3A_62 = arith.addi %scan3A_60, %scan3A_61 : i32
      %scan3A_63 = arith.constant 1 : i32
      %scan3A_64 = scf.for %scan3A_176 = %scan3A_60 to %scan3A_62 step %scan3A_63 iter_args(%scan3A_177 = %scan3A_59) -> (i32)  : i32 {
        %rem3A = arith.constant 16 : i32
        %rem3A_178 = arith.remsi %scan3A_176, %rem3A : i32
        %dma_start3A_179 = arith.constant 0 : i32
        %dma_start3A_180 = arith.constant 0 : i32
        %dma_start3A_181 = tpu.memref_slice %arg8[%rem3A_178, %dma_start3A_179, %dma_start3A_180] : memref<16x128x16xf32, #tpu.memory_space<vmem>> -> memref<1x128x16xf32, #tpu.memory_space<vmem>>
        %dma_start3A_182 = tpu.memref_squeeze %dma_start3A_181 : memref<1x128x16xf32, #tpu.memory_space<vmem>> -> memref<128x16xf32, #tpu.memory_space<vmem>>
        %dma_start3A_183 = arith.constant 0 : i32
        %dma_start3A_184 = tpu.memref_slice %arg6[%scan3A_176, %dma_start3A_183] : memref<54x128xi32, #tpu.memory_space<vmem>> -> memref<1x128xi32, #tpu.memory_space<vmem>>
        %dma_start3A_185 = tpu.memref_squeeze %dma_start3A_184 : memref<1x128xi32, #tpu.memory_space<vmem>> -> memref<128xi32, #tpu.memory_space<vmem>>
        %dma_start3A_186 = arith.constant 0 : i32
        %dma_start3A_187 = arith.constant 0 : i32
        %dma_start3A_188 = tpu.memref_slice %arg2[%dma_start3A_186, %dma_start3A_187] : memref<163840x16xf32, #tpu.memory_space<hbm>> -> memref<163840x16xf32, #tpu.memory_space<hbm>>
        tpu.enqueue_indirect_dma source(%dma_start3A_188 : memref<163840x16xf32, #tpu.memory_space<hbm>>) target(%dma_start3A_182 : memref<128x16xf32, #tpu.memory_space<vmem>>) offsets(%dma_start3A_185 : memref<128xi32, #tpu.memory_space<vmem>>) semaphore(%arg11 : memref<!tpu.dma_semaphore, #tpu.memory_space<semaphore_mem>>)
        %scan3A_189 = arith.constant 0 : i32
        scf.yield %scan3A_189 : i32
      }
      %scan3A_65 = arith.constant 8 : i32
      %gt3A = arith.constant 0 : i32
      %gt3A_66 = arith.cmpi sgt, %scan3A_57, %gt3A : i32
      %convert_element_type3A = arith.extui %gt3A_66 : i1 to i32
      %cond3A = arith.constant 0 : i32
      %cond3A_67 = arith.cmpi ne, %convert_element_type3A, %cond3A : i32
      scf.if %cond3A_67 {
        %sub3A_176 = arith.constant 1 : i32
        %sub3A_177 = arith.subi %scan3A_57, %sub3A_176 : i32
        %add3A_178 = arith.constant 0 : i32
        %add3A_179 = arith.addi %mul3A_10, %add3A_178 : i32
        %add3A_180 = arith.constant 0 : i32
        %add3A_181 = arith.addi %mul3A_10, %add3A_180 : i32
        %dma_wait3A_182 = arith.constant 0 : i32
        %dma_wait3A_183 = tpu.memref_slice %arg5[%arg0, %add3A_181, %sub3A_177, %dma_wait3A_182] : memref<2x81920x16x16xf32, #tpu.memory_space<hbm>> -> memref<1x1280x1x16xf32, #tpu.memory_space<hbm>>
        %dma_wait3A_184 = tpu.memref_squeeze %dma_wait3A_183 : memref<1x1280x1x16xf32, #tpu.memory_space<hbm>> -> memref<1280x16xf32, #tpu.memory_space<hbm>>
        %dma_wait3A_185 = arith.constant 0 : i32
        %dma_wait3A_186 = tpu.memref_slice %arg10[%add3A_179, %dma_wait3A_185] : memref<81920x16xf32, #tpu.memory_space<vmem_shared>> -> memref<1280x16xf32, #tpu.memory_space<vmem_shared>>
        tpu.wait_dma2 semaphore(%arg13 : memref<!tpu.dma_semaphore, #tpu.memory_space<semaphore_mem>>) src(%dma_wait3A_186 : memref<1280x16xf32, #tpu.memory_space<vmem_shared>>) dst(%dma_wait3A_184 : memref<1280x16xf32, #tpu.memory_space<hbm>>)
        %add3A_187 = arith.constant 1280 : i32
        %add3A_188 = arith.addi %mul3A_10, %add3A_187 : i32
        %add3A_189 = arith.constant 1280 : i32
        %add3A_190 = arith.addi %mul3A_10, %add3A_189 : i32
        %dma_wait3A_191 = arith.constant 0 : i32
        %dma_wait3A_192 = tpu.memref_slice %arg5[%arg0, %add3A_190, %sub3A_177, %dma_wait3A_191] : memref<2x81920x16x16xf32, #tpu.memory_space<hbm>> -> memref<1x1280x1x16xf32, #tpu.memory_space<hbm>>
        %dma_wait3A_193 = tpu.memref_squeeze %dma_wait3A_192 : memref<1x1280x1x16xf32, #tpu.memory_space<hbm>> -> memref<1280x16xf32, #tpu.memory_space<hbm>>
        %dma_wait3A_194 = arith.constant 0 : i32
        %dma_wait3A_195 = tpu.memref_slice %arg10[%add3A_188, %dma_wait3A_194] : memref<81920x16xf32, #tpu.memory_space<vmem_shared>> -> memref<1280x16xf32, #tpu.memory_space<vmem_shared>>
        tpu.wait_dma2 semaphore(%arg13 : memref<!tpu.dma_semaphore, #tpu.memory_space<semaphore_mem>>) src(%dma_wait3A_195 : memref<1280x16xf32, #tpu.memory_space<vmem_shared>>) dst(%dma_wait3A_193 : memref<1280x16xf32, #tpu.memory_space<hbm>>)
        %add3A_196 = arith.constant 2560 : i32
        %add3A_197 = arith.addi %mul3A_10, %add3A_196 : i32
        %add3A_198 = arith.constant 2560 : i32
        %add3A_199 = arith.addi %mul3A_10, %add3A_198 : i32
        %dma_wait3A_200 = arith.constant 0 : i32
        %dma_wait3A_201 = tpu.memref_slice %arg5[%arg0, %add3A_199, %sub3A_177, %dma_wait3A_200] : memref<2x81920x16x16xf32, #tpu.memory_space<hbm>> -> memref<1x1280x1x16xf32, #tpu.memory_space<hbm>>
        %dma_wait3A_202 = tpu.memref_squeeze %dma_wait3A_201 : memref<1x1280x1x16xf32, #tpu.memory_space<hbm>> -> memref<1280x16xf32, #tpu.memory_space<hbm>>
        %dma_wait3A_203 = arith.constant 0 : i32
        %dma_wait3A_204 = tpu.memref_slice %arg10[%add3A_197, %dma_wait3A_203] : memref<81920x16xf32, #tpu.memory_space<vmem_shared>> -> memref<1280x16xf32, #tpu.memory_space<vmem_shared>>
        tpu.wait_dma2 semaphore(%arg13 : memref<!tpu.dma_semaphore, #tpu.memory_space<semaphore_mem>>) src(%dma_wait3A_204 : memref<1280x16xf32, #tpu.memory_space<vmem_shared>>) dst(%dma_wait3A_202 : memref<1280x16xf32, #tpu.memory_space<hbm>>)
        %add3A_205 = arith.constant 3840 : i32
        %add3A_206 = arith.addi %mul3A_10, %add3A_205 : i32
        %add3A_207 = arith.constant 3840 : i32
        %add3A_208 = arith.addi %mul3A_10, %add3A_207 : i32
        %dma_wait3A_209 = arith.constant 0 : i32
        %dma_wait3A_210 = tpu.memref_slice %arg5[%arg0, %add3A_208, %sub3A_177, %dma_wait3A_209] : memref<2x81920x16x16xf32, #tpu.memory_space<hbm>> -> memref<1x1280x1x16xf32, #tpu.memory_space<hbm>>
        %dma_wait3A_211 = tpu.memref_squeeze %dma_wait3A_210 : memref<1x1280x1x16xf32, #tpu.memory_space<hbm>> -> memref<1280x16xf32, #tpu.memory_space<hbm>>
        %dma_wait3A_212 = arith.constant 0 : i32
        %dma_wait3A_213 = tpu.memref_slice %arg10[%add3A_206, %dma_wait3A_212] : memref<81920x16xf32, #tpu.memory_space<vmem_shared>> -> memref<1280x16xf32, #tpu.memory_space<vmem_shared>>
        tpu.wait_dma2 semaphore(%arg13 : memref<!tpu.dma_semaphore, #tpu.memory_space<semaphore_mem>>) src(%dma_wait3A_213 : memref<1280x16xf32, #tpu.memory_space<vmem_shared>>) dst(%dma_wait3A_211 : memref<1280x16xf32, #tpu.memory_space<hbm>>)
      } else {
      }
      %scan3A_68 = arith.constant 0 : i32
      %scan3A_69 = arith.constant 0 : i32
      %scan3A_70 = arith.constant 40 : i32
      %scan3A_71 = arith.addi %scan3A_69, %scan3A_70 : i32
      %scan3A_72 = arith.constant 1 : i32
      %scan3A_73 = scf.for %scan3A_176 = %scan3A_69 to %scan3A_71 step %scan3A_72 iter_args(%scan3A_177 = %scan3A_68) -> (i32)  : i32 {
        %mul3A_178 = arith.constant 128 : i32
        %mul3A_179 = arith.muli %scan3A_176, %mul3A_178 : i32
        %add3A_180 = arith.addi %mul3A_10, %mul3A_179 : i32
        %dma_start3A_181 = arith.constant 0 : i32
        %dma_start3A_182 = tpu.memref_slice %arg10[%add3A_180, %dma_start3A_181] : memref<81920x16xf32, #tpu.memory_space<vmem_shared>> -> memref<128x16xf32, #tpu.memory_space<vmem_shared>>
        %dma_start3A_183 = arith.constant 0 : i32
        %dma_start3A_184 = tpu.memref_slice %arg10[%add3A_180, %dma_start3A_183] : memref<81920x16xf32, #tpu.memory_space<vmem_shared>> -> memref<128x16xf32, #tpu.memory_space<vmem_shared>>
        tpu.enqueue_dma source(%arg9 : memref<128x16xf32, #tpu.memory_space<vmem>>) target(%dma_start3A_184 : memref<128x16xf32, #tpu.memory_space<vmem_shared>>) target_semaphore(%arg12 : memref<!tpu.dma_semaphore, #tpu.memory_space<semaphore_mem>>)
        %scan3A_185 = arith.constant 0 : i32
        scf.yield %scan3A_185 : i32
      }
      %scan3A_74 = arith.constant 40 : i32
      %scan3A_75 = arith.constant 0 : i32
      %scan3A_76 = arith.constant 0 : i32
      %scan3A_77 = arith.constant 40 : i32
      %scan3A_78 = arith.addi %scan3A_76, %scan3A_77 : i32
      %scan3A_79 = arith.constant 1 : i32
      %scan3A_80 = scf.for %scan3A_176 = %scan3A_76 to %scan3A_78 step %scan3A_79 iter_args(%scan3A_177 = %scan3A_75) -> (i32)  : i32 {
        %mul3A_178 = arith.constant 128 : i32
        %mul3A_179 = arith.muli %scan3A_176, %mul3A_178 : i32
        %add3A_180 = arith.addi %mul3A_10, %mul3A_179 : i32
        %dma_wait3A_181 = arith.constant 0 : i32
        %dma_wait3A_182 = tpu.memref_slice %arg10[%add3A_180, %dma_wait3A_181] : memref<81920x16xf32, #tpu.memory_space<vmem_shared>> -> memref<128x16xf32, #tpu.memory_space<vmem_shared>>
        %dma_wait3A_183 = arith.constant 0 : i32
        %dma_wait3A_184 = tpu.memref_slice %arg10[%add3A_180, %dma_wait3A_183] : memref<81920x16xf32, #tpu.memory_space<vmem_shared>> -> memref<128x16xf32, #tpu.memory_space<vmem_shared>>
        tpu.wait_dma2 semaphore(%arg12 : memref<!tpu.dma_semaphore, #tpu.memory_space<semaphore_mem>>) src(%arg9 : memref<128x16xf32, #tpu.memory_space<vmem>>) dst(%dma_wait3A_184 : memref<128x16xf32, #tpu.memory_space<vmem_shared>>)
        %scan3A_185 = arith.constant 0 : i32
        scf.yield %scan3A_185 : i32
      }
      %scan3A_81 = arith.constant 40 : i32
      %barrier3A = arith.constant 0 : index
      tpu.barrier barrier_id(%barrier3A)
      %scan3A_82 = arith.constant 0 : i32
      %scan3A_83 = arith.constant 0 : i32
      %scan3A_84 = arith.constant 8 : i32
      %scan3A_85 = arith.addi %scan3A_83, %scan3A_84 : i32
      %scan3A_86 = arith.constant 1 : i32
      %scan3A_87 = scf.for %scan3A_176 = %scan3A_83 to %scan3A_85 step %scan3A_86 iter_args(%scan3A_177 = %scan3A_82) -> (i32)  : i32 {
        %rem3A = arith.constant 16 : i32
        %rem3A_178 = arith.remsi %scan3A_176, %rem3A : i32
        %dma_wait3A_179 = arith.constant 0 : i32
        %dma_wait3A_180 = arith.constant 0 : i32
        %dma_wait3A_181 = tpu.memref_slice %arg8[%rem3A_178, %dma_wait3A_179, %dma_wait3A_180] : memref<16x128x16xf32, #tpu.memory_space<vmem>> -> memref<1x128x16xf32, #tpu.memory_space<vmem>>
        %dma_wait3A_182 = tpu.memref_squeeze %dma_wait3A_181 : memref<1x128x16xf32, #tpu.memory_space<vmem>> -> memref<128x16xf32, #tpu.memory_space<vmem>>
        %dma_wait3A_183 = arith.constant 0 : i32
        %dma_wait3A_184 = tpu.memref_slice %arg6[%scan3A_176, %dma_wait3A_183] : memref<54x128xi32, #tpu.memory_space<vmem>> -> memref<1x128xi32, #tpu.memory_space<vmem>>
        %dma_wait3A_185 = tpu.memref_squeeze %dma_wait3A_184 : memref<1x128xi32, #tpu.memory_space<vmem>> -> memref<128xi32, #tpu.memory_space<vmem>>
        %dma_wait3A_186 = arith.constant 0 : i32
        %dma_wait3A_187 = arith.constant 0 : i32
        %dma_wait3A_188 = tpu.memref_slice %arg2[%dma_wait3A_186, %dma_wait3A_187] : memref<163840x16xf32, #tpu.memory_space<hbm>> -> memref<163840x16xf32, #tpu.memory_space<hbm>>
        tpu.wait_indirect_dma semaphore(%arg11 : memref<!tpu.dma_semaphore, #tpu.memory_space<semaphore_mem>>) src(%dma_wait3A_188 : memref<163840x16xf32, #tpu.memory_space<hbm>>) dst(%dma_wait3A_182 : memref<128x16xf32, #tpu.memory_space<vmem>>)
        %rem3A_189 = arith.constant 16 : i32
        %rem3A_190 = arith.remsi %scan3A_176, %rem3A_189 : i32
        %dma_start3A_191 = arith.constant 0 : i32
        %dma_start3A_192 = arith.constant 0 : i32
        %dma_start3A_193 = tpu.memref_slice %arg8[%rem3A_190, %dma_start3A_191, %dma_start3A_192] : memref<16x128x16xf32, #tpu.memory_space<vmem>> -> memref<1x128x16xf32, #tpu.memory_space<vmem>>
        %dma_start3A_194 = tpu.memref_squeeze %dma_start3A_193 : memref<1x128x16xf32, #tpu.memory_space<vmem>> -> memref<128x16xf32, #tpu.memory_space<vmem>>
        %dma_start3A_195 = arith.constant 0 : i32
        %dma_start3A_196 = tpu.memref_slice %arg7[%scan3A_176, %dma_start3A_195] : memref<54x128xi32, #tpu.memory_space<vmem>> -> memref<1x128xi32, #tpu.memory_space<vmem>>
        %dma_start3A_197 = tpu.memref_squeeze %dma_start3A_196 : memref<1x128xi32, #tpu.memory_space<vmem>> -> memref<128xi32, #tpu.memory_space<vmem>>
        %dma_start3A_198 = arith.constant 0 : i32
        %dma_start3A_199 = arith.constant 0 : i32
        %dma_start3A_200 = tpu.memref_slice %arg10[%dma_start3A_198, %dma_start3A_199] : memref<81920x16xf32, #tpu.memory_space<vmem_shared>> -> memref<81920x16xf32, #tpu.memory_space<vmem_shared>>
        tpu.enqueue_indirect_dma source(%dma_start3A_194 : memref<128x16xf32, #tpu.memory_space<vmem>>) target(%dma_start3A_200 : memref<81920x16xf32, #tpu.memory_space<vmem_shared>>) offsets(%dma_start3A_197 : memref<128xi32, #tpu.memory_space<vmem>>) semaphore(%arg12 : memref<!tpu.dma_semaphore, #tpu.memory_space<semaphore_mem>>) {add = true}
        %add3A_201 = arith.constant 8 : i32
        %add3A_202 = arith.addi %scan3A_176, %add3A_201 : i32
        %rem3A_203 = arith.constant 16 : i32
        %rem3A_204 = arith.remsi %add3A_202, %rem3A_203 : i32
        %dma_start3A_205 = arith.constant 0 : i32
        %dma_start3A_206 = arith.constant 0 : i32
        %dma_start3A_207 = tpu.memref_slice %arg8[%rem3A_204, %dma_start3A_205, %dma_start3A_206] : memref<16x128x16xf32, #tpu.memory_space<vmem>> -> memref<1x128x16xf32, #tpu.memory_space<vmem>>
        %dma_start3A_208 = tpu.memref_squeeze %dma_start3A_207 : memref<1x128x16xf32, #tpu.memory_space<vmem>> -> memref<128x16xf32, #tpu.memory_space<vmem>>
        %dma_start3A_209 = arith.constant 0 : i32
        %dma_start3A_210 = tpu.memref_slice %arg6[%add3A_202, %dma_start3A_209] : memref<54x128xi32, #tpu.memory_space<vmem>> -> memref<1x128xi32, #tpu.memory_space<vmem>>
        %dma_start3A_211 = tpu.memref_squeeze %dma_start3A_210 : memref<1x128xi32, #tpu.memory_space<vmem>> -> memref<128xi32, #tpu.memory_space<vmem>>
        %dma_start3A_212 = arith.constant 0 : i32
        %dma_start3A_213 = arith.constant 0 : i32
        %dma_start3A_214 = tpu.memref_slice %arg2[%dma_start3A_212, %dma_start3A_213] : memref<163840x16xf32, #tpu.memory_space<hbm>> -> memref<163840x16xf32, #tpu.memory_space<hbm>>
        tpu.enqueue_indirect_dma source(%dma_start3A_214 : memref<163840x16xf32, #tpu.memory_space<hbm>>) target(%dma_start3A_208 : memref<128x16xf32, #tpu.memory_space<vmem>>) offsets(%dma_start3A_211 : memref<128xi32, #tpu.memory_space<vmem>>) semaphore(%arg11 : memref<!tpu.dma_semaphore, #tpu.memory_space<semaphore_mem>>)
        %scan3A_215 = arith.constant 0 : i32
        scf.yield %scan3A_215 : i32
      }
      %scan3A_88 = arith.constant 8 : i32
      %sub3A = arith.constant 8 : i32
      %sub3A_89 = arith.subi %select_n3A, %sub3A : i32
      %while3A = arith.constant 8 : i32
      %while3A_90 = arith.constant 0 : i32
      %while3A_91 = arith.subi %sub3A_89, %while3A : i32
      %while3A_92 = arith.addi %while3A, %while3A_91 : i32
      %while3A_93 = arith.constant 1 : i32
      %while3A_94 = arith.divsi %while3A_91, %while3A_93 : i32
      %while3A_95 = arith.muli %while3A_94, %while3A_93 : i32
      %while3A_96 = arith.addi %while3A, %while3A_95 : i32
      %while3A_97 = arith.constant 1 : i32
      %while3A_98 = scf.for %while3A_176 = %while3A to %while3A_96 step %while3A_97 iter_args(%while3A_177 = %while3A_90) -> (i32)  : i32 {
        %rem3A = arith.constant 16 : i32
        %rem3A_178 = arith.remsi %while3A_176, %rem3A : i32
        %dma_wait3A_179 = arith.constant 0 : i32
        %dma_wait3A_180 = arith.constant 0 : i32
        %dma_wait3A_181 = tpu.memref_slice %arg8[%rem3A_178, %dma_wait3A_179, %dma_wait3A_180] : memref<16x128x16xf32, #tpu.memory_space<vmem>> -> memref<1x128x16xf32, #tpu.memory_space<vmem>>
        %dma_wait3A_182 = tpu.memref_squeeze %dma_wait3A_181 : memref<1x128x16xf32, #tpu.memory_space<vmem>> -> memref<128x16xf32, #tpu.memory_space<vmem>>
        %dma_wait3A_183 = arith.constant 0 : i32
        %dma_wait3A_184 = tpu.memref_slice %arg6[%while3A_176, %dma_wait3A_183] : memref<54x128xi32, #tpu.memory_space<vmem>> -> memref<1x128xi32, #tpu.memory_space<vmem>>
        %dma_wait3A_185 = tpu.memref_squeeze %dma_wait3A_184 : memref<1x128xi32, #tpu.memory_space<vmem>> -> memref<128xi32, #tpu.memory_space<vmem>>
        %dma_wait3A_186 = arith.constant 0 : i32
        %dma_wait3A_187 = arith.constant 0 : i32
        %dma_wait3A_188 = tpu.memref_slice %arg2[%dma_wait3A_186, %dma_wait3A_187] : memref<163840x16xf32, #tpu.memory_space<hbm>> -> memref<163840x16xf32, #tpu.memory_space<hbm>>
        tpu.wait_indirect_dma semaphore(%arg11 : memref<!tpu.dma_semaphore, #tpu.memory_space<semaphore_mem>>) src(%dma_wait3A_188 : memref<163840x16xf32, #tpu.memory_space<hbm>>) dst(%dma_wait3A_182 : memref<128x16xf32, #tpu.memory_space<vmem>>)
        %rem3A_189 = arith.constant 16 : i32
        %rem3A_190 = arith.remsi %while3A_176, %rem3A_189 : i32
        %dma_start3A_191 = arith.constant 0 : i32
        %dma_start3A_192 = arith.constant 0 : i32
        %dma_start3A_193 = tpu.memref_slice %arg8[%rem3A_190, %dma_start3A_191, %dma_start3A_192] : memref<16x128x16xf32, #tpu.memory_space<vmem>> -> memref<1x128x16xf32, #tpu.memory_space<vmem>>
        %dma_start3A_194 = tpu.memref_squeeze %dma_start3A_193 : memref<1x128x16xf32, #tpu.memory_space<vmem>> -> memref<128x16xf32, #tpu.memory_space<vmem>>
        %dma_start3A_195 = arith.constant 0 : i32
        %dma_start3A_196 = tpu.memref_slice %arg7[%while3A_176, %dma_start3A_195] : memref<54x128xi32, #tpu.memory_space<vmem>> -> memref<1x128xi32, #tpu.memory_space<vmem>>
        %dma_start3A_197 = tpu.memref_squeeze %dma_start3A_196 : memref<1x128xi32, #tpu.memory_space<vmem>> -> memref<128xi32, #tpu.memory_space<vmem>>
        %dma_start3A_198 = arith.constant 0 : i32
        %dma_start3A_199 = arith.constant 0 : i32
        %dma_start3A_200 = tpu.memref_slice %arg10[%dma_start3A_198, %dma_start3A_199] : memref<81920x16xf32, #tpu.memory_space<vmem_shared>> -> memref<81920x16xf32, #tpu.memory_space<vmem_shared>>
        tpu.enqueue_indirect_dma source(%dma_start3A_194 : memref<128x16xf32, #tpu.memory_space<vmem>>) target(%dma_start3A_200 : memref<81920x16xf32, #tpu.memory_space<vmem_shared>>) offsets(%dma_start3A_197 : memref<128xi32, #tpu.memory_space<vmem>>) semaphore(%arg12 : memref<!tpu.dma_semaphore, #tpu.memory_space<semaphore_mem>>) {add = true}
        %sub3A_201 = arith.constant 8 : i32
        %sub3A_202 = arith.subi %while3A_176, %sub3A_201 : i32
        %rem3A_203 = arith.constant 16 : i32
        %rem3A_204 = arith.remsi %sub3A_202, %rem3A_203 : i32
        %dma_wait3A_205 = arith.constant 0 : i32
        %dma_wait3A_206 = arith.constant 0 : i32
        %dma_wait3A_207 = tpu.memref_slice %arg8[%rem3A_204, %dma_wait3A_205, %dma_wait3A_206] : memref<16x128x16xf32, #tpu.memory_space<vmem>> -> memref<1x128x16xf32, #tpu.memory_space<vmem>>
        %dma_wait3A_208 = tpu.memref_squeeze %dma_wait3A_207 : memref<1x128x16xf32, #tpu.memory_space<vmem>> -> memref<128x16xf32, #tpu.memory_space<vmem>>
        %dma_wait3A_209 = arith.constant 0 : i32
        %dma_wait3A_210 = tpu.memref_slice %arg7[%sub3A_202, %dma_wait3A_209] : memref<54x128xi32, #tpu.memory_space<vmem>> -> memref<1x128xi32, #tpu.memory_space<vmem>>
        %dma_wait3A_211 = tpu.memref_squeeze %dma_wait3A_210 : memref<1x128xi32, #tpu.memory_space<vmem>> -> memref<128xi32, #tpu.memory_space<vmem>>
        %dma_wait3A_212 = arith.constant 0 : i32
        %dma_wait3A_213 = arith.constant 0 : i32
        %dma_wait3A_214 = tpu.memref_slice %arg10[%dma_wait3A_212, %dma_wait3A_213] : memref<81920x16xf32, #tpu.memory_space<vmem_shared>> -> memref<81920x16xf32, #tpu.memory_space<vmem_shared>>
        tpu.wait_indirect_dma semaphore(%arg12 : memref<!tpu.dma_semaphore, #tpu.memory_space<semaphore_mem>>) src(%dma_wait3A_208 : memref<128x16xf32, #tpu.memory_space<vmem>>) dst(%dma_wait3A_214 : memref<81920x16xf32, #tpu.memory_space<vmem_shared>>)
        %add3A_215 = arith.constant 8 : i32
        %add3A_216 = arith.addi %while3A_176, %add3A_215 : i32
        %rem3A_217 = arith.constant 16 : i32
        %rem3A_218 = arith.remsi %add3A_216, %rem3A_217 : i32
        %dma_start3A_219 = arith.constant 0 : i32
        %dma_start3A_220 = arith.constant 0 : i32
        %dma_start3A_221 = tpu.memref_slice %arg8[%rem3A_218, %dma_start3A_219, %dma_start3A_220] : memref<16x128x16xf32, #tpu.memory_space<vmem>> -> memref<1x128x16xf32, #tpu.memory_space<vmem>>
        %dma_start3A_222 = tpu.memref_squeeze %dma_start3A_221 : memref<1x128x16xf32, #tpu.memory_space<vmem>> -> memref<128x16xf32, #tpu.memory_space<vmem>>
        %dma_start3A_223 = arith.constant 0 : i32
        %dma_start3A_224 = tpu.memref_slice %arg6[%add3A_216, %dma_start3A_223] : memref<54x128xi32, #tpu.memory_space<vmem>> -> memref<1x128xi32, #tpu.memory_space<vmem>>
        %dma_start3A_225 = tpu.memref_squeeze %dma_start3A_224 : memref<1x128xi32, #tpu.memory_space<vmem>> -> memref<128xi32, #tpu.memory_space<vmem>>
        %dma_start3A_226 = arith.constant 0 : i32
        %dma_start3A_227 = arith.constant 0 : i32
        %dma_start3A_228 = tpu.memref_slice %arg2[%dma_start3A_226, %dma_start3A_227] : memref<163840x16xf32, #tpu.memory_space<hbm>> -> memref<163840x16xf32, #tpu.memory_space<hbm>>
        tpu.enqueue_indirect_dma source(%dma_start3A_228 : memref<163840x16xf32, #tpu.memory_space<hbm>>) target(%dma_start3A_222 : memref<128x16xf32, #tpu.memory_space<vmem>>) offsets(%dma_start3A_225 : memref<128xi32, #tpu.memory_space<vmem>>) semaphore(%arg11 : memref<!tpu.dma_semaphore, #tpu.memory_space<semaphore_mem>>)
        %while3A_229 = arith.constant 0 : i32
        scf.yield %while3A_229 : i32
      }
      %while3A_99 = arith.constant 1 : i32
      %while3A_100 = scf.for %while3A_176 = %while3A_96 to %while3A_92 step %while3A_99 iter_args(%while3A_177 = %while3A_98) -> (i32)  : i32 {
        %rem3A = arith.constant 16 : i32
        %rem3A_178 = arith.remsi %while3A_176, %rem3A : i32
        %dma_wait3A_179 = arith.constant 0 : i32
        %dma_wait3A_180 = arith.constant 0 : i32
        %dma_wait3A_181 = tpu.memref_slice %arg8[%rem3A_178, %dma_wait3A_179, %dma_wait3A_180] : memref<16x128x16xf32, #tpu.memory_space<vmem>> -> memref<1x128x16xf32, #tpu.memory_space<vmem>>
        %dma_wait3A_182 = tpu.memref_squeeze %dma_wait3A_181 : memref<1x128x16xf32, #tpu.memory_space<vmem>> -> memref<128x16xf32, #tpu.memory_space<vmem>>
        %dma_wait3A_183 = arith.constant 0 : i32
        %dma_wait3A_184 = tpu.memref_slice %arg6[%while3A_176, %dma_wait3A_183] : memref<54x128xi32, #tpu.memory_space<vmem>> -> memref<1x128xi32, #tpu.memory_space<vmem>>
        %dma_wait3A_185 = tpu.memref_squeeze %dma_wait3A_184 : memref<1x128xi32, #tpu.memory_space<vmem>> -> memref<128xi32, #tpu.memory_space<vmem>>
        %dma_wait3A_186 = arith.constant 0 : i32
        %dma_wait3A_187 = arith.constant 0 : i32
        %dma_wait3A_188 = tpu.memref_slice %arg2[%dma_wait3A_186, %dma_wait3A_187] : memref<163840x16xf32, #tpu.memory_space<hbm>> -> memref<163840x16xf32, #tpu.memory_space<hbm>>
        tpu.wait_indirect_dma semaphore(%arg11 : memref<!tpu.dma_semaphore, #tpu.memory_space<semaphore_mem>>) src(%dma_wait3A_188 : memref<163840x16xf32, #tpu.memory_space<hbm>>) dst(%dma_wait3A_182 : memref<128x16xf32, #tpu.memory_space<vmem>>)
        %rem3A_189 = arith.constant 16 : i32
        %rem3A_190 = arith.remsi %while3A_176, %rem3A_189 : i32
        %dma_start3A_191 = arith.constant 0 : i32
        %dma_start3A_192 = arith.constant 0 : i32
        %dma_start3A_193 = tpu.memref_slice %arg8[%rem3A_190, %dma_start3A_191, %dma_start3A_192] : memref<16x128x16xf32, #tpu.memory_space<vmem>> -> memref<1x128x16xf32, #tpu.memory_space<vmem>>
        %dma_start3A_194 = tpu.memref_squeeze %dma_start3A_193 : memref<1x128x16xf32, #tpu.memory_space<vmem>> -> memref<128x16xf32, #tpu.memory_space<vmem>>
        %dma_start3A_195 = arith.constant 0 : i32
        %dma_start3A_196 = tpu.memref_slice %arg7[%while3A_176, %dma_start3A_195] : memref<54x128xi32, #tpu.memory_space<vmem>> -> memref<1x128xi32, #tpu.memory_space<vmem>>
        %dma_start3A_197 = tpu.memref_squeeze %dma_start3A_196 : memref<1x128xi32, #tpu.memory_space<vmem>> -> memref<128xi32, #tpu.memory_space<vmem>>
        %dma_start3A_198 = arith.constant 0 : i32
        %dma_start3A_199 = arith.constant 0 : i32
        %dma_start3A_200 = tpu.memref_slice %arg10[%dma_start3A_198, %dma_start3A_199] : memref<81920x16xf32, #tpu.memory_space<vmem_shared>> -> memref<81920x16xf32, #tpu.memory_space<vmem_shared>>
        tpu.enqueue_indirect_dma source(%dma_start3A_194 : memref<128x16xf32, #tpu.memory_space<vmem>>) target(%dma_start3A_200 : memref<81920x16xf32, #tpu.memory_space<vmem_shared>>) offsets(%dma_start3A_197 : memref<128xi32, #tpu.memory_space<vmem>>) semaphore(%arg12 : memref<!tpu.dma_semaphore, #tpu.memory_space<semaphore_mem>>) {add = true}
        %sub3A_201 = arith.constant 8 : i32
        %sub3A_202 = arith.subi %while3A_176, %sub3A_201 : i32
        %rem3A_203 = arith.constant 16 : i32
        %rem3A_204 = arith.remsi %sub3A_202, %rem3A_203 : i32
        %dma_wait3A_205 = arith.constant 0 : i32
        %dma_wait3A_206 = arith.constant 0 : i32
        %dma_wait3A_207 = tpu.memref_slice %arg8[%rem3A_204, %dma_wait3A_205, %dma_wait3A_206] : memref<16x128x16xf32, #tpu.memory_space<vmem>> -> memref<1x128x16xf32, #tpu.memory_space<vmem>>
        %dma_wait3A_208 = tpu.memref_squeeze %dma_wait3A_207 : memref<1x128x16xf32, #tpu.memory_space<vmem>> -> memref<128x16xf32, #tpu.memory_space<vmem>>
        %dma_wait3A_209 = arith.constant 0 : i32
        %dma_wait3A_210 = tpu.memref_slice %arg7[%sub3A_202, %dma_wait3A_209] : memref<54x128xi32, #tpu.memory_space<vmem>> -> memref<1x128xi32, #tpu.memory_space<vmem>>
        %dma_wait3A_211 = tpu.memref_squeeze %dma_wait3A_210 : memref<1x128xi32, #tpu.memory_space<vmem>> -> memref<128xi32, #tpu.memory_space<vmem>>
        %dma_wait3A_212 = arith.constant 0 : i32
        %dma_wait3A_213 = arith.constant 0 : i32
        %dma_wait3A_214 = tpu.memref_slice %arg10[%dma_wait3A_212, %dma_wait3A_213] : memref<81920x16xf32, #tpu.memory_space<vmem_shared>> -> memref<81920x16xf32, #tpu.memory_space<vmem_shared>>
        tpu.wait_indirect_dma semaphore(%arg12 : memref<!tpu.dma_semaphore, #tpu.memory_space<semaphore_mem>>) src(%dma_wait3A_208 : memref<128x16xf32, #tpu.memory_space<vmem>>) dst(%dma_wait3A_214 : memref<81920x16xf32, #tpu.memory_space<vmem_shared>>)
        %add3A_215 = arith.constant 8 : i32
        %add3A_216 = arith.addi %while3A_176, %add3A_215 : i32
        %rem3A_217 = arith.constant 16 : i32
        %rem3A_218 = arith.remsi %add3A_216, %rem3A_217 : i32
        %dma_start3A_219 = arith.constant 0 : i32
        %dma_start3A_220 = arith.constant 0 : i32
        %dma_start3A_221 = tpu.memref_slice %arg8[%rem3A_218, %dma_start3A_219, %dma_start3A_220] : memref<16x128x16xf32, #tpu.memory_space<vmem>> -> memref<1x128x16xf32, #tpu.memory_space<vmem>>
        %dma_start3A_222 = tpu.memref_squeeze %dma_start3A_221 : memref<1x128x16xf32, #tpu.memory_space<vmem>> -> memref<128x16xf32, #tpu.memory_space<vmem>>
        %dma_start3A_223 = arith.constant 0 : i32
        %dma_start3A_224 = tpu.memref_slice %arg6[%add3A_216, %dma_start3A_223] : memref<54x128xi32, #tpu.memory_space<vmem>> -> memref<1x128xi32, #tpu.memory_space<vmem>>
        %dma_start3A_225 = tpu.memref_squeeze %dma_start3A_224 : memref<1x128xi32, #tpu.memory_space<vmem>> -> memref<128xi32, #tpu.memory_space<vmem>>
        %dma_start3A_226 = arith.constant 0 : i32
        %dma_start3A_227 = arith.constant 0 : i32
        %dma_start3A_228 = tpu.memref_slice %arg2[%dma_start3A_226, %dma_start3A_227] : memref<163840x16xf32, #tpu.memory_space<hbm>> -> memref<163840x16xf32, #tpu.memory_space<hbm>>
        tpu.enqueue_indirect_dma source(%dma_start3A_228 : memref<163840x16xf32, #tpu.memory_space<hbm>>) target(%dma_start3A_222 : memref<128x16xf32, #tpu.memory_space<vmem>>) offsets(%dma_start3A_225 : memref<128xi32, #tpu.memory_space<vmem>>) semaphore(%arg11 : memref<!tpu.dma_semaphore, #tpu.memory_space<semaphore_mem>>)
        %while3A_229 = arith.constant 0 : i32
        scf.yield %while3A_229 : i32
      }
      %sub3A_101 = arith.constant 8 : i32
      %sub3A_102 = arith.subi %select_n3A, %sub3A_101 : i32
      %while3A_103 = arith.constant 0 : i32
      %while3A_104 = arith.subi %select_n3A, %sub3A_102 : i32
      %while3A_105 = arith.addi %sub3A_102, %while3A_104 : i32
      %while3A_106 = arith.constant 1 : i32
      %while3A_107 = arith.divsi %while3A_104, %while3A_106 : i32
      %while3A_108 = arith.muli %while3A_107, %while3A_106 : i32
      %while3A_109 = arith.addi %sub3A_102, %while3A_108 : i32
      %while3A_110 = arith.constant 1 : i32
      %while3A_111 = scf.for %while3A_176 = %sub3A_102 to %while3A_109 step %while3A_110 iter_args(%while3A_177 = %while3A_103) -> (i32)  : i32 {
        %rem3A = arith.constant 16 : i32
        %rem3A_178 = arith.remsi %while3A_176, %rem3A : i32
        %dma_wait3A_179 = arith.constant 0 : i32
        %dma_wait3A_180 = arith.constant 0 : i32
        %dma_wait3A_181 = tpu.memref_slice %arg8[%rem3A_178, %dma_wait3A_179, %dma_wait3A_180] : memref<16x128x16xf32, #tpu.memory_space<vmem>> -> memref<1x128x16xf32, #tpu.memory_space<vmem>>
        %dma_wait3A_182 = tpu.memref_squeeze %dma_wait3A_181 : memref<1x128x16xf32, #tpu.memory_space<vmem>> -> memref<128x16xf32, #tpu.memory_space<vmem>>
        %dma_wait3A_183 = arith.constant 0 : i32
        %dma_wait3A_184 = tpu.memref_slice %arg6[%while3A_176, %dma_wait3A_183] : memref<54x128xi32, #tpu.memory_space<vmem>> -> memref<1x128xi32, #tpu.memory_space<vmem>>
        %dma_wait3A_185 = tpu.memref_squeeze %dma_wait3A_184 : memref<1x128xi32, #tpu.memory_space<vmem>> -> memref<128xi32, #tpu.memory_space<vmem>>
        %dma_wait3A_186 = arith.constant 0 : i32
        %dma_wait3A_187 = arith.constant 0 : i32
        %dma_wait3A_188 = tpu.memref_slice %arg2[%dma_wait3A_186, %dma_wait3A_187] : memref<163840x16xf32, #tpu.memory_space<hbm>> -> memref<163840x16xf32, #tpu.memory_space<hbm>>
        tpu.wait_indirect_dma semaphore(%arg11 : memref<!tpu.dma_semaphore, #tpu.memory_space<semaphore_mem>>) src(%dma_wait3A_188 : memref<163840x16xf32, #tpu.memory_space<hbm>>) dst(%dma_wait3A_182 : memref<128x16xf32, #tpu.memory_space<vmem>>)
        %rem3A_189 = arith.constant 16 : i32
        %rem3A_190 = arith.remsi %while3A_176, %rem3A_189 : i32
        %dma_start3A_191 = arith.constant 0 : i32
        %dma_start3A_192 = arith.constant 0 : i32
        %dma_start3A_193 = tpu.memref_slice %arg8[%rem3A_190, %dma_start3A_191, %dma_start3A_192] : memref<16x128x16xf32, #tpu.memory_space<vmem>> -> memref<1x128x16xf32, #tpu.memory_space<vmem>>
        %dma_start3A_194 = tpu.memref_squeeze %dma_start3A_193 : memref<1x128x16xf32, #tpu.memory_space<vmem>> -> memref<128x16xf32, #tpu.memory_space<vmem>>
        %dma_start3A_195 = arith.constant 0 : i32
        %dma_start3A_196 = tpu.memref_slice %arg7[%while3A_176, %dma_start3A_195] : memref<54x128xi32, #tpu.memory_space<vmem>> -> memref<1x128xi32, #tpu.memory_space<vmem>>
        %dma_start3A_197 = tpu.memref_squeeze %dma_start3A_196 : memref<1x128xi32, #tpu.memory_space<vmem>> -> memref<128xi32, #tpu.memory_space<vmem>>
        %dma_start3A_198 = arith.constant 0 : i32
        %dma_start3A_199 = arith.constant 0 : i32
        %dma_start3A_200 = tpu.memref_slice %arg10[%dma_start3A_198, %dma_start3A_199] : memref<81920x16xf32, #tpu.memory_space<vmem_shared>> -> memref<81920x16xf32, #tpu.memory_space<vmem_shared>>
        tpu.enqueue_indirect_dma source(%dma_start3A_194 : memref<128x16xf32, #tpu.memory_space<vmem>>) target(%dma_start3A_200 : memref<81920x16xf32, #tpu.memory_space<vmem_shared>>) offsets(%dma_start3A_197 : memref<128xi32, #tpu.memory_space<vmem>>) semaphore(%arg12 : memref<!tpu.dma_semaphore, #tpu.memory_space<semaphore_mem>>) {add = true}
        %while3A_201 = arith.constant 0 : i32
        scf.yield %while3A_201 : i32
      }
      %while3A_112 = arith.constant 1 : i32
      %while3A_113 = scf.for %while3A_176 = %while3A_109 to %while3A_105 step %while3A_112 iter_args(%while3A_177 = %while3A_111) -> (i32)  : i32 {
        %rem3A = arith.constant 16 : i32
        %rem3A_178 = arith.remsi %while3A_176, %rem3A : i32
        %dma_wait3A_179 = arith.constant 0 : i32
        %dma_wait3A_180 = arith.constant 0 : i32
        %dma_wait3A_181 = tpu.memref_slice %arg8[%rem3A_178, %dma_wait3A_179, %dma_wait3A_180] : memref<16x128x16xf32, #tpu.memory_space<vmem>> -> memref<1x128x16xf32, #tpu.memory_space<vmem>>
        %dma_wait3A_182 = tpu.memref_squeeze %dma_wait3A_181 : memref<1x128x16xf32, #tpu.memory_space<vmem>> -> memref<128x16xf32, #tpu.memory_space<vmem>>
        %dma_wait3A_183 = arith.constant 0 : i32
        %dma_wait3A_184 = tpu.memref_slice %arg6[%while3A_176, %dma_wait3A_183] : memref<54x128xi32, #tpu.memory_space<vmem>> -> memref<1x128xi32, #tpu.memory_space<vmem>>
        %dma_wait3A_185 = tpu.memref_squeeze %dma_wait3A_184 : memref<1x128xi32, #tpu.memory_space<vmem>> -> memref<128xi32, #tpu.memory_space<vmem>>
        %dma_wait3A_186 = arith.constant 0 : i32
        %dma_wait3A_187 = arith.constant 0 : i32
        %dma_wait3A_188 = tpu.memref_slice %arg2[%dma_wait3A_186, %dma_wait3A_187] : memref<163840x16xf32, #tpu.memory_space<hbm>> -> memref<163840x16xf32, #tpu.memory_space<hbm>>
        tpu.wait_indirect_dma semaphore(%arg11 : memref<!tpu.dma_semaphore, #tpu.memory_space<semaphore_mem>>) src(%dma_wait3A_188 : memref<163840x16xf32, #tpu.memory_space<hbm>>) dst(%dma_wait3A_182 : memref<128x16xf32, #tpu.memory_space<vmem>>)
        %rem3A_189 = arith.constant 16 : i32
        %rem3A_190 = arith.remsi %while3A_176, %rem3A_189 : i32
        %dma_start3A_191 = arith.constant 0 : i32
        %dma_start3A_192 = arith.constant 0 : i32
        %dma_start3A_193 = tpu.memref_slice %arg8[%rem3A_190, %dma_start3A_191, %dma_start3A_192] : memref<16x128x16xf32, #tpu.memory_space<vmem>> -> memref<1x128x16xf32, #tpu.memory_space<vmem>>
        %dma_start3A_194 = tpu.memref_squeeze %dma_start3A_193 : memref<1x128x16xf32, #tpu.memory_space<vmem>> -> memref<128x16xf32, #tpu.memory_space<vmem>>
        %dma_start3A_195 = arith.constant 0 : i32
        %dma_start3A_196 = tpu.memref_slice %arg7[%while3A_176, %dma_start3A_195] : memref<54x128xi32, #tpu.memory_space<vmem>> -> memref<1x128xi32, #tpu.memory_space<vmem>>
        %dma_start3A_197 = tpu.memref_squeeze %dma_start3A_196 : memref<1x128xi32, #tpu.memory_space<vmem>> -> memref<128xi32, #tpu.memory_space<vmem>>
        %dma_start3A_198 = arith.constant 0 : i32
        %dma_start3A_199 = arith.constant 0 : i32
        %dma_start3A_200 = tpu.memref_slice %arg10[%dma_start3A_198, %dma_start3A_199] : memref<81920x16xf32, #tpu.memory_space<vmem_shared>> -> memref<81920x16xf32, #tpu.memory_space<vmem_shared>>
        tpu.enqueue_indirect_dma source(%dma_start3A_194 : memref<128x16xf32, #tpu.memory_space<vmem>>) target(%dma_start3A_200 : memref<81920x16xf32, #tpu.memory_space<vmem_shared>>) offsets(%dma_start3A_197 : memref<128xi32, #tpu.memory_space<vmem>>) semaphore(%arg12 : memref<!tpu.dma_semaphore, #tpu.memory_space<semaphore_mem>>) {add = true}
        %while3A_201 = arith.constant 0 : i32
        scf.yield %while3A_201 : i32
      }
      %while3A_114 = arith.constant 0 : i32
      %while3A_115 = arith.constant 0 : i32
      %while3A_116 = arith.subi %select_n3A, %while3A_114 : i32
      %while3A_117 = arith.addi %while3A_114, %while3A_116 : i32
      %while3A_118 = arith.constant 1 : i32
      %while3A_119 = arith.divsi %while3A_116, %while3A_118 : i32
      %while3A_120 = arith.muli %while3A_119, %while3A_118 : i32
      %while3A_121 = arith.addi %while3A_114, %while3A_120 : i32
      %while3A_122 = arith.constant 1 : i32
      %while3A_123 = scf.for %while3A_176 = %while3A_114 to %while3A_121 step %while3A_122 iter_args(%while3A_177 = %while3A_115) -> (i32)  : i32 {
        %get3A = arith.index_cast %while3A_176 : i32 to index
        %get3A_178 = arith.constant 0 : index
        %get3A_179 = tpu.vector_load %arg6[%get3A, %get3A_178] {strides = array<i32>} : memref<54x128xi32, #tpu.memory_space<vmem>>, vector<1x16xi32>,
        %get3A_180 = vector.shape_cast %get3A_179 : vector<1x16xi32> to vector<16xi32>
        %add3A_181 = arith.constant 1 : i32
        %add3A_182 = vector.broadcast %add3A_181 : i32 to vector<16xi32>
        %add3A_183 = arith.addi %get3A_180, %add3A_182 : vector<16xi32>
        %swap3A = arith.index_cast %while3A_176 : i32 to index
        %swap3A_184 = arith.constant 0 : index
        %swap3A_185 = tpu.vector_load %arg6[%swap3A, %swap3A_184] {strides = array<i32>} : memref<54x128xi32, #tpu.memory_space<vmem>>, vector<1x16xi32>,
        %swap3A_186 = vector.shape_cast %swap3A_185 : vector<1x16xi32> to vector<16xi32>
        %swap3A_187 = vector.shape_cast %add3A_183 : vector<16xi32> to vector<1x16xi32>
        tpu.vector_store %arg6[%swap3A, %swap3A_184], %swap3A_187 {strides = array<i32>} : memref<54x128xi32, #tpu.memory_space<vmem>>, vector<1x16xi32>,
        %get3A_188 = arith.index_cast %while3A_176 : i32 to index
        %get3A_189 = arith.constant 16 : index
        %get3A_190 = tpu.vector_load %arg6[%get3A_188, %get3A_189] {strides = array<i32>} : memref<54x128xi32, #tpu.memory_space<vmem>>, vector<1x16xi32>,
        %get3A_191 = vector.shape_cast %get3A_190 : vector<1x16xi32> to vector<16xi32>
        %add3A_192 = arith.constant 1 : i32
        %add3A_193 = vector.broadcast %add3A_192 : i32 to vector<16xi32>
        %add3A_194 = arith.addi %get3A_191, %add3A_193 : vector<16xi32>
        %swap3A_195 = arith.index_cast %while3A_176 : i32 to index
        %swap3A_196 = arith.constant 16 : index
        %swap3A_197 = tpu.vector_load %arg6[%swap3A_195, %swap3A_196] {strides = array<i32>} : memref<54x128xi32, #tpu.memory_space<vmem>>, vector<1x16xi32>,
        %swap3A_198 = vector.shape_cast %swap3A_197 : vector<1x16xi32> to vector<16xi32>
        %swap3A_199 = vector.shape_cast %add3A_194 : vector<16xi32> to vector<1x16xi32>
        tpu.vector_store %arg6[%swap3A_195, %swap3A_196], %swap3A_199 {strides = array<i32>} : memref<54x128xi32, #tpu.memory_space<vmem>>, vector<1x16xi32>,
        %get3A_200 = arith.index_cast %while3A_176 : i32 to index
        %get3A_201 = arith.constant 32 : index
        %get3A_202 = tpu.vector_load %arg6[%get3A_200, %get3A_201] {strides = array<i32>} : memref<54x128xi32, #tpu.memory_space<vmem>>, vector<1x16xi32>,
        %get3A_203 = vector.shape_cast %get3A_202 : vector<1x16xi32> to vector<16xi32>
        %add3A_204 = arith.constant 1 : i32
        %add3A_205 = vector.broadcast %add3A_204 : i32 to vector<16xi32>
        %add3A_206 = arith.addi %get3A_203, %add3A_205 : vector<16xi32>
        %swap3A_207 = arith.index_cast %while3A_176 : i32 to index
        %swap3A_208 = arith.constant 32 : index
        %swap3A_209 = tpu.vector_load %arg6[%swap3A_207, %swap3A_208] {strides = array<i32>} : memref<54x128xi32, #tpu.memory_space<vmem>>, vector<1x16xi32>,
        %swap3A_210 = vector.shape_cast %swap3A_209 : vector<1x16xi32> to vector<16xi32>
        %swap3A_211 = vector.shape_cast %add3A_206 : vector<16xi32> to vector<1x16xi32>
        tpu.vector_store %arg6[%swap3A_207, %swap3A_208], %swap3A_211 {strides = array<i32>} : memref<54x128xi32, #tpu.memory_space<vmem>>, vector<1x16xi32>,
        %get3A_212 = arith.index_cast %while3A_176 : i32 to index
        %get3A_213 = arith.constant 48 : index
        %get3A_214 = tpu.vector_load %arg6[%get3A_212, %get3A_213] {strides = array<i32>} : memref<54x128xi32, #tpu.memory_space<vmem>>, vector<1x16xi32>,
        %get3A_215 = vector.shape_cast %get3A_214 : vector<1x16xi32> to vector<16xi32>
        %add3A_216 = arith.constant 1 : i32
        %add3A_217 = vector.broadcast %add3A_216 : i32 to vector<16xi32>
        %add3A_218 = arith.addi %get3A_215, %add3A_217 : vector<16xi32>
        %swap3A_219 = arith.index_cast %while3A_176 : i32 to index
        %swap3A_220 = arith.constant 48 : index
        %swap3A_221 = tpu.vector_load %arg6[%swap3A_219, %swap3A_220] {strides = array<i32>} : memref<54x128xi32, #tpu.memory_space<vmem>>, vector<1x16xi32>,
        %swap3A_222 = vector.shape_cast %swap3A_221 : vector<1x16xi32> to vector<16xi32>
        %swap3A_223 = vector.shape_cast %add3A_218 : vector<16xi32> to vector<1x16xi32>
        tpu.vector_store %arg6[%swap3A_219, %swap3A_220], %swap3A_223 {strides = array<i32>} : memref<54x128xi32, #tpu.memory_space<vmem>>, vector<1x16xi32>,
        %get3A_224 = arith.index_cast %while3A_176 : i32 to index
        %get3A_225 = arith.constant 64 : index
        %get3A_226 = tpu.vector_load %arg6[%get3A_224, %get3A_225] {strides = array<i32>} : memref<54x128xi32, #tpu.memory_space<vmem>>, vector<1x16xi32>,
        %get3A_227 = vector.shape_cast %get3A_226 : vector<1x16xi32> to vector<16xi32>
        %add3A_228 = arith.constant 1 : i32
        %add3A_229 = vector.broadcast %add3A_228 : i32 to vector<16xi32>
        %add3A_230 = arith.addi %get3A_227, %add3A_229 : vector<16xi32>
        %swap3A_231 = arith.index_cast %while3A_176 : i32 to index
        %swap3A_232 = arith.constant 64 : index
        %swap3A_233 = tpu.vector_load %arg6[%swap3A_231, %swap3A_232] {strides = array<i32>} : memref<54x128xi32, #tpu.memory_space<vmem>>, vector<1x16xi32>,
        %swap3A_234 = vector.shape_cast %swap3A_233 : vector<1x16xi32> to vector<16xi32>
        %swap3A_235 = vector.shape_cast %add3A_230 : vector<16xi32> to vector<1x16xi32>
        tpu.vector_store %arg6[%swap3A_231, %swap3A_232], %swap3A_235 {strides = array<i32>} : memref<54x128xi32, #tpu.memory_space<vmem>>, vector<1x16xi32>,
        %get3A_236 = arith.index_cast %while3A_176 : i32 to index
        %get3A_237 = arith.constant 80 : index
        %get3A_238 = tpu.vector_load %arg6[%get3A_236, %get3A_237] {strides = array<i32>} : memref<54x128xi32, #tpu.memory_space<vmem>>, vector<1x16xi32>,
        %get3A_239 = vector.shape_cast %get3A_238 : vector<1x16xi32> to vector<16xi32>
        %add3A_240 = arith.constant 1 : i32
        %add3A_241 = vector.broadcast %add3A_240 : i32 to vector<16xi32>
        %add3A_242 = arith.addi %get3A_239, %add3A_241 : vector<16xi32>
        %swap3A_243 = arith.index_cast %while3A_176 : i32 to index
        %swap3A_244 = arith.constant 80 : index
        %swap3A_245 = tpu.vector_load %arg6[%swap3A_243, %swap3A_244] {strides = array<i32>} : memref<54x128xi32, #tpu.memory_space<vmem>>, vector<1x16xi32>,
        %swap3A_246 = vector.shape_cast %swap3A_245 : vector<1x16xi32> to vector<16xi32>
        %swap3A_247 = vector.shape_cast %add3A_242 : vector<16xi32> to vector<1x16xi32>
        tpu.vector_store %arg6[%swap3A_243, %swap3A_244], %swap3A_247 {strides = array<i32>} : memref<54x128xi32, #tpu.memory_space<vmem>>, vector<1x16xi32>,
        %get3A_248 = arith.index_cast %while3A_176 : i32 to index
        %get3A_249 = arith.constant 96 : index
        %get3A_250 = tpu.vector_load %arg6[%get3A_248, %get3A_249] {strides = array<i32>} : memref<54x128xi32, #tpu.memory_space<vmem>>, vector<1x16xi32>,
        %get3A_251 = vector.shape_cast %get3A_250 : vector<1x16xi32> to vector<16xi32>
        %add3A_252 = arith.constant 1 : i32
        %add3A_253 = vector.broadcast %add3A_252 : i32 to vector<16xi32>
        %add3A_254 = arith.addi %get3A_251, %add3A_253 : vector<16xi32>
        %swap3A_255 = arith.index_cast %while3A_176 : i32 to index
        %swap3A_256 = arith.constant 96 : index
        %swap3A_257 = tpu.vector_load %arg6[%swap3A_255, %swap3A_256] {strides = array<i32>} : memref<54x128xi32, #tpu.memory_space<vmem>>, vector<1x16xi32>,
        %swap3A_258 = vector.shape_cast %swap3A_257 : vector<1x16xi32> to vector<16xi32>
        %swap3A_259 = vector.shape_cast %add3A_254 : vector<16xi32> to vector<1x16xi32>
        tpu.vector_store %arg6[%swap3A_255, %swap3A_256], %swap3A_259 {strides = array<i32>} : memref<54x128xi32, #tpu.memory_space<vmem>>, vector<1x16xi32>,
        %get3A_260 = arith.index_cast %while3A_176 : i32 to index
        %get3A_261 = arith.constant 112 : index
        %get3A_262 = tpu.vector_load %arg6[%get3A_260, %get3A_261] {strides = array<i32>} : memref<54x128xi32, #tpu.memory_space<vmem>>, vector<1x16xi32>,
        %get3A_263 = vector.shape_cast %get3A_262 : vector<1x16xi32> to vector<16xi32>
        %add3A_264 = arith.constant 1 : i32
        %add3A_265 = vector.broadcast %add3A_264 : i32 to vector<16xi32>
        %add3A_266 = arith.addi %get3A_263, %add3A_265 : vector<16xi32>
        %swap3A_267 = arith.index_cast %while3A_176 : i32 to index
        %swap3A_268 = arith.constant 112 : index
        %swap3A_269 = tpu.vector_load %arg6[%swap3A_267, %swap3A_268] {strides = array<i32>} : memref<54x128xi32, #tpu.memory_space<vmem>>, vector<1x16xi32>,
        %swap3A_270 = vector.shape_cast %swap3A_269 : vector<1x16xi32> to vector<16xi32>
        %swap3A_271 = vector.shape_cast %add3A_266 : vector<16xi32> to vector<1x16xi32>
        tpu.vector_store %arg6[%swap3A_267, %swap3A_268], %swap3A_271 {strides = array<i32>} : memref<54x128xi32, #tpu.memory_space<vmem>>, vector<1x16xi32>,
        %while3A_272 = arith.constant 0 : i32
        scf.yield %while3A_272 : i32
      }
      %while3A_124 = arith.constant 1 : i32
      %while3A_125 = scf.for %while3A_176 = %while3A_121 to %while3A_117 step %while3A_124 iter_args(%while3A_177 = %while3A_123) -> (i32)  : i32 {
        %get3A = arith.index_cast %while3A_176 : i32 to index
        %get3A_178 = arith.constant 0 : index
        %get3A_179 = tpu.vector_load %arg6[%get3A, %get3A_178] {strides = array<i32>} : memref<54x128xi32, #tpu.memory_space<vmem>>, vector<1x16xi32>,
        %get3A_180 = vector.shape_cast %get3A_179 : vector<1x16xi32> to vector<16xi32>
        %add3A_181 = arith.constant 1 : i32
        %add3A_182 = vector.broadcast %add3A_181 : i32 to vector<16xi32>
        %add3A_183 = arith.addi %get3A_180, %add3A_182 : vector<16xi32>
        %swap3A = arith.index_cast %while3A_176 : i32 to index
        %swap3A_184 = arith.constant 0 : index
        %swap3A_185 = tpu.vector_load %arg6[%swap3A, %swap3A_184] {strides = array<i32>} : memref<54x128xi32, #tpu.memory_space<vmem>>, vector<1x16xi32>,
        %swap3A_186 = vector.shape_cast %swap3A_185 : vector<1x16xi32> to vector<16xi32>
        %swap3A_187 = vector.shape_cast %add3A_183 : vector<16xi32> to vector<1x16xi32>
        tpu.vector_store %arg6[%swap3A, %swap3A_184], %swap3A_187 {strides = array<i32>} : memref<54x128xi32, #tpu.memory_space<vmem>>, vector<1x16xi32>,
        %get3A_188 = arith.index_cast %while3A_176 : i32 to index
        %get3A_189 = arith.constant 16 : index
        %get3A_190 = tpu.vector_load %arg6[%get3A_188, %get3A_189] {strides = array<i32>} : memref<54x128xi32, #tpu.memory_space<vmem>>, vector<1x16xi32>,
        %get3A_191 = vector.shape_cast %get3A_190 : vector<1x16xi32> to vector<16xi32>
        %add3A_192 = arith.constant 1 : i32
        %add3A_193 = vector.broadcast %add3A_192 : i32 to vector<16xi32>
        %add3A_194 = arith.addi %get3A_191, %add3A_193 : vector<16xi32>
        %swap3A_195 = arith.index_cast %while3A_176 : i32 to index
        %swap3A_196 = arith.constant 16 : index
        %swap3A_197 = tpu.vector_load %arg6[%swap3A_195, %swap3A_196] {strides = array<i32>} : memref<54x128xi32, #tpu.memory_space<vmem>>, vector<1x16xi32>,
        %swap3A_198 = vector.shape_cast %swap3A_197 : vector<1x16xi32> to vector<16xi32>
        %swap3A_199 = vector.shape_cast %add3A_194 : vector<16xi32> to vector<1x16xi32>
        tpu.vector_store %arg6[%swap3A_195, %swap3A_196], %swap3A_199 {strides = array<i32>} : memref<54x128xi32, #tpu.memory_space<vmem>>, vector<1x16xi32>,
        %get3A_200 = arith.index_cast %while3A_176 : i32 to index
        %get3A_201 = arith.constant 32 : index
        %get3A_202 = tpu.vector_load %arg6[%get3A_200, %get3A_201] {strides = array<i32>} : memref<54x128xi32, #tpu.memory_space<vmem>>, vector<1x16xi32>,
        %get3A_203 = vector.shape_cast %get3A_202 : vector<1x16xi32> to vector<16xi32>
        %add3A_204 = arith.constant 1 : i32
        %add3A_205 = vector.broadcast %add3A_204 : i32 to vector<16xi32>
        %add3A_206 = arith.addi %get3A_203, %add3A_205 : vector<16xi32>
        %swap3A_207 = arith.index_cast %while3A_176 : i32 to index
        %swap3A_208 = arith.constant 32 : index
        %swap3A_209 = tpu.vector_load %arg6[%swap3A_207, %swap3A_208] {strides = array<i32>} : memref<54x128xi32, #tpu.memory_space<vmem>>, vector<1x16xi32>,
        %swap3A_210 = vector.shape_cast %swap3A_209 : vector<1x16xi32> to vector<16xi32>
        %swap3A_211 = vector.shape_cast %add3A_206 : vector<16xi32> to vector<1x16xi32>
        tpu.vector_store %arg6[%swap3A_207, %swap3A_208], %swap3A_211 {strides = array<i32>} : memref<54x128xi32, #tpu.memory_space<vmem>>, vector<1x16xi32>,
        %get3A_212 = arith.index_cast %while3A_176 : i32 to index
        %get3A_213 = arith.constant 48 : index
        %get3A_214 = tpu.vector_load %arg6[%get3A_212, %get3A_213] {strides = array<i32>} : memref<54x128xi32, #tpu.memory_space<vmem>>, vector<1x16xi32>,
        %get3A_215 = vector.shape_cast %get3A_214 : vector<1x16xi32> to vector<16xi32>
        %add3A_216 = arith.constant 1 : i32
        %add3A_217 = vector.broadcast %add3A_216 : i32 to vector<16xi32>
        %add3A_218 = arith.addi %get3A_215, %add3A_217 : vector<16xi32>
        %swap3A_219 = arith.index_cast %while3A_176 : i32 to index
        %swap3A_220 = arith.constant 48 : index
        %swap3A_221 = tpu.vector_load %arg6[%swap3A_219, %swap3A_220] {strides = array<i32>} : memref<54x128xi32, #tpu.memory_space<vmem>>, vector<1x16xi32>,
        %swap3A_222 = vector.shape_cast %swap3A_221 : vector<1x16xi32> to vector<16xi32>
        %swap3A_223 = vector.shape_cast %add3A_218 : vector<16xi32> to vector<1x16xi32>
        tpu.vector_store %arg6[%swap3A_219, %swap3A_220], %swap3A_223 {strides = array<i32>} : memref<54x128xi32, #tpu.memory_space<vmem>>, vector<1x16xi32>,
        %get3A_224 = arith.index_cast %while3A_176 : i32 to index
        %get3A_225 = arith.constant 64 : index
        %get3A_226 = tpu.vector_load %arg6[%get3A_224, %get3A_225] {strides = array<i32>} : memref<54x128xi32, #tpu.memory_space<vmem>>, vector<1x16xi32>,
        %get3A_227 = vector.shape_cast %get3A_226 : vector<1x16xi32> to vector<16xi32>
        %add3A_228 = arith.constant 1 : i32
        %add3A_229 = vector.broadcast %add3A_228 : i32 to vector<16xi32>
        %add3A_230 = arith.addi %get3A_227, %add3A_229 : vector<16xi32>
        %swap3A_231 = arith.index_cast %while3A_176 : i32 to index
        %swap3A_232 = arith.constant 64 : index
        %swap3A_233 = tpu.vector_load %arg6[%swap3A_231, %swap3A_232] {strides = array<i32>} : memref<54x128xi32, #tpu.memory_space<vmem>>, vector<1x16xi32>,
        %swap3A_234 = vector.shape_cast %swap3A_233 : vector<1x16xi32> to vector<16xi32>
        %swap3A_235 = vector.shape_cast %add3A_230 : vector<16xi32> to vector<1x16xi32>
        tpu.vector_store %arg6[%swap3A_231, %swap3A_232], %swap3A_235 {strides = array<i32>} : memref<54x128xi32, #tpu.memory_space<vmem>>, vector<1x16xi32>,
        %get3A_236 = arith.index_cast %while3A_176 : i32 to index
        %get3A_237 = arith.constant 80 : index
        %get3A_238 = tpu.vector_load %arg6[%get3A_236, %get3A_237] {strides = array<i32>} : memref<54x128xi32, #tpu.memory_space<vmem>>, vector<1x16xi32>,
        %get3A_239 = vector.shape_cast %get3A_238 : vector<1x16xi32> to vector<16xi32>
        %add3A_240 = arith.constant 1 : i32
        %add3A_241 = vector.broadcast %add3A_240 : i32 to vector<16xi32>
        %add3A_242 = arith.addi %get3A_239, %add3A_241 : vector<16xi32>
        %swap3A_243 = arith.index_cast %while3A_176 : i32 to index
        %swap3A_244 = arith.constant 80 : index
        %swap3A_245 = tpu.vector_load %arg6[%swap3A_243, %swap3A_244] {strides = array<i32>} : memref<54x128xi32, #tpu.memory_space<vmem>>, vector<1x16xi32>,
        %swap3A_246 = vector.shape_cast %swap3A_245 : vector<1x16xi32> to vector<16xi32>
        %swap3A_247 = vector.shape_cast %add3A_242 : vector<16xi32> to vector<1x16xi32>
        tpu.vector_store %arg6[%swap3A_243, %swap3A_244], %swap3A_247 {strides = array<i32>} : memref<54x128xi32, #tpu.memory_space<vmem>>, vector<1x16xi32>,
        %get3A_248 = arith.index_cast %while3A_176 : i32 to index
        %get3A_249 = arith.constant 96 : index
        %get3A_250 = tpu.vector_load %arg6[%get3A_248, %get3A_249] {strides = array<i32>} : memref<54x128xi32, #tpu.memory_space<vmem>>, vector<1x16xi32>,
        %get3A_251 = vector.shape_cast %get3A_250 : vector<1x16xi32> to vector<16xi32>
        %add3A_252 = arith.constant 1 : i32
        %add3A_253 = vector.broadcast %add3A_252 : i32 to vector<16xi32>
        %add3A_254 = arith.addi %get3A_251, %add3A_253 : vector<16xi32>
        %swap3A_255 = arith.index_cast %while3A_176 : i32 to index
        %swap3A_256 = arith.constant 96 : index
        %swap3A_257 = tpu.vector_load %arg6[%swap3A_255, %swap3A_256] {strides = array<i32>} : memref<54x128xi32, #tpu.memory_space<vmem>>, vector<1x16xi32>,
        %swap3A_258 = vector.shape_cast %swap3A_257 : vector<1x16xi32> to vector<16xi32>
        %swap3A_259 = vector.shape_cast %add3A_254 : vector<16xi32> to vector<1x16xi32>
        tpu.vector_store %arg6[%swap3A_255, %swap3A_256], %swap3A_259 {strides = array<i32>} : memref<54x128xi32, #tpu.memory_space<vmem>>, vector<1x16xi32>,
        %get3A_260 = arith.index_cast %while3A_176 : i32 to index
        %get3A_261 = arith.constant 112 : index
        %get3A_262 = tpu.vector_load %arg6[%get3A_260, %get3A_261] {strides = array<i32>} : memref<54x128xi32, #tpu.memory_space<vmem>>, vector<1x16xi32>,
        %get3A_263 = vector.shape_cast %get3A_262 : vector<1x16xi32> to vector<16xi32>
        %add3A_264 = arith.constant 1 : i32
        %add3A_265 = vector.broadcast %add3A_264 : i32 to vector<16xi32>
        %add3A_266 = arith.addi %get3A_263, %add3A_265 : vector<16xi32>
        %swap3A_267 = arith.index_cast %while3A_176 : i32 to index
        %swap3A_268 = arith.constant 112 : index
        %swap3A_269 = tpu.vector_load %arg6[%swap3A_267, %swap3A_268] {strides = array<i32>} : memref<54x128xi32, #tpu.memory_space<vmem>>, vector<1x16xi32>,
        %swap3A_270 = vector.shape_cast %swap3A_269 : vector<1x16xi32> to vector<16xi32>
        %swap3A_271 = vector.shape_cast %add3A_266 : vector<16xi32> to vector<1x16xi32>
        tpu.vector_store %arg6[%swap3A_267, %swap3A_268], %swap3A_271 {strides = array<i32>} : memref<54x128xi32, #tpu.memory_space<vmem>>, vector<1x16xi32>,
        %while3A_272 = arith.constant 0 : i32
        scf.yield %while3A_272 : i32
      }
      %sub3A_126 = arith.constant 16 : i32
      %sub3A_127 = arith.subi %select_n3A, %sub3A_126 : i32
      %while3A_128 = arith.constant 0 : i32
      %while3A_129 = arith.subi %select_n3A, %sub3A_127 : i32
      %while3A_130 = arith.addi %sub3A_127, %while3A_129 : i32
      %while3A_131 = arith.constant 1 : i32
      %while3A_132 = arith.divsi %while3A_129, %while3A_131 : i32
      %while3A_133 = arith.muli %while3A_132, %while3A_131 : i32
      %while3A_134 = arith.addi %sub3A_127, %while3A_133 : i32
      %while3A_135 = arith.constant 1 : i32
      %while3A_136 = scf.for %while3A_176 = %sub3A_127 to %while3A_134 step %while3A_135 iter_args(%while3A_177 = %while3A_128) -> (i32)  : i32 {
        %rem3A = arith.constant 16 : i32
        %rem3A_178 = arith.remsi %while3A_176, %rem3A : i32
        %dma_wait3A_179 = arith.constant 0 : i32
        %dma_wait3A_180 = arith.constant 0 : i32
        %dma_wait3A_181 = tpu.memref_slice %arg8[%rem3A_178, %dma_wait3A_179, %dma_wait3A_180] : memref<16x128x16xf32, #tpu.memory_space<vmem>> -> memref<1x128x16xf32, #tpu.memory_space<vmem>>
        %dma_wait3A_182 = tpu.memref_squeeze %dma_wait3A_181 : memref<1x128x16xf32, #tpu.memory_space<vmem>> -> memref<128x16xf32, #tpu.memory_space<vmem>>
        %dma_wait3A_183 = arith.constant 0 : i32
        %dma_wait3A_184 = tpu.memref_slice %arg7[%while3A_176, %dma_wait3A_183] : memref<54x128xi32, #tpu.memory_space<vmem>> -> memref<1x128xi32, #tpu.memory_space<vmem>>
        %dma_wait3A_185 = tpu.memref_squeeze %dma_wait3A_184 : memref<1x128xi32, #tpu.memory_space<vmem>> -> memref<128xi32, #tpu.memory_space<vmem>>
        %dma_wait3A_186 = arith.constant 0 : i32
        %dma_wait3A_187 = arith.constant 0 : i32
        %dma_wait3A_188 = tpu.memref_slice %arg10[%dma_wait3A_186, %dma_wait3A_187] : memref<81920x16xf32, #tpu.memory_space<vmem_shared>> -> memref<81920x16xf32, #tpu.memory_space<vmem_shared>>
        tpu.wait_indirect_dma semaphore(%arg12 : memref<!tpu.dma_semaphore, #tpu.memory_space<semaphore_mem>>) src(%dma_wait3A_182 : memref<128x16xf32, #tpu.memory_space<vmem>>) dst(%dma_wait3A_188 : memref<81920x16xf32, #tpu.memory_space<vmem_shared>>)
        %while3A_189 = arith.constant 0 : i32
        scf.yield %while3A_189 : i32
      }
      %while3A_137 = arith.constant 1 : i32
      %while3A_138 = scf.for %while3A_176 = %while3A_134 to %while3A_130 step %while3A_137 iter_args(%while3A_177 = %while3A_136) -> (i32)  : i32 {
        %rem3A = arith.constant 16 : i32
        %rem3A_178 = arith.remsi %while3A_176, %rem3A : i32
        %dma_wait3A_179 = arith.constant 0 : i32
        %dma_wait3A_180 = arith.constant 0 : i32
        %dma_wait3A_181 = tpu.memref_slice %arg8[%rem3A_178, %dma_wait3A_179, %dma_wait3A_180] : memref<16x128x16xf32, #tpu.memory_space<vmem>> -> memref<1x128x16xf32, #tpu.memory_space<vmem>>
        %dma_wait3A_182 = tpu.memref_squeeze %dma_wait3A_181 : memref<1x128x16xf32, #tpu.memory_space<vmem>> -> memref<128x16xf32, #tpu.memory_space<vmem>>
        %dma_wait3A_183 = arith.constant 0 : i32
        %dma_wait3A_184 = tpu.memref_slice %arg7[%while3A_176, %dma_wait3A_183] : memref<54x128xi32, #tpu.memory_space<vmem>> -> memref<1x128xi32, #tpu.memory_space<vmem>>
        %dma_wait3A_185 = tpu.memref_squeeze %dma_wait3A_184 : memref<1x128xi32, #tpu.memory_space<vmem>> -> memref<128xi32, #tpu.memory_space<vmem>>
        %dma_wait3A_186 = arith.constant 0 : i32
        %dma_wait3A_187 = arith.constant 0 : i32
        %dma_wait3A_188 = tpu.memref_slice %arg10[%dma_wait3A_186, %dma_wait3A_187] : memref<81920x16xf32, #tpu.memory_space<vmem_shared>> -> memref<81920x16xf32, #tpu.memory_space<vmem_shared>>
        tpu.wait_indirect_dma semaphore(%arg12 : memref<!tpu.dma_semaphore, #tpu.memory_space<semaphore_mem>>) src(%dma_wait3A_182 : memref<128x16xf32, #tpu.memory_space<vmem>>) dst(%dma_wait3A_188 : memref<81920x16xf32, #tpu.memory_space<vmem_shared>>)
        %while3A_189 = arith.constant 0 : i32
        scf.yield %while3A_189 : i32
      }
      %barrier3A_139 = arith.constant 0 : index
      tpu.barrier barrier_id(%barrier3A_139)
      %add3A_140 = arith.constant 0 : i32
      %add3A_141 = arith.addi %mul3A_10, %add3A_140 : i32
      %add3A_142 = arith.constant 0 : i32
      %add3A_143 = arith.addi %mul3A_10, %add3A_142 : i32
      %dma_start3A = arith.constant 0 : i32
      %dma_start3A_144 = tpu.memref_slice %arg5[%arg0, %add3A_143, %scan3A_57, %dma_start3A] : memref<2x81920x16x16xf32, #tpu.memory_space<hbm>> -> memref<1x1280x1x16xf32, #tpu.memory_space<hbm>>
      %dma_start3A_145 = tpu.memref_squeeze %dma_start3A_144 : memref<1x1280x1x16xf32, #tpu.memory_space<hbm>> -> memref<1280x16xf32, #tpu.memory_space<hbm>>
      %dma_start3A_146 = arith.constant 0 : i32
      %dma_start3A_147 = tpu.memref_slice %arg10[%add3A_141, %dma_start3A_146] : memref<81920x16xf32, #tpu.memory_space<vmem_shared>> -> memref<1280x16xf32, #tpu.memory_space<vmem_shared>>
      tpu.enqueue_dma source(%dma_start3A_147 : memref<1280x16xf32, #tpu.memory_space<vmem_shared>>) target(%dma_start3A_145 : memref<1280x16xf32, #tpu.memory_space<hbm>>) target_semaphore(%arg13 : memref<!tpu.dma_semaphore, #tpu.memory_space<semaphore_mem>>)
      %add3A_148 = arith.constant 1280 : i32
      %add3A_149 = arith.addi %mul3A_10, %add3A_148 : i32
      %add3A_150 = arith.constant 1280 : i32
      %add3A_151 = arith.addi %mul3A_10, %add3A_150 : i32
      %dma_start3A_152 = arith.constant 0 : i32
      %dma_start3A_153 = tpu.memref_slice %arg5[%arg0, %add3A_151, %scan3A_57, %dma_start3A_152] : memref<2x81920x16x16xf32, #tpu.memory_space<hbm>> -> memref<1x1280x1x16xf32, #tpu.memory_space<hbm>>
      %dma_start3A_154 = tpu.memref_squeeze %dma_start3A_153 : memref<1x1280x1x16xf32, #tpu.memory_space<hbm>> -> memref<1280x16xf32, #tpu.memory_space<hbm>>
      %dma_start3A_155 = arith.constant 0 : i32
      %dma_start3A_156 = tpu.memref_slice %arg10[%add3A_149, %dma_start3A_155] : memref<81920x16xf32, #tpu.memory_space<vmem_shared>> -> memref<1280x16xf32, #tpu.memory_space<vmem_shared>>
      tpu.enqueue_dma source(%dma_start3A_156 : memref<1280x16xf32, #tpu.memory_space<vmem_shared>>) target(%dma_start3A_154 : memref<1280x16xf32, #tpu.memory_space<hbm>>) target_semaphore(%arg13 : memref<!tpu.dma_semaphore, #tpu.memory_space<semaphore_mem>>)
      %add3A_157 = arith.constant 2560 : i32
      %add3A_158 = arith.addi %mul3A_10, %add3A_157 : i32
      %add3A_159 = arith.constant 2560 : i32
      %add3A_160 = arith.addi %mul3A_10, %add3A_159 : i32
      %dma_start3A_161 = arith.constant 0 : i32
      %dma_start3A_162 = tpu.memref_slice %arg5[%arg0, %add3A_160, %scan3A_57, %dma_start3A_161] : memref<2x81920x16x16xf32, #tpu.memory_space<hbm>> -> memref<1x1280x1x16xf32, #tpu.memory_space<hbm>>
      %dma_start3A_163 = tpu.memref_squeeze %dma_start3A_162 : memref<1x1280x1x16xf32, #tpu.memory_space<hbm>> -> memref<1280x16xf32, #tpu.memory_space<hbm>>
      %dma_start3A_164 = arith.constant 0 : i32
      %dma_start3A_165 = tpu.memref_slice %arg10[%add3A_158, %dma_start3A_164] : memref<81920x16xf32, #tpu.memory_space<vmem_shared>> -> memref<1280x16xf32, #tpu.memory_space<vmem_shared>>
      tpu.enqueue_dma source(%dma_start3A_165 : memref<1280x16xf32, #tpu.memory_space<vmem_shared>>) target(%dma_start3A_163 : memref<1280x16xf32, #tpu.memory_space<hbm>>) target_semaphore(%arg13 : memref<!tpu.dma_semaphore, #tpu.memory_space<semaphore_mem>>)
      %add3A_166 = arith.constant 3840 : i32
      %add3A_167 = arith.addi %mul3A_10, %add3A_166 : i32
      %add3A_168 = arith.constant 3840 : i32
      %add3A_169 = arith.addi %mul3A_10, %add3A_168 : i32
      %dma_start3A_170 = arith.constant 0 : i32
      %dma_start3A_171 = tpu.memref_slice %arg5[%arg0, %add3A_169, %scan3A_57, %dma_start3A_170] : memref<2x81920x16x16xf32, #tpu.memory_space<hbm>> -> memref<1x1280x1x16xf32, #tpu.memory_space<hbm>>
      %dma_start3A_172 = tpu.memref_squeeze %dma_start3A_171 : memref<1x1280x1x16xf32, #tpu.memory_space<hbm>> -> memref<1280x16xf32, #tpu.memory_space<hbm>>
      %dma_start3A_173 = arith.constant 0 : i32
      %dma_start3A_174 = tpu.memref_slice %arg10[%add3A_167, %dma_start3A_173] : memref<81920x16xf32, #tpu.memory_space<vmem_shared>> -> memref<1280x16xf32, #tpu.memory_space<vmem_shared>>
      tpu.enqueue_dma source(%dma_start3A_174 : memref<1280x16xf32, #tpu.memory_space<vmem_shared>>) target(%dma_start3A_172 : memref<1280x16xf32, #tpu.memory_space<hbm>>) target_semaphore(%arg13 : memref<!tpu.dma_semaphore, #tpu.memory_space<semaphore_mem>>)
      %scan3A_175 = arith.constant 0 : i32
      scf.yield %scan3A_175 : i32
    }
    %scan3A_17 = arith.constant 16 : i32
    %add3A_18 = arith.constant 0 : i32
    %add3A_19 = arith.addi %mul3A_10, %add3A_18 : i32
    %add3A_20 = arith.constant 0 : i32
    %add3A_21 = arith.addi %mul3A_10, %add3A_20 : i32
    %dma_wait3A = arith.constant 15 : i32
    %dma_wait3A_22 = arith.constant 0 : i32
    %dma_wait3A_23 = tpu.memref_slice %arg5[%arg0, %add3A_21, %dma_wait3A, %dma_wait3A_22] : memref<2x81920x16x16xf32, #tpu.memory_space<hbm>> -> memref<1x1280x1x16xf32, #tpu.memory_space<hbm>>
    %dma_wait3A_24 = tpu.memref_squeeze %dma_wait3A_23 : memref<1x1280x1x16xf32, #tpu.memory_space<hbm>> -> memref<1280x16xf32, #tpu.memory_space<hbm>>
    %dma_wait3A_25 = arith.constant 0 : i32
    %dma_wait3A_26 = tpu.memref_slice %arg10[%add3A_19, %dma_wait3A_25] : memref<81920x16xf32, #tpu.memory_space<vmem_shared>> -> memref<1280x16xf32, #tpu.memory_space<vmem_shared>>
    tpu.wait_dma2 semaphore(%arg13 : memref<!tpu.dma_semaphore, #tpu.memory_space<semaphore_mem>>) src(%dma_wait3A_26 : memref<1280x16xf32, #tpu.memory_space<vmem_shared>>) dst(%dma_wait3A_24 : memref<1280x16xf32, #tpu.memory_space<hbm>>)
    %add3A_27 = arith.constant 1280 : i32
    %add3A_28 = arith.addi %mul3A_10, %add3A_27 : i32
    %add3A_29 = arith.constant 1280 : i32
    %add3A_30 = arith.addi %mul3A_10, %add3A_29 : i32
    %dma_wait3A_31 = arith.constant 15 : i32
    %dma_wait3A_32 = arith.constant 0 : i32
    %dma_wait3A_33 = tpu.memref_slice %arg5[%arg0, %add3A_30, %dma_wait3A_31, %dma_wait3A_32] : memref<2x81920x16x16xf32, #tpu.memory_space<hbm>> -> memref<1x1280x1x16xf32, #tpu.memory_space<hbm>>
    %dma_wait3A_34 = tpu.memref_squeeze %dma_wait3A_33 : memref<1x1280x1x16xf32, #tpu.memory_space<hbm>> -> memref<1280x16xf32, #tpu.memory_space<hbm>>
    %dma_wait3A_35 = arith.constant 0 : i32
    %dma_wait3A_36 = tpu.memref_slice %arg10[%add3A_28, %dma_wait3A_35] : memref<81920x16xf32, #tpu.memory_space<vmem_shared>> -> memref<1280x16xf32, #tpu.memory_space<vmem_shared>>
    tpu.wait_dma2 semaphore(%arg13 : memref<!tpu.dma_semaphore, #tpu.memory_space<semaphore_mem>>) src(%dma_wait3A_36 : memref<1280x16xf32, #tpu.memory_space<vmem_shared>>) dst(%dma_wait3A_34 : memref<1280x16xf32, #tpu.memory_space<hbm>>)
    %add3A_37 = arith.constant 2560 : i32
    %add3A_38 = arith.addi %mul3A_10, %add3A_37 : i32
    %add3A_39 = arith.constant 2560 : i32
    %add3A_40 = arith.addi %mul3A_10, %add3A_39 : i32
    %dma_wait3A_41 = arith.constant 15 : i32
    %dma_wait3A_42 = arith.constant 0 : i32
    %dma_wait3A_43 = tpu.memref_slice %arg5[%arg0, %add3A_40, %dma_wait3A_41, %dma_wait3A_42] : memref<2x81920x16x16xf32, #tpu.memory_space<hbm>> -> memref<1x1280x1x16xf32, #tpu.memory_space<hbm>>
    %dma_wait3A_44 = tpu.memref_squeeze %dma_wait3A_43 : memref<1x1280x1x16xf32, #tpu.memory_space<hbm>> -> memref<1280x16xf32, #tpu.memory_space<hbm>>
    %dma_wait3A_45 = arith.constant 0 : i32
    %dma_wait3A_46 = tpu.memref_slice %arg10[%add3A_38, %dma_wait3A_45] : memref<81920x16xf32, #tpu.memory_space<vmem_shared>> -> memref<1280x16xf32, #tpu.memory_space<vmem_shared>>
    tpu.wait_dma2 semaphore(%arg13 : memref<!tpu.dma_semaphore, #tpu.memory_space<semaphore_mem>>) src(%dma_wait3A_46 : memref<1280x16xf32, #tpu.memory_space<vmem_shared>>) dst(%dma_wait3A_44 : memref<1280x16xf32, #tpu.memory_space<hbm>>)
    %add3A_47 = arith.constant 3840 : i32
    %add3A_48 = arith.addi %mul3A_10, %add3A_47 : i32
    %add3A_49 = arith.constant 3840 : i32
    %add3A_50 = arith.addi %mul3A_10, %add3A_49 : i32
    %dma_wait3A_51 = arith.constant 15 : i32
    %dma_wait3A_52 = arith.constant 0 : i32
    %dma_wait3A_53 = tpu.memref_slice %arg5[%arg0, %add3A_50, %dma_wait3A_51, %dma_wait3A_52] : memref<2x81920x16x16xf32, #tpu.memory_space<hbm>> -> memref<1x1280x1x16xf32, #tpu.memory_space<hbm>>
    %dma_wait3A_54 = tpu.memref_squeeze %dma_wait3A_53 : memref<1x1280x1x16xf32, #tpu.memory_space<hbm>> -> memref<1280x16xf32, #tpu.memory_space<hbm>>
    %dma_wait3A_55 = arith.constant 0 : i32
    %dma_wait3A_56 = tpu.memref_slice %arg10[%add3A_48, %dma_wait3A_55] : memref<81920x16xf32, #tpu.memory_space<vmem_shared>> -> memref<1280x16xf32, #tpu.memory_space<vmem_shared>>
    tpu.wait_dma2 semaphore(%arg13 : memref<!tpu.dma_semaphore, #tpu.memory_space<semaphore_mem>>) src(%dma_wait3A_56 : memref<1280x16xf32, #tpu.memory_space<vmem_shared>>) dst(%dma_wait3A_54 : memref<1280x16xf32, #tpu.memory_space<hbm>>)
    return
  }
}

#map = affine_map<(d0, d1) -> (0, 0, 0)>
module attributes {stable_mosaic.version = 14 : i64} {
  func.func @cntk(%arg0: i32, %arg1: i32, %arg2: memref<32x54x128xi32, #tpu.memory_space<hbm>>, %arg3: memref<2x81920x16xf32, #tpu.memory_space<hbm>>, %arg4: memref<54x128xi32, #tpu.memory_space<vmem>>, %arg5: memref<128x16xf32, #tpu.memory_space<vmem>>, %arg6: memref<128x16xf32, #tpu.memory_space<vmem>>, %arg7: memref<81920x16xf32, #tpu.memory_space<vmem_shared>>, %arg8: memref<!tpu.dma_semaphore, #tpu.memory_space<semaphore_mem>>) attributes {dimension_semantics = [#tpu.dimension_semantics<core_parallel>, #tpu.dimension_semantics<subcore_parallel>], iteration_bounds = array<i64: 2, 16>, scalar_prefetch = 0 : i64, scratch_operands = 5 : i64, tpu.core_type = #tpu.core_type<sc_vector_subcore>, window_params = [{transform_indices = #map}, {transform_indices = #map}]} {
    %mul3A = arith.constant 2 : i32
    %mul3A_0 = arith.muli %arg1, %mul3A : i32
    %add3A = arith.addi %mul3A_0, %arg0 : i32
    %eq3A = arith.constant 0 : i32
    %eq3A_1 = arith.cmpi eq, %arg0, %eq3A : i32
    %jit3A = arith.constant 25 : i32
    %jit3A_2 = arith.constant 54 : i32
    %select_n3A = arith.select %eq3A_1, %jit3A, %jit3A_2 : i32
    "tpu.region"() ({
      %run_scoped3A = tpu.sem_alloc : memref<!tpu.dma_semaphore, #tpu.memory_space<semaphore_mem>>
      %dma_start3A = arith.constant 0 : i32
      %dma_start3A_49 = arith.constant 0 : i32
      %dma_start3A_50 = tpu.memref_slice %arg2[%add3A, %dma_start3A, %dma_start3A_49] : memref<32x54x128xi32, #tpu.memory_space<hbm>> -> memref<1x54x128xi32, #tpu.memory_space<hbm>>
      %dma_start3A_51 = tpu.memref_squeeze %dma_start3A_50 : memref<1x54x128xi32, #tpu.memory_space<hbm>> -> memref<54x128xi32, #tpu.memory_space<hbm>>
      %dma_start3A_52 = arith.constant 0 : i32
      %dma_start3A_53 = arith.constant 0 : i32
      %dma_start3A_54 = tpu.memref_slice %arg2[%add3A, %dma_start3A_52, %dma_start3A_53] : memref<32x54x128xi32, #tpu.memory_space<hbm>> -> memref<1x54x128xi32, #tpu.memory_space<hbm>>
      %dma_start3A_55 = tpu.memref_squeeze %dma_start3A_54 : memref<1x54x128xi32, #tpu.memory_space<hbm>> -> memref<54x128xi32, #tpu.memory_space<hbm>>
      tpu.enqueue_dma source(%dma_start3A_55 : memref<54x128xi32, #tpu.memory_space<hbm>>) target(%arg4 : memref<54x128xi32, #tpu.memory_space<vmem>>) target_semaphore(%run_scoped3A : memref<!tpu.dma_semaphore, #tpu.memory_space<semaphore_mem>>)
      %dma_wait3A = arith.constant 0 : i32
      %dma_wait3A_56 = arith.constant 0 : i32
      %dma_wait3A_57 = tpu.memref_slice %arg2[%add3A, %dma_wait3A, %dma_wait3A_56] : memref<32x54x128xi32, #tpu.memory_space<hbm>> -> memref<1x54x128xi32, #tpu.memory_space<hbm>>
      %dma_wait3A_58 = tpu.memref_squeeze %dma_wait3A_57 : memref<1x54x128xi32, #tpu.memory_space<hbm>> -> memref<54x128xi32, #tpu.memory_space<hbm>>
      %dma_wait3A_59 = arith.constant 0 : i32
      %dma_wait3A_60 = arith.constant 0 : i32
      %dma_wait3A_61 = tpu.memref_slice %arg2[%add3A, %dma_wait3A_59, %dma_wait3A_60] : memref<32x54x128xi32, #tpu.memory_space<hbm>> -> memref<1x54x128xi32, #tpu.memory_space<hbm>>
      %dma_wait3A_62 = tpu.memref_squeeze %dma_wait3A_61 : memref<1x54x128xi32, #tpu.memory_space<hbm>> -> memref<54x128xi32, #tpu.memory_space<hbm>>
      tpu.wait_dma2 semaphore(%run_scoped3A : memref<!tpu.dma_semaphore, #tpu.memory_space<semaphore_mem>>) src(%dma_wait3A_62 : memref<54x128xi32, #tpu.memory_space<hbm>>) dst(%arg4 : memref<54x128xi32, #tpu.memory_space<vmem>>)
      tpu.yield
    }) : () -> ()
    %scan3A = arith.constant 0 : i32
    %scan3A_3 = arith.constant 0 : i32
    %scan3A_4 = arith.constant 128 : i32
    %scan3A_5 = arith.addi %scan3A_3, %scan3A_4 : i32
    %scan3A_6 = arith.constant 1 : i32
    %scan3A_7 = scf.for %scan3A_49 = %scan3A_3 to %scan3A_5 step %scan3A_6 iter_args(%scan3A_50 = %scan3A) -> (i32)  : i32 {
      %broadcast_in_dim3A = arith.constant 0.000000e+00 : f32
      %broadcast_in_dim3A_51 = vector.broadcast %broadcast_in_dim3A : f32 to vector<16xf32>
      %swap3A = arith.index_cast %scan3A_49 : i32 to index
      %swap3A_52 = arith.constant 0 : index
      %swap3A_53 = tpu.vector_load %arg6[%swap3A, %swap3A_52] {strides = array<i32>} : memref<128x16xf32, #tpu.memory_space<vmem>>, vector<1x16xf32>,
      %swap3A_54 = vector.shape_cast %swap3A_53 : vector<1x16xf32> to vector<16xf32>
      %swap3A_55 = vector.shape_cast %broadcast_in_dim3A_51 : vector<16xf32> to vector<1x16xf32>
      tpu.vector_store %arg6[%swap3A, %swap3A_52], %swap3A_55 {strides = array<i32>} : memref<128x16xf32, #tpu.memory_space<vmem>>, vector<1x16xf32>,
      %scan3A_56 = arith.constant 0 : i32
      scf.yield %scan3A_56 : i32
    }
    %scan3A_8 = arith.constant 128 : i32
    %scan3A_9 = arith.constant 0 : i32
    %scan3A_10 = arith.constant 0 : i32
    %scan3A_11 = arith.constant 128 : i32
    %scan3A_12 = arith.addi %scan3A_10, %scan3A_11 : i32
    %scan3A_13 = arith.constant 1 : i32
    %scan3A_14 = scf.for %scan3A_49 = %scan3A_10 to %scan3A_12 step %scan3A_13 iter_args(%scan3A_50 = %scan3A_9) -> (i32)  : i32 {
      %broadcast_in_dim3A = arith.constant 1.000000e+00 : f32
      %broadcast_in_dim3A_51 = vector.broadcast %broadcast_in_dim3A : f32 to vector<16xf32>
      %swap3A = arith.index_cast %scan3A_49 : i32 to index
      %swap3A_52 = arith.constant 0 : index
      %swap3A_53 = tpu.vector_load %arg5[%swap3A, %swap3A_52] {strides = array<i32>} : memref<128x16xf32, #tpu.memory_space<vmem>>, vector<1x16xf32>,
      %swap3A_54 = vector.shape_cast %swap3A_53 : vector<1x16xf32> to vector<16xf32>
      %swap3A_55 = vector.shape_cast %broadcast_in_dim3A_51 : vector<16xf32> to vector<1x16xf32>
      tpu.vector_store %arg5[%swap3A, %swap3A_52], %swap3A_55 {strides = array<i32>} : memref<128x16xf32, #tpu.memory_space<vmem>>, vector<1x16xf32>,
      %scan3A_56 = arith.constant 0 : i32
      scf.yield %scan3A_56 : i32
    }
    %scan3A_15 = arith.constant 128 : i32
    %mul3A_16 = arith.constant 5120 : i32
    %mul3A_17 = arith.muli %arg1, %mul3A_16 : i32
    %scan3A_18 = arith.constant 0 : i32
    %scan3A_19 = arith.constant 0 : i32
    %scan3A_20 = arith.constant 40 : i32
    %scan3A_21 = arith.addi %scan3A_19, %scan3A_20 : i32
    %scan3A_22 = arith.constant 1 : i32
    %scan3A_23 = scf.for %scan3A_49 = %scan3A_19 to %scan3A_21 step %scan3A_22 iter_args(%scan3A_50 = %scan3A_18) -> (i32)  : i32 {
      %mul3A_51 = arith.constant 128 : i32
      %mul3A_52 = arith.muli %scan3A_49, %mul3A_51 : i32
      %add3A_53 = arith.addi %mul3A_17, %mul3A_52 : i32
      "tpu.region"() ({
        %run_scoped3A = tpu.sem_alloc : memref<!tpu.dma_semaphore, #tpu.memory_space<semaphore_mem>>
        %dma_start3A = arith.constant 0 : i32
        %dma_start3A_55 = tpu.memref_slice %arg7[%add3A_53, %dma_start3A] : memref<81920x16xf32, #tpu.memory_space<vmem_shared>> -> memref<128x16xf32, #tpu.memory_space<vmem_shared>>
        %dma_start3A_56 = arith.constant 0 : i32
        %dma_start3A_57 = tpu.memref_slice %arg7[%add3A_53, %dma_start3A_56] : memref<81920x16xf32, #tpu.memory_space<vmem_shared>> -> memref<128x16xf32, #tpu.memory_space<vmem_shared>>
        tpu.enqueue_dma source(%arg6 : memref<128x16xf32, #tpu.memory_space<vmem>>) target(%dma_start3A_57 : memref<128x16xf32, #tpu.memory_space<vmem_shared>>) target_semaphore(%run_scoped3A : memref<!tpu.dma_semaphore, #tpu.memory_space<semaphore_mem>>)
        %dma_wait3A = arith.constant 0 : i32
        %dma_wait3A_58 = tpu.memref_slice %arg7[%add3A_53, %dma_wait3A] : memref<81920x16xf32, #tpu.memory_space<vmem_shared>> -> memref<128x16xf32, #tpu.memory_space<vmem_shared>>
        %dma_wait3A_59 = arith.constant 0 : i32
        %dma_wait3A_60 = tpu.memref_slice %arg7[%add3A_53, %dma_wait3A_59] : memref<81920x16xf32, #tpu.memory_space<vmem_shared>> -> memref<128x16xf32, #tpu.memory_space<vmem_shared>>
        tpu.wait_dma2 semaphore(%run_scoped3A : memref<!tpu.dma_semaphore, #tpu.memory_space<semaphore_mem>>) src(%arg6 : memref<128x16xf32, #tpu.memory_space<vmem>>) dst(%dma_wait3A_60 : memref<128x16xf32, #tpu.memory_space<vmem_shared>>)
        tpu.yield
      }) : () -> ()
      %scan3A_54 = arith.constant 0 : i32
      scf.yield %scan3A_54 : i32
    }
    %scan3A_24 = arith.constant 40 : i32
    %barrier3A = arith.constant 0 : index
    tpu.barrier barrier_id(%barrier3A)
    %while3A = arith.constant 0 : i32
    %while3A_25 = arith.constant 0 : i32
    %while3A_26 = arith.subi %select_n3A, %while3A : i32
    %while3A_27 = arith.addi %while3A, %while3A_26 : i32
    %while3A_28 = arith.constant 1 : i32
    %while3A_29 = arith.divsi %while3A_26, %while3A_28 : i32
    %while3A_30 = arith.muli %while3A_29, %while3A_28 : i32
    %while3A_31 = arith.addi %while3A, %while3A_30 : i32
    %while3A_32 = arith.constant 1 : i32
    %while3A_33 = scf.for %while3A_49 = %while3A to %while3A_31 step %while3A_32 iter_args(%while3A_50 = %while3A_25) -> (i32)  : i32 {
      %dma_start3A = arith.constant 0 : i32
      %dma_start3A_51 = tpu.memref_slice %arg4[%while3A_49, %dma_start3A] : memref<54x128xi32, #tpu.memory_space<vmem>> -> memref<1x128xi32, #tpu.memory_space<vmem>>
      %dma_start3A_52 = tpu.memref_squeeze %dma_start3A_51 : memref<1x128xi32, #tpu.memory_space<vmem>> -> memref<128xi32, #tpu.memory_space<vmem>>
      %dma_start3A_53 = arith.constant 0 : i32
      %dma_start3A_54 = arith.constant 0 : i32
      %dma_start3A_55 = tpu.memref_slice %arg7[%dma_start3A_53, %dma_start3A_54] : memref<81920x16xf32, #tpu.memory_space<vmem_shared>> -> memref<81920x16xf32, #tpu.memory_space<vmem_shared>>
      tpu.enqueue_indirect_dma source(%arg5 : memref<128x16xf32, #tpu.memory_space<vmem>>) target(%dma_start3A_55 : memref<81920x16xf32, #tpu.memory_space<vmem_shared>>) offsets(%dma_start3A_52 : memref<128xi32, #tpu.memory_space<vmem>>) semaphore(%arg8 : memref<!tpu.dma_semaphore, #tpu.memory_space<semaphore_mem>>) {add = true}
      %while3A_56 = arith.constant 0 : i32
      scf.yield %while3A_56 : i32
    }
    %while3A_34 = arith.constant 1 : i32
    %while3A_35 = scf.for %while3A_49 = %while3A_31 to %while3A_27 step %while3A_34 iter_args(%while3A_50 = %while3A_33) -> (i32)  : i32 {
      %dma_start3A = arith.constant 0 : i32
      %dma_start3A_51 = tpu.memref_slice %arg4[%while3A_49, %dma_start3A] : memref<54x128xi32, #tpu.memory_space<vmem>> -> memref<1x128xi32, #tpu.memory_space<vmem>>
      %dma_start3A_52 = tpu.memref_squeeze %dma_start3A_51 : memref<1x128xi32, #tpu.memory_space<vmem>> -> memref<128xi32, #tpu.memory_space<vmem>>
      %dma_start3A_53 = arith.constant 0 : i32
      %dma_start3A_54 = arith.constant 0 : i32
      %dma_start3A_55 = tpu.memref_slice %arg7[%dma_start3A_53, %dma_start3A_54] : memref<81920x16xf32, #tpu.memory_space<vmem_shared>> -> memref<81920x16xf32, #tpu.memory_space<vmem_shared>>
      tpu.enqueue_indirect_dma source(%arg5 : memref<128x16xf32, #tpu.memory_space<vmem>>) target(%dma_start3A_55 : memref<81920x16xf32, #tpu.memory_space<vmem_shared>>) offsets(%dma_start3A_52 : memref<128xi32, #tpu.memory_space<vmem>>) semaphore(%arg8 : memref<!tpu.dma_semaphore, #tpu.memory_space<semaphore_mem>>) {add = true}
      %while3A_56 = arith.constant 0 : i32
      scf.yield %while3A_56 : i32
    }
    %while3A_36 = arith.constant 0 : i32
    %while3A_37 = arith.constant 0 : i32
    %while3A_38 = arith.subi %select_n3A, %while3A_36 : i32
    %while3A_39 = arith.addi %while3A_36, %while3A_38 : i32
    %while3A_40 = arith.constant 1 : i32
    %while3A_41 = arith.divsi %while3A_38, %while3A_40 : i32
    %while3A_42 = arith.muli %while3A_41, %while3A_40 : i32
    %while3A_43 = arith.addi %while3A_36, %while3A_42 : i32
    %while3A_44 = arith.constant 1 : i32
    %while3A_45 = scf.for %while3A_49 = %while3A_36 to %while3A_43 step %while3A_44 iter_args(%while3A_50 = %while3A_37) -> (i32)  : i32 {
      %dma_wait3A = arith.constant 0 : i32
      %dma_wait3A_51 = tpu.memref_slice %arg4[%while3A_49, %dma_wait3A] : memref<54x128xi32, #tpu.memory_space<vmem>> -> memref<1x128xi32, #tpu.memory_space<vmem>>
      %dma_wait3A_52 = tpu.memref_squeeze %dma_wait3A_51 : memref<1x128xi32, #tpu.memory_space<vmem>> -> memref<128xi32, #tpu.memory_space<vmem>>
      %dma_wait3A_53 = arith.constant 0 : i32
      %dma_wait3A_54 = arith.constant 0 : i32
      %dma_wait3A_55 = tpu.memref_slice %arg7[%dma_wait3A_53, %dma_wait3A_54] : memref<81920x16xf32, #tpu.memory_space<vmem_shared>> -> memref<81920x16xf32, #tpu.memory_space<vmem_shared>>
      tpu.wait_indirect_dma semaphore(%arg8 : memref<!tpu.dma_semaphore, #tpu.memory_space<semaphore_mem>>) src(%arg5 : memref<128x16xf32, #tpu.memory_space<vmem>>) dst(%dma_wait3A_55 : memref<81920x16xf32, #tpu.memory_space<vmem_shared>>)
      %while3A_56 = arith.constant 0 : i32
      scf.yield %while3A_56 : i32
    }
    %while3A_46 = arith.constant 1 : i32
    %while3A_47 = scf.for %while3A_49 = %while3A_43 to %while3A_39 step %while3A_46 iter_args(%while3A_50 = %while3A_45) -> (i32)  : i32 {
      %dma_wait3A = arith.constant 0 : i32
      %dma_wait3A_51 = tpu.memref_slice %arg4[%while3A_49, %dma_wait3A] : memref<54x128xi32, #tpu.memory_space<vmem>> -> memref<1x128xi32, #tpu.memory_space<vmem>>
      %dma_wait3A_52 = tpu.memref_squeeze %dma_wait3A_51 : memref<1x128xi32, #tpu.memory_space<vmem>> -> memref<128xi32, #tpu.memory_space<vmem>>
      %dma_wait3A_53 = arith.constant 0 : i32
      %dma_wait3A_54 = arith.constant 0 : i32
      %dma_wait3A_55 = tpu.memref_slice %arg7[%dma_wait3A_53, %dma_wait3A_54] : memref<81920x16xf32, #tpu.memory_space<vmem_shared>> -> memref<81920x16xf32, #tpu.memory_space<vmem_shared>>
      tpu.wait_indirect_dma semaphore(%arg8 : memref<!tpu.dma_semaphore, #tpu.memory_space<semaphore_mem>>) src(%arg5 : memref<128x16xf32, #tpu.memory_space<vmem>>) dst(%dma_wait3A_55 : memref<81920x16xf32, #tpu.memory_space<vmem_shared>>)
      %while3A_56 = arith.constant 0 : i32
      scf.yield %while3A_56 : i32
    }
    %barrier3A_48 = arith.constant 0 : index
    tpu.barrier barrier_id(%barrier3A_48)
    "tpu.region"() ({
      %run_scoped3A = tpu.sem_alloc : memref<!tpu.dma_semaphore, #tpu.memory_space<semaphore_mem>>
      %dma_start3A = arith.constant 0 : i32
      %dma_start3A_49 = tpu.memref_slice %arg3[%arg0, %mul3A_17, %dma_start3A] : memref<2x81920x16xf32, #tpu.memory_space<hbm>> -> memref<1x5120x16xf32, #tpu.memory_space<hbm>>
      %dma_start3A_50 = tpu.memref_squeeze %dma_start3A_49 : memref<1x5120x16xf32, #tpu.memory_space<hbm>> -> memref<5120x16xf32, #tpu.memory_space<hbm>>
      %dma_start3A_51 = arith.constant 0 : i32
      %dma_start3A_52 = tpu.memref_slice %arg7[%mul3A_17, %dma_start3A_51] : memref<81920x16xf32, #tpu.memory_space<vmem_shared>> -> memref<5120x16xf32, #tpu.memory_space<vmem_shared>>
      tpu.enqueue_dma source(%dma_start3A_52 : memref<5120x16xf32, #tpu.memory_space<vmem_shared>>) target(%dma_start3A_50 : memref<5120x16xf32, #tpu.memory_space<hbm>>) target_semaphore(%run_scoped3A : memref<!tpu.dma_semaphore, #tpu.memory_space<semaphore_mem>>)
      %dma_wait3A = arith.constant 0 : i32
      %dma_wait3A_53 = tpu.memref_slice %arg3[%arg0, %mul3A_17, %dma_wait3A] : memref<2x81920x16xf32, #tpu.memory_space<hbm>> -> memref<1x5120x16xf32, #tpu.memory_space<hbm>>
      %dma_wait3A_54 = tpu.memref_squeeze %dma_wait3A_53 : memref<1x5120x16xf32, #tpu.memory_space<hbm>> -> memref<5120x16xf32, #tpu.memory_space<hbm>>
      %dma_wait3A_55 = arith.constant 0 : i32
      %dma_wait3A_56 = tpu.memref_slice %arg7[%mul3A_17, %dma_wait3A_55] : memref<81920x16xf32, #tpu.memory_space<vmem_shared>> -> memref<5120x16xf32, #tpu.memory_space<vmem_shared>>
      tpu.wait_dma2 semaphore(%run_scoped3A : memref<!tpu.dma_semaphore, #tpu.memory_space<semaphore_mem>>) src(%dma_wait3A_56 : memref<5120x16xf32, #tpu.memory_space<vmem_shared>>) dst(%dma_wait3A_54 : memref<5120x16xf32, #tpu.memory_space<hbm>>)
      tpu.yield
    }) : () -> ()
    return
  }
}

#map = affine_map<(d0, d1) -> (0, 0)>
#map1 = affine_map<(d0, d1) -> (0, 0, 0)>
#map2 = affine_map<(d0, d1) -> (0, 0, 0, 0)>
module attributes {stable_mosaic.version = 14 : i64} {
  func.func @aggk(%arg0: i32, %arg1: i32, %arg2: memref<163840x16xf32, #tpu.memory_space<hbm>>, %arg3: memref<32x54x128xi32, #tpu.memory_space<hbm>>, %arg4: memref<32x54x128xi32, #tpu.memory_space<hbm>>, %arg5: memref<2x81920x16x16xf32, #tpu.memory_space<hbm>>, %arg6: memref<54x128xi32, #tpu.memory_space<vmem>>, %arg7: memref<54x128xi32, #tpu.memory_space<vmem>>, %arg8: memref<16x128x16xf32, #tpu.memory_space<vmem>>, %arg9: memref<128x16xf32, #tpu.memory_space<vmem>>, %arg10: memref<81920x16xf32, #tpu.memory_space<vmem_shared>>, %arg11: memref<!tpu.dma_semaphore, #tpu.memory_space<semaphore_mem>>, %arg12: memref<!tpu.dma_semaphore, #tpu.memory_space<semaphore_mem>>, %arg13: memref<!tpu.dma_semaphore, #tpu.memory_space<semaphore_mem>>) attributes {dimension_semantics = [#tpu.dimension_semantics<core_parallel>, #tpu.dimension_semantics<subcore_parallel>], iteration_bounds = array<i64: 2, 16>, scalar_prefetch = 0 : i64, scratch_operands = 8 : i64, tpu.core_type = #tpu.core_type<sc_vector_subcore>, window_params = [{transform_indices = #map}, {transform_indices = #map1}, {transform_indices = #map1}, {transform_indices = #map2}]} {
    %mul3A = arith.constant 2 : i32
    %mul3A_0 = arith.muli %arg1, %mul3A : i32
    %add3A = arith.addi %mul3A_0, %arg0 : i32
    %eq3A = arith.constant 0 : i32
    %eq3A_1 = arith.cmpi eq, %arg0, %eq3A : i32
    %jit3A = arith.constant 25 : i32
    %jit3A_2 = arith.constant 54 : i32
    %select_n3A = arith.select %eq3A_1, %jit3A, %jit3A_2 : i32
    "tpu.region"() ({
      %run_scoped3A = tpu.sem_alloc : memref<!tpu.dma_semaphore, #tpu.memory_space<semaphore_mem>>
      %dma_start3A = arith.constant 0 : i32
      %dma_start3A_57 = arith.constant 0 : i32
      %dma_start3A_58 = tpu.memref_slice %arg3[%add3A, %dma_start3A, %dma_start3A_57] : memref<32x54x128xi32, #tpu.memory_space<hbm>> -> memref<1x54x128xi32, #tpu.memory_space<hbm>>
      %dma_start3A_59 = tpu.memref_squeeze %dma_start3A_58 : memref<1x54x128xi32, #tpu.memory_space<hbm>> -> memref<54x128xi32, #tpu.memory_space<hbm>>
      %dma_start3A_60 = arith.constant 0 : i32
      %dma_start3A_61 = arith.constant 0 : i32
      %dma_start3A_62 = tpu.memref_slice %arg3[%add3A, %dma_start3A_60, %dma_start3A_61] : memref<32x54x128xi32, #tpu.memory_space<hbm>> -> memref<1x54x128xi32, #tpu.memory_space<hbm>>
      %dma_start3A_63 = tpu.memref_squeeze %dma_start3A_62 : memref<1x54x128xi32, #tpu.memory_space<hbm>> -> memref<54x128xi32, #tpu.memory_space<hbm>>
      tpu.enqueue_dma source(%dma_start3A_63 : memref<54x128xi32, #tpu.memory_space<hbm>>) target(%arg6 : memref<54x128xi32, #tpu.memory_space<vmem>>) target_semaphore(%run_scoped3A : memref<!tpu.dma_semaphore, #tpu.memory_space<semaphore_mem>>)
      %dma_wait3A_64 = arith.constant 0 : i32
      %dma_wait3A_65 = arith.constant 0 : i32
      %dma_wait3A_66 = tpu.memref_slice %arg3[%add3A, %dma_wait3A_64, %dma_wait3A_65] : memref<32x54x128xi32, #tpu.memory_space<hbm>> -> memref<1x54x128xi32, #tpu.memory_space<hbm>>
      %dma_wait3A_67 = tpu.memref_squeeze %dma_wait3A_66 : memref<1x54x128xi32, #tpu.memory_space<hbm>> -> memref<54x128xi32, #tpu.memory_space<hbm>>
      %dma_wait3A_68 = arith.constant 0 : i32
      %dma_wait3A_69 = arith.constant 0 : i32
      %dma_wait3A_70 = tpu.memref_slice %arg3[%add3A, %dma_wait3A_68, %dma_wait3A_69] : memref<32x54x128xi32, #tpu.memory_space<hbm>> -> memref<1x54x128xi32, #tpu.memory_space<hbm>>
      %dma_wait3A_71 = tpu.memref_squeeze %dma_wait3A_70 : memref<1x54x128xi32, #tpu.memory_space<hbm>> -> memref<54x128xi32, #tpu.memory_space<hbm>>
      tpu.wait_dma2 semaphore(%run_scoped3A : memref<!tpu.dma_semaphore, #tpu.memory_space<semaphore_mem>>) src(%dma_wait3A_71 : memref<54x128xi32, #tpu.memory_space<hbm>>) dst(%arg6 : memref<54x128xi32, #tpu.memory_space<vmem>>)
      tpu.yield
    }) : () -> ()
    "tpu.region"() ({
      %run_scoped3A = tpu.sem_alloc : memref<!tpu.dma_semaphore, #tpu.memory_space<semaphore_mem>>
      %dma_start3A = arith.constant 0 : i32
      %dma_start3A_57 = arith.constant 0 : i32
      %dma_start3A_58 = tpu.memref_slice %arg4[%add3A, %dma_start3A, %dma_start3A_57] : memref<32x54x128xi32, #tpu.memory_space<hbm>> -> memref<1x54x128xi32, #tpu.memory_space<hbm>>
      %dma_start3A_59 = tpu.memref_squeeze %dma_start3A_58 : memref<1x54x128xi32, #tpu.memory_space<hbm>> -> memref<54x128xi32, #tpu.memory_space<hbm>>
      %dma_start3A_60 = arith.constant 0 : i32
      %dma_start3A_61 = arith.constant 0 : i32
      %dma_start3A_62 = tpu.memref_slice %arg4[%add3A, %dma_start3A_60, %dma_start3A_61] : memref<32x54x128xi32, #tpu.memory_space<hbm>> -> memref<1x54x128xi32, #tpu.memory_space<hbm>>
      %dma_start3A_63 = tpu.memref_squeeze %dma_start3A_62 : memref<1x54x128xi32, #tpu.memory_space<hbm>> -> memref<54x128xi32, #tpu.memory_space<hbm>>
      tpu.enqueue_dma source(%dma_start3A_63 : memref<54x128xi32, #tpu.memory_space<hbm>>) target(%arg7 : memref<54x128xi32, #tpu.memory_space<vmem>>) target_semaphore(%run_scoped3A : memref<!tpu.dma_semaphore, #tpu.memory_space<semaphore_mem>>)
      %dma_wait3A_64 = arith.constant 0 : i32
      %dma_wait3A_65 = arith.constant 0 : i32
      %dma_wait3A_66 = tpu.memref_slice %arg4[%add3A, %dma_wait3A_64, %dma_wait3A_65] : memref<32x54x128xi32, #tpu.memory_space<hbm>> -> memref<1x54x128xi32, #tpu.memory_space<hbm>>
      %dma_wait3A_67 = tpu.memref_squeeze %dma_wait3A_66 : memref<1x54x128xi32, #tpu.memory_space<hbm>> -> memref<54x128xi32, #tpu.memory_space<hbm>>
      %dma_wait3A_68 = arith.constant 0 : i32
      %dma_wait3A_69 = arith.constant 0 : i32
      %dma_wait3A_70 = tpu.memref_slice %arg4[%add3A, %dma_wait3A_68, %dma_wait3A_69] : memref<32x54x128xi32, #tpu.memory_space<hbm>> -> memref<1x54x128xi32, #tpu.memory_space<hbm>>
      %dma_wait3A_71 = tpu.memref_squeeze %dma_wait3A_70 : memref<1x54x128xi32, #tpu.memory_space<hbm>> -> memref<54x128xi32, #tpu.memory_space<hbm>>
      tpu.wait_dma2 semaphore(%run_scoped3A : memref<!tpu.dma_semaphore, #tpu.memory_space<semaphore_mem>>) src(%dma_wait3A_71 : memref<54x128xi32, #tpu.memory_space<hbm>>) dst(%arg7 : memref<54x128xi32, #tpu.memory_space<vmem>>)
      tpu.yield
    }) : () -> ()
    %scan3A = arith.constant 0 : i32
    %scan3A_3 = arith.constant 0 : i32
    %scan3A_4 = arith.constant 128 : i32
    %scan3A_5 = arith.addi %scan3A_3, %scan3A_4 : i32
    %scan3A_6 = arith.constant 1 : i32
    %scan3A_7 = scf.for %scan3A_57 = %scan3A_3 to %scan3A_5 step %scan3A_6 iter_args(%scan3A_58 = %scan3A) -> (i32)  : i32 {
      %broadcast_in_dim3A = arith.constant 0.000000e+00 : f32
      %broadcast_in_dim3A_59 = vector.broadcast %broadcast_in_dim3A : f32 to vector<16xf32>
      %swap3A = arith.index_cast %scan3A_57 : i32 to index
      %swap3A_60 = arith.constant 0 : index
      %swap3A_61 = tpu.vector_load %arg9[%swap3A, %swap3A_60] {strides = array<i32>} : memref<128x16xf32, #tpu.memory_space<vmem>>, vector<1x16xf32>,
      %swap3A_62 = vector.shape_cast %swap3A_61 : vector<1x16xf32> to vector<16xf32>
      %swap3A_63 = vector.shape_cast %broadcast_in_dim3A_59 : vector<16xf32> to vector<1x16xf32>
      tpu.vector_store %arg9[%swap3A, %swap3A_60], %swap3A_63 {strides = array<i32>} : memref<128x16xf32, #tpu.memory_space<vmem>>, vector<1x16xf32>,
      %scan3A_64 = arith.constant 0 : i32
      scf.yield %scan3A_64 : i32
    }
    %scan3A_8 = arith.constant 128 : i32
    %mul3A_9 = arith.constant 5120 : i32
    %mul3A_10 = arith.muli %arg1, %mul3A_9 : i32
    %scan3A_11 = arith.constant 0 : i32
    %scan3A_12 = arith.constant 0 : i32
    %scan3A_13 = arith.constant 16 : i32
    %scan3A_14 = arith.addi %scan3A_12, %scan3A_13 : i32
    %scan3A_15 = arith.constant 1 : i32
    %scan3A_16 = scf.for %scan3A_57 = %scan3A_12 to %scan3A_14 step %scan3A_15 iter_args(%scan3A_58 = %scan3A_11) -> (i32)  : i32 {
      %scan3A_59 = arith.constant 0 : i32
      %scan3A_60 = arith.constant 0 : i32
      %scan3A_61 = arith.constant 8 : i32
      %scan3A_62 = arith.addi %scan3A_60, %scan3A_61 : i32
      %scan3A_63 = arith.constant 1 : i32
      %scan3A_64 = scf.for %scan3A_176 = %scan3A_60 to %scan3A_62 step %scan3A_63 iter_args(%scan3A_177 = %scan3A_59) -> (i32)  : i32 {
        %rem3A = arith.constant 16 : i32
        %rem3A_178 = arith.remsi %scan3A_176, %rem3A : i32
        %dma_start3A_179 = arith.constant 0 : i32
        %dma_start3A_180 = arith.constant 0 : i32
        %dma_start3A_181 = tpu.memref_slice %arg8[%rem3A_178, %dma_start3A_179, %dma_start3A_180] : memref<16x128x16xf32, #tpu.memory_space<vmem>> -> memref<1x128x16xf32, #tpu.memory_space<vmem>>
        %dma_start3A_182 = tpu.memref_squeeze %dma_start3A_181 : memref<1x128x16xf32, #tpu.memory_space<vmem>> -> memref<128x16xf32, #tpu.memory_space<vmem>>
        %dma_start3A_183 = arith.constant 0 : i32
        %dma_start3A_184 = tpu.memref_slice %arg6[%scan3A_176, %dma_start3A_183] : memref<54x128xi32, #tpu.memory_space<vmem>> -> memref<1x128xi32, #tpu.memory_space<vmem>>
        %dma_start3A_185 = tpu.memref_squeeze %dma_start3A_184 : memref<1x128xi32, #tpu.memory_space<vmem>> -> memref<128xi32, #tpu.memory_space<vmem>>
        %dma_start3A_186 = arith.constant 0 : i32
        %dma_start3A_187 = arith.constant 0 : i32
        %dma_start3A_188 = tpu.memref_slice %arg2[%dma_start3A_186, %dma_start3A_187] : memref<163840x16xf32, #tpu.memory_space<hbm>> -> memref<163840x16xf32, #tpu.memory_space<hbm>>
        tpu.enqueue_indirect_dma source(%dma_start3A_188 : memref<163840x16xf32, #tpu.memory_space<hbm>>) target(%dma_start3A_182 : memref<128x16xf32, #tpu.memory_space<vmem>>) offsets(%dma_start3A_185 : memref<128xi32, #tpu.memory_space<vmem>>) semaphore(%arg11 : memref<!tpu.dma_semaphore, #tpu.memory_space<semaphore_mem>>)
        %scan3A_189 = arith.constant 0 : i32
        scf.yield %scan3A_189 : i32
      }
      %scan3A_65 = arith.constant 8 : i32
      %gt3A = arith.constant 0 : i32
      %gt3A_66 = arith.cmpi sgt, %scan3A_57, %gt3A : i32
      %convert_element_type3A = arith.extui %gt3A_66 : i1 to i32
      %cond3A = arith.constant 0 : i32
      %cond3A_67 = arith.cmpi ne, %convert_element_type3A, %cond3A : i32
      scf.if %cond3A_67 {
        %sub3A_176 = arith.constant 1 : i32
        %sub3A_177 = arith.subi %scan3A_57, %sub3A_176 : i32
        %add3A_178 = arith.constant 0 : i32
        %add3A_179 = arith.addi %mul3A_10, %add3A_178 : i32
        %add3A_180 = arith.constant 0 : i32
        %add3A_181 = arith.addi %mul3A_10, %add3A_180 : i32
        %dma_wait3A_182 = arith.constant 0 : i32
        %dma_wait3A_183 = tpu.memref_slice %arg5[%arg0, %add3A_181, %sub3A_177, %dma_wait3A_182] : memref<2x81920x16x16xf32, #tpu.memory_space<hbm>> -> memref<1x1280x1x16xf32, #tpu.memory_space<hbm>>
        %dma_wait3A_184 = tpu.memref_squeeze %dma_wait3A_183 : memref<1x1280x1x16xf32, #tpu.memory_space<hbm>> -> memref<1280x16xf32, #tpu.memory_space<hbm>>
        %dma_wait3A_185 = arith.constant 0 : i32
        %dma_wait3A_186 = tpu.memref_slice %arg10[%add3A_179, %dma_wait3A_185] : memref<81920x16xf32, #tpu.memory_space<vmem_shared>> -> memref<1280x16xf32, #tpu.memory_space<vmem_shared>>
        tpu.wait_dma2 semaphore(%arg13 : memref<!tpu.dma_semaphore, #tpu.memory_space<semaphore_mem>>) src(%dma_wait3A_186 : memref<1280x16xf32, #tpu.memory_space<vmem_shared>>) dst(%dma_wait3A_184 : memref<1280x16xf32, #tpu.memory_space<hbm>>)
        %add3A_187 = arith.constant 1280 : i32
        %add3A_188 = arith.addi %mul3A_10, %add3A_187 : i32
        %add3A_189 = arith.constant 1280 : i32
        %add3A_190 = arith.addi %mul3A_10, %add3A_189 : i32
        %dma_wait3A_191 = arith.constant 0 : i32
        %dma_wait3A_192 = tpu.memref_slice %arg5[%arg0, %add3A_190, %sub3A_177, %dma_wait3A_191] : memref<2x81920x16x16xf32, #tpu.memory_space<hbm>> -> memref<1x1280x1x16xf32, #tpu.memory_space<hbm>>
        %dma_wait3A_193 = tpu.memref_squeeze %dma_wait3A_192 : memref<1x1280x1x16xf32, #tpu.memory_space<hbm>> -> memref<1280x16xf32, #tpu.memory_space<hbm>>
        %dma_wait3A_194 = arith.constant 0 : i32
        %dma_wait3A_195 = tpu.memref_slice %arg10[%add3A_188, %dma_wait3A_194] : memref<81920x16xf32, #tpu.memory_space<vmem_shared>> -> memref<1280x16xf32, #tpu.memory_space<vmem_shared>>
        tpu.wait_dma2 semaphore(%arg13 : memref<!tpu.dma_semaphore, #tpu.memory_space<semaphore_mem>>) src(%dma_wait3A_195 : memref<1280x16xf32, #tpu.memory_space<vmem_shared>>) dst(%dma_wait3A_193 : memref<1280x16xf32, #tpu.memory_space<hbm>>)
        %add3A_196 = arith.constant 2560 : i32
        %add3A_197 = arith.addi %mul3A_10, %add3A_196 : i32
        %add3A_198 = arith.constant 2560 : i32
        %add3A_199 = arith.addi %mul3A_10, %add3A_198 : i32
        %dma_wait3A_200 = arith.constant 0 : i32
        %dma_wait3A_201 = tpu.memref_slice %arg5[%arg0, %add3A_199, %sub3A_177, %dma_wait3A_200] : memref<2x81920x16x16xf32, #tpu.memory_space<hbm>> -> memref<1x1280x1x16xf32, #tpu.memory_space<hbm>>
        %dma_wait3A_202 = tpu.memref_squeeze %dma_wait3A_201 : memref<1x1280x1x16xf32, #tpu.memory_space<hbm>> -> memref<1280x16xf32, #tpu.memory_space<hbm>>
        %dma_wait3A_203 = arith.constant 0 : i32
        %dma_wait3A_204 = tpu.memref_slice %arg10[%add3A_197, %dma_wait3A_203] : memref<81920x16xf32, #tpu.memory_space<vmem_shared>> -> memref<1280x16xf32, #tpu.memory_space<vmem_shared>>
        tpu.wait_dma2 semaphore(%arg13 : memref<!tpu.dma_semaphore, #tpu.memory_space<semaphore_mem>>) src(%dma_wait3A_204 : memref<1280x16xf32, #tpu.memory_space<vmem_shared>>) dst(%dma_wait3A_202 : memref<1280x16xf32, #tpu.memory_space<hbm>>)
        %add3A_205 = arith.constant 3840 : i32
        %add3A_206 = arith.addi %mul3A_10, %add3A_205 : i32
        %add3A_207 = arith.constant 3840 : i32
        %add3A_208 = arith.addi %mul3A_10, %add3A_207 : i32
        %dma_wait3A_209 = arith.constant 0 : i32
        %dma_wait3A_210 = tpu.memref_slice %arg5[%arg0, %add3A_208, %sub3A_177, %dma_wait3A_209] : memref<2x81920x16x16xf32, #tpu.memory_space<hbm>> -> memref<1x1280x1x16xf32, #tpu.memory_space<hbm>>
        %dma_wait3A_211 = tpu.memref_squeeze %dma_wait3A_210 : memref<1x1280x1x16xf32, #tpu.memory_space<hbm>> -> memref<1280x16xf32, #tpu.memory_space<hbm>>
        %dma_wait3A_212 = arith.constant 0 : i32
        %dma_wait3A_213 = tpu.memref_slice %arg10[%add3A_206, %dma_wait3A_212] : memref<81920x16xf32, #tpu.memory_space<vmem_shared>> -> memref<1280x16xf32, #tpu.memory_space<vmem_shared>>
        tpu.wait_dma2 semaphore(%arg13 : memref<!tpu.dma_semaphore, #tpu.memory_space<semaphore_mem>>) src(%dma_wait3A_213 : memref<1280x16xf32, #tpu.memory_space<vmem_shared>>) dst(%dma_wait3A_211 : memref<1280x16xf32, #tpu.memory_space<hbm>>)
      } else {
      }
      %scan3A_68 = arith.constant 0 : i32
      %scan3A_69 = arith.constant 0 : i32
      %scan3A_70 = arith.constant 40 : i32
      %scan3A_71 = arith.addi %scan3A_69, %scan3A_70 : i32
      %scan3A_72 = arith.constant 1 : i32
      %scan3A_73 = scf.for %scan3A_176 = %scan3A_69 to %scan3A_71 step %scan3A_72 iter_args(%scan3A_177 = %scan3A_68) -> (i32)  : i32 {
        %mul3A_178 = arith.constant 128 : i32
        %mul3A_179 = arith.muli %scan3A_176, %mul3A_178 : i32
        %add3A_180 = arith.addi %mul3A_10, %mul3A_179 : i32
        %dma_start3A_181 = arith.constant 0 : i32
        %dma_start3A_182 = tpu.memref_slice %arg10[%add3A_180, %dma_start3A_181] : memref<81920x16xf32, #tpu.memory_space<vmem_shared>> -> memref<128x16xf32, #tpu.memory_space<vmem_shared>>
        %dma_start3A_183 = arith.constant 0 : i32
        %dma_start3A_184 = tpu.memref_slice %arg10[%add3A_180, %dma_start3A_183] : memref<81920x16xf32, #tpu.memory_space<vmem_shared>> -> memref<128x16xf32, #tpu.memory_space<vmem_shared>>
        tpu.enqueue_dma source(%arg9 : memref<128x16xf32, #tpu.memory_space<vmem>>) target(%dma_start3A_184 : memref<128x16xf32, #tpu.memory_space<vmem_shared>>) target_semaphore(%arg12 : memref<!tpu.dma_semaphore, #tpu.memory_space<semaphore_mem>>)
        %scan3A_185 = arith.constant 0 : i32
        scf.yield %scan3A_185 : i32
      }
      %scan3A_74 = arith.constant 40 : i32
      %scan3A_75 = arith.constant 0 : i32
      %scan3A_76 = arith.constant 0 : i32
      %scan3A_77 = arith.constant 40 : i32
      %scan3A_78 = arith.addi %scan3A_76, %scan3A_77 : i32
      %scan3A_79 = arith.constant 1 : i32
      %scan3A_80 = scf.for %scan3A_176 = %scan3A_76 to %scan3A_78 step %scan3A_79 iter_args(%scan3A_177 = %scan3A_75) -> (i32)  : i32 {
        %mul3A_178 = arith.constant 128 : i32
        %mul3A_179 = arith.muli %scan3A_176, %mul3A_178 : i32
        %add3A_180 = arith.addi %mul3A_10, %mul3A_179 : i32
        %dma_wait3A_181 = arith.constant 0 : i32
        %dma_wait3A_182 = tpu.memref_slice %arg10[%add3A_180, %dma_wait3A_181] : memref<81920x16xf32, #tpu.memory_space<vmem_shared>> -> memref<128x16xf32, #tpu.memory_space<vmem_shared>>
        %dma_wait3A_183 = arith.constant 0 : i32
        %dma_wait3A_184 = tpu.memref_slice %arg10[%add3A_180, %dma_wait3A_183] : memref<81920x16xf32, #tpu.memory_space<vmem_shared>> -> memref<128x16xf32, #tpu.memory_space<vmem_shared>>
        tpu.wait_dma2 semaphore(%arg12 : memref<!tpu.dma_semaphore, #tpu.memory_space<semaphore_mem>>) src(%arg9 : memref<128x16xf32, #tpu.memory_space<vmem>>) dst(%dma_wait3A_184 : memref<128x16xf32, #tpu.memory_space<vmem_shared>>)
        %scan3A_185 = arith.constant 0 : i32
        scf.yield %scan3A_185 : i32
      }
      %scan3A_81 = arith.constant 40 : i32
      %barrier3A = arith.constant 0 : index
      tpu.barrier barrier_id(%barrier3A)
      %scan3A_82 = arith.constant 0 : i32
      %scan3A_83 = arith.constant 0 : i32
      %scan3A_84 = arith.constant 8 : i32
      %scan3A_85 = arith.addi %scan3A_83, %scan3A_84 : i32
      %scan3A_86 = arith.constant 1 : i32
      %scan3A_87 = scf.for %scan3A_176 = %scan3A_83 to %scan3A_85 step %scan3A_86 iter_args(%scan3A_177 = %scan3A_82) -> (i32)  : i32 {
        %rem3A = arith.constant 16 : i32
        %rem3A_178 = arith.remsi %scan3A_176, %rem3A : i32
        %dma_wait3A_179 = arith.constant 0 : i32
        %dma_wait3A_180 = arith.constant 0 : i32
        %dma_wait3A_181 = tpu.memref_slice %arg8[%rem3A_178, %dma_wait3A_179, %dma_wait3A_180] : memref<16x128x16xf32, #tpu.memory_space<vmem>> -> memref<1x128x16xf32, #tpu.memory_space<vmem>>
        %dma_wait3A_182 = tpu.memref_squeeze %dma_wait3A_181 : memref<1x128x16xf32, #tpu.memory_space<vmem>> -> memref<128x16xf32, #tpu.memory_space<vmem>>
        %dma_wait3A_183 = arith.constant 0 : i32
        %dma_wait3A_184 = tpu.memref_slice %arg6[%scan3A_176, %dma_wait3A_183] : memref<54x128xi32, #tpu.memory_space<vmem>> -> memref<1x128xi32, #tpu.memory_space<vmem>>
        %dma_wait3A_185 = tpu.memref_squeeze %dma_wait3A_184 : memref<1x128xi32, #tpu.memory_space<vmem>> -> memref<128xi32, #tpu.memory_space<vmem>>
        %dma_wait3A_186 = arith.constant 0 : i32
        %dma_wait3A_187 = arith.constant 0 : i32
        %dma_wait3A_188 = tpu.memref_slice %arg2[%dma_wait3A_186, %dma_wait3A_187] : memref<163840x16xf32, #tpu.memory_space<hbm>> -> memref<163840x16xf32, #tpu.memory_space<hbm>>
        tpu.wait_indirect_dma semaphore(%arg11 : memref<!tpu.dma_semaphore, #tpu.memory_space<semaphore_mem>>) src(%dma_wait3A_188 : memref<163840x16xf32, #tpu.memory_space<hbm>>) dst(%dma_wait3A_182 : memref<128x16xf32, #tpu.memory_space<vmem>>)
        %rem3A_189 = arith.constant 16 : i32
        %rem3A_190 = arith.remsi %scan3A_176, %rem3A_189 : i32
        %dma_start3A_191 = arith.constant 0 : i32
        %dma_start3A_192 = arith.constant 0 : i32
        %dma_start3A_193 = tpu.memref_slice %arg8[%rem3A_190, %dma_start3A_191, %dma_start3A_192] : memref<16x128x16xf32, #tpu.memory_space<vmem>> -> memref<1x128x16xf32, #tpu.memory_space<vmem>>
        %dma_start3A_194 = tpu.memref_squeeze %dma_start3A_193 : memref<1x128x16xf32, #tpu.memory_space<vmem>> -> memref<128x16xf32, #tpu.memory_space<vmem>>
        %dma_start3A_195 = arith.constant 0 : i32
        %dma_start3A_196 = tpu.memref_slice %arg7[%scan3A_176, %dma_start3A_195] : memref<54x128xi32, #tpu.memory_space<vmem>> -> memref<1x128xi32, #tpu.memory_space<vmem>>
        %dma_start3A_197 = tpu.memref_squeeze %dma_start3A_196 : memref<1x128xi32, #tpu.memory_space<vmem>> -> memref<128xi32, #tpu.memory_space<vmem>>
        %dma_start3A_198 = arith.constant 0 : i32
        %dma_start3A_199 = arith.constant 0 : i32
        %dma_start3A_200 = tpu.memref_slice %arg10[%dma_start3A_198, %dma_start3A_199] : memref<81920x16xf32, #tpu.memory_space<vmem_shared>> -> memref<81920x16xf32, #tpu.memory_space<vmem_shared>>
        tpu.enqueue_indirect_dma source(%dma_start3A_194 : memref<128x16xf32, #tpu.memory_space<vmem>>) target(%dma_start3A_200 : memref<81920x16xf32, #tpu.memory_space<vmem_shared>>) offsets(%dma_start3A_197 : memref<128xi32, #tpu.memory_space<vmem>>) semaphore(%arg12 : memref<!tpu.dma_semaphore, #tpu.memory_space<semaphore_mem>>) {add = true}
        %add3A_201 = arith.constant 8 : i32
        %add3A_202 = arith.addi %scan3A_176, %add3A_201 : i32
        %rem3A_203 = arith.constant 16 : i32
        %rem3A_204 = arith.remsi %add3A_202, %rem3A_203 : i32
        %dma_start3A_205 = arith.constant 0 : i32
        %dma_start3A_206 = arith.constant 0 : i32
        %dma_start3A_207 = tpu.memref_slice %arg8[%rem3A_204, %dma_start3A_205, %dma_start3A_206] : memref<16x128x16xf32, #tpu.memory_space<vmem>> -> memref<1x128x16xf32, #tpu.memory_space<vmem>>
        %dma_start3A_208 = tpu.memref_squeeze %dma_start3A_207 : memref<1x128x16xf32, #tpu.memory_space<vmem>> -> memref<128x16xf32, #tpu.memory_space<vmem>>
        %dma_start3A_209 = arith.constant 0 : i32
        %dma_start3A_210 = tpu.memref_slice %arg6[%add3A_202, %dma_start3A_209] : memref<54x128xi32, #tpu.memory_space<vmem>> -> memref<1x128xi32, #tpu.memory_space<vmem>>
        %dma_start3A_211 = tpu.memref_squeeze %dma_start3A_210 : memref<1x128xi32, #tpu.memory_space<vmem>> -> memref<128xi32, #tpu.memory_space<vmem>>
        %dma_start3A_212 = arith.constant 0 : i32
        %dma_start3A_213 = arith.constant 0 : i32
        %dma_start3A_214 = tpu.memref_slice %arg2[%dma_start3A_212, %dma_start3A_213] : memref<163840x16xf32, #tpu.memory_space<hbm>> -> memref<163840x16xf32, #tpu.memory_space<hbm>>
        tpu.enqueue_indirect_dma source(%dma_start3A_214 : memref<163840x16xf32, #tpu.memory_space<hbm>>) target(%dma_start3A_208 : memref<128x16xf32, #tpu.memory_space<vmem>>) offsets(%dma_start3A_211 : memref<128xi32, #tpu.memory_space<vmem>>) semaphore(%arg11 : memref<!tpu.dma_semaphore, #tpu.memory_space<semaphore_mem>>)
        %scan3A_215 = arith.constant 0 : i32
        scf.yield %scan3A_215 : i32
      }
      %scan3A_88 = arith.constant 8 : i32
      %sub3A = arith.constant 8 : i32
      %sub3A_89 = arith.subi %select_n3A, %sub3A : i32
      %while3A = arith.constant 8 : i32
      %while3A_90 = arith.constant 0 : i32
      %while3A_91 = arith.subi %sub3A_89, %while3A : i32
      %while3A_92 = arith.addi %while3A, %while3A_91 : i32
      %while3A_93 = arith.constant 1 : i32
      %while3A_94 = arith.divsi %while3A_91, %while3A_93 : i32
      %while3A_95 = arith.muli %while3A_94, %while3A_93 : i32
      %while3A_96 = arith.addi %while3A, %while3A_95 : i32
      %while3A_97 = arith.constant 1 : i32
      %while3A_98 = scf.for %while3A_176 = %while3A to %while3A_96 step %while3A_97 iter_args(%while3A_177 = %while3A_90) -> (i32)  : i32 {
        %rem3A = arith.constant 16 : i32
        %rem3A_178 = arith.remsi %while3A_176, %rem3A : i32
        %dma_wait3A_179 = arith.constant 0 : i32
        %dma_wait3A_180 = arith.constant 0 : i32
        %dma_wait3A_181 = tpu.memref_slice %arg8[%rem3A_178, %dma_wait3A_179, %dma_wait3A_180] : memref<16x128x16xf32, #tpu.memory_space<vmem>> -> memref<1x128x16xf32, #tpu.memory_space<vmem>>
        %dma_wait3A_182 = tpu.memref_squeeze %dma_wait3A_181 : memref<1x128x16xf32, #tpu.memory_space<vmem>> -> memref<128x16xf32, #tpu.memory_space<vmem>>
        %dma_wait3A_183 = arith.constant 0 : i32
        %dma_wait3A_184 = tpu.memref_slice %arg6[%while3A_176, %dma_wait3A_183] : memref<54x128xi32, #tpu.memory_space<vmem>> -> memref<1x128xi32, #tpu.memory_space<vmem>>
        %dma_wait3A_185 = tpu.memref_squeeze %dma_wait3A_184 : memref<1x128xi32, #tpu.memory_space<vmem>> -> memref<128xi32, #tpu.memory_space<vmem>>
        %dma_wait3A_186 = arith.constant 0 : i32
        %dma_wait3A_187 = arith.constant 0 : i32
        %dma_wait3A_188 = tpu.memref_slice %arg2[%dma_wait3A_186, %dma_wait3A_187] : memref<163840x16xf32, #tpu.memory_space<hbm>> -> memref<163840x16xf32, #tpu.memory_space<hbm>>
        tpu.wait_indirect_dma semaphore(%arg11 : memref<!tpu.dma_semaphore, #tpu.memory_space<semaphore_mem>>) src(%dma_wait3A_188 : memref<163840x16xf32, #tpu.memory_space<hbm>>) dst(%dma_wait3A_182 : memref<128x16xf32, #tpu.memory_space<vmem>>)
        %rem3A_189 = arith.constant 16 : i32
        %rem3A_190 = arith.remsi %while3A_176, %rem3A_189 : i32
        %dma_start3A_191 = arith.constant 0 : i32
        %dma_start3A_192 = arith.constant 0 : i32
        %dma_start3A_193 = tpu.memref_slice %arg8[%rem3A_190, %dma_start3A_191, %dma_start3A_192] : memref<16x128x16xf32, #tpu.memory_space<vmem>> -> memref<1x128x16xf32, #tpu.memory_space<vmem>>
        %dma_start3A_194 = tpu.memref_squeeze %dma_start3A_193 : memref<1x128x16xf32, #tpu.memory_space<vmem>> -> memref<128x16xf32, #tpu.memory_space<vmem>>
        %dma_start3A_195 = arith.constant 0 : i32
        %dma_start3A_196 = tpu.memref_slice %arg7[%while3A_176, %dma_start3A_195] : memref<54x128xi32, #tpu.memory_space<vmem>> -> memref<1x128xi32, #tpu.memory_space<vmem>>
        %dma_start3A_197 = tpu.memref_squeeze %dma_start3A_196 : memref<1x128xi32, #tpu.memory_space<vmem>> -> memref<128xi32, #tpu.memory_space<vmem>>
        %dma_start3A_198 = arith.constant 0 : i32
        %dma_start3A_199 = arith.constant 0 : i32
        %dma_start3A_200 = tpu.memref_slice %arg10[%dma_start3A_198, %dma_start3A_199] : memref<81920x16xf32, #tpu.memory_space<vmem_shared>> -> memref<81920x16xf32, #tpu.memory_space<vmem_shared>>
        tpu.enqueue_indirect_dma source(%dma_start3A_194 : memref<128x16xf32, #tpu.memory_space<vmem>>) target(%dma_start3A_200 : memref<81920x16xf32, #tpu.memory_space<vmem_shared>>) offsets(%dma_start3A_197 : memref<128xi32, #tpu.memory_space<vmem>>) semaphore(%arg12 : memref<!tpu.dma_semaphore, #tpu.memory_space<semaphore_mem>>) {add = true}
        %sub3A_201 = arith.constant 8 : i32
        %sub3A_202 = arith.subi %while3A_176, %sub3A_201 : i32
        %rem3A_203 = arith.constant 16 : i32
        %rem3A_204 = arith.remsi %sub3A_202, %rem3A_203 : i32
        %dma_wait3A_205 = arith.constant 0 : i32
        %dma_wait3A_206 = arith.constant 0 : i32
        %dma_wait3A_207 = tpu.memref_slice %arg8[%rem3A_204, %dma_wait3A_205, %dma_wait3A_206] : memref<16x128x16xf32, #tpu.memory_space<vmem>> -> memref<1x128x16xf32, #tpu.memory_space<vmem>>
        %dma_wait3A_208 = tpu.memref_squeeze %dma_wait3A_207 : memref<1x128x16xf32, #tpu.memory_space<vmem>> -> memref<128x16xf32, #tpu.memory_space<vmem>>
        %dma_wait3A_209 = arith.constant 0 : i32
        %dma_wait3A_210 = tpu.memref_slice %arg7[%sub3A_202, %dma_wait3A_209] : memref<54x128xi32, #tpu.memory_space<vmem>> -> memref<1x128xi32, #tpu.memory_space<vmem>>
        %dma_wait3A_211 = tpu.memref_squeeze %dma_wait3A_210 : memref<1x128xi32, #tpu.memory_space<vmem>> -> memref<128xi32, #tpu.memory_space<vmem>>
        %dma_wait3A_212 = arith.constant 0 : i32
        %dma_wait3A_213 = arith.constant 0 : i32
        %dma_wait3A_214 = tpu.memref_slice %arg10[%dma_wait3A_212, %dma_wait3A_213] : memref<81920x16xf32, #tpu.memory_space<vmem_shared>> -> memref<81920x16xf32, #tpu.memory_space<vmem_shared>>
        tpu.wait_indirect_dma semaphore(%arg12 : memref<!tpu.dma_semaphore, #tpu.memory_space<semaphore_mem>>) src(%dma_wait3A_208 : memref<128x16xf32, #tpu.memory_space<vmem>>) dst(%dma_wait3A_214 : memref<81920x16xf32, #tpu.memory_space<vmem_shared>>)
        %add3A_215 = arith.constant 8 : i32
        %add3A_216 = arith.addi %while3A_176, %add3A_215 : i32
        %rem3A_217 = arith.constant 16 : i32
        %rem3A_218 = arith.remsi %add3A_216, %rem3A_217 : i32
        %dma_start3A_219 = arith.constant 0 : i32
        %dma_start3A_220 = arith.constant 0 : i32
        %dma_start3A_221 = tpu.memref_slice %arg8[%rem3A_218, %dma_start3A_219, %dma_start3A_220] : memref<16x128x16xf32, #tpu.memory_space<vmem>> -> memref<1x128x16xf32, #tpu.memory_space<vmem>>
        %dma_start3A_222 = tpu.memref_squeeze %dma_start3A_221 : memref<1x128x16xf32, #tpu.memory_space<vmem>> -> memref<128x16xf32, #tpu.memory_space<vmem>>
        %dma_start3A_223 = arith.constant 0 : i32
        %dma_start3A_224 = tpu.memref_slice %arg6[%add3A_216, %dma_start3A_223] : memref<54x128xi32, #tpu.memory_space<vmem>> -> memref<1x128xi32, #tpu.memory_space<vmem>>
        %dma_start3A_225 = tpu.memref_squeeze %dma_start3A_224 : memref<1x128xi32, #tpu.memory_space<vmem>> -> memref<128xi32, #tpu.memory_space<vmem>>
        %dma_start3A_226 = arith.constant 0 : i32
        %dma_start3A_227 = arith.constant 0 : i32
        %dma_start3A_228 = tpu.memref_slice %arg2[%dma_start3A_226, %dma_start3A_227] : memref<163840x16xf32, #tpu.memory_space<hbm>> -> memref<163840x16xf32, #tpu.memory_space<hbm>>
        tpu.enqueue_indirect_dma source(%dma_start3A_228 : memref<163840x16xf32, #tpu.memory_space<hbm>>) target(%dma_start3A_222 : memref<128x16xf32, #tpu.memory_space<vmem>>) offsets(%dma_start3A_225 : memref<128xi32, #tpu.memory_space<vmem>>) semaphore(%arg11 : memref<!tpu.dma_semaphore, #tpu.memory_space<semaphore_mem>>)
        %while3A_229 = arith.constant 0 : i32
        scf.yield %while3A_229 : i32
      }
      %while3A_99 = arith.constant 1 : i32
      %while3A_100 = scf.for %while3A_176 = %while3A_96 to %while3A_92 step %while3A_99 iter_args(%while3A_177 = %while3A_98) -> (i32)  : i32 {
        %rem3A = arith.constant 16 : i32
        %rem3A_178 = arith.remsi %while3A_176, %rem3A : i32
        %dma_wait3A_179 = arith.constant 0 : i32
        %dma_wait3A_180 = arith.constant 0 : i32
        %dma_wait3A_181 = tpu.memref_slice %arg8[%rem3A_178, %dma_wait3A_179, %dma_wait3A_180] : memref<16x128x16xf32, #tpu.memory_space<vmem>> -> memref<1x128x16xf32, #tpu.memory_space<vmem>>
        %dma_wait3A_182 = tpu.memref_squeeze %dma_wait3A_181 : memref<1x128x16xf32, #tpu.memory_space<vmem>> -> memref<128x16xf32, #tpu.memory_space<vmem>>
        %dma_wait3A_183 = arith.constant 0 : i32
        %dma_wait3A_184 = tpu.memref_slice %arg6[%while3A_176, %dma_wait3A_183] : memref<54x128xi32, #tpu.memory_space<vmem>> -> memref<1x128xi32, #tpu.memory_space<vmem>>
        %dma_wait3A_185 = tpu.memref_squeeze %dma_wait3A_184 : memref<1x128xi32, #tpu.memory_space<vmem>> -> memref<128xi32, #tpu.memory_space<vmem>>
        %dma_wait3A_186 = arith.constant 0 : i32
        %dma_wait3A_187 = arith.constant 0 : i32
        %dma_wait3A_188 = tpu.memref_slice %arg2[%dma_wait3A_186, %dma_wait3A_187] : memref<163840x16xf32, #tpu.memory_space<hbm>> -> memref<163840x16xf32, #tpu.memory_space<hbm>>
        tpu.wait_indirect_dma semaphore(%arg11 : memref<!tpu.dma_semaphore, #tpu.memory_space<semaphore_mem>>) src(%dma_wait3A_188 : memref<163840x16xf32, #tpu.memory_space<hbm>>) dst(%dma_wait3A_182 : memref<128x16xf32, #tpu.memory_space<vmem>>)
        %rem3A_189 = arith.constant 16 : i32
        %rem3A_190 = arith.remsi %while3A_176, %rem3A_189 : i32
        %dma_start3A_191 = arith.constant 0 : i32
        %dma_start3A_192 = arith.constant 0 : i32
        %dma_start3A_193 = tpu.memref_slice %arg8[%rem3A_190, %dma_start3A_191, %dma_start3A_192] : memref<16x128x16xf32, #tpu.memory_space<vmem>> -> memref<1x128x16xf32, #tpu.memory_space<vmem>>
        %dma_start3A_194 = tpu.memref_squeeze %dma_start3A_193 : memref<1x128x16xf32, #tpu.memory_space<vmem>> -> memref<128x16xf32, #tpu.memory_space<vmem>>
        %dma_start3A_195 = arith.constant 0 : i32
        %dma_start3A_196 = tpu.memref_slice %arg7[%while3A_176, %dma_start3A_195] : memref<54x128xi32, #tpu.memory_space<vmem>> -> memref<1x128xi32, #tpu.memory_space<vmem>>
        %dma_start3A_197 = tpu.memref_squeeze %dma_start3A_196 : memref<1x128xi32, #tpu.memory_space<vmem>> -> memref<128xi32, #tpu.memory_space<vmem>>
        %dma_start3A_198 = arith.constant 0 : i32
        %dma_start3A_199 = arith.constant 0 : i32
        %dma_start3A_200 = tpu.memref_slice %arg10[%dma_start3A_198, %dma_start3A_199] : memref<81920x16xf32, #tpu.memory_space<vmem_shared>> -> memref<81920x16xf32, #tpu.memory_space<vmem_shared>>
        tpu.enqueue_indirect_dma source(%dma_start3A_194 : memref<128x16xf32, #tpu.memory_space<vmem>>) target(%dma_start3A_200 : memref<81920x16xf32, #tpu.memory_space<vmem_shared>>) offsets(%dma_start3A_197 : memref<128xi32, #tpu.memory_space<vmem>>) semaphore(%arg12 : memref<!tpu.dma_semaphore, #tpu.memory_space<semaphore_mem>>) {add = true}
        %sub3A_201 = arith.constant 8 : i32
        %sub3A_202 = arith.subi %while3A_176, %sub3A_201 : i32
        %rem3A_203 = arith.constant 16 : i32
        %rem3A_204 = arith.remsi %sub3A_202, %rem3A_203 : i32
        %dma_wait3A_205 = arith.constant 0 : i32
        %dma_wait3A_206 = arith.constant 0 : i32
        %dma_wait3A_207 = tpu.memref_slice %arg8[%rem3A_204, %dma_wait3A_205, %dma_wait3A_206] : memref<16x128x16xf32, #tpu.memory_space<vmem>> -> memref<1x128x16xf32, #tpu.memory_space<vmem>>
        %dma_wait3A_208 = tpu.memref_squeeze %dma_wait3A_207 : memref<1x128x16xf32, #tpu.memory_space<vmem>> -> memref<128x16xf32, #tpu.memory_space<vmem>>
        %dma_wait3A_209 = arith.constant 0 : i32
        %dma_wait3A_210 = tpu.memref_slice %arg7[%sub3A_202, %dma_wait3A_209] : memref<54x128xi32, #tpu.memory_space<vmem>> -> memref<1x128xi32, #tpu.memory_space<vmem>>
        %dma_wait3A_211 = tpu.memref_squeeze %dma_wait3A_210 : memref<1x128xi32, #tpu.memory_space<vmem>> -> memref<128xi32, #tpu.memory_space<vmem>>
        %dma_wait3A_212 = arith.constant 0 : i32
        %dma_wait3A_213 = arith.constant 0 : i32
        %dma_wait3A_214 = tpu.memref_slice %arg10[%dma_wait3A_212, %dma_wait3A_213] : memref<81920x16xf32, #tpu.memory_space<vmem_shared>> -> memref<81920x16xf32, #tpu.memory_space<vmem_shared>>
        tpu.wait_indirect_dma semaphore(%arg12 : memref<!tpu.dma_semaphore, #tpu.memory_space<semaphore_mem>>) src(%dma_wait3A_208 : memref<128x16xf32, #tpu.memory_space<vmem>>) dst(%dma_wait3A_214 : memref<81920x16xf32, #tpu.memory_space<vmem_shared>>)
        %add3A_215 = arith.constant 8 : i32
        %add3A_216 = arith.addi %while3A_176, %add3A_215 : i32
        %rem3A_217 = arith.constant 16 : i32
        %rem3A_218 = arith.remsi %add3A_216, %rem3A_217 : i32
        %dma_start3A_219 = arith.constant 0 : i32
        %dma_start3A_220 = arith.constant 0 : i32
        %dma_start3A_221 = tpu.memref_slice %arg8[%rem3A_218, %dma_start3A_219, %dma_start3A_220] : memref<16x128x16xf32, #tpu.memory_space<vmem>> -> memref<1x128x16xf32, #tpu.memory_space<vmem>>
        %dma_start3A_222 = tpu.memref_squeeze %dma_start3A_221 : memref<1x128x16xf32, #tpu.memory_space<vmem>> -> memref<128x16xf32, #tpu.memory_space<vmem>>
        %dma_start3A_223 = arith.constant 0 : i32
        %dma_start3A_224 = tpu.memref_slice %arg6[%add3A_216, %dma_start3A_223] : memref<54x128xi32, #tpu.memory_space<vmem>> -> memref<1x128xi32, #tpu.memory_space<vmem>>
        %dma_start3A_225 = tpu.memref_squeeze %dma_start3A_224 : memref<1x128xi32, #tpu.memory_space<vmem>> -> memref<128xi32, #tpu.memory_space<vmem>>
        %dma_start3A_226 = arith.constant 0 : i32
        %dma_start3A_227 = arith.constant 0 : i32
        %dma_start3A_228 = tpu.memref_slice %arg2[%dma_start3A_226, %dma_start3A_227] : memref<163840x16xf32, #tpu.memory_space<hbm>> -> memref<163840x16xf32, #tpu.memory_space<hbm>>
        tpu.enqueue_indirect_dma source(%dma_start3A_228 : memref<163840x16xf32, #tpu.memory_space<hbm>>) target(%dma_start3A_222 : memref<128x16xf32, #tpu.memory_space<vmem>>) offsets(%dma_start3A_225 : memref<128xi32, #tpu.memory_space<vmem>>) semaphore(%arg11 : memref<!tpu.dma_semaphore, #tpu.memory_space<semaphore_mem>>)
        %while3A_229 = arith.constant 0 : i32
        scf.yield %while3A_229 : i32
      }
      %sub3A_101 = arith.constant 8 : i32
      %sub3A_102 = arith.subi %select_n3A, %sub3A_101 : i32
      %while3A_103 = arith.constant 0 : i32
      %while3A_104 = arith.subi %select_n3A, %sub3A_102 : i32
      %while3A_105 = arith.addi %sub3A_102, %while3A_104 : i32
      %while3A_106 = arith.constant 1 : i32
      %while3A_107 = arith.divsi %while3A_104, %while3A_106 : i32
      %while3A_108 = arith.muli %while3A_107, %while3A_106 : i32
      %while3A_109 = arith.addi %sub3A_102, %while3A_108 : i32
      %while3A_110 = arith.constant 1 : i32
      %while3A_111 = scf.for %while3A_176 = %sub3A_102 to %while3A_109 step %while3A_110 iter_args(%while3A_177 = %while3A_103) -> (i32)  : i32 {
        %rem3A = arith.constant 16 : i32
        %rem3A_178 = arith.remsi %while3A_176, %rem3A : i32
        %dma_wait3A_179 = arith.constant 0 : i32
        %dma_wait3A_180 = arith.constant 0 : i32
        %dma_wait3A_181 = tpu.memref_slice %arg8[%rem3A_178, %dma_wait3A_179, %dma_wait3A_180] : memref<16x128x16xf32, #tpu.memory_space<vmem>> -> memref<1x128x16xf32, #tpu.memory_space<vmem>>
        %dma_wait3A_182 = tpu.memref_squeeze %dma_wait3A_181 : memref<1x128x16xf32, #tpu.memory_space<vmem>> -> memref<128x16xf32, #tpu.memory_space<vmem>>
        %dma_wait3A_183 = arith.constant 0 : i32
        %dma_wait3A_184 = tpu.memref_slice %arg6[%while3A_176, %dma_wait3A_183] : memref<54x128xi32, #tpu.memory_space<vmem>> -> memref<1x128xi32, #tpu.memory_space<vmem>>
        %dma_wait3A_185 = tpu.memref_squeeze %dma_wait3A_184 : memref<1x128xi32, #tpu.memory_space<vmem>> -> memref<128xi32, #tpu.memory_space<vmem>>
        %dma_wait3A_186 = arith.constant 0 : i32
        %dma_wait3A_187 = arith.constant 0 : i32
        %dma_wait3A_188 = tpu.memref_slice %arg2[%dma_wait3A_186, %dma_wait3A_187] : memref<163840x16xf32, #tpu.memory_space<hbm>> -> memref<163840x16xf32, #tpu.memory_space<hbm>>
        tpu.wait_indirect_dma semaphore(%arg11 : memref<!tpu.dma_semaphore, #tpu.memory_space<semaphore_mem>>) src(%dma_wait3A_188 : memref<163840x16xf32, #tpu.memory_space<hbm>>) dst(%dma_wait3A_182 : memref<128x16xf32, #tpu.memory_space<vmem>>)
        %rem3A_189 = arith.constant 16 : i32
        %rem3A_190 = arith.remsi %while3A_176, %rem3A_189 : i32
        %dma_start3A_191 = arith.constant 0 : i32
        %dma_start3A_192 = arith.constant 0 : i32
        %dma_start3A_193 = tpu.memref_slice %arg8[%rem3A_190, %dma_start3A_191, %dma_start3A_192] : memref<16x128x16xf32, #tpu.memory_space<vmem>> -> memref<1x128x16xf32, #tpu.memory_space<vmem>>
        %dma_start3A_194 = tpu.memref_squeeze %dma_start3A_193 : memref<1x128x16xf32, #tpu.memory_space<vmem>> -> memref<128x16xf32, #tpu.memory_space<vmem>>
        %dma_start3A_195 = arith.constant 0 : i32
        %dma_start3A_196 = tpu.memref_slice %arg7[%while3A_176, %dma_start3A_195] : memref<54x128xi32, #tpu.memory_space<vmem>> -> memref<1x128xi32, #tpu.memory_space<vmem>>
        %dma_start3A_197 = tpu.memref_squeeze %dma_start3A_196 : memref<1x128xi32, #tpu.memory_space<vmem>> -> memref<128xi32, #tpu.memory_space<vmem>>
        %dma_start3A_198 = arith.constant 0 : i32
        %dma_start3A_199 = arith.constant 0 : i32
        %dma_start3A_200 = tpu.memref_slice %arg10[%dma_start3A_198, %dma_start3A_199] : memref<81920x16xf32, #tpu.memory_space<vmem_shared>> -> memref<81920x16xf32, #tpu.memory_space<vmem_shared>>
        tpu.enqueue_indirect_dma source(%dma_start3A_194 : memref<128x16xf32, #tpu.memory_space<vmem>>) target(%dma_start3A_200 : memref<81920x16xf32, #tpu.memory_space<vmem_shared>>) offsets(%dma_start3A_197 : memref<128xi32, #tpu.memory_space<vmem>>) semaphore(%arg12 : memref<!tpu.dma_semaphore, #tpu.memory_space<semaphore_mem>>) {add = true}
        %while3A_201 = arith.constant 0 : i32
        scf.yield %while3A_201 : i32
      }
      %while3A_112 = arith.constant 1 : i32
      %while3A_113 = scf.for %while3A_176 = %while3A_109 to %while3A_105 step %while3A_112 iter_args(%while3A_177 = %while3A_111) -> (i32)  : i32 {
        %rem3A = arith.constant 16 : i32
        %rem3A_178 = arith.remsi %while3A_176, %rem3A : i32
        %dma_wait3A_179 = arith.constant 0 : i32
        %dma_wait3A_180 = arith.constant 0 : i32
        %dma_wait3A_181 = tpu.memref_slice %arg8[%rem3A_178, %dma_wait3A_179, %dma_wait3A_180] : memref<16x128x16xf32, #tpu.memory_space<vmem>> -> memref<1x128x16xf32, #tpu.memory_space<vmem>>
        %dma_wait3A_182 = tpu.memref_squeeze %dma_wait3A_181 : memref<1x128x16xf32, #tpu.memory_space<vmem>> -> memref<128x16xf32, #tpu.memory_space<vmem>>
        %dma_wait3A_183 = arith.constant 0 : i32
        %dma_wait3A_184 = tpu.memref_slice %arg6[%while3A_176, %dma_wait3A_183] : memref<54x128xi32, #tpu.memory_space<vmem>> -> memref<1x128xi32, #tpu.memory_space<vmem>>
        %dma_wait3A_185 = tpu.memref_squeeze %dma_wait3A_184 : memref<1x128xi32, #tpu.memory_space<vmem>> -> memref<128xi32, #tpu.memory_space<vmem>>
        %dma_wait3A_186 = arith.constant 0 : i32
        %dma_wait3A_187 = arith.constant 0 : i32
        %dma_wait3A_188 = tpu.memref_slice %arg2[%dma_wait3A_186, %dma_wait3A_187] : memref<163840x16xf32, #tpu.memory_space<hbm>> -> memref<163840x16xf32, #tpu.memory_space<hbm>>
        tpu.wait_indirect_dma semaphore(%arg11 : memref<!tpu.dma_semaphore, #tpu.memory_space<semaphore_mem>>) src(%dma_wait3A_188 : memref<163840x16xf32, #tpu.memory_space<hbm>>) dst(%dma_wait3A_182 : memref<128x16xf32, #tpu.memory_space<vmem>>)
        %rem3A_189 = arith.constant 16 : i32
        %rem3A_190 = arith.remsi %while3A_176, %rem3A_189 : i32
        %dma_start3A_191 = arith.constant 0 : i32
        %dma_start3A_192 = arith.constant 0 : i32
        %dma_start3A_193 = tpu.memref_slice %arg8[%rem3A_190, %dma_start3A_191, %dma_start3A_192] : memref<16x128x16xf32, #tpu.memory_space<vmem>> -> memref<1x128x16xf32, #tpu.memory_space<vmem>>
        %dma_start3A_194 = tpu.memref_squeeze %dma_start3A_193 : memref<1x128x16xf32, #tpu.memory_space<vmem>> -> memref<128x16xf32, #tpu.memory_space<vmem>>
        %dma_start3A_195 = arith.constant 0 : i32
        %dma_start3A_196 = tpu.memref_slice %arg7[%while3A_176, %dma_start3A_195] : memref<54x128xi32, #tpu.memory_space<vmem>> -> memref<1x128xi32, #tpu.memory_space<vmem>>
        %dma_start3A_197 = tpu.memref_squeeze %dma_start3A_196 : memref<1x128xi32, #tpu.memory_space<vmem>> -> memref<128xi32, #tpu.memory_space<vmem>>
        %dma_start3A_198 = arith.constant 0 : i32
        %dma_start3A_199 = arith.constant 0 : i32
        %dma_start3A_200 = tpu.memref_slice %arg10[%dma_start3A_198, %dma_start3A_199] : memref<81920x16xf32, #tpu.memory_space<vmem_shared>> -> memref<81920x16xf32, #tpu.memory_space<vmem_shared>>
        tpu.enqueue_indirect_dma source(%dma_start3A_194 : memref<128x16xf32, #tpu.memory_space<vmem>>) target(%dma_start3A_200 : memref<81920x16xf32, #tpu.memory_space<vmem_shared>>) offsets(%dma_start3A_197 : memref<128xi32, #tpu.memory_space<vmem>>) semaphore(%arg12 : memref<!tpu.dma_semaphore, #tpu.memory_space<semaphore_mem>>) {add = true}
        %while3A_201 = arith.constant 0 : i32
        scf.yield %while3A_201 : i32
      }
      %while3A_114 = arith.constant 0 : i32
      %while3A_115 = arith.constant 0 : i32
      %while3A_116 = arith.subi %select_n3A, %while3A_114 : i32
      %while3A_117 = arith.addi %while3A_114, %while3A_116 : i32
      %while3A_118 = arith.constant 1 : i32
      %while3A_119 = arith.divsi %while3A_116, %while3A_118 : i32
      %while3A_120 = arith.muli %while3A_119, %while3A_118 : i32
      %while3A_121 = arith.addi %while3A_114, %while3A_120 : i32
      %while3A_122 = arith.constant 1 : i32
      %while3A_123 = scf.for %while3A_176 = %while3A_114 to %while3A_121 step %while3A_122 iter_args(%while3A_177 = %while3A_115) -> (i32)  : i32 {
        %get3A = arith.index_cast %while3A_176 : i32 to index
        %get3A_178 = arith.constant 0 : index
        %get3A_179 = tpu.vector_load %arg6[%get3A, %get3A_178] {strides = array<i32>} : memref<54x128xi32, #tpu.memory_space<vmem>>, vector<1x16xi32>,
        %get3A_180 = vector.shape_cast %get3A_179 : vector<1x16xi32> to vector<16xi32>
        %add3A_181 = arith.constant 1 : i32
        %add3A_182 = vector.broadcast %add3A_181 : i32 to vector<16xi32>
        %add3A_183 = arith.addi %get3A_180, %add3A_182 : vector<16xi32>
        %swap3A = arith.index_cast %while3A_176 : i32 to index
        %swap3A_184 = arith.constant 0 : index
        %swap3A_185 = tpu.vector_load %arg6[%swap3A, %swap3A_184] {strides = array<i32>} : memref<54x128xi32, #tpu.memory_space<vmem>>, vector<1x16xi32>,
        %swap3A_186 = vector.shape_cast %swap3A_185 : vector<1x16xi32> to vector<16xi32>
        %swap3A_187 = vector.shape_cast %add3A_183 : vector<16xi32> to vector<1x16xi32>
        tpu.vector_store %arg6[%swap3A, %swap3A_184], %swap3A_187 {strides = array<i32>} : memref<54x128xi32, #tpu.memory_space<vmem>>, vector<1x16xi32>,
        %get3A_188 = arith.index_cast %while3A_176 : i32 to index
        %get3A_189 = arith.constant 16 : index
        %get3A_190 = tpu.vector_load %arg6[%get3A_188, %get3A_189] {strides = array<i32>} : memref<54x128xi32, #tpu.memory_space<vmem>>, vector<1x16xi32>,
        %get3A_191 = vector.shape_cast %get3A_190 : vector<1x16xi32> to vector<16xi32>
        %add3A_192 = arith.constant 1 : i32
        %add3A_193 = vector.broadcast %add3A_192 : i32 to vector<16xi32>
        %add3A_194 = arith.addi %get3A_191, %add3A_193 : vector<16xi32>
        %swap3A_195 = arith.index_cast %while3A_176 : i32 to index
        %swap3A_196 = arith.constant 16 : index
        %swap3A_197 = tpu.vector_load %arg6[%swap3A_195, %swap3A_196] {strides = array<i32>} : memref<54x128xi32, #tpu.memory_space<vmem>>, vector<1x16xi32>,
        %swap3A_198 = vector.shape_cast %swap3A_197 : vector<1x16xi32> to vector<16xi32>
        %swap3A_199 = vector.shape_cast %add3A_194 : vector<16xi32> to vector<1x16xi32>
        tpu.vector_store %arg6[%swap3A_195, %swap3A_196], %swap3A_199 {strides = array<i32>} : memref<54x128xi32, #tpu.memory_space<vmem>>, vector<1x16xi32>,
        %get3A_200 = arith.index_cast %while3A_176 : i32 to index
        %get3A_201 = arith.constant 32 : index
        %get3A_202 = tpu.vector_load %arg6[%get3A_200, %get3A_201] {strides = array<i32>} : memref<54x128xi32, #tpu.memory_space<vmem>>, vector<1x16xi32>,
        %get3A_203 = vector.shape_cast %get3A_202 : vector<1x16xi32> to vector<16xi32>
        %add3A_204 = arith.constant 1 : i32
        %add3A_205 = vector.broadcast %add3A_204 : i32 to vector<16xi32>
        %add3A_206 = arith.addi %get3A_203, %add3A_205 : vector<16xi32>
        %swap3A_207 = arith.index_cast %while3A_176 : i32 to index
        %swap3A_208 = arith.constant 32 : index
        %swap3A_209 = tpu.vector_load %arg6[%swap3A_207, %swap3A_208] {strides = array<i32>} : memref<54x128xi32, #tpu.memory_space<vmem>>, vector<1x16xi32>,
        %swap3A_210 = vector.shape_cast %swap3A_209 : vector<1x16xi32> to vector<16xi32>
        %swap3A_211 = vector.shape_cast %add3A_206 : vector<16xi32> to vector<1x16xi32>
        tpu.vector_store %arg6[%swap3A_207, %swap3A_208], %swap3A_211 {strides = array<i32>} : memref<54x128xi32, #tpu.memory_space<vmem>>, vector<1x16xi32>,
        %get3A_212 = arith.index_cast %while3A_176 : i32 to index
        %get3A_213 = arith.constant 48 : index
        %get3A_214 = tpu.vector_load %arg6[%get3A_212, %get3A_213] {strides = array<i32>} : memref<54x128xi32, #tpu.memory_space<vmem>>, vector<1x16xi32>,
        %get3A_215 = vector.shape_cast %get3A_214 : vector<1x16xi32> to vector<16xi32>
        %add3A_216 = arith.constant 1 : i32
        %add3A_217 = vector.broadcast %add3A_216 : i32 to vector<16xi32>
        %add3A_218 = arith.addi %get3A_215, %add3A_217 : vector<16xi32>
        %swap3A_219 = arith.index_cast %while3A_176 : i32 to index
        %swap3A_220 = arith.constant 48 : index
        %swap3A_221 = tpu.vector_load %arg6[%swap3A_219, %swap3A_220] {strides = array<i32>} : memref<54x128xi32, #tpu.memory_space<vmem>>, vector<1x16xi32>,
        %swap3A_222 = vector.shape_cast %swap3A_221 : vector<1x16xi32> to vector<16xi32>
        %swap3A_223 = vector.shape_cast %add3A_218 : vector<16xi32> to vector<1x16xi32>
        tpu.vector_store %arg6[%swap3A_219, %swap3A_220], %swap3A_223 {strides = array<i32>} : memref<54x128xi32, #tpu.memory_space<vmem>>, vector<1x16xi32>,
        %get3A_224 = arith.index_cast %while3A_176 : i32 to index
        %get3A_225 = arith.constant 64 : index
        %get3A_226 = tpu.vector_load %arg6[%get3A_224, %get3A_225] {strides = array<i32>} : memref<54x128xi32, #tpu.memory_space<vmem>>, vector<1x16xi32>,
        %get3A_227 = vector.shape_cast %get3A_226 : vector<1x16xi32> to vector<16xi32>
        %add3A_228 = arith.constant 1 : i32
        %add3A_229 = vector.broadcast %add3A_228 : i32 to vector<16xi32>
        %add3A_230 = arith.addi %get3A_227, %add3A_229 : vector<16xi32>
        %swap3A_231 = arith.index_cast %while3A_176 : i32 to index
        %swap3A_232 = arith.constant 64 : index
        %swap3A_233 = tpu.vector_load %arg6[%swap3A_231, %swap3A_232] {strides = array<i32>} : memref<54x128xi32, #tpu.memory_space<vmem>>, vector<1x16xi32>,
        %swap3A_234 = vector.shape_cast %swap3A_233 : vector<1x16xi32> to vector<16xi32>
        %swap3A_235 = vector.shape_cast %add3A_230 : vector<16xi32> to vector<1x16xi32>
        tpu.vector_store %arg6[%swap3A_231, %swap3A_232], %swap3A_235 {strides = array<i32>} : memref<54x128xi32, #tpu.memory_space<vmem>>, vector<1x16xi32>,
        %get3A_236 = arith.index_cast %while3A_176 : i32 to index
        %get3A_237 = arith.constant 80 : index
        %get3A_238 = tpu.vector_load %arg6[%get3A_236, %get3A_237] {strides = array<i32>} : memref<54x128xi32, #tpu.memory_space<vmem>>, vector<1x16xi32>,
        %get3A_239 = vector.shape_cast %get3A_238 : vector<1x16xi32> to vector<16xi32>
        %add3A_240 = arith.constant 1 : i32
        %add3A_241 = vector.broadcast %add3A_240 : i32 to vector<16xi32>
        %add3A_242 = arith.addi %get3A_239, %add3A_241 : vector<16xi32>
        %swap3A_243 = arith.index_cast %while3A_176 : i32 to index
        %swap3A_244 = arith.constant 80 : index
        %swap3A_245 = tpu.vector_load %arg6[%swap3A_243, %swap3A_244] {strides = array<i32>} : memref<54x128xi32, #tpu.memory_space<vmem>>, vector<1x16xi32>,
        %swap3A_246 = vector.shape_cast %swap3A_245 : vector<1x16xi32> to vector<16xi32>
        %swap3A_247 = vector.shape_cast %add3A_242 : vector<16xi32> to vector<1x16xi32>
        tpu.vector_store %arg6[%swap3A_243, %swap3A_244], %swap3A_247 {strides = array<i32>} : memref<54x128xi32, #tpu.memory_space<vmem>>, vector<1x16xi32>,
        %get3A_248 = arith.index_cast %while3A_176 : i32 to index
        %get3A_249 = arith.constant 96 : index
        %get3A_250 = tpu.vector_load %arg6[%get3A_248, %get3A_249] {strides = array<i32>} : memref<54x128xi32, #tpu.memory_space<vmem>>, vector<1x16xi32>,
        %get3A_251 = vector.shape_cast %get3A_250 : vector<1x16xi32> to vector<16xi32>
        %add3A_252 = arith.constant 1 : i32
        %add3A_253 = vector.broadcast %add3A_252 : i32 to vector<16xi32>
        %add3A_254 = arith.addi %get3A_251, %add3A_253 : vector<16xi32>
        %swap3A_255 = arith.index_cast %while3A_176 : i32 to index
        %swap3A_256 = arith.constant 96 : index
        %swap3A_257 = tpu.vector_load %arg6[%swap3A_255, %swap3A_256] {strides = array<i32>} : memref<54x128xi32, #tpu.memory_space<vmem>>, vector<1x16xi32>,
        %swap3A_258 = vector.shape_cast %swap3A_257 : vector<1x16xi32> to vector<16xi32>
        %swap3A_259 = vector.shape_cast %add3A_254 : vector<16xi32> to vector<1x16xi32>
        tpu.vector_store %arg6[%swap3A_255, %swap3A_256], %swap3A_259 {strides = array<i32>} : memref<54x128xi32, #tpu.memory_space<vmem>>, vector<1x16xi32>,
        %get3A_260 = arith.index_cast %while3A_176 : i32 to index
        %get3A_261 = arith.constant 112 : index
        %get3A_262 = tpu.vector_load %arg6[%get3A_260, %get3A_261] {strides = array<i32>} : memref<54x128xi32, #tpu.memory_space<vmem>>, vector<1x16xi32>,
        %get3A_263 = vector.shape_cast %get3A_262 : vector<1x16xi32> to vector<16xi32>
        %add3A_264 = arith.constant 1 : i32
        %add3A_265 = vector.broadcast %add3A_264 : i32 to vector<16xi32>
        %add3A_266 = arith.addi %get3A_263, %add3A_265 : vector<16xi32>
        %swap3A_267 = arith.index_cast %while3A_176 : i32 to index
        %swap3A_268 = arith.constant 112 : index
        %swap3A_269 = tpu.vector_load %arg6[%swap3A_267, %swap3A_268] {strides = array<i32>} : memref<54x128xi32, #tpu.memory_space<vmem>>, vector<1x16xi32>,
        %swap3A_270 = vector.shape_cast %swap3A_269 : vector<1x16xi32> to vector<16xi32>
        %swap3A_271 = vector.shape_cast %add3A_266 : vector<16xi32> to vector<1x16xi32>
        tpu.vector_store %arg6[%swap3A_267, %swap3A_268], %swap3A_271 {strides = array<i32>} : memref<54x128xi32, #tpu.memory_space<vmem>>, vector<1x16xi32>,
        %while3A_272 = arith.constant 0 : i32
        scf.yield %while3A_272 : i32
      }
      %while3A_124 = arith.constant 1 : i32
      %while3A_125 = scf.for %while3A_176 = %while3A_121 to %while3A_117 step %while3A_124 iter_args(%while3A_177 = %while3A_123) -> (i32)  : i32 {
        %get3A = arith.index_cast %while3A_176 : i32 to index
        %get3A_178 = arith.constant 0 : index
        %get3A_179 = tpu.vector_load %arg6[%get3A, %get3A_178] {strides = array<i32>} : memref<54x128xi32, #tpu.memory_space<vmem>>, vector<1x16xi32>,
        %get3A_180 = vector.shape_cast %get3A_179 : vector<1x16xi32> to vector<16xi32>
        %add3A_181 = arith.constant 1 : i32
        %add3A_182 = vector.broadcast %add3A_181 : i32 to vector<16xi32>
        %add3A_183 = arith.addi %get3A_180, %add3A_182 : vector<16xi32>
        %swap3A = arith.index_cast %while3A_176 : i32 to index
        %swap3A_184 = arith.constant 0 : index
        %swap3A_185 = tpu.vector_load %arg6[%swap3A, %swap3A_184] {strides = array<i32>} : memref<54x128xi32, #tpu.memory_space<vmem>>, vector<1x16xi32>,
        %swap3A_186 = vector.shape_cast %swap3A_185 : vector<1x16xi32> to vector<16xi32>
        %swap3A_187 = vector.shape_cast %add3A_183 : vector<16xi32> to vector<1x16xi32>
        tpu.vector_store %arg6[%swap3A, %swap3A_184], %swap3A_187 {strides = array<i32>} : memref<54x128xi32, #tpu.memory_space<vmem>>, vector<1x16xi32>,
        %get3A_188 = arith.index_cast %while3A_176 : i32 to index
        %get3A_189 = arith.constant 16 : index
        %get3A_190 = tpu.vector_load %arg6[%get3A_188, %get3A_189] {strides = array<i32>} : memref<54x128xi32, #tpu.memory_space<vmem>>, vector<1x16xi32>,
        %get3A_191 = vector.shape_cast %get3A_190 : vector<1x16xi32> to vector<16xi32>
        %add3A_192 = arith.constant 1 : i32
        %add3A_193 = vector.broadcast %add3A_192 : i32 to vector<16xi32>
        %add3A_194 = arith.addi %get3A_191, %add3A_193 : vector<16xi32>
        %swap3A_195 = arith.index_cast %while3A_176 : i32 to index
        %swap3A_196 = arith.constant 16 : index
        %swap3A_197 = tpu.vector_load %arg6[%swap3A_195, %swap3A_196] {strides = array<i32>} : memref<54x128xi32, #tpu.memory_space<vmem>>, vector<1x16xi32>,
        %swap3A_198 = vector.shape_cast %swap3A_197 : vector<1x16xi32> to vector<16xi32>
        %swap3A_199 = vector.shape_cast %add3A_194 : vector<16xi32> to vector<1x16xi32>
        tpu.vector_store %arg6[%swap3A_195, %swap3A_196], %swap3A_199 {strides = array<i32>} : memref<54x128xi32, #tpu.memory_space<vmem>>, vector<1x16xi32>,
        %get3A_200 = arith.index_cast %while3A_176 : i32 to index
        %get3A_201 = arith.constant 32 : index
        %get3A_202 = tpu.vector_load %arg6[%get3A_200, %get3A_201] {strides = array<i32>} : memref<54x128xi32, #tpu.memory_space<vmem>>, vector<1x16xi32>,
        %get3A_203 = vector.shape_cast %get3A_202 : vector<1x16xi32> to vector<16xi32>
        %add3A_204 = arith.constant 1 : i32
        %add3A_205 = vector.broadcast %add3A_204 : i32 to vector<16xi32>
        %add3A_206 = arith.addi %get3A_203, %add3A_205 : vector<16xi32>
        %swap3A_207 = arith.index_cast %while3A_176 : i32 to index
        %swap3A_208 = arith.constant 32 : index
        %swap3A_209 = tpu.vector_load %arg6[%swap3A_207, %swap3A_208] {strides = array<i32>} : memref<54x128xi32, #tpu.memory_space<vmem>>, vector<1x16xi32>,
        %swap3A_210 = vector.shape_cast %swap3A_209 : vector<1x16xi32> to vector<16xi32>
        %swap3A_211 = vector.shape_cast %add3A_206 : vector<16xi32> to vector<1x16xi32>
        tpu.vector_store %arg6[%swap3A_207, %swap3A_208], %swap3A_211 {strides = array<i32>} : memref<54x128xi32, #tpu.memory_space<vmem>>, vector<1x16xi32>,
        %get3A_212 = arith.index_cast %while3A_176 : i32 to index
        %get3A_213 = arith.constant 48 : index
        %get3A_214 = tpu.vector_load %arg6[%get3A_212, %get3A_213] {strides = array<i32>} : memref<54x128xi32, #tpu.memory_space<vmem>>, vector<1x16xi32>,
        %get3A_215 = vector.shape_cast %get3A_214 : vector<1x16xi32> to vector<16xi32>
        %add3A_216 = arith.constant 1 : i32
        %add3A_217 = vector.broadcast %add3A_216 : i32 to vector<16xi32>
        %add3A_218 = arith.addi %get3A_215, %add3A_217 : vector<16xi32>
        %swap3A_219 = arith.index_cast %while3A_176 : i32 to index
        %swap3A_220 = arith.constant 48 : index
        %swap3A_221 = tpu.vector_load %arg6[%swap3A_219, %swap3A_220] {strides = array<i32>} : memref<54x128xi32, #tpu.memory_space<vmem>>, vector<1x16xi32>,
        %swap3A_222 = vector.shape_cast %swap3A_221 : vector<1x16xi32> to vector<16xi32>
        %swap3A_223 = vector.shape_cast %add3A_218 : vector<16xi32> to vector<1x16xi32>
        tpu.vector_store %arg6[%swap3A_219, %swap3A_220], %swap3A_223 {strides = array<i32>} : memref<54x128xi32, #tpu.memory_space<vmem>>, vector<1x16xi32>,
        %get3A_224 = arith.index_cast %while3A_176 : i32 to index
        %get3A_225 = arith.constant 64 : index
        %get3A_226 = tpu.vector_load %arg6[%get3A_224, %get3A_225] {strides = array<i32>} : memref<54x128xi32, #tpu.memory_space<vmem>>, vector<1x16xi32>,
        %get3A_227 = vector.shape_cast %get3A_226 : vector<1x16xi32> to vector<16xi32>
        %add3A_228 = arith.constant 1 : i32
        %add3A_229 = vector.broadcast %add3A_228 : i32 to vector<16xi32>
        %add3A_230 = arith.addi %get3A_227, %add3A_229 : vector<16xi32>
        %swap3A_231 = arith.index_cast %while3A_176 : i32 to index
        %swap3A_232 = arith.constant 64 : index
        %swap3A_233 = tpu.vector_load %arg6[%swap3A_231, %swap3A_232] {strides = array<i32>} : memref<54x128xi32, #tpu.memory_space<vmem>>, vector<1x16xi32>,
        %swap3A_234 = vector.shape_cast %swap3A_233 : vector<1x16xi32> to vector<16xi32>
        %swap3A_235 = vector.shape_cast %add3A_230 : vector<16xi32> to vector<1x16xi32>
        tpu.vector_store %arg6[%swap3A_231, %swap3A_232], %swap3A_235 {strides = array<i32>} : memref<54x128xi32, #tpu.memory_space<vmem>>, vector<1x16xi32>,
        %get3A_236 = arith.index_cast %while3A_176 : i32 to index
        %get3A_237 = arith.constant 80 : index
        %get3A_238 = tpu.vector_load %arg6[%get3A_236, %get3A_237] {strides = array<i32>} : memref<54x128xi32, #tpu.memory_space<vmem>>, vector<1x16xi32>,
        %get3A_239 = vector.shape_cast %get3A_238 : vector<1x16xi32> to vector<16xi32>
        %add3A_240 = arith.constant 1 : i32
        %add3A_241 = vector.broadcast %add3A_240 : i32 to vector<16xi32>
        %add3A_242 = arith.addi %get3A_239, %add3A_241 : vector<16xi32>
        %swap3A_243 = arith.index_cast %while3A_176 : i32 to index
        %swap3A_244 = arith.constant 80 : index
        %swap3A_245 = tpu.vector_load %arg6[%swap3A_243, %swap3A_244] {strides = array<i32>} : memref<54x128xi32, #tpu.memory_space<vmem>>, vector<1x16xi32>,
        %swap3A_246 = vector.shape_cast %swap3A_245 : vector<1x16xi32> to vector<16xi32>
        %swap3A_247 = vector.shape_cast %add3A_242 : vector<16xi32> to vector<1x16xi32>
        tpu.vector_store %arg6[%swap3A_243, %swap3A_244], %swap3A_247 {strides = array<i32>} : memref<54x128xi32, #tpu.memory_space<vmem>>, vector<1x16xi32>,
        %get3A_248 = arith.index_cast %while3A_176 : i32 to index
        %get3A_249 = arith.constant 96 : index
        %get3A_250 = tpu.vector_load %arg6[%get3A_248, %get3A_249] {strides = array<i32>} : memref<54x128xi32, #tpu.memory_space<vmem>>, vector<1x16xi32>,
        %get3A_251 = vector.shape_cast %get3A_250 : vector<1x16xi32> to vector<16xi32>
        %add3A_252 = arith.constant 1 : i32
        %add3A_253 = vector.broadcast %add3A_252 : i32 to vector<16xi32>
        %add3A_254 = arith.addi %get3A_251, %add3A_253 : vector<16xi32>
        %swap3A_255 = arith.index_cast %while3A_176 : i32 to index
        %swap3A_256 = arith.constant 96 : index
        %swap3A_257 = tpu.vector_load %arg6[%swap3A_255, %swap3A_256] {strides = array<i32>} : memref<54x128xi32, #tpu.memory_space<vmem>>, vector<1x16xi32>,
        %swap3A_258 = vector.shape_cast %swap3A_257 : vector<1x16xi32> to vector<16xi32>
        %swap3A_259 = vector.shape_cast %add3A_254 : vector<16xi32> to vector<1x16xi32>
        tpu.vector_store %arg6[%swap3A_255, %swap3A_256], %swap3A_259 {strides = array<i32>} : memref<54x128xi32, #tpu.memory_space<vmem>>, vector<1x16xi32>,
        %get3A_260 = arith.index_cast %while3A_176 : i32 to index
        %get3A_261 = arith.constant 112 : index
        %get3A_262 = tpu.vector_load %arg6[%get3A_260, %get3A_261] {strides = array<i32>} : memref<54x128xi32, #tpu.memory_space<vmem>>, vector<1x16xi32>,
        %get3A_263 = vector.shape_cast %get3A_262 : vector<1x16xi32> to vector<16xi32>
        %add3A_264 = arith.constant 1 : i32
        %add3A_265 = vector.broadcast %add3A_264 : i32 to vector<16xi32>
        %add3A_266 = arith.addi %get3A_263, %add3A_265 : vector<16xi32>
        %swap3A_267 = arith.index_cast %while3A_176 : i32 to index
        %swap3A_268 = arith.constant 112 : index
        %swap3A_269 = tpu.vector_load %arg6[%swap3A_267, %swap3A_268] {strides = array<i32>} : memref<54x128xi32, #tpu.memory_space<vmem>>, vector<1x16xi32>,
        %swap3A_270 = vector.shape_cast %swap3A_269 : vector<1x16xi32> to vector<16xi32>
        %swap3A_271 = vector.shape_cast %add3A_266 : vector<16xi32> to vector<1x16xi32>
        tpu.vector_store %arg6[%swap3A_267, %swap3A_268], %swap3A_271 {strides = array<i32>} : memref<54x128xi32, #tpu.memory_space<vmem>>, vector<1x16xi32>,
        %while3A_272 = arith.constant 0 : i32
        scf.yield %while3A_272 : i32
      }
      %sub3A_126 = arith.constant 16 : i32
      %sub3A_127 = arith.subi %select_n3A, %sub3A_126 : i32
      %while3A_128 = arith.constant 0 : i32
      %while3A_129 = arith.subi %select_n3A, %sub3A_127 : i32
      %while3A_130 = arith.addi %sub3A_127, %while3A_129 : i32
      %while3A_131 = arith.constant 1 : i32
      %while3A_132 = arith.divsi %while3A_129, %while3A_131 : i32
      %while3A_133 = arith.muli %while3A_132, %while3A_131 : i32
      %while3A_134 = arith.addi %sub3A_127, %while3A_133 : i32
      %while3A_135 = arith.constant 1 : i32
      %while3A_136 = scf.for %while3A_176 = %sub3A_127 to %while3A_134 step %while3A_135 iter_args(%while3A_177 = %while3A_128) -> (i32)  : i32 {
        %rem3A = arith.constant 16 : i32
        %rem3A_178 = arith.remsi %while3A_176, %rem3A : i32
        %dma_wait3A_179 = arith.constant 0 : i32
        %dma_wait3A_180 = arith.constant 0 : i32
        %dma_wait3A_181 = tpu.memref_slice %arg8[%rem3A_178, %dma_wait3A_179, %dma_wait3A_180] : memref<16x128x16xf32, #tpu.memory_space<vmem>> -> memref<1x128x16xf32, #tpu.memory_space<vmem>>
        %dma_wait3A_182 = tpu.memref_squeeze %dma_wait3A_181 : memref<1x128x16xf32, #tpu.memory_space<vmem>> -> memref<128x16xf32, #tpu.memory_space<vmem>>
        %dma_wait3A_183 = arith.constant 0 : i32
        %dma_wait3A_184 = tpu.memref_slice %arg7[%while3A_176, %dma_wait3A_183] : memref<54x128xi32, #tpu.memory_space<vmem>> -> memref<1x128xi32, #tpu.memory_space<vmem>>
        %dma_wait3A_185 = tpu.memref_squeeze %dma_wait3A_184 : memref<1x128xi32, #tpu.memory_space<vmem>> -> memref<128xi32, #tpu.memory_space<vmem>>
        %dma_wait3A_186 = arith.constant 0 : i32
        %dma_wait3A_187 = arith.constant 0 : i32
        %dma_wait3A_188 = tpu.memref_slice %arg10[%dma_wait3A_186, %dma_wait3A_187] : memref<81920x16xf32, #tpu.memory_space<vmem_shared>> -> memref<81920x16xf32, #tpu.memory_space<vmem_shared>>
        tpu.wait_indirect_dma semaphore(%arg12 : memref<!tpu.dma_semaphore, #tpu.memory_space<semaphore_mem>>) src(%dma_wait3A_182 : memref<128x16xf32, #tpu.memory_space<vmem>>) dst(%dma_wait3A_188 : memref<81920x16xf32, #tpu.memory_space<vmem_shared>>)
        %while3A_189 = arith.constant 0 : i32
        scf.yield %while3A_189 : i32
      }
      %while3A_137 = arith.constant 1 : i32
      %while3A_138 = scf.for %while3A_176 = %while3A_134 to %while3A_130 step %while3A_137 iter_args(%while3A_177 = %while3A_136) -> (i32)  : i32 {
        %rem3A = arith.constant 16 : i32
        %rem3A_178 = arith.remsi %while3A_176, %rem3A : i32
        %dma_wait3A_179 = arith.constant 0 : i32
        %dma_wait3A_180 = arith.constant 0 : i32
        %dma_wait3A_181 = tpu.memref_slice %arg8[%rem3A_178, %dma_wait3A_179, %dma_wait3A_180] : memref<16x128x16xf32, #tpu.memory_space<vmem>> -> memref<1x128x16xf32, #tpu.memory_space<vmem>>
        %dma_wait3A_182 = tpu.memref_squeeze %dma_wait3A_181 : memref<1x128x16xf32, #tpu.memory_space<vmem>> -> memref<128x16xf32, #tpu.memory_space<vmem>>
        %dma_wait3A_183 = arith.constant 0 : i32
        %dma_wait3A_184 = tpu.memref_slice %arg7[%while3A_176, %dma_wait3A_183] : memref<54x128xi32, #tpu.memory_space<vmem>> -> memref<1x128xi32, #tpu.memory_space<vmem>>
        %dma_wait3A_185 = tpu.memref_squeeze %dma_wait3A_184 : memref<1x128xi32, #tpu.memory_space<vmem>> -> memref<128xi32, #tpu.memory_space<vmem>>
        %dma_wait3A_186 = arith.constant 0 : i32
        %dma_wait3A_187 = arith.constant 0 : i32
        %dma_wait3A_188 = tpu.memref_slice %arg10[%dma_wait3A_186, %dma_wait3A_187] : memref<81920x16xf32, #tpu.memory_space<vmem_shared>> -> memref<81920x16xf32, #tpu.memory_space<vmem_shared>>
        tpu.wait_indirect_dma semaphore(%arg12 : memref<!tpu.dma_semaphore, #tpu.memory_space<semaphore_mem>>) src(%dma_wait3A_182 : memref<128x16xf32, #tpu.memory_space<vmem>>) dst(%dma_wait3A_188 : memref<81920x16xf32, #tpu.memory_space<vmem_shared>>)
        %while3A_189 = arith.constant 0 : i32
        scf.yield %while3A_189 : i32
      }
      %barrier3A_139 = arith.constant 0 : index
      tpu.barrier barrier_id(%barrier3A_139)
      %add3A_140 = arith.constant 0 : i32
      %add3A_141 = arith.addi %mul3A_10, %add3A_140 : i32
      %add3A_142 = arith.constant 0 : i32
      %add3A_143 = arith.addi %mul3A_10, %add3A_142 : i32
      %dma_start3A = arith.constant 0 : i32
      %dma_start3A_144 = tpu.memref_slice %arg5[%arg0, %add3A_143, %scan3A_57, %dma_start3A] : memref<2x81920x16x16xf32, #tpu.memory_space<hbm>> -> memref<1x1280x1x16xf32, #tpu.memory_space<hbm>>
      %dma_start3A_145 = tpu.memref_squeeze %dma_start3A_144 : memref<1x1280x1x16xf32, #tpu.memory_space<hbm>> -> memref<1280x16xf32, #tpu.memory_space<hbm>>
      %dma_start3A_146 = arith.constant 0 : i32
      %dma_start3A_147 = tpu.memref_slice %arg10[%add3A_141, %dma_start3A_146] : memref<81920x16xf32, #tpu.memory_space<vmem_shared>> -> memref<1280x16xf32, #tpu.memory_space<vmem_shared>>
      tpu.enqueue_dma source(%dma_start3A_147 : memref<1280x16xf32, #tpu.memory_space<vmem_shared>>) target(%dma_start3A_145 : memref<1280x16xf32, #tpu.memory_space<hbm>>) target_semaphore(%arg13 : memref<!tpu.dma_semaphore, #tpu.memory_space<semaphore_mem>>)
      %add3A_148 = arith.constant 1280 : i32
      %add3A_149 = arith.addi %mul3A_10, %add3A_148 : i32
      %add3A_150 = arith.constant 1280 : i32
      %add3A_151 = arith.addi %mul3A_10, %add3A_150 : i32
      %dma_start3A_152 = arith.constant 0 : i32
      %dma_start3A_153 = tpu.memref_slice %arg5[%arg0, %add3A_151, %scan3A_57, %dma_start3A_152] : memref<2x81920x16x16xf32, #tpu.memory_space<hbm>> -> memref<1x1280x1x16xf32, #tpu.memory_space<hbm>>
      %dma_start3A_154 = tpu.memref_squeeze %dma_start3A_153 : memref<1x1280x1x16xf32, #tpu.memory_space<hbm>> -> memref<1280x16xf32, #tpu.memory_space<hbm>>
      %dma_start3A_155 = arith.constant 0 : i32
      %dma_start3A_156 = tpu.memref_slice %arg10[%add3A_149, %dma_start3A_155] : memref<81920x16xf32, #tpu.memory_space<vmem_shared>> -> memref<1280x16xf32, #tpu.memory_space<vmem_shared>>
      tpu.enqueue_dma source(%dma_start3A_156 : memref<1280x16xf32, #tpu.memory_space<vmem_shared>>) target(%dma_start3A_154 : memref<1280x16xf32, #tpu.memory_space<hbm>>) target_semaphore(%arg13 : memref<!tpu.dma_semaphore, #tpu.memory_space<semaphore_mem>>)
      %add3A_157 = arith.constant 2560 : i32
      %add3A_158 = arith.addi %mul3A_10, %add3A_157 : i32
      %add3A_159 = arith.constant 2560 : i32
      %add3A_160 = arith.addi %mul3A_10, %add3A_159 : i32
      %dma_start3A_161 = arith.constant 0 : i32
      %dma_start3A_162 = tpu.memref_slice %arg5[%arg0, %add3A_160, %scan3A_57, %dma_start3A_161] : memref<2x81920x16x16xf32, #tpu.memory_space<hbm>> -> memref<1x1280x1x16xf32, #tpu.memory_space<hbm>>
      %dma_start3A_163 = tpu.memref_squeeze %dma_start3A_162 : memref<1x1280x1x16xf32, #tpu.memory_space<hbm>> -> memref<1280x16xf32, #tpu.memory_space<hbm>>
      %dma_start3A_164 = arith.constant 0 : i32
      %dma_start3A_165 = tpu.memref_slice %arg10[%add3A_158, %dma_start3A_164] : memref<81920x16xf32, #tpu.memory_space<vmem_shared>> -> memref<1280x16xf32, #tpu.memory_space<vmem_shared>>
      tpu.enqueue_dma source(%dma_start3A_165 : memref<1280x16xf32, #tpu.memory_space<vmem_shared>>) target(%dma_start3A_163 : memref<1280x16xf32, #tpu.memory_space<hbm>>) target_semaphore(%arg13 : memref<!tpu.dma_semaphore, #tpu.memory_space<semaphore_mem>>)
      %add3A_166 = arith.constant 3840 : i32
      %add3A_167 = arith.addi %mul3A_10, %add3A_166 : i32
      %add3A_168 = arith.constant 3840 : i32
      %add3A_169 = arith.addi %mul3A_10, %add3A_168 : i32
      %dma_start3A_170 = arith.constant 0 : i32
      %dma_start3A_171 = tpu.memref_slice %arg5[%arg0, %add3A_169, %scan3A_57, %dma_start3A_170] : memref<2x81920x16x16xf32, #tpu.memory_space<hbm>> -> memref<1x1280x1x16xf32, #tpu.memory_space<hbm>>
      %dma_start3A_172 = tpu.memref_squeeze %dma_start3A_171 : memref<1x1280x1x16xf32, #tpu.memory_space<hbm>> -> memref<1280x16xf32, #tpu.memory_space<hbm>>
      %dma_start3A_173 = arith.constant 0 : i32
      %dma_start3A_174 = tpu.memref_slice %arg10[%add3A_167, %dma_start3A_173] : memref<81920x16xf32, #tpu.memory_space<vmem_shared>> -> memref<1280x16xf32, #tpu.memory_space<vmem_shared>>
      tpu.enqueue_dma source(%dma_start3A_174 : memref<1280x16xf32, #tpu.memory_space<vmem_shared>>) target(%dma_start3A_172 : memref<1280x16xf32, #tpu.memory_space<hbm>>) target_semaphore(%arg13 : memref<!tpu.dma_semaphore, #tpu.memory_space<semaphore_mem>>)
      %scan3A_175 = arith.constant 0 : i32
      scf.yield %scan3A_175 : i32
    }
    %scan3A_17 = arith.constant 16 : i32
    %add3A_18 = arith.constant 0 : i32
    %add3A_19 = arith.addi %mul3A_10, %add3A_18 : i32
    %add3A_20 = arith.constant 0 : i32
    %add3A_21 = arith.addi %mul3A_10, %add3A_20 : i32
    %dma_wait3A = arith.constant 15 : i32
    %dma_wait3A_22 = arith.constant 0 : i32
    %dma_wait3A_23 = tpu.memref_slice %arg5[%arg0, %add3A_21, %dma_wait3A, %dma_wait3A_22] : memref<2x81920x16x16xf32, #tpu.memory_space<hbm>> -> memref<1x1280x1x16xf32, #tpu.memory_space<hbm>>
    %dma_wait3A_24 = tpu.memref_squeeze %dma_wait3A_23 : memref<1x1280x1x16xf32, #tpu.memory_space<hbm>> -> memref<1280x16xf32, #tpu.memory_space<hbm>>
    %dma_wait3A_25 = arith.constant 0 : i32
    %dma_wait3A_26 = tpu.memref_slice %arg10[%add3A_19, %dma_wait3A_25] : memref<81920x16xf32, #tpu.memory_space<vmem_shared>> -> memref<1280x16xf32, #tpu.memory_space<vmem_shared>>
    tpu.wait_dma2 semaphore(%arg13 : memref<!tpu.dma_semaphore, #tpu.memory_space<semaphore_mem>>) src(%dma_wait3A_26 : memref<1280x16xf32, #tpu.memory_space<vmem_shared>>) dst(%dma_wait3A_24 : memref<1280x16xf32, #tpu.memory_space<hbm>>)
    %add3A_27 = arith.constant 1280 : i32
    %add3A_28 = arith.addi %mul3A_10, %add3A_27 : i32
    %add3A_29 = arith.constant 1280 : i32
    %add3A_30 = arith.addi %mul3A_10, %add3A_29 : i32
    %dma_wait3A_31 = arith.constant 15 : i32
    %dma_wait3A_32 = arith.constant 0 : i32
    %dma_wait3A_33 = tpu.memref_slice %arg5[%arg0, %add3A_30, %dma_wait3A_31, %dma_wait3A_32] : memref<2x81920x16x16xf32, #tpu.memory_space<hbm>> -> memref<1x1280x1x16xf32, #tpu.memory_space<hbm>>
    %dma_wait3A_34 = tpu.memref_squeeze %dma_wait3A_33 : memref<1x1280x1x16xf32, #tpu.memory_space<hbm>> -> memref<1280x16xf32, #tpu.memory_space<hbm>>
    %dma_wait3A_35 = arith.constant 0 : i32
    %dma_wait3A_36 = tpu.memref_slice %arg10[%add3A_28, %dma_wait3A_35] : memref<81920x16xf32, #tpu.memory_space<vmem_shared>> -> memref<1280x16xf32, #tpu.memory_space<vmem_shared>>
    tpu.wait_dma2 semaphore(%arg13 : memref<!tpu.dma_semaphore, #tpu.memory_space<semaphore_mem>>) src(%dma_wait3A_36 : memref<1280x16xf32, #tpu.memory_space<vmem_shared>>) dst(%dma_wait3A_34 : memref<1280x16xf32, #tpu.memory_space<hbm>>)
    %add3A_37 = arith.constant 2560 : i32
    %add3A_38 = arith.addi %mul3A_10, %add3A_37 : i32
    %add3A_39 = arith.constant 2560 : i32
    %add3A_40 = arith.addi %mul3A_10, %add3A_39 : i32
    %dma_wait3A_41 = arith.constant 15 : i32
    %dma_wait3A_42 = arith.constant 0 : i32
    %dma_wait3A_43 = tpu.memref_slice %arg5[%arg0, %add3A_40, %dma_wait3A_41, %dma_wait3A_42] : memref<2x81920x16x16xf32, #tpu.memory_space<hbm>> -> memref<1x1280x1x16xf32, #tpu.memory_space<hbm>>
    %dma_wait3A_44 = tpu.memref_squeeze %dma_wait3A_43 : memref<1x1280x1x16xf32, #tpu.memory_space<hbm>> -> memref<1280x16xf32, #tpu.memory_space<hbm>>
    %dma_wait3A_45 = arith.constant 0 : i32
    %dma_wait3A_46 = tpu.memref_slice %arg10[%add3A_38, %dma_wait3A_45] : memref<81920x16xf32, #tpu.memory_space<vmem_shared>> -> memref<1280x16xf32, #tpu.memory_space<vmem_shared>>
    tpu.wait_dma2 semaphore(%arg13 : memref<!tpu.dma_semaphore, #tpu.memory_space<semaphore_mem>>) src(%dma_wait3A_46 : memref<1280x16xf32, #tpu.memory_space<vmem_shared>>) dst(%dma_wait3A_44 : memref<1280x16xf32, #tpu.memory_space<hbm>>)
    %add3A_47 = arith.constant 3840 : i32
    %add3A_48 = arith.addi %mul3A_10, %add3A_47 : i32
    %add3A_49 = arith.constant 3840 : i32
    %add3A_50 = arith.addi %mul3A_10, %add3A_49 : i32
    %dma_wait3A_51 = arith.constant 15 : i32
    %dma_wait3A_52 = arith.constant 0 : i32
    %dma_wait3A_53 = tpu.memref_slice %arg5[%arg0, %add3A_50, %dma_wait3A_51, %dma_wait3A_52] : memref<2x81920x16x16xf32, #tpu.memory_space<hbm>> -> memref<1x1280x1x16xf32, #tpu.memory_space<hbm>>
    %dma_wait3A_54 = tpu.memref_squeeze %dma_wait3A_53 : memref<1x1280x1x16xf32, #tpu.memory_space<hbm>> -> memref<1280x16xf32, #tpu.memory_space<hbm>>
    %dma_wait3A_55 = arith.constant 0 : i32
    %dma_wait3A_56 = tpu.memref_slice %arg10[%add3A_48, %dma_wait3A_55] : memref<81920x16xf32, #tpu.memory_space<vmem_shared>> -> memref<1280x16xf32, #tpu.memory_space<vmem_shared>>
    tpu.wait_dma2 semaphore(%arg13 : memref<!tpu.dma_semaphore, #tpu.memory_space<semaphore_mem>>) src(%dma_wait3A_56 : memref<1280x16xf32, #tpu.memory_space<vmem_shared>>) dst(%dma_wait3A_54 : memref<1280x16xf32, #tpu.memory_space<hbm>>)
    return
  }
}

module attributes {stable_mosaic.version = 14 : i64} {
  func.func @_dense_body(%arg0: i32, %arg1: memref<8x4xf32, #tpu.memory_space<smem>>, %arg2: memref<512x256xf32, #tpu.memory_space<vmem>>, %arg3: memref<2x8x512x256xf32, #tpu.memory_space<vmem>>, %arg4: memref<2x8x512x16xf32, #tpu.memory_space<vmem>>, %arg5: memref<256x256xf32, #tpu.memory_space<vmem>>, %arg6: memref<4x256x256xf32, #tpu.memory_space<vmem>>, %arg7: memref<1x256xf32, #tpu.memory_space<vmem>>, %arg8: memref<1x256xf32, #tpu.memory_space<vmem>>, %arg9: memref<1x256xf32, #tpu.memory_space<vmem>>, %arg10: memref<512x256xf32, #tpu.memory_space<vmem>>) attributes {dimension_semantics = [#tpu.dimension_semantics<arbitrary>], iteration_bounds = array<i64: 20>, scalar_prefetch = 0 : i64, scratch_operands = 0 : i64, tpu.core_type = #tpu.core_type<tc>, window_params = [{transform_indices = @transform_0, window_bounds = array<i64: 8, 4>}, {transform_indices = @transform_1, window_bounds = array<i64: 512, 256>}, {transform_indices = @transform_2, window_bounds = array<i64: 2, 8, 512, 256>}, {transform_indices = @transform_3, window_bounds = array<i64: 2, 8, 512, 16>}, {pipeline_mode = #tpu.pipeline_mode<synchronous>, transform_indices = @transform_4, window_bounds = array<i64: 256, 256>}, {pipeline_mode = #tpu.pipeline_mode<synchronous>, transform_indices = @transform_5, window_bounds = array<i64: 4, 256, 256>}, {pipeline_mode = #tpu.pipeline_mode<synchronous>, transform_indices = @transform_6, window_bounds = array<i64: 1, 256>}, {pipeline_mode = #tpu.pipeline_mode<synchronous>, transform_indices = @transform_7, window_bounds = array<i64: 1, 256>}, {pipeline_mode = #tpu.pipeline_mode<synchronous>, transform_indices = @transform_8, window_bounds = array<i64: 1, 256>}, {transform_indices = @transform_9, window_bounds = array<i64: 512, 256>}]} {
    %get3A = arith.constant 0 : index
    %get3A_0 = arith.constant 0 : index
    %get3A_1 = vector.load %arg2[%get3A, %get3A_0] : memref<512x256xf32, #tpu.memory_space<vmem>>, vector<512x256xf32>
    %get3A_2 = arith.constant 0 : index
    %get3A_3 = arith.constant 0 : index
    %get3A_4 = vector.load %arg5[%get3A_2, %get3A_3] : memref<256x256xf32, #tpu.memory_space<vmem>>, vector<256x256xf32>
    %dot_general3A = arith.constant dense<0.000000e+00> : vector<512x256xf32>
    %dot_general3A_5 = tpu.matmul %get3A_1, %get3A_4, %dot_general3A {dimension_numbers = #tpu.dot_dimension_numbers<[1], [0], [0], [1], [0, 0, 1, 1], [], []>, transpose_lhs_hint = false} : vector<512x256xf32>, vector<256x256xf32>, vector<512x256xf32> -> vector<512x256xf32>
    %get3A_6 = arith.constant 0 : index
    %get3A_7 = arith.constant 0 : index
    %get3A_8 = vector.load %arg7[%get3A_6, %get3A_7] : memref<1x256xf32, #tpu.memory_space<vmem>>, vector<1x256xf32>
    %add3A = vector.broadcast %get3A_8 : vector<1x256xf32> to vector<512x256xf32>
    %add3A_9 = arith.addf %dot_general3A_5, %add3A : vector<512x256xf32>
    %get3A_10 = arith.constant 0 : index
    %get3A_11 = arith.constant 0 : index
    %get3A_12 = arith.constant 0 : index
    %get3A_13 = arith.constant 0 : index
    %get3A_14 = vector.load %arg4[%get3A_10, %get3A_11, %get3A_12, %get3A_13] : memref<2x8x512x16xf32, #tpu.memory_space<vmem>>, vector<1x8x512x16xf32>
    %get3A_15 = vector.shape_cast %get3A_14 : vector<1x8x512x16xf32> to vector<8x512x16xf32>
    %get3A_16 = arith.constant 1 : index
    %get3A_17 = arith.constant 0 : index
    %get3A_18 = arith.constant 0 : index
    %get3A_19 = arith.constant 0 : index
    %get3A_20 = vector.load %arg4[%get3A_16, %get3A_17, %get3A_18, %get3A_19] : memref<2x8x512x16xf32, #tpu.memory_space<vmem>>, vector<1x8x512x16xf32>
    %get3A_21 = vector.shape_cast %get3A_20 : vector<1x8x512x16xf32> to vector<8x512x16xf32>
    %add3A_22 = arith.addf %get3A_15, %get3A_21 : vector<8x512x16xf32>
    %slice3A = vector.extract_strided_slice %add3A_22 {offsets = [0, 0, 0], sizes = [8, 512, 1], strides = [1, 1, 1]} : vector<8x512x16xf32> to vector<8x512x1xf32>
    %jit3A = arith.constant 1.000000e+00 : f32
    %max3A = vector.broadcast %jit3A : f32 to vector<8x512x1xf32>
    %max3A_23 = arith.maximumf %max3A, %slice3A : vector<8x512x1xf32>
    %div3A = arith.constant 1.000000e+00 : f32
    %div3A_24 = vector.broadcast %div3A : f32 to vector<8x512x1xf32>
    %div3A_25 = arith.divf %div3A_24, %max3A_23 : vector<8x512x1xf32>
    %get3A_26 = arith.constant 0 : index
    %get3A_27 = arith.constant 0 : index
    %get3A_28 = arith.constant 0 : index
    %get3A_29 = arith.constant 0 : index
    %get3A_30 = vector.load %arg3[%get3A_26, %get3A_27, %get3A_28, %get3A_29] : memref<2x8x512x256xf32, #tpu.memory_space<vmem>>, vector<1x8x512x256xf32>
    %get3A_31 = vector.shape_cast %get3A_30 : vector<1x8x512x256xf32> to vector<8x512x256xf32>
    %get3A_32 = arith.constant 1 : index
    %get3A_33 = arith.constant 0 : index
    %get3A_34 = arith.constant 0 : index
    %get3A_35 = arith.constant 0 : index
    %get3A_36 = vector.load %arg3[%get3A_32, %get3A_33, %get3A_34, %get3A_35] : memref<2x8x512x256xf32, #tpu.memory_space<vmem>>, vector<1x8x512x256xf32>
    %get3A_37 = vector.shape_cast %get3A_36 : vector<1x8x512x256xf32> to vector<8x512x256xf32>
    %add3A_38 = arith.addf %get3A_31, %get3A_37 : vector<8x512x256xf32>
    %slice3A_39 = vector.extract_strided_slice %add3A_38 {offsets = [0, 0, 0], sizes = [1, 512, 256], strides = [1, 1, 1]} : vector<8x512x256xf32> to vector<1x512x256xf32>
    %squeeze3A = vector.shape_cast %slice3A_39 : vector<1x512x256xf32> to vector<512x256xf32>
    %slice3A_40 = vector.extract_strided_slice %div3A_25 {offsets = [0, 0, 0], sizes = [1, 512, 1], strides = [1, 1, 1]} : vector<8x512x1xf32> to vector<1x512x1xf32>
    %squeeze3A_41 = vector.shape_cast %slice3A_40 : vector<1x512x1xf32> to vector<512x1xf32>
    %mul3A = vector.broadcast %squeeze3A_41 : vector<512x1xf32> to vector<512x256xf32>
    %mul3A_42 = arith.mulf %squeeze3A, %mul3A : vector<512x256xf32>
    %slice3A_43 = vector.extract_strided_slice %add3A_38 {offsets = [1, 0, 0], sizes = [1, 512, 256], strides = [1, 1, 1]} : vector<8x512x256xf32> to vector<1x512x256xf32>
    %squeeze3A_44 = vector.shape_cast %slice3A_43 : vector<1x512x256xf32> to vector<512x256xf32>
    %slice3A_45 = vector.extract_strided_slice %div3A_25 {offsets = [1, 0, 0], sizes = [1, 512, 1], strides = [1, 1, 1]} : vector<8x512x1xf32> to vector<1x512x1xf32>
    %squeeze3A_46 = vector.shape_cast %slice3A_45 : vector<1x512x1xf32> to vector<512x1xf32>
    %mul3A_47 = vector.broadcast %squeeze3A_46 : vector<512x1xf32> to vector<512x256xf32>
    %mul3A_48 = arith.mulf %squeeze3A_44, %mul3A_47 : vector<512x256xf32>
    %slice3A_49 = vector.extract_strided_slice %add3A_38 {offsets = [2, 0, 0], sizes = [1, 512, 256], strides = [1, 1, 1]} : vector<8x512x256xf32> to vector<1x512x256xf32>
    %squeeze3A_50 = vector.shape_cast %slice3A_49 : vector<1x512x256xf32> to vector<512x256xf32>
    %slice3A_51 = vector.extract_strided_slice %div3A_25 {offsets = [2, 0, 0], sizes = [1, 512, 1], strides = [1, 1, 1]} : vector<8x512x1xf32> to vector<1x512x1xf32>
    %squeeze3A_52 = vector.shape_cast %slice3A_51 : vector<1x512x1xf32> to vector<512x1xf32>
    %mul3A_53 = vector.broadcast %squeeze3A_52 : vector<512x1xf32> to vector<512x256xf32>
    %mul3A_54 = arith.mulf %squeeze3A_50, %mul3A_53 : vector<512x256xf32>
    %slice3A_55 = vector.extract_strided_slice %add3A_38 {offsets = [3, 0, 0], sizes = [1, 512, 256], strides = [1, 1, 1]} : vector<8x512x256xf32> to vector<1x512x256xf32>
    %squeeze3A_56 = vector.shape_cast %slice3A_55 : vector<1x512x256xf32> to vector<512x256xf32>
    %slice3A_57 = vector.extract_strided_slice %div3A_25 {offsets = [3, 0, 0], sizes = [1, 512, 1], strides = [1, 1, 1]} : vector<8x512x1xf32> to vector<1x512x1xf32>
    %squeeze3A_58 = vector.shape_cast %slice3A_57 : vector<1x512x1xf32> to vector<512x1xf32>
    %mul3A_59 = vector.broadcast %squeeze3A_58 : vector<512x1xf32> to vector<512x256xf32>
    %mul3A_60 = arith.mulf %squeeze3A_56, %mul3A_59 : vector<512x256xf32>
    %slice3A_61 = vector.extract_strided_slice %add3A_38 {offsets = [4, 0, 0], sizes = [1, 512, 256], strides = [1, 1, 1]} : vector<8x512x256xf32> to vector<1x512x256xf32>
    %squeeze3A_62 = vector.shape_cast %slice3A_61 : vector<1x512x256xf32> to vector<512x256xf32>
    %slice3A_63 = vector.extract_strided_slice %div3A_25 {offsets = [4, 0, 0], sizes = [1, 512, 1], strides = [1, 1, 1]} : vector<8x512x1xf32> to vector<1x512x1xf32>
    %squeeze3A_64 = vector.shape_cast %slice3A_63 : vector<1x512x1xf32> to vector<512x1xf32>
    %mul3A_65 = vector.broadcast %squeeze3A_64 : vector<512x1xf32> to vector<512x256xf32>
    %mul3A_66 = arith.mulf %squeeze3A_62, %mul3A_65 : vector<512x256xf32>
    %slice3A_67 = vector.extract_strided_slice %add3A_38 {offsets = [5, 0, 0], sizes = [1, 512, 256], strides = [1, 1, 1]} : vector<8x512x256xf32> to vector<1x512x256xf32>
    %squeeze3A_68 = vector.shape_cast %slice3A_67 : vector<1x512x256xf32> to vector<512x256xf32>
    %slice3A_69 = vector.extract_strided_slice %div3A_25 {offsets = [5, 0, 0], sizes = [1, 512, 1], strides = [1, 1, 1]} : vector<8x512x1xf32> to vector<1x512x1xf32>
    %squeeze3A_70 = vector.shape_cast %slice3A_69 : vector<1x512x1xf32> to vector<512x1xf32>
    %mul3A_71 = vector.broadcast %squeeze3A_70 : vector<512x1xf32> to vector<512x256xf32>
    %mul3A_72 = arith.mulf %squeeze3A_68, %mul3A_71 : vector<512x256xf32>
    %slice3A_73 = vector.extract_strided_slice %add3A_38 {offsets = [6, 0, 0], sizes = [1, 512, 256], strides = [1, 1, 1]} : vector<8x512x256xf32> to vector<1x512x256xf32>
    %squeeze3A_74 = vector.shape_cast %slice3A_73 : vector<1x512x256xf32> to vector<512x256xf32>
    %slice3A_75 = vector.extract_strided_slice %div3A_25 {offsets = [6, 0, 0], sizes = [1, 512, 1], strides = [1, 1, 1]} : vector<8x512x1xf32> to vector<1x512x1xf32>
    %squeeze3A_76 = vector.shape_cast %slice3A_75 : vector<1x512x1xf32> to vector<512x1xf32>
    %mul3A_77 = vector.broadcast %squeeze3A_76 : vector<512x1xf32> to vector<512x256xf32>
    %mul3A_78 = arith.mulf %squeeze3A_74, %mul3A_77 : vector<512x256xf32>
    %slice3A_79 = vector.extract_strided_slice %add3A_38 {offsets = [7, 0, 0], sizes = [1, 512, 256], strides = [1, 1, 1]} : vector<8x512x256xf32> to vector<1x512x256xf32>
    %squeeze3A_80 = vector.shape_cast %slice3A_79 : vector<1x512x256xf32> to vector<512x256xf32>
    %slice3A_81 = vector.extract_strided_slice %div3A_25 {offsets = [7, 0, 0], sizes = [1, 512, 1], strides = [1, 1, 1]} : vector<8x512x1xf32> to vector<1x512x1xf32>
    %squeeze3A_82 = vector.shape_cast %slice3A_81 : vector<1x512x1xf32> to vector<512x1xf32>
    %mul3A_83 = vector.broadcast %squeeze3A_82 : vector<512x1xf32> to vector<512x256xf32>
    %mul3A_84 = arith.mulf %squeeze3A_80, %mul3A_83 : vector<512x256xf32>
    %get3A_85 = arith.constant 0 : index
    %get3A_86 = arith.constant 0 : index
    %get3A_87 = memref.load %arg1[%get3A_85, %get3A_86] : memref<8x4xf32, #tpu.memory_space<smem>>
    %mul3A_88 = vector.broadcast %get3A_87 : f32 to vector<512x256xf32>
    %mul3A_89 = arith.mulf %mul3A_42, %mul3A_88 : vector<512x256xf32>
    %get3A_90 = arith.constant 1 : index
    %get3A_91 = arith.constant 0 : index
    %get3A_92 = memref.load %arg1[%get3A_90, %get3A_91] : memref<8x4xf32, #tpu.memory_space<smem>>
    %mul3A_93 = vector.broadcast %get3A_92 : f32 to vector<512x256xf32>
    %mul3A_94 = arith.mulf %mul3A_48, %mul3A_93 : vector<512x256xf32>
    %add3A_95 = arith.addf %mul3A_89, %mul3A_94 : vector<512x256xf32>
    %get3A_96 = arith.constant 2 : index
    %get3A_97 = arith.constant 0 : index
    %get3A_98 = memref.load %arg1[%get3A_96, %get3A_97] : memref<8x4xf32, #tpu.memory_space<smem>>
    %mul3A_99 = vector.broadcast %get3A_98 : f32 to vector<512x256xf32>
    %mul3A_100 = arith.mulf %mul3A_54, %mul3A_99 : vector<512x256xf32>
    %add3A_101 = arith.addf %add3A_95, %mul3A_100 : vector<512x256xf32>
    %get3A_102 = arith.constant 3 : index
    %get3A_103 = arith.constant 0 : index
    %get3A_104 = memref.load %arg1[%get3A_102, %get3A_103] : memref<8x4xf32, #tpu.memory_space<smem>>
    %mul3A_105 = vector.broadcast %get3A_104 : f32 to vector<512x256xf32>
    %mul3A_106 = arith.mulf %mul3A_60, %mul3A_105 : vector<512x256xf32>
    %add3A_107 = arith.addf %add3A_101, %mul3A_106 : vector<512x256xf32>
    %get3A_108 = arith.constant 4 : index
    %get3A_109 = arith.constant 0 : index
    %get3A_110 = memref.load %arg1[%get3A_108, %get3A_109] : memref<8x4xf32, #tpu.memory_space<smem>>
    %mul3A_111 = vector.broadcast %get3A_110 : f32 to vector<512x256xf32>
    %mul3A_112 = arith.mulf %mul3A_66, %mul3A_111 : vector<512x256xf32>
    %add3A_113 = arith.addf %add3A_107, %mul3A_112 : vector<512x256xf32>
    %get3A_114 = arith.constant 5 : index
    %get3A_115 = arith.constant 0 : index
    %get3A_116 = memref.load %arg1[%get3A_114, %get3A_115] : memref<8x4xf32, #tpu.memory_space<smem>>
    %mul3A_117 = vector.broadcast %get3A_116 : f32 to vector<512x256xf32>
    %mul3A_118 = arith.mulf %mul3A_72, %mul3A_117 : vector<512x256xf32>
    %add3A_119 = arith.addf %add3A_113, %mul3A_118 : vector<512x256xf32>
    %get3A_120 = arith.constant 6 : index
    %get3A_121 = arith.constant 0 : index
    %get3A_122 = memref.load %arg1[%get3A_120, %get3A_121] : memref<8x4xf32, #tpu.memory_space<smem>>
    %mul3A_123 = vector.broadcast %get3A_122 : f32 to vector<512x256xf32>
    %mul3A_124 = arith.mulf %mul3A_78, %mul3A_123 : vector<512x256xf32>
    %add3A_125 = arith.addf %add3A_119, %mul3A_124 : vector<512x256xf32>
    %get3A_126 = arith.constant 7 : index
    %get3A_127 = arith.constant 0 : index
    %get3A_128 = memref.load %arg1[%get3A_126, %get3A_127] : memref<8x4xf32, #tpu.memory_space<smem>>
    %mul3A_129 = vector.broadcast %get3A_128 : f32 to vector<512x256xf32>
    %mul3A_130 = arith.mulf %mul3A_84, %mul3A_129 : vector<512x256xf32>
    %add3A_131 = arith.addf %add3A_125, %mul3A_130 : vector<512x256xf32>
    %get3A_132 = arith.constant 0 : index
    %get3A_133 = arith.constant 0 : index
    %get3A_134 = arith.constant 0 : index
    %get3A_135 = vector.load %arg6[%get3A_132, %get3A_133, %get3A_134] : memref<4x256x256xf32, #tpu.memory_space<vmem>>, vector<1x256x256xf32>
    %get3A_136 = vector.shape_cast %get3A_135 : vector<1x256x256xf32> to vector<256x256xf32>
    %dot_general3A_137 = arith.constant dense<0.000000e+00> : vector<512x256xf32>
    %dot_general3A_138 = tpu.matmul %add3A_131, %get3A_136, %dot_general3A_137 {dimension_numbers = #tpu.dot_dimension_numbers<[1], [0], [0], [1], [0, 0, 1, 1], [], []>, transpose_lhs_hint = false} : vector<512x256xf32>, vector<256x256xf32>, vector<512x256xf32> -> vector<512x256xf32>
    %add3A_139 = arith.addf %add3A_9, %dot_general3A_138 : vector<512x256xf32>
    %get3A_140 = arith.constant 0 : index
    %get3A_141 = arith.constant 1 : index
    %get3A_142 = memref.load %arg1[%get3A_140, %get3A_141] : memref<8x4xf32, #tpu.memory_space<smem>>
    %mul3A_143 = vector.broadcast %get3A_142 : f32 to vector<512x256xf32>
    %mul3A_144 = arith.mulf %mul3A_42, %mul3A_143 : vector<512x256xf32>
    %get3A_145 = arith.constant 1 : index
    %get3A_146 = arith.constant 1 : index
    %get3A_147 = memref.load %arg1[%get3A_145, %get3A_146] : memref<8x4xf32, #tpu.memory_space<smem>>
    %mul3A_148 = vector.broadcast %get3A_147 : f32 to vector<512x256xf32>
    %mul3A_149 = arith.mulf %mul3A_48, %mul3A_148 : vector<512x256xf32>
    %add3A_150 = arith.addf %mul3A_144, %mul3A_149 : vector<512x256xf32>
    %get3A_151 = arith.constant 2 : index
    %get3A_152 = arith.constant 1 : index
    %get3A_153 = memref.load %arg1[%get3A_151, %get3A_152] : memref<8x4xf32, #tpu.memory_space<smem>>
    %mul3A_154 = vector.broadcast %get3A_153 : f32 to vector<512x256xf32>
    %mul3A_155 = arith.mulf %mul3A_54, %mul3A_154 : vector<512x256xf32>
    %add3A_156 = arith.addf %add3A_150, %mul3A_155 : vector<512x256xf32>
    %get3A_157 = arith.constant 3 : index
    %get3A_158 = arith.constant 1 : index
    %get3A_159 = memref.load %arg1[%get3A_157, %get3A_158] : memref<8x4xf32, #tpu.memory_space<smem>>
    %mul3A_160 = vector.broadcast %get3A_159 : f32 to vector<512x256xf32>
    %mul3A_161 = arith.mulf %mul3A_60, %mul3A_160 : vector<512x256xf32>
    %add3A_162 = arith.addf %add3A_156, %mul3A_161 : vector<512x256xf32>
    %get3A_163 = arith.constant 4 : index
    %get3A_164 = arith.constant 1 : index
    %get3A_165 = memref.load %arg1[%get3A_163, %get3A_164] : memref<8x4xf32, #tpu.memory_space<smem>>
    %mul3A_166 = vector.broadcast %get3A_165 : f32 to vector<512x256xf32>
    %mul3A_167 = arith.mulf %mul3A_66, %mul3A_166 : vector<512x256xf32>
    %add3A_168 = arith.addf %add3A_162, %mul3A_167 : vector<512x256xf32>
    %get3A_169 = arith.constant 5 : index
    %get3A_170 = arith.constant 1 : index
    %get3A_171 = memref.load %arg1[%get3A_169, %get3A_170] : memref<8x4xf32, #tpu.memory_space<smem>>
    %mul3A_172 = vector.broadcast %get3A_171 : f32 to vector<512x256xf32>
    %mul3A_173 = arith.mulf %mul3A_72, %mul3A_172 : vector<512x256xf32>
    %add3A_174 = arith.addf %add3A_168, %mul3A_173 : vector<512x256xf32>
    %get3A_175 = arith.constant 6 : index
    %get3A_176 = arith.constant 1 : index
    %get3A_177 = memref.load %arg1[%get3A_175, %get3A_176] : memref<8x4xf32, #tpu.memory_space<smem>>
    %mul3A_178 = vector.broadcast %get3A_177 : f32 to vector<512x256xf32>
    %mul3A_179 = arith.mulf %mul3A_78, %mul3A_178 : vector<512x256xf32>
    %add3A_180 = arith.addf %add3A_174, %mul3A_179 : vector<512x256xf32>
    %get3A_181 = arith.constant 7 : index
    %get3A_182 = arith.constant 1 : index
    %get3A_183 = memref.load %arg1[%get3A_181, %get3A_182] : memref<8x4xf32, #tpu.memory_space<smem>>
    %mul3A_184 = vector.broadcast %get3A_183 : f32 to vector<512x256xf32>
    %mul3A_185 = arith.mulf %mul3A_84, %mul3A_184 : vector<512x256xf32>
    %add3A_186 = arith.addf %add3A_180, %mul3A_185 : vector<512x256xf32>
    %get3A_187 = arith.constant 1 : index
    %get3A_188 = arith.constant 0 : index
    %get3A_189 = arith.constant 0 : index
    %get3A_190 = vector.load %arg6[%get3A_187, %get3A_188, %get3A_189] : memref<4x256x256xf32, #tpu.memory_space<vmem>>, vector<1x256x256xf32>
    %get3A_191 = vector.shape_cast %get3A_190 : vector<1x256x256xf32> to vector<256x256xf32>
    %dot_general3A_192 = arith.constant dense<0.000000e+00> : vector<512x256xf32>
    %dot_general3A_193 = tpu.matmul %add3A_186, %get3A_191, %dot_general3A_192 {dimension_numbers = #tpu.dot_dimension_numbers<[1], [0], [0], [1], [0, 0, 1, 1], [], []>, transpose_lhs_hint = false} : vector<512x256xf32>, vector<256x256xf32>, vector<512x256xf32> -> vector<512x256xf32>
    %add3A_194 = arith.addf %add3A_139, %dot_general3A_193 : vector<512x256xf32>
    %get3A_195 = arith.constant 0 : index
    %get3A_196 = arith.constant 2 : index
    %get3A_197 = memref.load %arg1[%get3A_195, %get3A_196] : memref<8x4xf32, #tpu.memory_space<smem>>
    %mul3A_198 = vector.broadcast %get3A_197 : f32 to vector<512x256xf32>
    %mul3A_199 = arith.mulf %mul3A_42, %mul3A_198 : vector<512x256xf32>
    %get3A_200 = arith.constant 1 : index
    %get3A_201 = arith.constant 2 : index
    %get3A_202 = memref.load %arg1[%get3A_200, %get3A_201] : memref<8x4xf32, #tpu.memory_space<smem>>
    %mul3A_203 = vector.broadcast %get3A_202 : f32 to vector<512x256xf32>
    %mul3A_204 = arith.mulf %mul3A_48, %mul3A_203 : vector<512x256xf32>
    %add3A_205 = arith.addf %mul3A_199, %mul3A_204 : vector<512x256xf32>
    %get3A_206 = arith.constant 2 : index
    %get3A_207 = arith.constant 2 : index
    %get3A_208 = memref.load %arg1[%get3A_206, %get3A_207] : memref<8x4xf32, #tpu.memory_space<smem>>
    %mul3A_209 = vector.broadcast %get3A_208 : f32 to vector<512x256xf32>
    %mul3A_210 = arith.mulf %mul3A_54, %mul3A_209 : vector<512x256xf32>
    %add3A_211 = arith.addf %add3A_205, %mul3A_210 : vector<512x256xf32>
    %get3A_212 = arith.constant 3 : index
    %get3A_213 = arith.constant 2 : index
    %get3A_214 = memref.load %arg1[%get3A_212, %get3A_213] : memref<8x4xf32, #tpu.memory_space<smem>>
    %mul3A_215 = vector.broadcast %get3A_214 : f32 to vector<512x256xf32>
    %mul3A_216 = arith.mulf %mul3A_60, %mul3A_215 : vector<512x256xf32>
    %add3A_217 = arith.addf %add3A_211, %mul3A_216 : vector<512x256xf32>
    %get3A_218 = arith.constant 4 : index
    %get3A_219 = arith.constant 2 : index
    %get3A_220 = memref.load %arg1[%get3A_218, %get3A_219] : memref<8x4xf32, #tpu.memory_space<smem>>
    %mul3A_221 = vector.broadcast %get3A_220 : f32 to vector<512x256xf32>
    %mul3A_222 = arith.mulf %mul3A_66, %mul3A_221 : vector<512x256xf32>
    %add3A_223 = arith.addf %add3A_217, %mul3A_222 : vector<512x256xf32>
    %get3A_224 = arith.constant 5 : index
    %get3A_225 = arith.constant 2 : index
    %get3A_226 = memref.load %arg1[%get3A_224, %get3A_225] : memref<8x4xf32, #tpu.memory_space<smem>>
    %mul3A_227 = vector.broadcast %get3A_226 : f32 to vector<512x256xf32>
    %mul3A_228 = arith.mulf %mul3A_72, %mul3A_227 : vector<512x256xf32>
    %add3A_229 = arith.addf %add3A_223, %mul3A_228 : vector<512x256xf32>
    %get3A_230 = arith.constant 6 : index
    %get3A_231 = arith.constant 2 : index
    %get3A_232 = memref.load %arg1[%get3A_230, %get3A_231] : memref<8x4xf32, #tpu.memory_space<smem>>
    %mul3A_233 = vector.broadcast %get3A_232 : f32 to vector<512x256xf32>
    %mul3A_234 = arith.mulf %mul3A_78, %mul3A_233 : vector<512x256xf32>
    %add3A_235 = arith.addf %add3A_229, %mul3A_234 : vector<512x256xf32>
    %get3A_236 = arith.constant 7 : index
    %get3A_237 = arith.constant 2 : index
    %get3A_238 = memref.load %arg1[%get3A_236, %get3A_237] : memref<8x4xf32, #tpu.memory_space<smem>>
    %mul3A_239 = vector.broadcast %get3A_238 : f32 to vector<512x256xf32>
    %mul3A_240 = arith.mulf %mul3A_84, %mul3A_239 : vector<512x256xf32>
    %add3A_241 = arith.addf %add3A_235, %mul3A_240 : vector<512x256xf32>
    %get3A_242 = arith.constant 2 : index
    %get3A_243 = arith.constant 0 : index
    %get3A_244 = arith.constant 0 : index
    %get3A_245 = vector.load %arg6[%get3A_242, %get3A_243, %get3A_244] : memref<4x256x256xf32, #tpu.memory_space<vmem>>, vector<1x256x256xf32>
    %get3A_246 = vector.shape_cast %get3A_245 : vector<1x256x256xf32> to vector<256x256xf32>
    %dot_general3A_247 = arith.constant dense<0.000000e+00> : vector<512x256xf32>
    %dot_general3A_248 = tpu.matmul %add3A_241, %get3A_246, %dot_general3A_247 {dimension_numbers = #tpu.dot_dimension_numbers<[1], [0], [0], [1], [0, 0, 1, 1], [], []>, transpose_lhs_hint = false} : vector<512x256xf32>, vector<256x256xf32>, vector<512x256xf32> -> vector<512x256xf32>
    %add3A_249 = arith.addf %add3A_194, %dot_general3A_248 : vector<512x256xf32>
    %get3A_250 = arith.constant 0 : index
    %get3A_251 = arith.constant 3 : index
    %get3A_252 = memref.load %arg1[%get3A_250, %get3A_251] : memref<8x4xf32, #tpu.memory_space<smem>>
    %mul3A_253 = vector.broadcast %get3A_252 : f32 to vector<512x256xf32>
    %mul3A_254 = arith.mulf %mul3A_42, %mul3A_253 : vector<512x256xf32>
    %get3A_255 = arith.constant 1 : index
    %get3A_256 = arith.constant 3 : index
    %get3A_257 = memref.load %arg1[%get3A_255, %get3A_256] : memref<8x4xf32, #tpu.memory_space<smem>>
    %mul3A_258 = vector.broadcast %get3A_257 : f32 to vector<512x256xf32>
    %mul3A_259 = arith.mulf %mul3A_48, %mul3A_258 : vector<512x256xf32>
    %add3A_260 = arith.addf %mul3A_254, %mul3A_259 : vector<512x256xf32>
    %get3A_261 = arith.constant 2 : index
    %get3A_262 = arith.constant 3 : index
    %get3A_263 = memref.load %arg1[%get3A_261, %get3A_262] : memref<8x4xf32, #tpu.memory_space<smem>>
    %mul3A_264 = vector.broadcast %get3A_263 : f32 to vector<512x256xf32>
    %mul3A_265 = arith.mulf %mul3A_54, %mul3A_264 : vector<512x256xf32>
    %add3A_266 = arith.addf %add3A_260, %mul3A_265 : vector<512x256xf32>
    %get3A_267 = arith.constant 3 : index
    %get3A_268 = arith.constant 3 : index
    %get3A_269 = memref.load %arg1[%get3A_267, %get3A_268] : memref<8x4xf32, #tpu.memory_space<smem>>
    %mul3A_270 = vector.broadcast %get3A_269 : f32 to vector<512x256xf32>
    %mul3A_271 = arith.mulf %mul3A_60, %mul3A_270 : vector<512x256xf32>
    %add3A_272 = arith.addf %add3A_266, %mul3A_271 : vector<512x256xf32>
    %get3A_273 = arith.constant 4 : index
    %get3A_274 = arith.constant 3 : index
    %get3A_275 = memref.load %arg1[%get3A_273, %get3A_274] : memref<8x4xf32, #tpu.memory_space<smem>>
    %mul3A_276 = vector.broadcast %get3A_275 : f32 to vector<512x256xf32>
    %mul3A_277 = arith.mulf %mul3A_66, %mul3A_276 : vector<512x256xf32>
    %add3A_278 = arith.addf %add3A_272, %mul3A_277 : vector<512x256xf32>
    %get3A_279 = arith.constant 5 : index
    %get3A_280 = arith.constant 3 : index
    %get3A_281 = memref.load %arg1[%get3A_279, %get3A_280] : memref<8x4xf32, #tpu.memory_space<smem>>
    %mul3A_282 = vector.broadcast %get3A_281 : f32 to vector<512x256xf32>
    %mul3A_283 = arith.mulf %mul3A_72, %mul3A_282 : vector<512x256xf32>
    %add3A_284 = arith.addf %add3A_278, %mul3A_283 : vector<512x256xf32>
    %get3A_285 = arith.constant 6 : index
    %get3A_286 = arith.constant 3 : index
    %get3A_287 = memref.load %arg1[%get3A_285, %get3A_286] : memref<8x4xf32, #tpu.memory_space<smem>>
    %mul3A_288 = vector.broadcast %get3A_287 : f32 to vector<512x256xf32>
    %mul3A_289 = arith.mulf %mul3A_78, %mul3A_288 : vector<512x256xf32>
    %add3A_290 = arith.addf %add3A_284, %mul3A_289 : vector<512x256xf32>
    %get3A_291 = arith.constant 7 : index
    %get3A_292 = arith.constant 3 : index
    %get3A_293 = memref.load %arg1[%get3A_291, %get3A_292] : memref<8x4xf32, #tpu.memory_space<smem>>
    %mul3A_294 = vector.broadcast %get3A_293 : f32 to vector<512x256xf32>
    %mul3A_295 = arith.mulf %mul3A_84, %mul3A_294 : vector<512x256xf32>
    %add3A_296 = arith.addf %add3A_290, %mul3A_295 : vector<512x256xf32>
    %get3A_297 = arith.constant 3 : index
    %get3A_298 = arith.constant 0 : index
    %get3A_299 = arith.constant 0 : index
    %get3A_300 = vector.load %arg6[%get3A_297, %get3A_298, %get3A_299] : memref<4x256x256xf32, #tpu.memory_space<vmem>>, vector<1x256x256xf32>
    %get3A_301 = vector.shape_cast %get3A_300 : vector<1x256x256xf32> to vector<256x256xf32>
    %dot_general3A_302 = arith.constant dense<0.000000e+00> : vector<512x256xf32>
    %dot_general3A_303 = tpu.matmul %add3A_296, %get3A_301, %dot_general3A_302 {dimension_numbers = #tpu.dot_dimension_numbers<[1], [0], [0], [1], [0, 0, 1, 1], [], []>, transpose_lhs_hint = false} : vector<512x256xf32>, vector<256x256xf32>, vector<512x256xf32> -> vector<512x256xf32>
    %add3A_304 = arith.addf %add3A_249, %dot_general3A_303 : vector<512x256xf32>
    %reduce_sum3A = arith.constant dense<0.000000e+00> : vector<512xf32>
    %reduce_sum3A_305 = vector.multi_reduction <add>, %add3A_304, %reduce_sum3A [1] : vector<512x256xf32> to vector<512xf32>
    %broadcast_in_dim3A = vector.shape_cast %reduce_sum3A_305 : vector<512xf32> to vector<512x1xf32>
    %div3A_306 = arith.constant 2.560000e+02 : f32
    %div3A_307 = vector.broadcast %div3A_306 : f32 to vector<512x1xf32>
    %div3A_308 = arith.divf %broadcast_in_dim3A, %div3A_307 : vector<512x1xf32>
    %sub3A = vector.broadcast %div3A_308 : vector<512x1xf32> to vector<512x256xf32>
    %sub3A_309 = arith.subf %add3A_304, %sub3A : vector<512x256xf32>
    %mul3A_310 = arith.mulf %sub3A_309, %sub3A_309 : vector<512x256xf32>
    %reduce_sum3A_311 = arith.constant dense<0.000000e+00> : vector<512xf32>
    %reduce_sum3A_312 = vector.multi_reduction <add>, %mul3A_310, %reduce_sum3A_311 [1] : vector<512x256xf32> to vector<512xf32>
    %broadcast_in_dim3A_313 = vector.shape_cast %reduce_sum3A_312 : vector<512xf32> to vector<512x1xf32>
    %div3A_314 = arith.constant 2.560000e+02 : f32
    %div3A_315 = vector.broadcast %div3A_314 : f32 to vector<512x1xf32>
    %div3A_316 = arith.divf %broadcast_in_dim3A_313, %div3A_315 : vector<512x1xf32>
    %add3A_317 = arith.constant 9.99999974E-6 : f32
    %add3A_318 = vector.broadcast %add3A_317 : f32 to vector<512x1xf32>
    %add3A_319 = arith.addf %div3A_316, %add3A_318 : vector<512x1xf32>
    %rsqrt3A = math.rsqrt %add3A_319 : vector<512x1xf32>
    %mul3A_320 = vector.broadcast %rsqrt3A : vector<512x1xf32> to vector<512x256xf32>
    %mul3A_321 = arith.mulf %sub3A_309, %mul3A_320 : vector<512x256xf32>
    %get3A_322 = arith.constant 0 : index
    %get3A_323 = arith.constant 0 : index
    %get3A_324 = vector.load %arg8[%get3A_322, %get3A_323] : memref<1x256xf32, #tpu.memory_space<vmem>>, vector<1x256xf32>
    %mul3A_325 = vector.broadcast %get3A_324 : vector<1x256xf32> to vector<512x256xf32>
    %mul3A_326 = arith.mulf %mul3A_321, %mul3A_325 : vector<512x256xf32>
    %get3A_327 = arith.constant 0 : index
    %get3A_328 = arith.constant 0 : index
    %get3A_329 = vector.load %arg9[%get3A_327, %get3A_328] : memref<1x256xf32, #tpu.memory_space<vmem>>, vector<1x256xf32>
    %add3A_330 = vector.broadcast %get3A_329 : vector<1x256xf32> to vector<512x256xf32>
    %add3A_331 = arith.addf %mul3A_326, %add3A_330 : vector<512x256xf32>
    %ge3A = arith.constant 0.000000e+00 : f32
    %ge3A_332 = vector.broadcast %ge3A : f32 to vector<512x256xf32>
    %ge3A_333 = arith.cmpf oge, %add3A_331, %ge3A_332 : vector<512x256xf32>
    %mul3A_334 = arith.constant 1.000000e-01 : f32
    %mul3A_335 = vector.broadcast %mul3A_334 : f32 to vector<512x256xf32>
    %mul3A_336 = arith.mulf %mul3A_335, %add3A_331 : vector<512x256xf32>
    %select_n3A = arith.select %ge3A_333, %add3A_331, %mul3A_336 : vector<512x256xi1>, vector<512x256xf32>
    %swap3A = arith.constant 0 : index
    %swap3A_337 = arith.constant 0 : index
    %swap3A_338 = vector.load %arg10[%swap3A, %swap3A_337] : memref<512x256xf32, #tpu.memory_space<vmem>>, vector<512x256xf32>
    tpu.vector_store %arg10[%swap3A, %swap3A_337], %select_n3A {strides = array<i32>} : memref<512x256xf32, #tpu.memory_space<vmem>>, vector<512x256xf32>,
    return
  }
  func.func @transform_0(%arg0: i32) -> (i32, i32) {
    %c0_i32 = arith.constant 0 : i32
    %c0_i32_0 = arith.constant 0 : i32
    %c0_i32_1 = arith.constant 0 : i32
    return %c0_i32, %c0_i32_0 : i32, i32
  }
  func.func @transform_1(%arg0: i32) -> (i32, i32) {
    %c0_i32 = arith.constant 0 : i32
    %c0_i32_0 = arith.constant 0 : i32
    return %arg0, %c0_i32 : i32, i32
  }
  func.func @transform_2(%arg0: i32) -> (i32, i32, i32, i32) {
    %c0_i32 = arith.constant 0 : i32
    %c0_i32_0 = arith.constant 0 : i32
    %c0_i32_1 = arith.constant 0 : i32
    %c0_i32_2 = arith.constant 0 : i32
    return %c0_i32, %c0_i32_0, %arg0, %c0_i32_1 : i32, i32, i32, i32
  }
  func.func @transform_3(%arg0: i32) -> (i32, i32, i32, i32) {
    %c0_i32 = arith.constant 0 : i32
    %c0_i32_0 = arith.constant 0 : i32
    %c0_i32_1 = arith.constant 0 : i32
    %c0_i32_2 = arith.constant 0 : i32
    return %c0_i32, %c0_i32_0, %arg0, %c0_i32_1 : i32, i32, i32, i32
  }
  func.func @transform_4(%arg0: i32) -> (i32, i32) {
    %c0_i32 = arith.constant 0 : i32
    %c0_i32_0 = arith.constant 0 : i32
    %c0_i32_1 = arith.constant 0 : i32
    return %c0_i32, %c0_i32_0 : i32, i32
  }
  func.func @transform_5(%arg0: i32) -> (i32, i32, i32) {
    %c0_i32 = arith.constant 0 : i32
    %c0_i32_0 = arith.constant 0 : i32
    %c0_i32_1 = arith.constant 0 : i32
    %c0_i32_2 = arith.constant 0 : i32
    return %c0_i32, %c0_i32_0, %c0_i32_1 : i32, i32, i32
  }
  func.func @transform_6(%arg0: i32) -> (i32, i32) {
    %c0_i32 = arith.constant 0 : i32
    %c0_i32_0 = arith.constant 0 : i32
    %c0_i32_1 = arith.constant 0 : i32
    return %c0_i32, %c0_i32_0 : i32, i32
  }
  func.func @transform_7(%arg0: i32) -> (i32, i32) {
    %c0_i32 = arith.constant 0 : i32
    %c0_i32_0 = arith.constant 0 : i32
    %c0_i32_1 = arith.constant 0 : i32
    return %c0_i32, %c0_i32_0 : i32, i32
  }
  func.func @transform_8(%arg0: i32) -> (i32, i32) {
    %c0_i32 = arith.constant 0 : i32
    %c0_i32_0 = arith.constant 0 : i32
    %c0_i32_1 = arith.constant 0 : i32
    return %c0_i32, %c0_i32_0 : i32, i32
  }
  func.func @transform_9(%arg0: i32) -> (i32, i32) {
    %c0_i32 = arith.constant 0 : i32
    %c0_i32_0 = arith.constant 0 : i32
    return %arg0, %c0_i32 : i32, i32
  }
}

</mosaic_0001>

<sc_bundles>
// kernel: kernel.10.cloned.1.call-start
scs
__scs_entry_jumppad:
0x0: {  	(pc) =	sbr.rel $0x88, $3  }
0x1: {  	(tag) =	ssettag $0x0;
	lr =	simm.s32 $0x1  }
0x2: {  	[smem:$0x3F92] =	sst lr;
	_ =	strace $0xD0000000  }
0x3: {  	_ = 	snop  }
0x4: {  	_ = 	snop  }
0x5: {  	_ = 	snop  }
0x6: {  	_ = 	snop  }
0x7: {  	_ = 	snop  }
__scs_overlays_trampoline_lowered:
0x8: {  	[smem:$0x3FA1] =	sst s0  }
0x9: {  	[smem:$0x3FA2] =	sst s1  }
0xa: {  	[smem:$0x3FA3] =	sst s2  }
0xb: {  	[smem:$0x3FA4] =	sst s3  }
0xc: {  	[smem:$0x3FA5] =	sst s4  }
0xd: {  	[smem:$0x3FA6] =	sst s5  }
0xe: {  	[smem:$0x3FA7] =	sst s6  }
0xf: {  	[smem:$0x3FA8] =	sst s7  }
0x10: {  	[smem:$0x3FA9] =	sst s8  }
0x11: {  	[smem:$0x3FAA] =	sst s9;
	s0 =	simm.s32 @!p0 $0x0  }
0x12: {  	s1 =	sld [smem:$0x3F90];
	s0 =	simm.s32 @p0 $0x1  }
0x13: {  	[smem:$0x3FAB] =	sst s0;
	s0 =	simm.s32 @!p1 $0x0  }
0x14: {  	s2 =	sld [smem:$0x3F8F];
	s0 =	simm.s32 @p1 $0x1  }
0x15: {  	[smem:$0x3FAC] =	sst s0;
	s0 =	simm.s32 @!p2 $0x0  }
0x16: {  	s3 =	sld [smem:$0x3FDB];
	s0 =	simm.s32 @p2 $0x1  }
0x17: {  	s4 =	simm.s32 $0x1BF5;
	[smem:$0x3FAE] =	sst s0  }
0x18: {  	s0 =	sld [smem:$0x3F91];
	_ =	swait.ge [sflag:s4], $0x0  }
0x19: {  	s7 =	sld [smem:$0x3F92]  }
0x1a: {  	s8 =	sadd.s32 $0xFFFFE003, lr  }
0x1b: {  	s9 =	sadd.s32 $0xFFFFFEF7, lr;
	s5 =	simm.s32 $0xFFFFFFFF;
	p2 =	slt.u32 s8, $0xFFFFF086  }
0x1c: {  	p1 =	slt.u32 s9, $0xF7A;
	s5 =	simm.s32 @!p2 $0x0  }
0x1d: {  	s5 =	simm.s32 @p1 $0x1;
	p0 =	seq.s32 s7, s2  }
0x1e: {  	s7 =	smul.u32 @!p0 $0xF7A, s2;
	p2 =	seq.s32 @!p0 s5, $0x0  }
0x1f: {  	s9 =	smul.u32 $0xF7A, s1;
	s8 =	simm.s32 @!p0 $0x1BF5;
	p2 =	por !p2, p0  }
0x20: {  	[sflag:s8] =	ssyncset.s32 @!p0 $0xFFFFF086;
	s6 =	sadd.s32 @!p0 s3, s7;
	s7 =	simm.s32 @!p0 $0x108  }
0x21: {  	s3 =	sadd.s32 s3, s9;
	s6 =	sadd.s32 @!p0 $0x88, s6;
	s7 =	simm.s32 @p2 $0x1082  }
0x22: {  	[simem:s7], [sflag:s8] =	dma.local @!p0 [hbm:s6], $0xF7A  }
0x23: {  	s9 =	sor.u32 $0xD0000000, s2;
	s6 =	simm.s32 $0x108;
	_ =	swait.ge @!p0 [sflag:s8], $0x0  }
0x24: {  	s3 =	sadd.s32 $0x88, s3;
	s6 =	simm.s32 @!p1 $0x1082;
	[sflag:s4] =	ssyncset.s32 $0xFFFFF086  }
0x25: {  	[simem:s6], [sflag:s4] =	dma.local [hbm:s3], $0xF7A  }
0x26: {  	[smem:$0x3F92] =	sst s1;
	(tag) =	ssettag s2;
	_ =	strace s9  }
0x27: {  	s1 =	sld [smem:$0x3FA2]  }
0x28: {  	s2 =	sld [smem:$0x3FA3]  }
0x29: {  	s4 =	sld [smem:$0x3FA5]  }
0x2a: {  	p0 =	seq.s32 s5, $0x0;
	s5 =	sld [smem:$0x3FA6]  }
0x2b: {  	s6 =	sld [smem:$0x3FA7]  }
0x2c: {  	s7 =	sld [smem:$0x3FA8]  }
0x2d: {  	s3 =	simm.s32 $0x108;
	s8 =	sld [smem:$0x3FA9]  }
0x2e: {  	s3 =	simm.s32 @!p0 $0x1082;
	s9 =	sld [smem:$0x3FAA]  }
0x2f: {  	lr =	sadd.s32 s0, s3;
	s0 =	sld [smem:$0x3FA1]  }
0x30: {  	s3 =	sld [smem:$0x3FA4]  }
0x31: {  	[smem:$0x3FAD] =	sst s10  }
0x32: {  	s10 =	sld [smem:$0x3FAB];
	_ =	sdelay $0x3  }
0x33: {  	p0 =	seq.s32 s10, $0x1;
	s10 =	sld [smem:$0x3FAD];
	_ =	sdelay $0x3  }
0x34: {  	[smem:$0x3FAD] =	sst s10  }
0x35: {  	s10 =	sld [smem:$0x3FAC];
	_ =	sdelay $0x3  }
0x36: {  	p1 =	seq.s32 s10, $0x1;
	s10 =	sld [smem:$0x3FAD];
	_ =	sdelay $0x3  }
0x37: {  	[smem:$0x3FAD] =	sst s10  }
0x38: {  	s10 =	sld [smem:$0x3FAE]  }
0x39: {  	_ = 	snop;
	(pc) =	sbr.ind lr, $3  }
0x3a: {  	_ = 	snop  }
0x3b: {  	_ = 	snop  }
0x3c: {  	p2 =	seq.s32 s10, $0x1;
	s10 =	sld [smem:$0x3FAD]  }
0x3d: {  	_ =	shalt  }
0x3e: {  	_ =	shalt  }
0x3f: {  	_ =	shalt  }
0x40: {  	_ =	shalt  }
0x41: {  	_ =	shalt  }
0x42: {  	_ =	shalt  }
0x43: {  	_ =	shalt  }
0x44: {  	_ =	shalt  }
0x45: {  	_ =	shalt  }
0x46: {  	_ =	shalt  }
0x47: {  	_ =	shalt  }
0x48: {  	_ =	shalt  }
0x49: {  	_ =	shalt  }
0x4a: {  	_ =	shalt  }
0x4b: {  	_ =	shalt  }
0x4c: {  	_ =	shalt  }
0x4d: {  	_ =	shalt  }
0x4e: {  	_ =	shalt  }
0x4f: {  	_ =	shalt  }
0x50: {  	_ =	shalt  }
0x51: {  	_ =	shalt  }
0x52: {  	_ =	shalt  }
0x53: {  	_ =	shalt  }
0x54: {  	_ =	shalt  }
0x55: {  	_ =	shalt  }
0x56: {  	_ =	shalt  }
0x57: {  	_ =	shalt  }
0x58: {  	_ =	shalt  }
0x59: {  	_ =	shalt  }
0x5a: {  	_ =	shalt  }
0x5b: {  	_ =	shalt  }
0x5c: {  	_ =	shalt  }
0x5d: {  	_ =	shalt  }
0x5e: {  	_ =	shalt  }
0x5f: {  	_ =	shalt  }
0x60: {  	_ =	shalt  }
0x61: {  	_ =	shalt  }
0x62: {  	_ =	shalt  }
0x63: {  	_ =	shalt  }
0x64: {  	_ =	shalt  }
0x65: {  	_ =	shalt  }
0x66: {  	_ =	shalt  }
0x67: {  	_ =	shalt  }
0x68: {  	_ =	shalt  }
0x69: {  	_ =	shalt  }
0x6a: {  	_ =	shalt  }
0x6b: {  	_ =	shalt  }
0x6c: {  	_ =	shalt  }
0x6d: {  	_ =	shalt  }
0x6e: {  	_ =	shalt  }
0x6f: {  	_ =	shalt  }
0x70: {  	_ =	shalt  }
0x71: {  	_ =	shalt  }
0x72: {  	_ =	shalt  }
0x73: {  	_ =	shalt  }
0x74: {  	_ =	shalt  }
0x75: {  	_ =	shalt  }
0x76: {  	_ =	shalt  }
0x77: {  	_ =	shalt  }
0x78: {  	_ =	shalt  }
0x79: {  	_ =	shalt  }
0x7a: {  	_ =	shalt  }
0x7b: {  	_ =	shalt  }
0x7c: {  	_ =	shalt  }
0x7d: {  	_ =	shalt  }
0x7e: {  	_ =	shalt  }
0x7f: {  	_ =	shalt  }
0x80: {  	_ =	shalt  }
0x81: {  	_ =	shalt  }
0x82: {  	_ =	shalt  }
0x83: {  	_ =	shalt  }
0x84: {  	_ =	shalt  }
0x85: {  	_ =	shalt  }
0x86: {  	_ =	shalt  }
0x87: {  	_ =	shalt  }
.Lfunc_end0:
.L_simem_size_0:
called_computation.1_lowered:
.L_overlay_start_0:
0x88: {  	s2 =	sld [smem:$0x3FD9]  }
0x89: {  	s3 =	sld [smem:$0x3FFE];
	_ =	sdelay $0x1  }
0x8a: {  	s1 =	srdreg.scid  }
0x8b: {  	s0 =	sand.u32 $0x1, s1  }
0x8c: {  	s17 =	sshll.u32 s0, $0xA;
	s2 =	sadd.s32 s3, s2  }
0x8d: {  	s2 =	sadd.s32 s2, s17  }
0x8e: {  	[smem:$0x3FB9] =	sst s2  }
0x8f: {  	_ = 	snop  }
0x90: {  	s2 =	sld [smem:$0x3FD0];
	(tm) =	ssettm $0x1  }
0x91: {  	s18 =	sld [smem:$0x3FFB];
	_ =	sdelay $0x3  }
0x92: {  	_ =	strace s18  }
0x93: {  	s3 =	sld [smem:$0x3FFC];
	_ =	sdelay $0x3  }
0x94: {  	_ =	strace s3  }
0x95: {  	s3 =	sld [smem:$0x3FFD];
	_ =	sdelay $0x3  }
0x96: {  	_ =	strace s3  }
0x97: {  	_ =	strace $0x8FFFFFFF  }
0x98: {  	s19 =	sld [smem:$0x3FDB];
	_ =	sdelay $0x1  }
0x99: {  	s4 =	simm.s32 $_scs_section_size  }
0x9a: {  	s5 =	simm.s32 $_size__tile_overlayer_lowered;
	s6 =	simm.s32 $_tile_overlayer_lowered  }
0x9b: {  	s22 =	simm.s32 $0x1BFF;
	s21 =	sshll.u32 s6, $0x1;
	s3 =	sadd.s32 s4, s19  }
0x9c: {  	s7 =	simm.s32 $0x0;
	s20 =	sshll.u32 s5, $0x1;
	s5 =	sadd.s32 s21, s3  }
0x9d: {  	[timem:s7], [sflag:s22] =	dma.local [hbm:s5], s20  }
0x9e: {  	_ =	swait.ge [sflag:s22], s20  }
0x9f: {  	s4 =	ssub.s32 $0x0, s20;
	[sflag:s22] =	ssyncset.done $0x0  }
0xa0: {  	[sflag:s22] =	ssyncadd.s32 s4;
	_ =	sdelay $0x1  }
0xa1: {  	s23 =	simm.s32 $0x1B8B  }
0xa2: {  	_ =	swait.ge [sflag:s23], $0x1  }
0xa3: {  	[sflag:s23] =	ssyncset.done $0x0  }
0xa4: {  	s25 =	simm.s32 $0x1B8E;
	s24 =	sld [smem:$0x3FFE];
	[sflag:s23] =	ssyncadd.s32 $0xFFFFFFFF  }
0xa5: {  	s26 =	simm.s32 $execute0_lowered;
	[smem:$0x3FD2] =	sst s25  }
0xa6: {  	s5 =	sshll.u32 s26, $0x1;
	_ =	strace $0x80000046;
	[dreg:$0x1] =	wrdreg $0xFFFFFFFF  }
0xa7: {  	s28 =	simm.s32 $_size_execute0_lowered;
	s3 =	sadd.s32 s3, s5;
	[dreg:$0x0] =	wrdreg $0x0  }
0xa8: {  	s5 =	sshll.u32 s28, $0x1;
	[dreg:$0x2] =	wrdreg s3  }
0xa9: {  	[dreg:$0x3] =	wrdreg s5  }
0xaa: {  	[dreg:$0x4] =	wrdreg $0xC0  }
0xab: {  	_ =	task [dreg:s7], $0x5FFFF  }
0xac: {  	[dreg:$0x1] =	wrdreg $0xFFFFFFFF  }
0xad: {  	[dreg:$0x0] =	wrdreg $0x60  }
0xae: {  	[dreg:$0x2] =	wrdreg s24  }
0xaf: {  	[dreg:$0x3] =	wrdreg s2  }
0xb0: {  	[dreg:$0x4] =	wrdreg $0xBE000  }
0xb1: {  	[dreg:$0x5] =	wrdreg $0xA  }
0xb2: {  	_ =	task.clear_ibuf [dreg:s7], $0x6FFFF;
	_ =	strace $0x90000046  }
0xb3: {  	s29 =	simm.s32 $0xA;
	_ =	strace $0x80000048  }
0xb4: {  	_ =	swait.ge [sflag:s29], $0x1  }
0xb5: {  	[sflag:s29] =	ssyncadd.s32 $0xFFFFFFFF  }
0xb6: {  	_ =	strace $0x90000048  }
0xb7: {  	_ =	sfence  }
0xb8: {  	s30 =	sld [smem:$0x0];
	_ =	sdelay $0x2  }
0xb9: {  	s31 =	sshll.u32 s1, $0xD;
	s1 =	sshrl.u32 s1, $0x2  }
0xba: {  	s3 =	sand.u32 $0x4000, s31;
	s1 =	sadd.s32 s1, s30  }
0xbb: {  	s0 =	sor.u32 s3, s0;
	s1 =	sshll.u32 s1, $0x11  }
0xbc: {  	s0 =	sor.u32 s1, s0  }
0xbd: {  	s0 =	sadd.s32 $0x8F2B, s0  }
0xbe: {  	[sflag:s0] =	ssyncadd.remote.s32 $0x1  }
0xbf: {  	_ =	sfence.sel $0xFFFF  }
0xc0: {  	[dreg:$0x0] =	wrdreg $0xFFFFFFFF;
	(pc) =	sbr.abs _section_cstart, $3  }
0xc1: {  	[dreg:$0x1] =	wrdreg $0xFFFFFFFF  }
0xc2: {  	_ =	task.clear_ibuf [dreg:s7], $0x2FFFF;
	_ =	strace $0x9FFFFFFF  }
0xc3: {  	(tm) =	ssettm $0x7FFFFFFF  }
tec
execute0_lowered:
.L_overlay_start_1:
0x0: {  	(tag) =	ssettag $0x1  }
0x1: {  	s0 =	rddreg [dreg:$0x0]  }
0x2: {  	s1 =	rddreg [dreg:$0x1]  }
0x3: {  	s3 =	srdreg.scid;
	s12 =	stileid.u32  }
0x4: {  	s2 =	rddreg [dreg:$0x2];
	s5 =	simm.s32 $0x0;
	s6 =	simm.s32 $0x19  }
0x5: {  	s3 =	sand.u32 $0x1, s3;
	s4 =	sshll.u32 s12, $0x1;
	s10 =	smul.u32 $0x1400, s12  }
0x6: {  	[smem:$0x7FF] =	sst s5;
	s5 =	sadd.s32 $0xAA000, s0;
	s11 =	smul.u32 $0x50000, s12  }
0x7: {  	s20 =	smul.u32 $0x140000, s12;
	s4 =	sor.u32 s3, s4;
	_ =	strace $0x80000047  }
0x8: {  	s9 =	ssub.s32 $0x2, s3;
	p0 =	seq.s32 s3, $0x0;
	s3 =	smul.u32 $0x1400000, s3  }
0x9: {  	s7 =	smul.u32 $0x360, s4;
	s4 =	sadd.s32 $0x5A000, s0;
	s18 =	sshrl.u32 s9, $0x1  }
0xa: {  	s6 =	simm.s32 @!p0 $0x36;
	s19 =	sshrl.u32 s11, $0x2;
	s21 =	sadd.s32 $0x500, s10  }
0xb: {  	s24 =	sadd.s32 $0xA00, s10;
	s10 =	sadd.s32 $0xF00, s10;
	s22 =	sadd.s32 $0xFFFFFFF8, s6  }
0xc: {  	s23 =	sshll.u32 s21, $0x8;
	s25 =	sshll.u32 s24, $0x8;
	s26 =	sshll.u32 s10, $0x8  }
0xd: {  	s10 =	sshll.u32 s10, $0x4;
	s12 =	sadd.s32 $0xFFFFFFF9, s6;
	s8 =	sadd.s32 s7, s0  }
0xe: {  	s0 =	ssub.s32 s9, s18;
	s1 =	sadd.s32 s1, s7;
	s9 =	sadd.s32 s19, s2  }
0xf: {  	s7 =	sadd.s32 s20, s3;
	s11 =	sadd.s32 s3, s25;
	s14 =	sshll.u32 s12, $0xB  }
0x10: {  	s15 =	sshll.u32 s22, $0x7;
	s18 =	sadd.s32 $0xFFFFFFFA, s6;
	[dreg:$0x4] =	wrdreg s1  }
0x11: {  	s19 =	sshll.u32 s12, $0x7;
	s8 =	sadd.s32 $0x3400, s8;
	[dreg:$0x6] =	wrdreg s7  }
0x12: {  	s7 =	sadd.s32 s3, s23;
	s1 =	sshll.u32 s21, $0x4;
	[dreg:$0x8] =	wrdreg s11  }
0x13: {  	s3 =	sadd.s32 s3, s26;
	s11 =	sshll.u32 s22, $0xB;
	[dreg:$0x5] =	wrdreg s8  }
0x14: {  	s0 =	smax.u32 s0, $0x1;
	s16 =	sand.u32 $0x7800, s14;
	[dreg:$0x7] =	wrdreg s7  }
0x15: {  	s20 =	sshll.u32 s18, $0xB;
	s21 =	sadd.s32 $0xFFFFFFFB, s6;
	[dreg:$0x9] =	wrdreg s3  }
0x16: {  	s26 =	sadd.s32 $0xFFFFFFFC, s6;
	s14 =	sadd.s32 $0xFFFFFFFD, s6;
	[dreg:$0xa] =	wrdreg s0  }
0x17: {  	s13 =	sand.u32 $0x7800, s11;
	s17 =	sadd.s32 $0x3600, s16;
	s8 =	sadd.s32 $0x1B00, s19  }
0x18: {  	s22 =	sand.u32 $0x7800, s20;
	s16 =	sshll.u32 s14, $0xB;
	[dreg:$0xd] =	wrdreg s17  }
0x19: {  	s20 =	sshll.u32 s14, $0x7;
	s14 =	sadd.s32 $0x1000, s9;
	[dreg:$0xe] =	wrdreg s8  }
0x1a: {  	s1 =	sadd.s32 s1, s2;
	s0 =	sadd.s32 $0x3600, s13;
	[smem:$0x7DD] =	sst s14  }
0x1b: {  	s7 =	sshll.u32 s24, $0x4;
	s8 =	sadd.s32 $0x3600, s22;
	[dreg:$0xb] =	wrdreg s0  }
0x1c: {  	s3 =	sadd.s32 s10, s2;
	s22 =	sadd.s32 $0xFFFFFFFF, s6;
	[dreg:$0xf] =	wrdreg s8  }
0x1d: {  	s23 =	sshll.u32 s21, $0xB;
	s10 =	sshrl.u32 s1, $0x3;
	[dreg:$0x16] =	wrdreg s22  }
0x1e: {  	s17 =	sand.u32 $0x7800, s16;
	s16 =	sadd.s32 $0x2000, s9;
	[dreg:$0x1c] =	wrdreg s10  }
0x1f: {  	s12 =	sshll.u32 s21, $0x7;
	s14 =	sadd.s32 $0xB000, s9;
	[smem:$0x7DF] =	sst s16  }
0x20: {  	s24 =	sand.u32 $0x7800, s23;
	s0 =	sadd.s32 $0x1B00, s15;
	[smem:$0x7F1] =	sst s14  }
0x21: {  	s19 =	sadd.s32 $0xFFFFFFFE, s6;
	s25 =	sadd.s32 $0x3600, s24;
	[dreg:$0xc] =	wrdreg s0  }
0x22: {  	s7 =	sadd.s32 s7, s2;
	s8 =	sadd.s32 $0x1B00, s12;
	[dreg:$0x11] =	wrdreg s25  }
0x23: {  	s13 =	sshll.u32 s26, $0xB;
	s11 =	sshrl.u32 s7, $0x3;
	[dreg:$0x12] =	wrdreg s8  }
0x24: {  	s21 =	sshll.u32 s19, $0xB;
	s12 =	sshrl.u32 s3, $0x3;
	[dreg:$0x1d] =	wrdreg s11  }
0x25: {  	s15 =	sand.u32 $0x7800, s13;
	s13 =	sadd.s32 $0x800, s9;
	[dreg:$0x1e] =	wrdreg s12  }
0x26: {  	s23 =	sand.u32 $0x7800, s21;
	s21 =	sadd.s32 $0x4800, s9;
	[dreg:$0x1f] =	wrdreg s13  }
0x27: {  	s3 =	sadd.s32 $0x7800, s9;
	[smem:$0x7E4] =	sst s21  }
0x28: {  	s7 =	sadd.s32 $0x8000, s9;
	[smem:$0x7EA] =	sst s3  }
0x29: {  	s10 =	sadd.s32 $0x9000, s9;
	[smem:$0x7EB] =	sst s7  }
0x2a: {  	s16 =	sadd.s32 $0xC000, s9;
	[smem:$0x7ED] =	sst s10  }
0x2b: {  	s8 =	sadd.s32 $0x3600, s15;
	[smem:$0x7F3] =	sst s16  }
0x2c: {  	s0 =	sshll.u32 s18, $0x7;
	s18 =	sadd.s32 $0x3600, s17;
	[dreg:$0x13] =	wrdreg s8  }
0x2d: {  	s15 =	sadd.s32 $0x1800, s9;
	[dreg:$0x15] =	wrdreg s18  }
0x2e: {  	s24 =	sshll.u32 s22, $0xB;
	s17 =	sadd.s32 $0x2800, s9;
	[smem:$0x7DE] =	sst s15  }
0x2f: {  	s25 =	sand.u32 $0x7800, s24;
	s24 =	sadd.s32 $0x6000, s9;
	[smem:$0x7E0] =	sst s17  }
0x30: {  	s11 =	sadd.s32 $0x9800, s9;
	[smem:$0x7E7] =	sst s24  }
0x31: {  	s12 =	sadd.s32 $0xA000, s9;
	[smem:$0x7EE] =	sst s11  }
0x32: {  	s13 =	sadd.s32 $0xA800, s9;
	[smem:$0x7EF] =	sst s12  }
0x33: {  	s21 =	sadd.s32 $0xE800, s9;
	[smem:$0x7F0] =	sst s13  }
0x34: {  	s0 =	sadd.s32 $0x1B00, s0;
	[smem:$0x7F8] =	sst s21  }
0x35: {  	s8 =	sadd.s32 $0x1B00, s20;
	[dreg:$0x10] =	wrdreg s0  }
0x36: {  	s18 =	sadd.s32 $0x3000, s9;
	[dreg:$0x17] =	wrdreg s8  }
0x37: {  	s20 =	sadd.s32 $0x4000, s9;
	[smem:$0x7E1] =	sst s18  }
0x38: {  	s28 =	simm.s32 $0x3E00;
	s15 =	sadd.s32 $0xB800, s9;
	[smem:$0x7E3] =	sst s20  }
0x39: {  	s29 =	simm.s32 $0x4600;
	s17 =	sadd.s32 $0xC800, s9;
	[smem:$0x7F2] =	sst s15  }
0x3a: {  	s30 =	simm.s32 $0x5600;
	s24 =	sadd.s32 $0x10000, s9;
	[smem:$0x7F4] =	sst s17  }
0x3b: {  	s31 =	simm.s32 $0x5E00;
	s8 =	sadd.s32 $0x3600, s23;
	[smem:$0x7FB] =	sst s24  }
0x3c: {  	s0 =	sshll.u32 s26, $0x7;
	s26 =	sadd.s32 $0x3600, s25;
	[dreg:$0x18] =	wrdreg s8  }
0x3d: {  	s1 =	simm.s32 $0x6600;
	s23 =	sadd.s32 $0x5800, s9;
	[dreg:$0x1a] =	wrdreg s26  }
0x3e: {  	s14 =	simm.s32 $0x2;
	s25 =	sadd.s32 $0x6800, s9;
	[smem:$0x7E6] =	sst s23  }
0x3f: {  	s7 =	simm.s32 $0x6E00;
	s18 =	sadd.s32 $0xD000, s9;
	[smem:$0x7E8] =	sst s25  }
0x40: {  	s3 =	simm.s32 $0x1;
	s20 =	sadd.s32 $0xE000, s9;
	[smem:$0x7F5] =	sst s18  }
0x41: {  	s10 =	simm.s32 $0x20;
	s0 =	sadd.s32 $0x1B00, s0;
	[smem:$0x7F7] =	sst s20  }
0x42: {  	s8 =	sshll.u32 s22, $0x7;
	s22 =	sadd.s32 $0x5000, s9;
	[dreg:$0x14] =	wrdreg s0  }
0x43: {  	s21 =	sadd.s32 $0x12800, s9;
	s26 =	sadd.s32 $0x7000, s9;
	[smem:$0x7E5] =	sst s22  }
0x44: {  	s13 =	simm.s32 $0x0;
	s23 =	sadd.s32 $0xF800, s9;
	[smem:$0x7E9] =	sst s26  }
0x45: {  	s24 =	simm.s32 $0x80;
	s25 =	sadd.s32 $0x10800, s9;
	[smem:$0x7FA] =	sst s23  }
0x46: {  	s0 =	sshll.u32 s19, $0x7;
	s19 =	sadd.s32 $0x3800, s9;
	[smem:$0x7FC] =	sst s25  }
0x47: {  	s20 =	sadd.s32 $0x12000, s9;
	s22 =	sadd.s32 $0xF000, s9;
	[smem:$0x7E2] =	sst s19  }
0x48: {  	s26 =	sadd.s32 $0x11000, s9;
	s23 =	sadd.s32 $0x13800, s9;
	[smem:$0x7F9] =	sst s22  }
0x49: {  	s25 =	simm.s32 $0x3600;
	s0 =	sadd.s32 $0x1B00, s0;
	[smem:$0x7FD] =	sst s26  }
0x4a: {  	s19 =	sadd.s32 $0xD800, s9;
	s22 =	sadd.s32 $0x13000, s9;
	[dreg:$0x19] =	wrdreg s0  }
0x4b: {  	s26 =	simm.s32 $0x4E00;
	s0 =	sadd.s32 $0x1B00, s8;
	[smem:$0x7F6] =	sst s19  }
0x4c: {  	s8 =	sadd.s32 $0x8800, s9;
	s19 =	sadd.s32 $0x11800, s9;
	[dreg:$0x1b] =	wrdreg s0  }
0x4d: {  	v0 =	vimm.f32 $0.0e+00;
	s0 =	sadd.s32 $0xFFFFFFF0, s6;
	[smem:$0x7EC] =	sst s8;
	s8 =	simm.s32 $0xB600  }
.LBB2_1:
0x4e: {  	[smem:$0x7DC] =	sst s13  }
0x4f: {  	s11 =	simm.s32 $0x0;
	s12 =	rddreg [dreg:$0x4];
	s17 =	simm.s32 $0x4  }
0x50: {  	[tilespmem:s11], [sflag:$0x4] =	stream.linear.gather [hbm4b:s12+s11], $0x1B00, $0x38;
	[tilespmem:$0x1FE00] =	vst v63  }
0x51: {  	_ =	swait.ge [sflag:s17], $0x1B00  }
0x52: {  	[sflag:s17] =	ssyncset.done $0x0  }
0x53: {  	s15 =	simm.s32 $0x1B00;
	s18 =	rddreg [dreg:$0x5];
	[sflag:s17] =	ssyncadd.s32 $0xFFFFE500  }
0x54: {  	[tilespmem:s15], [sflag:$0x4] =	stream.linear.gather [hbm4b:s18+s11], $0x1B00, $0x38;
	[tilespmem:$0x1FE00] =	vst v63  }
0x55: {  	_ =	swait.ge [sflag:s17], $0x1B00  }
0x56: {  	[sflag:s17] =	ssyncset.done $0x0  }
0x57: {  	s11 =	simm.s32 $0x0;
	[sflag:s17] =	ssyncadd.s32 $0xFFFFE500  }
.LBB2_2:
0x58: {  	p0 =	sne.s32 s11, $0x1FC0  }
.Ltmp0:
0x59: {  	_ = 	snop;
	(pc) =	sbr.rel @p0 .LBB2_2-.Ltmp0, $3  }
0x5a: {  	_ =	sdelay $0x1  }
0x5b: {  	s12 =	sshra.s32 s11, $0x2  }
0x5c: {  	s11 =	sadd.s32 $0x40, s11;
	[tilespmem:s12+$0xB600] =	vst v0  }
0x5d: {  	s11 =	simm.s32 $0x0  }
.LBB2_4:
0x5e: {  	s12 =	simm.s32 $0x0  }
0x5f: {  	[tilespmem:s25], [sflag:$0x1] =	stream.indirect.gather [hbm4b:s4+s24], $0x10, s12, s24, $0xb8;
	[tilespmem:$0x1FE00] =	vst v63  }
0x60: {  	_ = 	snop  }
0x61: {  	[tilespmem:s28], [sflag:$0x1] =	stream.indirect.gather [hbm4b:s4+s24], $0x10, s24, s24, $0xb8;
	[tilespmem:$0x1FE00] =	vst v63  }
0x62: {  	s13 =	simm.s32 $0x100  }
0x63: {  	[tilespmem:s29], [sflag:$0x1] =	stream.indirect.gather [hbm4b:s4+s24], $0x10, s13, s24, $0xb8;
	[tilespmem:$0x1FE00] =	vst v63  }
0x64: {  	s15 =	simm.s32 $0x180  }
0x65: {  	[tilespmem:s26], [sflag:$0x1] =	stream.indirect.gather [hbm4b:s4+s24], $0x10, s15, s24, $0xb8;
	[tilespmem:$0x1FE00] =	vst v63  }
0x66: {  	s16 =	simm.s32 $0x200  }
0x67: {  	[tilespmem:s30], [sflag:$0x1] =	stream.indirect.gather [hbm4b:s4+s24], $0x10, s16, s24, $0xb8;
	[tilespmem:$0x1FE00] =	vst v63  }
0x68: {  	s17 =	simm.s32 $0x280  }
0x69: {  	[tilespmem:s31], [sflag:$0x1] =	stream.indirect.gather [hbm4b:s4+s24], $0x10, s17, s24, $0xb8;
	[tilespmem:$0x1FE00] =	vst v63  }
0x6a: {  	s18 =	simm.s32 $0x300;
	p0 =	seq.s32 s11, $0x0  }
0x6b: {  	[tilespmem:s1], [sflag:$0x1] =	stream.indirect.gather [hbm4b:s4+s24], $0x10, s18, s24, $0xb8;
	[tilespmem:$0x1FE00] =	vst v63  }
0x6c: {  	s12 =	simm.s32 @!p0 $0x3;
	s13 =	simm.s32 $0x380  }
0x6d: {  	[tilespmem:s7], [sflag:$0x1] =	stream.indirect.gather [hbm4b:s4+s24], $0x10, s13, s24, $0xb8;
	[tilespmem:$0x1FE00] =	vst v63  }
0x6e: {  	_ =	swait.ge @!p0 [sflag:s12], $0xA00  }
0x6f: {  	[sflag:s12] =	ssyncset.done @!p0 $0x0  }
0x70: {  	[sflag:s12] =	ssyncadd.s32 @!p0 $0xFFFFF600  }
0x71: {  	_ =	swait.ge @!p0 [sflag:s12], $0xA00  }
0x72: {  	[sflag:s12] =	ssyncset.done @!p0 $0x0  }
0x73: {  	[sflag:s12] =	ssyncadd.s32 @!p0 $0xFFFFF600  }
0x74: {  	_ =	swait.ge @!p0 [sflag:s12], $0xA00  }
0x75: {  	[sflag:s12] =	ssyncset.done @!p0 $0x0  }
0x76: {  	[sflag:s12] =	ssyncadd.s32 @!p0 $0xFFFFF600  }
0x77: {  	_ =	swait.ge @!p0 [sflag:s12], $0xA00  }
0x78: {  	[sflag:s12] =	ssyncset.done @!p0 $0x0  }
0x79: {  	s15 =	rddreg [dreg:$0x1f];
	[sflag:s12] =	ssyncadd.s32 @!p0 $0xFFFFF600  }
0x7a: {  	[spmem:s9] =	stream.linear.scatter [tilespmem:s8], [sflag:$0x2], $0x800, $0x38;
	[tilespmem:$0x1FE00] =	vst v63  }
0x7b: {  	s16 =	sld [smem:$0x7DD]  }
0x7c: {  	[spmem:s15] =	stream.linear.scatter [tilespmem:s8], [sflag:$0x2], $0x800, $0x38;
	[tilespmem:$0x1FE00] =	vst v63  }
0x7d: {  	s17 =	sld [smem:$0x7DE]  }
0x7e: {  	[spmem:s16] =	stream.linear.scatter [tilespmem:s8], [sflag:$0x2], $0x800, $0x38;
	[tilespmem:$0x1FE00] =	vst v63  }
0x7f: {  	s18 =	sld [smem:$0x7DF]  }
0x80: {  	[spmem:s17] =	stream.linear.scatter [tilespmem:s8], [sflag:$0x2], $0x800, $0x38;
	[tilespmem:$0x1FE00] =	vst v63  }
0x81: {  	s13 =	sld [smem:$0x7E0]  }
0x82: {  	[spmem:s18] =	stream.linear.scatter [tilespmem:s8], [sflag:$0x2], $0x800, $0x38;
	[tilespmem:$0x1FE00] =	vst v63  }
0x83: {  	s15 =	sld [smem:$0x7E1]  }
0x84: {  	[spmem:s13] =	stream.linear.scatter [tilespmem:s8], [sflag:$0x2], $0x800, $0x38;
	[tilespmem:$0x1FE00] =	vst v63  }
0x85: {  	s16 =	sld [smem:$0x7E2]  }
0x86: {  	[spmem:s15] =	stream.linear.scatter [tilespmem:s8], [sflag:$0x2], $0x800, $0x38;
	[tilespmem:$0x1FE00] =	vst v63  }
0x87: {  	s17 =	sld [smem:$0x7E3]  }
0x88: {  	[spmem:s16] =	stream.linear.scatter [tilespmem:s8], [sflag:$0x2], $0x800, $0x38;
	[tilespmem:$0x1FE00] =	vst v63  }
0x89: {  	s18 =	sld [smem:$0x7E4]  }
0x8a: {  	[spmem:s17] =	stream.linear.scatter [tilespmem:s8], [sflag:$0x2], $0x800, $0x38;
	[tilespmem:$0x1FE00] =	vst v63  }
0x8b: {  	s13 =	sld [smem:$0x7E5]  }
0x8c: {  	[spmem:s18] =	stream.linear.scatter [tilespmem:s8], [sflag:$0x2], $0x800, $0x38;
	[tilespmem:$0x1FE00] =	vst v63  }
0x8d: {  	s15 =	sld [smem:$0x7E6]  }
0x8e: {  	[spmem:s13] =	stream.linear.scatter [tilespmem:s8], [sflag:$0x2], $0x800, $0x38;
	[tilespmem:$0x1FE00] =	vst v63  }
0x8f: {  	s16 =	sld [smem:$0x7E7]  }
0x90: {  	[spmem:s15] =	stream.linear.scatter [tilespmem:s8], [sflag:$0x2], $0x800, $0x38;
	[tilespmem:$0x1FE00] =	vst v63  }
0x91: {  	s17 =	sld [smem:$0x7E8]  }
0x92: {  	[spmem:s16] =	stream.linear.scatter [tilespmem:s8], [sflag:$0x2], $0x800, $0x38;
	[tilespmem:$0x1FE00] =	vst v63  }
0x93: {  	s18 =	sld [smem:$0x7E9]  }
0x94: {  	[spmem:s17] =	stream.linear.scatter [tilespmem:s8], [sflag:$0x2], $0x800, $0x38;
	[tilespmem:$0x1FE00] =	vst v63  }
0x95: {  	s13 =	sld [smem:$0x7EA]  }
0x96: {  	[spmem:s18] =	stream.linear.scatter [tilespmem:s8], [sflag:$0x2], $0x800, $0x38;
	[tilespmem:$0x1FE00] =	vst v63  }
0x97: {  	s15 =	sld [smem:$0x7EB]  }
0x98: {  	[spmem:s13] =	stream.linear.scatter [tilespmem:s8], [sflag:$0x2], $0x800, $0x38;
	[tilespmem:$0x1FE00] =	vst v63  }
0x99: {  	s16 =	sld [smem:$0x7EC]  }
0x9a: {  	[spmem:s15] =	stream.linear.scatter [tilespmem:s8], [sflag:$0x2], $0x800, $0x38;
	[tilespmem:$0x1FE00] =	vst v63  }
0x9b: {  	s17 =	sld [smem:$0x7ED]  }
0x9c: {  	[spmem:s16] =	stream.linear.scatter [tilespmem:s8], [sflag:$0x2], $0x800, $0x38;
	[tilespmem:$0x1FE00] =	vst v63  }
0x9d: {  	s18 =	sld [smem:$0x7EE]  }
0x9e: {  	[spmem:s17] =	stream.linear.scatter [tilespmem:s8], [sflag:$0x2], $0x800, $0x38;
	[tilespmem:$0x1FE00] =	vst v63  }
0x9f: {  	s13 =	sld [smem:$0x7EF]  }
0xa0: {  	[spmem:s18] =	stream.linear.scatter [tilespmem:s8], [sflag:$0x2], $0x800, $0x38;
	[tilespmem:$0x1FE00] =	vst v63  }
0xa1: {  	s15 =	sld [smem:$0x7F0]  }
0xa2: {  	[spmem:s13] =	stream.linear.scatter [tilespmem:s8], [sflag:$0x2], $0x800, $0x38;
	[tilespmem:$0x1FE00] =	vst v63  }
0xa3: {  	s16 =	sld [smem:$0x7F1]  }
0xa4: {  	[spmem:s15] =	stream.linear.scatter [tilespmem:s8], [sflag:$0x2], $0x800, $0x38;
	[tilespmem:$0x1FE00] =	vst v63  }
0xa5: {  	s17 =	sld [smem:$0x7F2]  }
0xa6: {  	[spmem:s16] =	stream.linear.scatter [tilespmem:s8], [sflag:$0x2], $0x800, $0x38;
	[tilespmem:$0x1FE00] =	vst v63  }
0xa7: {  	s18 =	sld [smem:$0x7F3]  }
0xa8: {  	[spmem:s17] =	stream.linear.scatter [tilespmem:s8], [sflag:$0x2], $0x800, $0x38;
	[tilespmem:$0x1FE00] =	vst v63  }
0xa9: {  	s13 =	sld [smem:$0x7F4]  }
0xaa: {  	[spmem:s18] =	stream.linear.scatter [tilespmem:s8], [sflag:$0x2], $0x800, $0x38;
	[tilespmem:$0x1FE00] =	vst v63  }
0xab: {  	s15 =	sld [smem:$0x7F5]  }
0xac: {  	[spmem:s13] =	stream.linear.scatter [tilespmem:s8], [sflag:$0x2], $0x800, $0x38;
	[tilespmem:$0x1FE00] =	vst v63  }
0xad: {  	s16 =	sld [smem:$0x7F6]  }
0xae: {  	[spmem:s15] =	stream.linear.scatter [tilespmem:s8], [sflag:$0x2], $0x800, $0x38;
	[tilespmem:$0x1FE00] =	vst v63  }
0xaf: {  	s17 =	sld [smem:$0x7F7]  }
0xb0: {  	[spmem:s16] =	stream.linear.scatter [tilespmem:s8], [sflag:$0x2], $0x800, $0x38;
	[tilespmem:$0x1FE00] =	vst v63  }
0xb1: {  	s18 =	sld [smem:$0x7F8]  }
0xb2: {  	[spmem:s17] =	stream.linear.scatter [tilespmem:s8], [sflag:$0x2], $0x800, $0x38;
	[tilespmem:$0x1FE00] =	vst v63  }
0xb3: {  	s13 =	sld [smem:$0x7F9]  }
0xb4: {  	[spmem:s18] =	stream.linear.scatter [tilespmem:s8], [sflag:$0x2], $0x800, $0x38;
	[tilespmem:$0x1FE00] =	vst v63  }
0xb5: {  	s15 =	sld [smem:$0x7FA]  }
0xb6: {  	[spmem:s13] =	stream.linear.scatter [tilespmem:s8], [sflag:$0x2], $0x800, $0x38;
	[tilespmem:$0x1FE00] =	vst v63  }
0xb7: {  	s16 =	sld [smem:$0x7FB]  }
0xb8: {  	[spmem:s15] =	stream.linear.scatter [tilespmem:s8], [sflag:$0x2], $0x800, $0x38;
	[tilespmem:$0x1FE00] =	vst v63  }
0xb9: {  	s17 =	sld [smem:$0x7FC]  }
0xba: {  	[spmem:s16] =	stream.linear.scatter [tilespmem:s8], [sflag:$0x2], $0x800, $0x38;
	[tilespmem:$0x1FE00] =	vst v63  }
0xbb: {  	s18 =	sld [smem:$0x7FD]  }
0xbc: {  	[spmem:s17] =	stream.linear.scatter [tilespmem:s8], [sflag:$0x2], $0x800, $0x38;
	[tilespmem:$0x1FE00] =	vst v63  }
0xbd: {  	_ = 	snop  }
0xbe: {  	[spmem:s18] =	stream.linear.scatter [tilespmem:s8], [sflag:$0x2], $0x800, $0x38;
	[tilespmem:$0x1FE00] =	vst v63  }
0xbf: {  	_ = 	snop  }
0xc0: {  	[spmem:s19] =	stream.linear.scatter [tilespmem:s8], [sflag:$0x2], $0x800, $0x38;
	[tilespmem:$0x1FE00] =	vst v63  }
0xc1: {  	_ = 	snop  }
0xc2: {  	[spmem:s20] =	stream.linear.scatter [tilespmem:s8], [sflag:$0x2], $0x800, $0x38;
	[tilespmem:$0x1FE00] =	vst v63  }
0xc3: {  	_ = 	snop  }
0xc4: {  	[spmem:s21] =	stream.linear.scatter [tilespmem:s8], [sflag:$0x2], $0x800, $0x38;
	[tilespmem:$0x1FE00] =	vst v63  }
0xc5: {  	_ = 	snop  }
0xc6: {  	[spmem:s22] =	stream.linear.scatter [tilespmem:s8], [sflag:$0x2], $0x800, $0x38;
	[tilespmem:$0x1FE00] =	vst v63  }
0xc7: {  	_ = 	snop  }
0xc8: {  	[spmem:s23] =	stream.linear.scatter [tilespmem:s8], [sflag:$0x2], $0x800, $0x38;
	[tilespmem:$0x1FE00] =	vst v63  }
0xc9: {  	_ =	swait.ge [sflag:s14], $0x800  }
0xca: {  	s12 =	simm.s32 $0x27;
	[sflag:s14] =	ssyncset.done $0x0  }
.LBB2_5:
0xcb: {  	p0 =	sne.s32 s12, $0x1;
	s12 =	sadd.s32 $0xFFFFFFFF, s12;
	[sflag:s14] =	ssyncadd.s32 $0xFFFFF800  }
.Ltmp1:
0xcc: {  	(pc) =	sbr.rel @p0 .LBB2_5-.Ltmp1, $3  }
0xcd: {  	_ =	sdelay $0x1  }
0xce: {  	_ =	swait.ge [sflag:s14], $0x800  }
0xcf: {  	[sflag:s14] =	ssyncset.done $0x0  }
0xd0: {  	[sflag:s14] =	ssyncadd.s32 $0xFFFFF800  }
0xd1: {  	[bflag:$0x0] =	sbarrier.arrive $0xFFFF  }
0xd2: {  	_ =	swait.ge [sflag:s3], $0x800  }
0xd3: {  	[sflag:s3] =	ssyncset.done $0x0  }
0xd4: {  	s12 =	simm.s32 $0x1B00;
	[sflag:s3] =	ssyncadd.s32 $0xFFFFF800  }
0xd5: {  	[spmem:s2] =	stream.indirect.scatter.add.f32 [tilespmem:s25], [sflag:$0x2], $0x10, s12, s24, $0xb8;
	[tilespmem:$0x1FE00] =	vst v63  }
0xd6: {  	s18 =	simm.s32 $0x400;
	s13 =	simm.s32 $0x7600  }
0xd7: {  	[tilespmem:s13], [sflag:$0x1] =	stream.indirect.gather [hbm4b:s4+s24], $0x10, s18, s24, $0xb8;
	[tilespmem:$0x1FE00] =	vst v63  }
0xd8: {  	_ =	swait.ge [sflag:s3], $0x800  }
0xd9: {  	[sflag:s3] =	ssyncset.done $0x0  }
0xda: {  	s15 =	simm.s32 $0x1B80;
	[sflag:s3] =	ssyncadd.s32 $0xFFFFF800  }
0xdb: {  	[spmem:s2] =	stream.indirect.scatter.add.f32 [tilespmem:s28], [sflag:$0x2], $0x10, s15, s24, $0xb8;
	[tilespmem:$0x1FE00] =	vst v63  }
0xdc: {  	s16 =	simm.s32 $0x480;
	s17 =	simm.s32 $0x7E00  }
0xdd: {  	[tilespmem:s17], [sflag:$0x1] =	stream.indirect.gather [hbm4b:s4+s24], $0x10, s16, s24, $0xb8;
	[tilespmem:$0x1FE00] =	vst v63  }
0xde: {  	_ =	swait.ge [sflag:s3], $0x800  }
0xdf: {  	[sflag:s3] =	ssyncset.done $0x0  }
0xe0: {  	s18 =	simm.s32 $0x1C00;
	[sflag:s3] =	ssyncadd.s32 $0xFFFFF800  }
0xe1: {  	[spmem:s2] =	stream.indirect.scatter.add.f32 [tilespmem:s29], [sflag:$0x2], $0x10, s18, s24, $0xb8;
	[tilespmem:$0x1FE00] =	vst v63  }
0xe2: {  	s13 =	simm.s32 $0x500;
	s15 =	simm.s32 $0x8600  }
0xe3: {  	[tilespmem:s15], [sflag:$0x1] =	stream.indirect.gather [hbm4b:s4+s24], $0x10, s13, s24, $0xb8;
	[tilespmem:$0x1FE00] =	vst v63  }
0xe4: {  	_ =	swait.ge [sflag:s3], $0x800  }
0xe5: {  	[sflag:s3] =	ssyncset.done $0x0  }
0xe6: {  	s16 =	simm.s32 $0x1C80;
	[sflag:s3] =	ssyncadd.s32 $0xFFFFF800  }
0xe7: {  	[spmem:s2] =	stream.indirect.scatter.add.f32 [tilespmem:s26], [sflag:$0x2], $0x10, s16, s24, $0xb8;
	[tilespmem:$0x1FE00] =	vst v63  }
0xe8: {  	s17 =	simm.s32 $0x580;
	s18 =	simm.s32 $0x8E00  }
0xe9: {  	[tilespmem:s18], [sflag:$0x1] =	stream.indirect.gather [hbm4b:s4+s24], $0x10, s17, s24, $0xb8;
	[tilespmem:$0x1FE00] =	vst v63  }
0xea: {  	_ =	swait.ge [sflag:s3], $0x800  }
0xeb: {  	[sflag:s3] =	ssyncset.done $0x0  }
0xec: {  	s15 =	simm.s32 $0x1D00;
	[sflag:s3] =	ssyncadd.s32 $0xFFFFF800  }
0xed: {  	[spmem:s2] =	stream.indirect.scatter.add.f32 [tilespmem:s30], [sflag:$0x2], $0x10, s15, s24, $0xb8;
	[tilespmem:$0x1FE00] =	vst v63  }
0xee: {  	s16 =	simm.s32 $0x600;
	s17 =	simm.s32 $0x9600  }
0xef: {  	[tilespmem:s17], [sflag:$0x1] =	stream.indirect.gather [hbm4b:s4+s24], $0x10, s16, s24, $0xb8;
	[tilespmem:$0x1FE00] =	vst v63  }
0xf0: {  	_ =	swait.ge [sflag:s3], $0x800  }
0xf1: {  	[sflag:s3] =	ssyncset.done $0x0  }
0xf2: {  	s18 =	simm.s32 $0x1D80;
	[sflag:s3] =	ssyncadd.s32 $0xFFFFF800  }
0xf3: {  	[spmem:s2] =	stream.indirect.scatter.add.f32 [tilespmem:s31], [sflag:$0x2], $0x10, s18, s24, $0xb8;
	[tilespmem:$0x1FE00] =	vst v63  }
0xf4: {  	s13 =	simm.s32 $0x680;
	s15 =	simm.s32 $0x9E00  }
0xf5: {  	[tilespmem:s15], [sflag:$0x1] =	stream.indirect.gather [hbm4b:s4+s24], $0x10, s13, s24, $0xb8;
	[tilespmem:$0x1FE00] =	vst v63  }
0xf6: {  	_ =	swait.ge [sflag:s3], $0x800  }
0xf7: {  	[sflag:s3] =	ssyncset.done $0x0  }
0xf8: {  	s16 =	simm.s32 $0x1E00;
	[sflag:s3] =	ssyncadd.s32 $0xFFFFF800  }
0xf9: {  	[spmem:s2] =	stream.indirect.scatter.add.f32 [tilespmem:s1], [sflag:$0x2], $0x10, s16, s24, $0xb8;
	[tilespmem:$0x1FE00] =	vst v63  }
0xfa: {  	s17 =	simm.s32 $0x700;
	s18 =	simm.s32 $0xA600  }
0xfb: {  	[tilespmem:s18], [sflag:$0x1] =	stream.indirect.gather [hbm4b:s4+s24], $0x10, s17, s24, $0xb8;
	[tilespmem:$0x1FE00] =	vst v63  }
0xfc: {  	_ =	swait.ge [sflag:s3], $0x800  }
0xfd: {  	p0 =	sne.s32 s0, $0x1;
	s12 =	simm.s32 $0x800;
	[sflag:s3] =	ssyncset.done $0x0  }
0xfe: {  	s15 =	simm.s32 $0x1E80;
	s18 =	simm.s32 $0x10000;
	[sflag:s3] =	ssyncadd.s32 $0xFFFFF800  }
0xff: {  	[spmem:s2] =	stream.indirect.scatter.add.f32 [tilespmem:s7], [sflag:$0x2], $0x10, s15, s24, $0xb8;
	[tilespmem:$0x1FE00] =	vst v63  }
0x100: {  	s16 =	simm.s32 $0x780;
	s17 =	simm.s32 $0xAE00;
	s13 =	sand.u32 $0x1E000, s18  }
0x101: {  	[tilespmem:s17], [sflag:$0x1] =	stream.indirect.gather [hbm4b:s4+s24], $0x10, s16, s24, $0xb8;
	[tilespmem:$0x1FE00] =	vst v63  }
0x102: {  	s15 =	simm.s32 $0x20000;
	s16 =	simm.s32 $0x1F00;
	_ =	swait.ge [sflag:s3], $0x800  }
0x103: {  	s17 =	sshrl.u32 s13, $0x2;
	s13 =	sadd.s32 $0xFFFFFFFF, s0;
	[sflag:s3] =	ssyncset.done $0x0  }
.Ltmp2:
0x104: {  	s17 =	sadd.s32 $0x3600, s17;
	[sflag:s3] =	ssyncadd.s32 $0xFFFFF800;
	(pc) =	sbr.rel @!p0 .LBB2_8-.Ltmp2, $4  }
0x105: {  	[spmem:s2] =	stream.indirect.scatter.add.f32 [tilespmem:s17], [sflag:$0x2], $0x10, s16, s24, $0xb8;
	[tilespmem:$0x1FE00] =	vst v63  }
0x106: {  	s17 =	sand.u32 $0x1E000, s15;
	s15 =	simm.s32 $0x1F80;
	_ =	swait.ge [sflag:s14], $0x800  }
0x107: {  	s16 =	simm.s32 $0x880;
	s18 =	sshrl.u32 s17, $0x2;
	[sflag:s14] =	ssyncset.done $0x0  }
0x108: {  	s17 =	simm.s32 $0x22000;
	s18 =	sadd.s32 $0x3600, s18;
	[sflag:s14] =	ssyncadd.s32 $0xFFFFF800  }
.LBB2_7:
0x109: {  	[tilespmem:s18], [sflag:$0x1] =	stream.indirect.gather [hbm4b:s4+s24], $0x10, s12, s24, $0xb8;
	[tilespmem:$0x1FE00] =	vst v63  }
0x10a: {  	s12 =	sadd.s32 $0xFFFF0000, s17;
	p0 =	sne.s32 s13, $0x1;
	s13 =	sadd.s32 $0xFFFFFFFF, s13  }
0x10b: {  	s18 =	sand.u32 $0x1E000, s12;
	s12 =	smov.u32 s16;
	_ =	swait.ge [sflag:s3], $0x800  }
0x10c: {  	s18 =	sshrl.u32 s18, $0x2;
	[sflag:s3] =	ssyncset.done $0x0  }
.Ltmp3:
0x10d: {  	s18 =	sadd.s32 $0x3600, s18;
	[sflag:s3] =	ssyncadd.s32 $0xFFFFF800;
	(pc) =	sbr.rel @p0 .LBB2_7-.Ltmp3, $4  }
0x10e: {  	[spmem:s2] =	stream.indirect.scatter.add.f32 [tilespmem:s18], [sflag:$0x2], $0x10, s15, s24, $0xb8;
	[tilespmem:$0x1FE00] =	vst v63  }
0x10f: {  	s18 =	sand.u32 $0x1E000, s17;
	s15 =	sadd.s32 $0x80, s15;
	_ =	swait.ge [sflag:s14], $0x800  }
0x110: {  	s16 =	sadd.s32 $0x80, s16;
	s18 =	sshrl.u32 s18, $0x2;
	[sflag:s14] =	ssyncset.done $0x0  }
0x111: {  	s17 =	sadd.s32 $0x2000, s17;
	s18 =	sadd.s32 $0x3600, s18;
	[sflag:s14] =	ssyncadd.s32 $0xFFFFF800  }
.LBB2_8:
0x112: {  	[tilespmem:s18], [sflag:$0x1] =	stream.indirect.gather [hbm4b:s4+s24], $0x10, s12, s24, $0xb8;
	[tilespmem:$0x1FE00] =	vst v63  }
0x113: {  	_ =	swait.ge [sflag:s3], $0x800  }
0x114: {  	[sflag:s3] =	ssyncset.done $0x0;
	s16 =	rddreg [dreg:$0xb]  }
0x115: {  	s13 =	rddreg [dreg:$0xc];
	[sflag:s3] =	ssyncadd.s32 $0xFFFFF800  }
0x116: {  	[spmem:s2] =	stream.indirect.scatter.add.f32 [tilespmem:s16], [sflag:$0x2], $0x10, s13, s24, $0xb8;
	[tilespmem:$0x1FE00] =	vst v63  }
0x117: {  	_ =	swait.ge [sflag:s3], $0x800  }
0x118: {  	[sflag:s3] =	ssyncset.done $0x0;
	s17 =	rddreg [dreg:$0xd]  }
0x119: {  	s18 =	rddreg [dreg:$0xe];
	[sflag:s3] =	ssyncadd.s32 $0xFFFFF800  }
0x11a: {  	[spmem:s2] =	stream.indirect.scatter.add.f32 [tilespmem:s17], [sflag:$0x2], $0x10, s18, s24, $0xb8;
	[tilespmem:$0x1FE00] =	vst v63  }
0x11b: {  	_ =	swait.ge [sflag:s3], $0x800  }
0x11c: {  	[sflag:s3] =	ssyncset.done $0x0;
	s15 =	rddreg [dreg:$0xf]  }
0x11d: {  	s16 =	rddreg [dreg:$0x10];
	[sflag:s3] =	ssyncadd.s32 $0xFFFFF800  }
0x11e: {  	[spmem:s2] =	stream.indirect.scatter.add.f32 [tilespmem:s15], [sflag:$0x2], $0x10, s16, s24, $0xb8;
	[tilespmem:$0x1FE00] =	vst v63  }
0x11f: {  	_ =	swait.ge [sflag:s3], $0x800  }
0x120: {  	[sflag:s3] =	ssyncset.done $0x0;
	s17 =	rddreg [dreg:$0x11]  }
0x121: {  	s18 =	rddreg [dreg:$0x12];
	[sflag:s3] =	ssyncadd.s32 $0xFFFFF800  }
0x122: {  	[spmem:s2] =	stream.indirect.scatter.add.f32 [tilespmem:s17], [sflag:$0x2], $0x10, s18, s24, $0xb8;
	[tilespmem:$0x1FE00] =	vst v63  }
0x123: {  	_ =	swait.ge [sflag:s3], $0x800  }
0x124: {  	[sflag:s3] =	ssyncset.done $0x0;
	s15 =	rddreg [dreg:$0x13]  }
0x125: {  	s16 =	rddreg [dreg:$0x14];
	[sflag:s3] =	ssyncadd.s32 $0xFFFFF800  }
0x126: {  	[spmem:s2] =	stream.indirect.scatter.add.f32 [tilespmem:s15], [sflag:$0x2], $0x10, s16, s24, $0xb8;
	[tilespmem:$0x1FE00] =	vst v63  }
0x127: {  	_ =	swait.ge [sflag:s3], $0x800  }
0x128: {  	[sflag:s3] =	ssyncset.done $0x0;
	s17 =	rddreg [dreg:$0x15]  }
0x129: {  	s18 =	rddreg [dreg:$0x17];
	[sflag:s3] =	ssyncadd.s32 $0xFFFFF800  }
0x12a: {  	[spmem:s2] =	stream.indirect.scatter.add.f32 [tilespmem:s17], [sflag:$0x2], $0x10, s18, s24, $0xb8;
	[tilespmem:$0x1FE00] =	vst v63  }
0x12b: {  	_ =	swait.ge [sflag:s3], $0x800  }
0x12c: {  	[sflag:s3] =	ssyncset.done $0x0;
	s15 =	rddreg [dreg:$0x18]  }
0x12d: {  	s16 =	rddreg [dreg:$0x19];
	[sflag:s3] =	ssyncadd.s32 $0xFFFFF800  }
0x12e: {  	[spmem:s2] =	stream.indirect.scatter.add.f32 [tilespmem:s15], [sflag:$0x2], $0x10, s16, s24, $0xb8;
	[tilespmem:$0x1FE00] =	vst v63  }
0x12f: {  	_ =	swait.ge [sflag:s3], $0x800  }
0x130: {  	[sflag:s3] =	ssyncset.done $0x0;
	s17 =	rddreg [dreg:$0x1a]  }
0x131: {  	s12 =	simm.s32 $0x40;
	s18 =	rddreg [dreg:$0x1b];
	[sflag:s3] =	ssyncadd.s32 $0xFFFFF800  }
0x132: {  	[spmem:s2] =	stream.indirect.scatter.add.f32 [tilespmem:s17], [sflag:$0x2], $0x10, s18, s24, $0xb8;
	[tilespmem:$0x1FE00] =	vst v63  }
0x133: {  	v3 =	vld [tilespmem:s12+$0xFFFFFFC0]  }
0x134: {  	p0 =	sne.s32 s6, $0x1;
	v5 =	vld [tilespmem:s12+$0xFFFFFFD0]  }
.Ltmp4:
0x135: {  	v4 =	vld [tilespmem:s12+$0xFFFFFFE0];
	(pc) =	sbr.rel @!p0 .LBB2_10-.Ltmp4, $4  }
0x136: {  	v2 =	vld [tilespmem:s12+$0x0]  }
0x137: {  	v1 =	vld [tilespmem:s12+$0x10]  }
0x138: {  	v6 =	vadd.s32 $0x1, v3;
	v3 =	vld [tilespmem:s12+$0x20]  }
0x139: {  	s15 =	simm.s32 $0x40;
	s13 =	rddreg [dreg:$0x16];
	[tilespmem:s12+$0xFFFFFFC0] =	vst v6;
	v6 =	vadd.s32 $0x1, v5;
	v5 =	vld [tilespmem:s12+$0x30]  }
.LBB2_9:
0x13a: {  	p0 =	sne.s32 s13, $0x1;
	[tilespmem:s12+$0xFFFFFFD0] =	vst v6;
	v4 =	vadd.s32 $0x1, v4;
	v6 =	vld [tilespmem:s12+$0xFFFFFFF0];
	s15 =	sadd.s32 $0x80, s15  }
0x13b: {  	v7 =	vld [tilespmem:s15+$0xFFFFFFC0];
	[tilespmem:s12+$0xFFFFFFE0] =	vst v4;
	v2 =	vadd.s32 $0x1, v2  }
0x13c: {  	v8 =	vld [tilespmem:s15+$0xFFFFFFD0];
	[tilespmem:s12+$0x0] =	vst v2;
	v1 =	vadd.s32 $0x1, v1  }
.Ltmp5:
0x13d: {  	v4 =	vld [tilespmem:s15+$0xFFFFFFE0];
	[tilespmem:s12+$0x10] =	vst v1;
	v1 =	vadd.s32 $0x1, v3;
	(pc) =	sbr.rel @p0 .LBB2_9-.Ltmp5, $4  }
0x13e: {  	v2 =	vld [tilespmem:s15+$0x0];
	[tilespmem:s12+$0x20] =	vst v1;
	v3 =	vadd.s32 $0x1, v5  }
0x13f: {  	v1 =	vld [tilespmem:s15+$0x10];
	v5 =	vadd.s32 $0x1, v6;
	[tilespmem:s12+$0x30] =	vst v3  }
0x140: {  	v6 =	vadd.s32 $0x1, v7;
	v3 =	vld [tilespmem:s15+$0x20];
	[tilespmem:s12+$0xFFFFFFF0] =	vst v5;
	s12 =	smov.u32 s15  }
0x141: {  	s13 =	sadd.s32 $0xFFFFFFFF, s13;
	[tilespmem:s15+$0xFFFFFFC0] =	vst v6;
	v6 =	vadd.s32 $0x1, v8;
	v5 =	vld [tilespmem:s15+$0x30]  }
.LBB2_10:
0x142: {  	[tilespmem:s12+$0xFFFFFFD0] =	vst v6;
	v4 =	vadd.s32 $0x1, v4;
	v63 =	vld [tilespmem:s12+$0xFFFFFFF0]  }
0x143: {  	[tilespmem:s12+$0xFFFFFFE0] =	vst v4;
	v2 =	vadd.s32 $0x1, v2  }
0x144: {  	[tilespmem:s12+$0x0] =	vst v2;
	v1 =	vadd.s32 $0x1, v1  }
0x145: {  	[tilespmem:s12+$0x10] =	vst v1;
	v1 =	vadd.s32 $0x1, v3  }
0x146: {  	[tilespmem:s12+$0x20] =	vst v1;
	v1 =	vadd.s32 $0x1, v5  }
0x147: {  	v2 =	vadd.s32 $0x1, v63;
	[tilespmem:s12+$0x30] =	vst v1  }
0x148: {  	[tilespmem:s12+$0xFFFFFFF0] =	vst v2;
	s12 =	sadd.s32 $0x1, s0  }
0x149: {  	p0 =	slt.u32 s12, s6  }
.Ltmp6:
0x14a: {  	_ = 	snop;
	(pc) =	sbr.rel @!p0 .LBB2_12-.Ltmp6, $3  }
0x14b: {  	_ =	sdelay $0x1  }
0x14c: {  	_ =	swait.ge [sflag:s14], $0x800  }
0x14d: {  	[sflag:s14] =	ssyncset.done $0x0  }
.LBB2_11:
0x14e: {  	s12 =	sadd.s32 $0x1, s12  }
0x14f: {  	[sflag:s14] =	ssyncadd.s32 $0xFFFFF800;
	p0 =	slt.u32 s12, s6  }
.Ltmp7:
0x150: {  	(pc) =	sbr.rel @p0 .LBB2_11-.Ltmp7, $3  }
0x151: {  	_ =	sdelay $0x1  }
0x152: {  	_ =	swait.ge [sflag:s14], $0x800  }
0x153: {  	[sflag:s14] =	ssyncset.done $0x0  }
.LBB2_12:
0x154: {  	s12 =	sshll.u32 s11, $0x4;
	s13 =	rddreg [dreg:$0x6]  }
0x155: {  	[sflag:s14] =	ssyncadd.s32 $0xFFFFF800;
	s15 =	stileid.u32;
	s13 =	sadd.s32 s13, s12  }
0x156: {  	s16 =	sshrl.u32 s9, $0x3;
	s15 =	sshll.u32 s15, $0x6;
	s13 =	sshrl.u32 s13, $0x3  }
0x157: {  	[bflag:$0x0] =	sbarrier.arrive $0xFFFF;
	s15 =	sor.u32 $0x1C03, s15;
	s13 =	sadd.s32 s5, s13  }
0x158: {  	[hbm:s13@s10], [sflag:s15] =	dma.strided [spmem:s16@s14], $0xA00, s3, $0x2   }
0x159: {  	s13 =	rddreg [dreg:$0x7]  }
0x15a: {  	s13 =	sadd.s32 s13, s12  }
0x15b: {  	s13 =	sshrl.u32 s13, $0x3  }
0x15c: {  	s16 =	rddreg [dreg:$0x1c];
	s13 =	sadd.s32 s5, s13  }
0x15d: {  	[hbm:s13@s10], [sflag:s15] =	dma.strided [spmem:s16@s14], $0xA00, s3, $0x2   }
0x15e: {  	s13 =	rddreg [dreg:$0x8]  }
0x15f: {  	s13 =	sadd.s32 s13, s12  }
0x160: {  	s11 =	sadd.s32 $0x1, s11;
	s13 =	sshrl.u32 s13, $0x3  }
0x161: {  	p0 =	sne.s32 s11, $0x10;
	s16 =	rddreg [dreg:$0x1d];
	s13 =	sadd.s32 s5, s13  }
0x162: {  	[hbm:s13@s10], [sflag:s15] =	dma.strided [spmem:s16@s14], $0xA00, s3, $0x2   }
.Ltmp8:
0x163: {  	s13 =	rddreg [dreg:$0x9];
	(pc) =	sbr.rel @p0 .LBB2_4-.Ltmp8, $4  }
0x164: {  	s12 =	sadd.s32 s13, s12  }
0x165: {  	s12 =	sshrl.u32 s12, $0x3  }
0x166: {  	s18 =	rddreg [dreg:$0x1e];
	s12 =	sadd.s32 s5, s12  }
0x167: {  	[hbm:s12@s10], [sflag:s15] =	dma.strided [spmem:s18@s14], $0xA00, s3, $0x2   }
0x168: {  	s12 =	simm.s32 $0x3  }
0x169: {  	_ =	swait.ge [sflag:s12], $0xA00  }
0x16a: {  	[sflag:s12] =	ssyncset.done $0x0  }
0x16b: {  	[sflag:s12] =	ssyncadd.s32 $0xFFFFF600  }
0x16c: {  	_ =	swait.ge [sflag:s12], $0xA00  }
0x16d: {  	[sflag:s12] =	ssyncset.done $0x0  }
0x16e: {  	[sflag:s12] =	ssyncadd.s32 $0xFFFFF600  }
0x16f: {  	_ =	swait.ge [sflag:s12], $0xA00  }
0x170: {  	[sflag:s12] =	ssyncset.done $0x0  }
0x171: {  	[sflag:s12] =	ssyncadd.s32 $0xFFFFF600  }
0x172: {  	_ =	swait.ge [sflag:s12], $0xA00  }
0x173: {  	s13 =	sld [smem:$0x7DC];
	_ =	sdelay $0x2  }
0x174: {  	s11 =	rddreg [dreg:$0xa];
	s13 =	sadd.s32 $0x1, s13  }
0x175: {  	p0 =	sne.s32 s13, s11  }
.Ltmp9:
0x176: {  	_ = 	snop;
	(pc) =	sbr.rel @p0 .LBB2_1-.Ltmp9, $3  }
0x177: {  	_ =	sdelay $0x1  }
0x178: {  	[sflag:s12] =	ssyncset.done $0x0  }
0x179: {  	[sflag:s12] =	ssyncadd.s32 $0xFFFFF600  }
0x17a: {  	_ =	sfence.sel $0x180000  }
0x17b: {  	[bflag:$0x0] =	sbarrier.arrive $0xFFFF  }
0x17c: {  	_ =	strace $0x90000047  }
0x17d: {  	s0 =	stileid.u32;
	[bflag:$0x2] =	sbarrier.arrive $0xFFFF  }
0x17e: {  	p0 =	sne.s32 s0, $0x0;
	s0 =	rddreg [dreg:$0x3]  }
0x17f: {  	s0 =	sadd.s32 @!p0 $0x100000, s0  }
0x180: {  	[sflag:s0] =	ssyncadd.tile.s32 @!p0 $0x1;
	_ =	shalt  }
.Lfunc_end2:
_tile_overlayer_lowered:
.L_overlay_start_2:
0x181: {  	(tag) =	ssettag $0x2  }
0x182: {  	s0 =	rddreg [dreg:$0x0];
	s2 =	stileid.u32  }
0x183: {  	s1 =	rddreg [dreg:$0x1];
	p0 =	sne.s32 s2, $0x0  }
0x184: {  	s3 =	rddreg [dreg:$0x2];
	[bflag:$0x3] =	sbarrier.arrive $0xFFFF;
	s2 =	simm.s32 @!p0 $0x1C04  }
0x185: {  	[timem:s3], [sflag:s2] =	dma.local @!p0 [hbm:s0], s1  }
0x186: {  	s0 =	simm.s32 @!p0 $0x4  }
0x187: {  	_ =	swait.ge @!p0 [sflag:s0], s1  }
0x188: {  	s1 =	ssub.s32 @!p0 $0x0, s1;
	[sflag:s0] =	ssyncset.done @!p0 $0x0  }
0x189: {  	[sflag:s0] =	ssyncadd.s32 @!p0 s1  }
0x18a: {  	[bflag:$0x3] =	sbarrier.arrive $0xFFFF  }
0x18b: {  	_ =	shalt  }

// kernel: kernel.13.cloned.1.call-start
scs
__scs_entry_jumppad:
0x0: {  	(pc) =	sbr.rel $0x88, $3  }
0x1: {  	(tag) =	ssettag $0x0;
	lr =	simm.s32 $0x1  }
0x2: {  	[smem:$0x3F92] =	sst lr;
	_ =	strace $0xD0000000  }
0x3: {  	_ = 	snop  }
0x4: {  	_ = 	snop  }
0x5: {  	_ = 	snop  }
0x6: {  	_ = 	snop  }
0x7: {  	_ = 	snop  }
__scs_overlays_trampoline_lowered:
0x8: {  	[smem:$0x3FA1] =	sst s0  }
0x9: {  	[smem:$0x3FA2] =	sst s1  }
0xa: {  	[smem:$0x3FA3] =	sst s2  }
0xb: {  	[smem:$0x3FA4] =	sst s3  }
0xc: {  	[smem:$0x3FA5] =	sst s4  }
0xd: {  	[smem:$0x3FA6] =	sst s5  }
0xe: {  	[smem:$0x3FA7] =	sst s6  }
0xf: {  	[smem:$0x3FA8] =	sst s7  }
0x10: {  	[smem:$0x3FA9] =	sst s8  }
0x11: {  	[smem:$0x3FAA] =	sst s9;
	s0 =	simm.s32 @!p0 $0x0  }
0x12: {  	s1 =	sld [smem:$0x3F90];
	s0 =	simm.s32 @p0 $0x1  }
0x13: {  	[smem:$0x3FAB] =	sst s0;
	s0 =	simm.s32 @!p1 $0x0  }
0x14: {  	s2 =	sld [smem:$0x3F8F];
	s0 =	simm.s32 @p1 $0x1  }
0x15: {  	[smem:$0x3FAC] =	sst s0;
	s0 =	simm.s32 @!p2 $0x0  }
0x16: {  	s3 =	sld [smem:$0x3FDB];
	s0 =	simm.s32 @p2 $0x1  }
0x17: {  	s4 =	simm.s32 $0x1BF5;
	[smem:$0x3FAE] =	sst s0  }
0x18: {  	s0 =	sld [smem:$0x3F91];
	_ =	swait.ge [sflag:s4], $0x0  }
0x19: {  	s7 =	sld [smem:$0x3F92]  }
0x1a: {  	s8 =	sadd.s32 $0xFFFFE003, lr  }
0x1b: {  	s9 =	sadd.s32 $0xFFFFFEF7, lr;
	s5 =	simm.s32 $0xFFFFFFFF;
	p2 =	slt.u32 s8, $0xFFFFF086  }
0x1c: {  	p1 =	slt.u32 s9, $0xF7A;
	s5 =	simm.s32 @!p2 $0x0  }
0x1d: {  	s5 =	simm.s32 @p1 $0x1;
	p0 =	seq.s32 s7, s2  }
0x1e: {  	s7 =	smul.u32 @!p0 $0xF7A, s2;
	p2 =	seq.s32 @!p0 s5, $0x0  }
0x1f: {  	s9 =	smul.u32 $0xF7A, s1;
	s8 =	simm.s32 @!p0 $0x1BF5;
	p2 =	por !p2, p0  }
0x20: {  	[sflag:s8] =	ssyncset.s32 @!p0 $0xFFFFF086;
	s6 =	sadd.s32 @!p0 s3, s7;
	s7 =	simm.s32 @!p0 $0x108  }
0x21: {  	s3 =	sadd.s32 s3, s9;
	s6 =	sadd.s32 @!p0 $0x88, s6;
	s7 =	simm.s32 @p2 $0x1082  }
0x22: {  	[simem:s7], [sflag:s8] =	dma.local @!p0 [hbm:s6], $0xF7A  }
0x23: {  	s9 =	sor.u32 $0xD0000000, s2;
	s6 =	simm.s32 $0x108;
	_ =	swait.ge @!p0 [sflag:s8], $0x0  }
0x24: {  	s3 =	sadd.s32 $0x88, s3;
	s6 =	simm.s32 @!p1 $0x1082;
	[sflag:s4] =	ssyncset.s32 $0xFFFFF086  }
0x25: {  	[simem:s6], [sflag:s4] =	dma.local [hbm:s3], $0xF7A  }
0x26: {  	[smem:$0x3F92] =	sst s1;
	(tag) =	ssettag s2;
	_ =	strace s9  }
0x27: {  	s1 =	sld [smem:$0x3FA2]  }
0x28: {  	s2 =	sld [smem:$0x3FA3]  }
0x29: {  	s4 =	sld [smem:$0x3FA5]  }
0x2a: {  	p0 =	seq.s32 s5, $0x0;
	s5 =	sld [smem:$0x3FA6]  }
0x2b: {  	s6 =	sld [smem:$0x3FA7]  }
0x2c: {  	s7 =	sld [smem:$0x3FA8]  }
0x2d: {  	s3 =	simm.s32 $0x108;
	s8 =	sld [smem:$0x3FA9]  }
0x2e: {  	s3 =	simm.s32 @!p0 $0x1082;
	s9 =	sld [smem:$0x3FAA]  }
0x2f: {  	lr =	sadd.s32 s0, s3;
	s0 =	sld [smem:$0x3FA1]  }
0x30: {  	s3 =	sld [smem:$0x3FA4]  }
0x31: {  	[smem:$0x3FAD] =	sst s10  }
0x32: {  	s10 =	sld [smem:$0x3FAB];
	_ =	sdelay $0x3  }
0x33: {  	p0 =	seq.s32 s10, $0x1;
	s10 =	sld [smem:$0x3FAD];
	_ =	sdelay $0x3  }
0x34: {  	[smem:$0x3FAD] =	sst s10  }
0x35: {  	s10 =	sld [smem:$0x3FAC];
	_ =	sdelay $0x3  }
0x36: {  	p1 =	seq.s32 s10, $0x1;
	s10 =	sld [smem:$0x3FAD];
	_ =	sdelay $0x3  }
0x37: {  	[smem:$0x3FAD] =	sst s10  }
0x38: {  	s10 =	sld [smem:$0x3FAE]  }
0x39: {  	_ = 	snop;
	(pc) =	sbr.ind lr, $3  }
0x3a: {  	_ = 	snop  }
0x3b: {  	_ = 	snop  }
0x3c: {  	p2 =	seq.s32 s10, $0x1;
	s10 =	sld [smem:$0x3FAD]  }
0x3d: {  	_ =	shalt  }
0x3e: {  	_ =	shalt  }
0x3f: {  	_ =	shalt  }
0x40: {  	_ =	shalt  }
0x41: {  	_ =	shalt  }
0x42: {  	_ =	shalt  }
0x43: {  	_ =	shalt  }
0x44: {  	_ =	shalt  }
0x45: {  	_ =	shalt  }
0x46: {  	_ =	shalt  }
0x47: {  	_ =	shalt  }
0x48: {  	_ =	shalt  }
0x49: {  	_ =	shalt  }
0x4a: {  	_ =	shalt  }
0x4b: {  	_ =	shalt  }
0x4c: {  	_ =	shalt  }
0x4d: {  	_ =	shalt  }
0x4e: {  	_ =	shalt  }
0x4f: {  	_ =	shalt  }
0x50: {  	_ =	shalt  }
0x51: {  	_ =	shalt  }
0x52: {  	_ =	shalt  }
0x53: {  	_ =	shalt  }
0x54: {  	_ =	shalt  }
0x55: {  	_ =	shalt  }
0x56: {  	_ =	shalt  }
0x57: {  	_ =	shalt  }
0x58: {  	_ =	shalt  }
0x59: {  	_ =	shalt  }
0x5a: {  	_ =	shalt  }
0x5b: {  	_ =	shalt  }
0x5c: {  	_ =	shalt  }
0x5d: {  	_ =	shalt  }
0x5e: {  	_ =	shalt  }
0x5f: {  	_ =	shalt  }
0x60: {  	_ =	shalt  }
0x61: {  	_ =	shalt  }
0x62: {  	_ =	shalt  }
0x63: {  	_ =	shalt  }
0x64: {  	_ =	shalt  }
0x65: {  	_ =	shalt  }
0x66: {  	_ =	shalt  }
0x67: {  	_ =	shalt  }
0x68: {  	_ =	shalt  }
0x69: {  	_ =	shalt  }
0x6a: {  	_ =	shalt  }
0x6b: {  	_ =	shalt  }
0x6c: {  	_ =	shalt  }
0x6d: {  	_ =	shalt  }
0x6e: {  	_ =	shalt  }
0x6f: {  	_ =	shalt  }
0x70: {  	_ =	shalt  }
0x71: {  	_ =	shalt  }
0x72: {  	_ =	shalt  }
0x73: {  	_ =	shalt  }
0x74: {  	_ =	shalt  }
0x75: {  	_ =	shalt  }
0x76: {  	_ =	shalt  }
0x77: {  	_ =	shalt  }
0x78: {  	_ =	shalt  }
0x79: {  	_ =	shalt  }
0x7a: {  	_ =	shalt  }
0x7b: {  	_ =	shalt  }
0x7c: {  	_ =	shalt  }
0x7d: {  	_ =	shalt  }
0x7e: {  	_ =	shalt  }
0x7f: {  	_ =	shalt  }
0x80: {  	_ =	shalt  }
0x81: {  	_ =	shalt  }
0x82: {  	_ =	shalt  }
0x83: {  	_ =	shalt  }
0x84: {  	_ =	shalt  }
0x85: {  	_ =	shalt  }
0x86: {  	_ =	shalt  }
0x87: {  	_ =	shalt  }
.Lfunc_end0:
.L_simem_size_0:
called_computation.2_lowered:
.L_overlay_start_0:
0x88: {  	s2 =	sld [smem:$0x3FD9]  }
0x89: {  	s3 =	sld [smem:$0x3FFE];
	_ =	sdelay $0x1  }
0x8a: {  	s1 =	srdreg.scid  }
0x8b: {  	s0 =	sand.u32 $0x1, s1  }
0x8c: {  	s17 =	sshll.u32 s0, $0xA;
	s2 =	sadd.s32 s3, s2  }
0x8d: {  	s2 =	sadd.s32 s2, s17  }
0x8e: {  	[smem:$0x3FB9] =	sst s2  }
0x8f: {  	_ = 	snop  }
0x90: {  	s2 =	sld [smem:$0x3FD0];
	(tm) =	ssettm $0x1  }
0x91: {  	s18 =	sld [smem:$0x3FFB];
	_ =	sdelay $0x3  }
0x92: {  	_ =	strace s18  }
0x93: {  	s3 =	sld [smem:$0x3FFC];
	_ =	sdelay $0x3  }
0x94: {  	_ =	strace s3  }
0x95: {  	s3 =	sld [smem:$0x3FFD];
	_ =	sdelay $0x3  }
0x96: {  	_ =	strace s3  }
0x97: {  	_ =	strace $0x8FFFFFFF  }
0x98: {  	s19 =	sld [smem:$0x3FDB];
	_ =	sdelay $0x1  }
0x99: {  	s4 =	simm.s32 $_scs_section_size  }
0x9a: {  	s5 =	simm.s32 $_size__tile_overlayer_lowered;
	s6 =	simm.s32 $_tile_overlayer_lowered  }
0x9b: {  	s22 =	simm.s32 $0x1BFF;
	s21 =	sshll.u32 s6, $0x1;
	s3 =	sadd.s32 s4, s19  }
0x9c: {  	s7 =	simm.s32 $0x0;
	s20 =	sshll.u32 s5, $0x1;
	s5 =	sadd.s32 s21, s3  }
0x9d: {  	[timem:s7], [sflag:s22] =	dma.local [hbm:s5], s20  }
0x9e: {  	_ =	swait.ge [sflag:s22], s20  }
0x9f: {  	s4 =	ssub.s32 $0x0, s20;
	[sflag:s22] =	ssyncset.done $0x0  }
0xa0: {  	[sflag:s22] =	ssyncadd.s32 s4;
	_ =	sdelay $0x1  }
0xa1: {  	s23 =	simm.s32 $0x1B8B  }
0xa2: {  	_ =	swait.ge [sflag:s23], $0x1  }
0xa3: {  	[sflag:s23] =	ssyncset.done $0x0  }
0xa4: {  	s25 =	simm.s32 $0x1B8E;
	s24 =	sld [smem:$0x3FFE];
	[sflag:s23] =	ssyncadd.s32 $0xFFFFFFFF  }
0xa5: {  	s26 =	simm.s32 $execute0_lowered;
	[smem:$0x3FD2] =	sst s25  }
0xa6: {  	s5 =	sshll.u32 s26, $0x1;
	_ =	strace $0x8000004C;
	[dreg:$0x1] =	wrdreg $0xFFFFFFFF  }
0xa7: {  	s28 =	simm.s32 $_size_execute0_lowered;
	s3 =	sadd.s32 s3, s5;
	[dreg:$0x0] =	wrdreg $0x0  }
0xa8: {  	s5 =	sshll.u32 s28, $0x1;
	[dreg:$0x2] =	wrdreg s3  }
0xa9: {  	[dreg:$0x3] =	wrdreg s5  }
0xaa: {  	[dreg:$0x4] =	wrdreg $0xC0  }
0xab: {  	_ =	task [dreg:s7], $0x5FFFF  }
0xac: {  	[dreg:$0x1] =	wrdreg $0xFFFFFFFF  }
0xad: {  	[dreg:$0x0] =	wrdreg $0x60  }
0xae: {  	[dreg:$0x2] =	wrdreg s24  }
0xaf: {  	[dreg:$0x3] =	wrdreg s2  }
0xb0: {  	[dreg:$0x4] =	wrdreg $0xBE000  }
0xb1: {  	[dreg:$0x5] =	wrdreg $0x9  }
0xb2: {  	_ =	task.clear_ibuf [dreg:s7], $0x6FFFF;
	_ =	strace $0x9000004C  }
0xb3: {  	s29 =	simm.s32 $0x9;
	_ =	strace $0x8000004E  }
0xb4: {  	_ =	swait.ge [sflag:s29], $0x1  }
0xb5: {  	[sflag:s29] =	ssyncadd.s32 $0xFFFFFFFF  }
0xb6: {  	_ =	strace $0x9000004E  }
0xb7: {  	_ =	sfence  }
0xb8: {  	s30 =	sld [smem:$0x0];
	_ =	sdelay $0x2  }
0xb9: {  	s31 =	sshll.u32 s1, $0xD;
	s1 =	sshrl.u32 s1, $0x2  }
0xba: {  	s3 =	sand.u32 $0x4000, s31;
	s1 =	sadd.s32 s1, s30  }
0xbb: {  	s0 =	sor.u32 s3, s0;
	s1 =	sshll.u32 s1, $0x11  }
0xbc: {  	s0 =	sor.u32 s1, s0  }
0xbd: {  	s0 =	sadd.s32 $0x8F2B, s0  }
0xbe: {  	[sflag:s0] =	ssyncadd.remote.s32 $0x1  }
0xbf: {  	_ =	sfence.sel $0xFFFF  }
0xc0: {  	[dreg:$0x0] =	wrdreg $0xFFFFFFFF;
	(pc) =	sbr.abs _section_cstart, $3  }
0xc1: {  	[dreg:$0x1] =	wrdreg $0xFFFFFFFF  }
0xc2: {  	_ =	task.clear_ibuf [dreg:s7], $0x2FFFF;
	_ =	strace $0x9FFFFFFF  }
0xc3: {  	(tm) =	ssettm $0x7FFFFFFF  }
tec
execute0_lowered:
.L_overlay_start_1:
0x0: {  	(tag) =	ssettag $0x1  }
0x1: {  	s0 =	rddreg [dreg:$0x0]  }
0x2: {  	s1 =	rddreg [dreg:$0x1]  }
0x3: {  	s3 =	srdreg.scid;
	s12 =	stileid.u32  }
0x4: {  	s2 =	rddreg [dreg:$0x2];
	s5 =	simm.s32 $0x0;
	s6 =	simm.s32 $0x19  }
0x5: {  	s3 =	sand.u32 $0x1, s3;
	s4 =	sshll.u32 s12, $0x1;
	s10 =	smul.u32 $0x1400, s12  }
0x6: {  	[smem:$0x7FF] =	sst s5;
	s5 =	sadd.s32 $0x32A000, s0;
	s11 =	smul.u32 $0x50000, s12  }
0x7: {  	s20 =	smul.u32 $0x140000, s12;
	s4 =	sor.u32 s3, s4;
	_ =	strace $0x8000004D  }
0x8: {  	s9 =	ssub.s32 $0x2, s3;
	p0 =	seq.s32 s3, $0x0;
	s3 =	smul.u32 $0x1400000, s3  }
0x9: {  	s7 =	smul.u32 $0x360, s4;
	s4 =	sadd.s32 $0x2DA000, s0;
	s18 =	sshrl.u32 s9, $0x1  }
0xa: {  	s6 =	simm.s32 @!p0 $0x36;
	s19 =	sshrl.u32 s11, $0x2;
	s21 =	sadd.s32 $0x500, s10  }
0xb: {  	s24 =	sadd.s32 $0xA00, s10;
	s10 =	sadd.s32 $0xF00, s10;
	s22 =	sadd.s32 $0xFFFFFFF8, s6  }
0xc: {  	s23 =	sshll.u32 s21, $0x8;
	s25 =	sshll.u32 s24, $0x8;
	s26 =	sshll.u32 s10, $0x8  }
0xd: {  	s10 =	sshll.u32 s10, $0x4;
	s12 =	sadd.s32 $0xFFFFFFF9, s6;
	s8 =	sadd.s32 s7, s0  }
0xe: {  	s0 =	ssub.s32 s9, s18;
	s1 =	sadd.s32 s1, s7;
	s9 =	sadd.s32 s19, s2  }
0xf: {  	s7 =	sadd.s32 s20, s3;
	s11 =	sadd.s32 s3, s25;
	s14 =	sshll.u32 s12, $0xB  }
0x10: {  	s15 =	sshll.u32 s22, $0x7;
	s18 =	sadd.s32 $0xFFFFFFFA, s6;
	[dreg:$0x4] =	wrdreg s1  }
0x11: {  	s19 =	sshll.u32 s12, $0x7;
	s8 =	sadd.s32 $0x3400, s8;
	[dreg:$0x6] =	wrdreg s7  }
0x12: {  	s7 =	sadd.s32 s3, s23;
	s1 =	sshll.u32 s21, $0x4;
	[dreg:$0x8] =	wrdreg s11  }
0x13: {  	s3 =	sadd.s32 s3, s26;
	s11 =	sshll.u32 s22, $0xB;
	[dreg:$0x5] =	wrdreg s8  }
0x14: {  	s0 =	smax.u32 s0, $0x1;
	s16 =	sand.u32 $0x7800, s14;
	[dreg:$0x7] =	wrdreg s7  }
0x15: {  	s20 =	sshll.u32 s18, $0xB;
	s21 =	sadd.s32 $0xFFFFFFFB, s6;
	[dreg:$0x9] =	wrdreg s3  }
0x16: {  	s26 =	sadd.s32 $0xFFFFFFFC, s6;
	s14 =	sadd.s32 $0xFFFFFFFD, s6;
	[dreg:$0xa] =	wrdreg s0  }
0x17: {  	s13 =	sand.u32 $0x7800, s11;
	s17 =	sadd.s32 $0x3600, s16;
	s8 =	sadd.s32 $0x1B00, s19  }
0x18: {  	s22 =	sand.u32 $0x7800, s20;
	s16 =	sshll.u32 s14, $0xB;
	[dreg:$0xd] =	wrdreg s17  }
0x19: {  	s20 =	sshll.u32 s14, $0x7;
	s14 =	sadd.s32 $0x1000, s9;
	[dreg:$0xe] =	wrdreg s8  }
0x1a: {  	s1 =	sadd.s32 s1, s2;
	s0 =	sadd.s32 $0x3600, s13;
	[smem:$0x7DD] =	sst s14  }
0x1b: {  	s7 =	sshll.u32 s24, $0x4;
	s8 =	sadd.s32 $0x3600, s22;
	[dreg:$0xb] =	wrdreg s0  }
0x1c: {  	s3 =	sadd.s32 s10, s2;
	s22 =	sadd.s32 $0xFFFFFFFF, s6;
	[dreg:$0xf] =	wrdreg s8  }
0x1d: {  	s23 =	sshll.u32 s21, $0xB;
	s10 =	sshrl.u32 s1, $0x3;
	[dreg:$0x16] =	wrdreg s22  }
0x1e: {  	s17 =	sand.u32 $0x7800, s16;
	s16 =	sadd.s32 $0x2000, s9;
	[dreg:$0x1c] =	wrdreg s10  }
0x1f: {  	s12 =	sshll.u32 s21, $0x7;
	s14 =	sadd.s32 $0xB000, s9;
	[smem:$0x7DF] =	sst s16  }
0x20: {  	s24 =	sand.u32 $0x7800, s23;
	s0 =	sadd.s32 $0x1B00, s15;
	[smem:$0x7F1] =	sst s14  }
0x21: {  	s19 =	sadd.s32 $0xFFFFFFFE, s6;
	s25 =	sadd.s32 $0x3600, s24;
	[dreg:$0xc] =	wrdreg s0  }
0x22: {  	s7 =	sadd.s32 s7, s2;
	s8 =	sadd.s32 $0x1B00, s12;
	[dreg:$0x11] =	wrdreg s25  }
0x23: {  	s13 =	sshll.u32 s26, $0xB;
	s11 =	sshrl.u32 s7, $0x3;
	[dreg:$0x12] =	wrdreg s8  }
0x24: {  	s21 =	sshll.u32 s19, $0xB;
	s12 =	sshrl.u32 s3, $0x3;
	[dreg:$0x1d] =	wrdreg s11  }
0x25: {  	s15 =	sand.u32 $0x7800, s13;
	s13 =	sadd.s32 $0x800, s9;
	[dreg:$0x1e] =	wrdreg s12  }
0x26: {  	s23 =	sand.u32 $0x7800, s21;
	s21 =	sadd.s32 $0x4800, s9;
	[dreg:$0x1f] =	wrdreg s13  }
0x27: {  	s3 =	sadd.s32 $0x7800, s9;
	[smem:$0x7E4] =	sst s21  }
0x28: {  	s7 =	sadd.s32 $0x8000, s9;
	[smem:$0x7EA] =	sst s3  }
0x29: {  	s10 =	sadd.s32 $0x9000, s9;
	[smem:$0x7EB] =	sst s7  }
0x2a: {  	s16 =	sadd.s32 $0xC000, s9;
	[smem:$0x7ED] =	sst s10  }
0x2b: {  	s8 =	sadd.s32 $0x3600, s15;
	[smem:$0x7F3] =	sst s16  }
0x2c: {  	s0 =	sshll.u32 s18, $0x7;
	s18 =	sadd.s32 $0x3600, s17;
	[dreg:$0x13] =	wrdreg s8  }
0x2d: {  	s15 =	sadd.s32 $0x1800, s9;
	[dreg:$0x15] =	wrdreg s18  }
0x2e: {  	s24 =	sshll.u32 s22, $0xB;
	s17 =	sadd.s32 $0x2800, s9;
	[smem:$0x7DE] =	sst s15  }
0x2f: {  	s25 =	sand.u32 $0x7800, s24;
	s24 =	sadd.s32 $0x6000, s9;
	[smem:$0x7E0] =	sst s17  }
0x30: {  	s11 =	sadd.s32 $0x9800, s9;
	[smem:$0x7E7] =	sst s24  }
0x31: {  	s12 =	sadd.s32 $0xA000, s9;
	[smem:$0x7EE] =	sst s11  }
0x32: {  	s13 =	sadd.s32 $0xA800, s9;
	[smem:$0x7EF] =	sst s12  }
0x33: {  	s21 =	sadd.s32 $0xE800, s9;
	[smem:$0x7F0] =	sst s13  }
0x34: {  	s0 =	sadd.s32 $0x1B00, s0;
	[smem:$0x7F8] =	sst s21  }
0x35: {  	s8 =	sadd.s32 $0x1B00, s20;
	[dreg:$0x10] =	wrdreg s0  }
0x36: {  	s18 =	sadd.s32 $0x3000, s9;
	[dreg:$0x17] =	wrdreg s8  }
0x37: {  	s20 =	sadd.s32 $0x4000, s9;
	[smem:$0x7E1] =	sst s18  }
0x38: {  	s28 =	simm.s32 $0x3E00;
	s15 =	sadd.s32 $0xB800, s9;
	[smem:$0x7E3] =	sst s20  }
0x39: {  	s29 =	simm.s32 $0x4600;
	s17 =	sadd.s32 $0xC800, s9;
	[smem:$0x7F2] =	sst s15  }
0x3a: {  	s30 =	simm.s32 $0x5600;
	s24 =	sadd.s32 $0x10000, s9;
	[smem:$0x7F4] =	sst s17  }
0x3b: {  	s31 =	simm.s32 $0x5E00;
	s8 =	sadd.s32 $0x3600, s23;
	[smem:$0x7FB] =	sst s24  }
0x3c: {  	s0 =	sshll.u32 s26, $0x7;
	s26 =	sadd.s32 $0x3600, s25;
	[dreg:$0x18] =	wrdreg s8  }
0x3d: {  	s1 =	simm.s32 $0x6600;
	s23 =	sadd.s32 $0x5800, s9;
	[dreg:$0x1a] =	wrdreg s26  }
0x3e: {  	s14 =	simm.s32 $0x2;
	s25 =	sadd.s32 $0x6800, s9;
	[smem:$0x7E6] =	sst s23  }
0x3f: {  	s7 =	simm.s32 $0x6E00;
	s18 =	sadd.s32 $0xD000, s9;
	[smem:$0x7E8] =	sst s25  }
0x40: {  	s3 =	simm.s32 $0x1;
	s20 =	sadd.s32 $0xE000, s9;
	[smem:$0x7F5] =	sst s18  }
0x41: {  	s10 =	simm.s32 $0x20;
	s0 =	sadd.s32 $0x1B00, s0;
	[smem:$0x7F7] =	sst s20  }
0x42: {  	s8 =	sshll.u32 s22, $0x7;
	s22 =	sadd.s32 $0x5000, s9;
	[dreg:$0x14] =	wrdreg s0  }
0x43: {  	s21 =	sadd.s32 $0x12800, s9;
	s26 =	sadd.s32 $0x7000, s9;
	[smem:$0x7E5] =	sst s22  }
0x44: {  	s13 =	simm.s32 $0x0;
	s23 =	sadd.s32 $0xF800, s9;
	[smem:$0x7E9] =	sst s26  }
0x45: {  	s24 =	simm.s32 $0x80;
	s25 =	sadd.s32 $0x10800, s9;
	[smem:$0x7FA] =	sst s23  }
0x46: {  	s0 =	sshll.u32 s19, $0x7;
	s19 =	sadd.s32 $0x3800, s9;
	[smem:$0x7FC] =	sst s25  }
0x47: {  	s20 =	sadd.s32 $0x12000, s9;
	s22 =	sadd.s32 $0xF000, s9;
	[smem:$0x7E2] =	sst s19  }
0x48: {  	s26 =	sadd.s32 $0x11000, s9;
	s23 =	sadd.s32 $0x13800, s9;
	[smem:$0x7F9] =	sst s22  }
0x49: {  	s25 =	simm.s32 $0x3600;
	s0 =	sadd.s32 $0x1B00, s0;
	[smem:$0x7FD] =	sst s26  }
0x4a: {  	s19 =	sadd.s32 $0xD800, s9;
	s22 =	sadd.s32 $0x13000, s9;
	[dreg:$0x19] =	wrdreg s0  }
0x4b: {  	s26 =	simm.s32 $0x4E00;
	s0 =	sadd.s32 $0x1B00, s8;
	[smem:$0x7F6] =	sst s19  }
0x4c: {  	s8 =	sadd.s32 $0x8800, s9;
	s19 =	sadd.s32 $0x11800, s9;
	[dreg:$0x1b] =	wrdreg s0  }
0x4d: {  	v0 =	vimm.f32 $0.0e+00;
	s0 =	sadd.s32 $0xFFFFFFF0, s6;
	[smem:$0x7EC] =	sst s8;
	s8 =	simm.s32 $0xB600  }
.LBB2_1:
0x4e: {  	[smem:$0x7DC] =	sst s13  }
0x4f: {  	s11 =	simm.s32 $0x0;
	s12 =	rddreg [dreg:$0x4];
	s17 =	simm.s32 $0x4  }
0x50: {  	[tilespmem:s11], [sflag:$0x4] =	stream.linear.gather [hbm4b:s12+s11], $0x1B00, $0x38;
	[tilespmem:$0x1FE00] =	vst v63  }
0x51: {  	_ =	swait.ge [sflag:s17], $0x1B00  }
0x52: {  	[sflag:s17] =	ssyncset.done $0x0  }
0x53: {  	s15 =	simm.s32 $0x1B00;
	s18 =	rddreg [dreg:$0x5];
	[sflag:s17] =	ssyncadd.s32 $0xFFFFE500  }
0x54: {  	[tilespmem:s15], [sflag:$0x4] =	stream.linear.gather [hbm4b:s18+s11], $0x1B00, $0x38;
	[tilespmem:$0x1FE00] =	vst v63  }
0x55: {  	_ =	swait.ge [sflag:s17], $0x1B00  }
0x56: {  	[sflag:s17] =	ssyncset.done $0x0  }
0x57: {  	s11 =	simm.s32 $0x0;
	[sflag:s17] =	ssyncadd.s32 $0xFFFFE500  }
.LBB2_2:
0x58: {  	p0 =	sne.s32 s11, $0x1FC0  }
.Ltmp0:
0x59: {  	_ = 	snop;
	(pc) =	sbr.rel @p0 .LBB2_2-.Ltmp0, $3  }
0x5a: {  	_ =	sdelay $0x1  }
0x5b: {  	s12 =	sshra.s32 s11, $0x2  }
0x5c: {  	s11 =	sadd.s32 $0x40, s11;
	[tilespmem:s12+$0xB600] =	vst v0  }
0x5d: {  	s11 =	simm.s32 $0x0  }
.LBB2_4:
0x5e: {  	s12 =	simm.s32 $0x0  }
0x5f: {  	[tilespmem:s25], [sflag:$0x1] =	stream.indirect.gather [hbm4b:s4+s24], $0x10, s12, s24, $0xb8;
	[tilespmem:$0x1FE00] =	vst v63  }
0x60: {  	_ = 	snop  }
0x61: {  	[tilespmem:s28], [sflag:$0x1] =	stream.indirect.gather [hbm4b:s4+s24], $0x10, s24, s24, $0xb8;
	[tilespmem:$0x1FE00] =	vst v63  }
0x62: {  	s13 =	simm.s32 $0x100  }
0x63: {  	[tilespmem:s29], [sflag:$0x1] =	stream.indirect.gather [hbm4b:s4+s24], $0x10, s13, s24, $0xb8;
	[tilespmem:$0x1FE00] =	vst v63  }
0x64: {  	s15 =	simm.s32 $0x180  }
0x65: {  	[tilespmem:s26], [sflag:$0x1] =	stream.indirect.gather [hbm4b:s4+s24], $0x10, s15, s24, $0xb8;
	[tilespmem:$0x1FE00] =	vst v63  }
0x66: {  	s16 =	simm.s32 $0x200  }
0x67: {  	[tilespmem:s30], [sflag:$0x1] =	stream.indirect.gather [hbm4b:s4+s24], $0x10, s16, s24, $0xb8;
	[tilespmem:$0x1FE00] =	vst v63  }
0x68: {  	s17 =	simm.s32 $0x280  }
0x69: {  	[tilespmem:s31], [sflag:$0x1] =	stream.indirect.gather [hbm4b:s4+s24], $0x10, s17, s24, $0xb8;
	[tilespmem:$0x1FE00] =	vst v63  }
0x6a: {  	s18 =	simm.s32 $0x300;
	p0 =	seq.s32 s11, $0x0  }
0x6b: {  	[tilespmem:s1], [sflag:$0x1] =	stream.indirect.gather [hbm4b:s4+s24], $0x10, s18, s24, $0xb8;
	[tilespmem:$0x1FE00] =	vst v63  }
0x6c: {  	s12 =	simm.s32 @!p0 $0x3;
	s13 =	simm.s32 $0x380  }
0x6d: {  	[tilespmem:s7], [sflag:$0x1] =	stream.indirect.gather [hbm4b:s4+s24], $0x10, s13, s24, $0xb8;
	[tilespmem:$0x1FE00] =	vst v63  }
0x6e: {  	_ =	swait.ge @!p0 [sflag:s12], $0xA00  }
0x6f: {  	[sflag:s12] =	ssyncset.done @!p0 $0x0  }
0x70: {  	[sflag:s12] =	ssyncadd.s32 @!p0 $0xFFFFF600  }
0x71: {  	_ =	swait.ge @!p0 [sflag:s12], $0xA00  }
0x72: {  	[sflag:s12] =	ssyncset.done @!p0 $0x0  }
0x73: {  	[sflag:s12] =	ssyncadd.s32 @!p0 $0xFFFFF600  }
0x74: {  	_ =	swait.ge @!p0 [sflag:s12], $0xA00  }
0x75: {  	[sflag:s12] =	ssyncset.done @!p0 $0x0  }
0x76: {  	[sflag:s12] =	ssyncadd.s32 @!p0 $0xFFFFF600  }
0x77: {  	_ =	swait.ge @!p0 [sflag:s12], $0xA00  }
0x78: {  	[sflag:s12] =	ssyncset.done @!p0 $0x0  }
0x79: {  	s15 =	rddreg [dreg:$0x1f];
	[sflag:s12] =	ssyncadd.s32 @!p0 $0xFFFFF600  }
0x7a: {  	[spmem:s9] =	stream.linear.scatter [tilespmem:s8], [sflag:$0x2], $0x800, $0x38;
	[tilespmem:$0x1FE00] =	vst v63  }
0x7b: {  	s16 =	sld [smem:$0x7DD]  }
0x7c: {  	[spmem:s15] =	stream.linear.scatter [tilespmem:s8], [sflag:$0x2], $0x800, $0x38;
	[tilespmem:$0x1FE00] =	vst v63  }
0x7d: {  	s17 =	sld [smem:$0x7DE]  }
0x7e: {  	[spmem:s16] =	stream.linear.scatter [tilespmem:s8], [sflag:$0x2], $0x800, $0x38;
	[tilespmem:$0x1FE00] =	vst v63  }
0x7f: {  	s18 =	sld [smem:$0x7DF]  }
0x80: {  	[spmem:s17] =	stream.linear.scatter [tilespmem:s8], [sflag:$0x2], $0x800, $0x38;
	[tilespmem:$0x1FE00] =	vst v63  }
0x81: {  	s13 =	sld [smem:$0x7E0]  }
0x82: {  	[spmem:s18] =	stream.linear.scatter [tilespmem:s8], [sflag:$0x2], $0x800, $0x38;
	[tilespmem:$0x1FE00] =	vst v63  }
0x83: {  	s15 =	sld [smem:$0x7E1]  }
0x84: {  	[spmem:s13] =	stream.linear.scatter [tilespmem:s8], [sflag:$0x2], $0x800, $0x38;
	[tilespmem:$0x1FE00] =	vst v63  }
0x85: {  	s16 =	sld [smem:$0x7E2]  }
0x86: {  	[spmem:s15] =	stream.linear.scatter [tilespmem:s8], [sflag:$0x2], $0x800, $0x38;
	[tilespmem:$0x1FE00] =	vst v63  }
0x87: {  	s17 =	sld [smem:$0x7E3]  }
0x88: {  	[spmem:s16] =	stream.linear.scatter [tilespmem:s8], [sflag:$0x2], $0x800, $0x38;
	[tilespmem:$0x1FE00] =	vst v63  }
0x89: {  	s18 =	sld [smem:$0x7E4]  }
0x8a: {  	[spmem:s17] =	stream.linear.scatter [tilespmem:s8], [sflag:$0x2], $0x800, $0x38;
	[tilespmem:$0x1FE00] =	vst v63  }
0x8b: {  	s13 =	sld [smem:$0x7E5]  }
0x8c: {  	[spmem:s18] =	stream.linear.scatter [tilespmem:s8], [sflag:$0x2], $0x800, $0x38;
	[tilespmem:$0x1FE00] =	vst v63  }
0x8d: {  	s15 =	sld [smem:$0x7E6]  }
0x8e: {  	[spmem:s13] =	stream.linear.scatter [tilespmem:s8], [sflag:$0x2], $0x800, $0x38;
	[tilespmem:$0x1FE00] =	vst v63  }
0x8f: {  	s16 =	sld [smem:$0x7E7]  }
0x90: {  	[spmem:s15] =	stream.linear.scatter [tilespmem:s8], [sflag:$0x2], $0x800, $0x38;
	[tilespmem:$0x1FE00] =	vst v63  }
0x91: {  	s17 =	sld [smem:$0x7E8]  }
0x92: {  	[spmem:s16] =	stream.linear.scatter [tilespmem:s8], [sflag:$0x2], $0x800, $0x38;
	[tilespmem:$0x1FE00] =	vst v63  }
0x93: {  	s18 =	sld [smem:$0x7E9]  }
0x94: {  	[spmem:s17] =	stream.linear.scatter [tilespmem:s8], [sflag:$0x2], $0x800, $0x38;
	[tilespmem:$0x1FE00] =	vst v63  }
0x95: {  	s13 =	sld [smem:$0x7EA]  }
0x96: {  	[spmem:s18] =	stream.linear.scatter [tilespmem:s8], [sflag:$0x2], $0x800, $0x38;
	[tilespmem:$0x1FE00] =	vst v63  }
0x97: {  	s15 =	sld [smem:$0x7EB]  }
0x98: {  	[spmem:s13] =	stream.linear.scatter [tilespmem:s8], [sflag:$0x2], $0x800, $0x38;
	[tilespmem:$0x1FE00] =	vst v63  }
0x99: {  	s16 =	sld [smem:$0x7EC]  }
0x9a: {  	[spmem:s15] =	stream.linear.scatter [tilespmem:s8], [sflag:$0x2], $0x800, $0x38;
	[tilespmem:$0x1FE00] =	vst v63  }
0x9b: {  	s17 =	sld [smem:$0x7ED]  }
0x9c: {  	[spmem:s16] =	stream.linear.scatter [tilespmem:s8], [sflag:$0x2], $0x800, $0x38;
	[tilespmem:$0x1FE00] =	vst v63  }
0x9d: {  	s18 =	sld [smem:$0x7EE]  }
0x9e: {  	[spmem:s17] =	stream.linear.scatter [tilespmem:s8], [sflag:$0x2], $0x800, $0x38;
	[tilespmem:$0x1FE00] =	vst v63  }
0x9f: {  	s13 =	sld [smem:$0x7EF]  }
0xa0: {  	[spmem:s18] =	stream.linear.scatter [tilespmem:s8], [sflag:$0x2], $0x800, $0x38;
	[tilespmem:$0x1FE00] =	vst v63  }
0xa1: {  	s15 =	sld [smem:$0x7F0]  }
0xa2: {  	[spmem:s13] =	stream.linear.scatter [tilespmem:s8], [sflag:$0x2], $0x800, $0x38;
	[tilespmem:$0x1FE00] =	vst v63  }
0xa3: {  	s16 =	sld [smem:$0x7F1]  }
0xa4: {  	[spmem:s15] =	stream.linear.scatter [tilespmem:s8], [sflag:$0x2], $0x800, $0x38;
	[tilespmem:$0x1FE00] =	vst v63  }
0xa5: {  	s17 =	sld [smem:$0x7F2]  }
0xa6: {  	[spmem:s16] =	stream.linear.scatter [tilespmem:s8], [sflag:$0x2], $0x800, $0x38;
	[tilespmem:$0x1FE00] =	vst v63  }
0xa7: {  	s18 =	sld [smem:$0x7F3]  }
0xa8: {  	[spmem:s17] =	stream.linear.scatter [tilespmem:s8], [sflag:$0x2], $0x800, $0x38;
	[tilespmem:$0x1FE00] =	vst v63  }
0xa9: {  	s13 =	sld [smem:$0x7F4]  }
0xaa: {  	[spmem:s18] =	stream.linear.scatter [tilespmem:s8], [sflag:$0x2], $0x800, $0x38;
	[tilespmem:$0x1FE00] =	vst v63  }
0xab: {  	s15 =	sld [smem:$0x7F5]  }
0xac: {  	[spmem:s13] =	stream.linear.scatter [tilespmem:s8], [sflag:$0x2], $0x800, $0x38;
	[tilespmem:$0x1FE00] =	vst v63  }
0xad: {  	s16 =	sld [smem:$0x7F6]  }
0xae: {  	[spmem:s15] =	stream.linear.scatter [tilespmem:s8], [sflag:$0x2], $0x800, $0x38;
	[tilespmem:$0x1FE00] =	vst v63  }
0xaf: {  	s17 =	sld [smem:$0x7F7]  }
0xb0: {  	[spmem:s16] =	stream.linear.scatter [tilespmem:s8], [sflag:$0x2], $0x800, $0x38;
	[tilespmem:$0x1FE00] =	vst v63  }
0xb1: {  	s18 =	sld [smem:$0x7F8]  }
0xb2: {  	[spmem:s17] =	stream.linear.scatter [tilespmem:s8], [sflag:$0x2], $0x800, $0x38;
	[tilespmem:$0x1FE00] =	vst v63  }
0xb3: {  	s13 =	sld [smem:$0x7F9]  }
0xb4: {  	[spmem:s18] =	stream.linear.scatter [tilespmem:s8], [sflag:$0x2], $0x800, $0x38;
	[tilespmem:$0x1FE00] =	vst v63  }
0xb5: {  	s15 =	sld [smem:$0x7FA]  }
0xb6: {  	[spmem:s13] =	stream.linear.scatter [tilespmem:s8], [sflag:$0x2], $0x800, $0x38;
	[tilespmem:$0x1FE00] =	vst v63  }
0xb7: {  	s16 =	sld [smem:$0x7FB]  }
0xb8: {  	[spmem:s15] =	stream.linear.scatter [tilespmem:s8], [sflag:$0x2], $0x800, $0x38;
	[tilespmem:$0x1FE00] =	vst v63  }
0xb9: {  	s17 =	sld [smem:$0x7FC]  }
0xba: {  	[spmem:s16] =	stream.linear.scatter [tilespmem:s8], [sflag:$0x2], $0x800, $0x38;
	[tilespmem:$0x1FE00] =	vst v63  }
0xbb: {  	s18 =	sld [smem:$0x7FD]  }
0xbc: {  	[spmem:s17] =	stream.linear.scatter [tilespmem:s8], [sflag:$0x2], $0x800, $0x38;
	[tilespmem:$0x1FE00] =	vst v63  }
0xbd: {  	_ = 	snop  }
0xbe: {  	[spmem:s18] =	stream.linear.scatter [tilespmem:s8], [sflag:$0x2], $0x800, $0x38;
	[tilespmem:$0x1FE00] =	vst v63  }
0xbf: {  	_ = 	snop  }
0xc0: {  	[spmem:s19] =	stream.linear.scatter [tilespmem:s8], [sflag:$0x2], $0x800, $0x38;
	[tilespmem:$0x1FE00] =	vst v63  }
0xc1: {  	_ = 	snop  }
0xc2: {  	[spmem:s20] =	stream.linear.scatter [tilespmem:s8], [sflag:$0x2], $0x800, $0x38;
	[tilespmem:$0x1FE00] =	vst v63  }
0xc3: {  	_ = 	snop  }
0xc4: {  	[spmem:s21] =	stream.linear.scatter [tilespmem:s8], [sflag:$0x2], $0x800, $0x38;
	[tilespmem:$0x1FE00] =	vst v63  }
0xc5: {  	_ = 	snop  }
0xc6: {  	[spmem:s22] =	stream.linear.scatter [tilespmem:s8], [sflag:$0x2], $0x800, $0x38;
	[tilespmem:$0x1FE00] =	vst v63  }
0xc7: {  	_ = 	snop  }
0xc8: {  	[spmem:s23] =	stream.linear.scatter [tilespmem:s8], [sflag:$0x2], $0x800, $0x38;
	[tilespmem:$0x1FE00] =	vst v63  }
0xc9: {  	_ =	swait.ge [sflag:s14], $0x800  }
0xca: {  	s12 =	simm.s32 $0x27;
	[sflag:s14] =	ssyncset.done $0x0  }
.LBB2_5:
0xcb: {  	p0 =	sne.s32 s12, $0x1;
	s12 =	sadd.s32 $0xFFFFFFFF, s12;
	[sflag:s14] =	ssyncadd.s32 $0xFFFFF800  }
.Ltmp1:
0xcc: {  	(pc) =	sbr.rel @p0 .LBB2_5-.Ltmp1, $3  }
0xcd: {  	_ =	sdelay $0x1  }
0xce: {  	_ =	swait.ge [sflag:s14], $0x800  }
0xcf: {  	[sflag:s14] =	ssyncset.done $0x0  }
0xd0: {  	[sflag:s14] =	ssyncadd.s32 $0xFFFFF800  }
0xd1: {  	[bflag:$0x0] =	sbarrier.arrive $0xFFFF  }
0xd2: {  	_ =	swait.ge [sflag:s3], $0x800  }
0xd3: {  	[sflag:s3] =	ssyncset.done $0x0  }
0xd4: {  	s12 =	simm.s32 $0x1B00;
	[sflag:s3] =	ssyncadd.s32 $0xFFFFF800  }
0xd5: {  	[spmem:s2] =	stream.indirect.scatter.add.f32 [tilespmem:s25], [sflag:$0x2], $0x10, s12, s24, $0xb8;
	[tilespmem:$0x1FE00] =	vst v63  }
0xd6: {  	s18 =	simm.s32 $0x400;
	s13 =	simm.s32 $0x7600  }
0xd7: {  	[tilespmem:s13], [sflag:$0x1] =	stream.indirect.gather [hbm4b:s4+s24], $0x10, s18, s24, $0xb8;
	[tilespmem:$0x1FE00] =	vst v63  }
0xd8: {  	_ =	swait.ge [sflag:s3], $0x800  }
0xd9: {  	[sflag:s3] =	ssyncset.done $0x0  }
0xda: {  	s15 =	simm.s32 $0x1B80;
	[sflag:s3] =	ssyncadd.s32 $0xFFFFF800  }
0xdb: {  	[spmem:s2] =	stream.indirect.scatter.add.f32 [tilespmem:s28], [sflag:$0x2], $0x10, s15, s24, $0xb8;
	[tilespmem:$0x1FE00] =	vst v63  }
0xdc: {  	s16 =	simm.s32 $0x480;
	s17 =	simm.s32 $0x7E00  }
0xdd: {  	[tilespmem:s17], [sflag:$0x1] =	stream.indirect.gather [hbm4b:s4+s24], $0x10, s16, s24, $0xb8;
	[tilespmem:$0x1FE00] =	vst v63  }
0xde: {  	_ =	swait.ge [sflag:s3], $0x800  }
0xdf: {  	[sflag:s3] =	ssyncset.done $0x0  }
0xe0: {  	s18 =	simm.s32 $0x1C00;
	[sflag:s3] =	ssyncadd.s32 $0xFFFFF800  }
0xe1: {  	[spmem:s2] =	stream.indirect.scatter.add.f32 [tilespmem:s29], [sflag:$0x2], $0x10, s18, s24, $0xb8;
	[tilespmem:$0x1FE00] =	vst v63  }
0xe2: {  	s13 =	simm.s32 $0x500;
	s15 =	simm.s32 $0x8600  }
0xe3: {  	[tilespmem:s15], [sflag:$0x1] =	stream.indirect.gather [hbm4b:s4+s24], $0x10, s13, s24, $0xb8;
	[tilespmem:$0x1FE00] =	vst v63  }
0xe4: {  	_ =	swait.ge [sflag:s3], $0x800  }
0xe5: {  	[sflag:s3] =	ssyncset.done $0x0  }
0xe6: {  	s16 =	simm.s32 $0x1C80;
	[sflag:s3] =	ssyncadd.s32 $0xFFFFF800  }
0xe7: {  	[spmem:s2] =	stream.indirect.scatter.add.f32 [tilespmem:s26], [sflag:$0x2], $0x10, s16, s24, $0xb8;
	[tilespmem:$0x1FE00] =	vst v63  }
0xe8: {  	s17 =	simm.s32 $0x580;
	s18 =	simm.s32 $0x8E00  }
0xe9: {  	[tilespmem:s18], [sflag:$0x1] =	stream.indirect.gather [hbm4b:s4+s24], $0x10, s17, s24, $0xb8;
	[tilespmem:$0x1FE00] =	vst v63  }
0xea: {  	_ =	swait.ge [sflag:s3], $0x800  }
0xeb: {  	[sflag:s3] =	ssyncset.done $0x0  }
0xec: {  	s15 =	simm.s32 $0x1D00;
	[sflag:s3] =	ssyncadd.s32 $0xFFFFF800  }
0xed: {  	[spmem:s2] =	stream.indirect.scatter.add.f32 [tilespmem:s30], [sflag:$0x2], $0x10, s15, s24, $0xb8;
	[tilespmem:$0x1FE00] =	vst v63  }
0xee: {  	s16 =	simm.s32 $0x600;
	s17 =	simm.s32 $0x9600  }
0xef: {  	[tilespmem:s17], [sflag:$0x1] =	stream.indirect.gather [hbm4b:s4+s24], $0x10, s16, s24, $0xb8;
	[tilespmem:$0x1FE00] =	vst v63  }
0xf0: {  	_ =	swait.ge [sflag:s3], $0x800  }
0xf1: {  	[sflag:s3] =	ssyncset.done $0x0  }
0xf2: {  	s18 =	simm.s32 $0x1D80;
	[sflag:s3] =	ssyncadd.s32 $0xFFFFF800  }
0xf3: {  	[spmem:s2] =	stream.indirect.scatter.add.f32 [tilespmem:s31], [sflag:$0x2], $0x10, s18, s24, $0xb8;
	[tilespmem:$0x1FE00] =	vst v63  }
0xf4: {  	s13 =	simm.s32 $0x680;
	s15 =	simm.s32 $0x9E00  }
0xf5: {  	[tilespmem:s15], [sflag:$0x1] =	stream.indirect.gather [hbm4b:s4+s24], $0x10, s13, s24, $0xb8;
	[tilespmem:$0x1FE00] =	vst v63  }
0xf6: {  	_ =	swait.ge [sflag:s3], $0x800  }
0xf7: {  	[sflag:s3] =	ssyncset.done $0x0  }
0xf8: {  	s16 =	simm.s32 $0x1E00;
	[sflag:s3] =	ssyncadd.s32 $0xFFFFF800  }
0xf9: {  	[spmem:s2] =	stream.indirect.scatter.add.f32 [tilespmem:s1], [sflag:$0x2], $0x10, s16, s24, $0xb8;
	[tilespmem:$0x1FE00] =	vst v63  }
0xfa: {  	s17 =	simm.s32 $0x700;
	s18 =	simm.s32 $0xA600  }
0xfb: {  	[tilespmem:s18], [sflag:$0x1] =	stream.indirect.gather [hbm4b:s4+s24], $0x10, s17, s24, $0xb8;
	[tilespmem:$0x1FE00] =	vst v63  }
0xfc: {  	_ =	swait.ge [sflag:s3], $0x800  }
0xfd: {  	p0 =	sne.s32 s0, $0x1;
	s12 =	simm.s32 $0x800;
	[sflag:s3] =	ssyncset.done $0x0  }
0xfe: {  	s15 =	simm.s32 $0x1E80;
	s18 =	simm.s32 $0x10000;
	[sflag:s3] =	ssyncadd.s32 $0xFFFFF800  }
0xff: {  	[spmem:s2] =	stream.indirect.scatter.add.f32 [tilespmem:s7], [sflag:$0x2], $0x10, s15, s24, $0xb8;
	[tilespmem:$0x1FE00] =	vst v63  }
0x100: {  	s16 =	simm.s32 $0x780;
	s17 =	simm.s32 $0xAE00;
	s13 =	sand.u32 $0x1E000, s18  }
0x101: {  	[tilespmem:s17], [sflag:$0x1] =	stream.indirect.gather [hbm4b:s4+s24], $0x10, s16, s24, $0xb8;
	[tilespmem:$0x1FE00] =	vst v63  }
0x102: {  	s15 =	simm.s32 $0x20000;
	s16 =	simm.s32 $0x1F00;
	_ =	swait.ge [sflag:s3], $0x800  }
0x103: {  	s17 =	sshrl.u32 s13, $0x2;
	s13 =	sadd.s32 $0xFFFFFFFF, s0;
	[sflag:s3] =	ssyncset.done $0x0  }
.Ltmp2:
0x104: {  	s17 =	sadd.s32 $0x3600, s17;
	[sflag:s3] =	ssyncadd.s32 $0xFFFFF800;
	(pc) =	sbr.rel @!p0 .LBB2_8-.Ltmp2, $4  }
0x105: {  	[spmem:s2] =	stream.indirect.scatter.add.f32 [tilespmem:s17], [sflag:$0x2], $0x10, s16, s24, $0xb8;
	[tilespmem:$0x1FE00] =	vst v63  }
0x106: {  	s17 =	sand.u32 $0x1E000, s15;
	s15 =	simm.s32 $0x1F80;
	_ =	swait.ge [sflag:s14], $0x800  }
0x107: {  	s16 =	simm.s32 $0x880;
	s18 =	sshrl.u32 s17, $0x2;
	[sflag:s14] =	ssyncset.done $0x0  }
0x108: {  	s17 =	simm.s32 $0x22000;
	s18 =	sadd.s32 $0x3600, s18;
	[sflag:s14] =	ssyncadd.s32 $0xFFFFF800  }
.LBB2_7:
0x109: {  	[tilespmem:s18], [sflag:$0x1] =	stream.indirect.gather [hbm4b:s4+s24], $0x10, s12, s24, $0xb8;
	[tilespmem:$0x1FE00] =	vst v63  }
0x10a: {  	s12 =	sadd.s32 $0xFFFF0000, s17;
	p0 =	sne.s32 s13, $0x1;
	s13 =	sadd.s32 $0xFFFFFFFF, s13  }
0x10b: {  	s18 =	sand.u32 $0x1E000, s12;
	s12 =	smov.u32 s16;
	_ =	swait.ge [sflag:s3], $0x800  }
0x10c: {  	s18 =	sshrl.u32 s18, $0x2;
	[sflag:s3] =	ssyncset.done $0x0  }
.Ltmp3:
0x10d: {  	s18 =	sadd.s32 $0x3600, s18;
	[sflag:s3] =	ssyncadd.s32 $0xFFFFF800;
	(pc) =	sbr.rel @p0 .LBB2_7-.Ltmp3, $4  }
0x10e: {  	[spmem:s2] =	stream.indirect.scatter.add.f32 [tilespmem:s18], [sflag:$0x2], $0x10, s15, s24, $0xb8;
	[tilespmem:$0x1FE00] =	vst v63  }
0x10f: {  	s18 =	sand.u32 $0x1E000, s17;
	s15 =	sadd.s32 $0x80, s15;
	_ =	swait.ge [sflag:s14], $0x800  }
0x110: {  	s16 =	sadd.s32 $0x80, s16;
	s18 =	sshrl.u32 s18, $0x2;
	[sflag:s14] =	ssyncset.done $0x0  }
0x111: {  	s17 =	sadd.s32 $0x2000, s17;
	s18 =	sadd.s32 $0x3600, s18;
	[sflag:s14] =	ssyncadd.s32 $0xFFFFF800  }
.LBB2_8:
0x112: {  	[tilespmem:s18], [sflag:$0x1] =	stream.indirect.gather [hbm4b:s4+s24], $0x10, s12, s24, $0xb8;
	[tilespmem:$0x1FE00] =	vst v63  }
0x113: {  	_ =	swait.ge [sflag:s3], $0x800  }
0x114: {  	[sflag:s3] =	ssyncset.done $0x0;
	s16 =	rddreg [dreg:$0xb]  }
0x115: {  	s13 =	rddreg [dreg:$0xc];
	[sflag:s3] =	ssyncadd.s32 $0xFFFFF800  }
0x116: {  	[spmem:s2] =	stream.indirect.scatter.add.f32 [tilespmem:s16], [sflag:$0x2], $0x10, s13, s24, $0xb8;
	[tilespmem:$0x1FE00] =	vst v63  }
0x117: {  	_ =	swait.ge [sflag:s3], $0x800  }
0x118: {  	[sflag:s3] =	ssyncset.done $0x0;
	s17 =	rddreg [dreg:$0xd]  }
0x119: {  	s18 =	rddreg [dreg:$0xe];
	[sflag:s3] =	ssyncadd.s32 $0xFFFFF800  }
0x11a: {  	[spmem:s2] =	stream.indirect.scatter.add.f32 [tilespmem:s17], [sflag:$0x2], $0x10, s18, s24, $0xb8;
	[tilespmem:$0x1FE00] =	vst v63  }
0x11b: {  	_ =	swait.ge [sflag:s3], $0x800  }
0x11c: {  	[sflag:s3] =	ssyncset.done $0x0;
	s15 =	rddreg [dreg:$0xf]  }
0x11d: {  	s16 =	rddreg [dreg:$0x10];
	[sflag:s3] =	ssyncadd.s32 $0xFFFFF800  }
0x11e: {  	[spmem:s2] =	stream.indirect.scatter.add.f32 [tilespmem:s15], [sflag:$0x2], $0x10, s16, s24, $0xb8;
	[tilespmem:$0x1FE00] =	vst v63  }
0x11f: {  	_ =	swait.ge [sflag:s3], $0x800  }
0x120: {  	[sflag:s3] =	ssyncset.done $0x0;
	s17 =	rddreg [dreg:$0x11]  }
0x121: {  	s18 =	rddreg [dreg:$0x12];
	[sflag:s3] =	ssyncadd.s32 $0xFFFFF800  }
0x122: {  	[spmem:s2] =	stream.indirect.scatter.add.f32 [tilespmem:s17], [sflag:$0x2], $0x10, s18, s24, $0xb8;
	[tilespmem:$0x1FE00] =	vst v63  }
0x123: {  	_ =	swait.ge [sflag:s3], $0x800  }
0x124: {  	[sflag:s3] =	ssyncset.done $0x0;
	s15 =	rddreg [dreg:$0x13]  }
0x125: {  	s16 =	rddreg [dreg:$0x14];
	[sflag:s3] =	ssyncadd.s32 $0xFFFFF800  }
0x126: {  	[spmem:s2] =	stream.indirect.scatter.add.f32 [tilespmem:s15], [sflag:$0x2], $0x10, s16, s24, $0xb8;
	[tilespmem:$0x1FE00] =	vst v63  }
0x127: {  	_ =	swait.ge [sflag:s3], $0x800  }
0x128: {  	[sflag:s3] =	ssyncset.done $0x0;
	s17 =	rddreg [dreg:$0x15]  }
0x129: {  	s18 =	rddreg [dreg:$0x17];
	[sflag:s3] =	ssyncadd.s32 $0xFFFFF800  }
0x12a: {  	[spmem:s2] =	stream.indirect.scatter.add.f32 [tilespmem:s17], [sflag:$0x2], $0x10, s18, s24, $0xb8;
	[tilespmem:$0x1FE00] =	vst v63  }
0x12b: {  	_ =	swait.ge [sflag:s3], $0x800  }
0x12c: {  	[sflag:s3] =	ssyncset.done $0x0;
	s15 =	rddreg [dreg:$0x18]  }
0x12d: {  	s16 =	rddreg [dreg:$0x19];
	[sflag:s3] =	ssyncadd.s32 $0xFFFFF800  }
0x12e: {  	[spmem:s2] =	stream.indirect.scatter.add.f32 [tilespmem:s15], [sflag:$0x2], $0x10, s16, s24, $0xb8;
	[tilespmem:$0x1FE00] =	vst v63  }
0x12f: {  	_ =	swait.ge [sflag:s3], $0x800  }
0x130: {  	[sflag:s3] =	ssyncset.done $0x0;
	s17 =	rddreg [dreg:$0x1a]  }
0x131: {  	s12 =	simm.s32 $0x40;
	s18 =	rddreg [dreg:$0x1b];
	[sflag:s3] =	ssyncadd.s32 $0xFFFFF800  }
0x132: {  	[spmem:s2] =	stream.indirect.scatter.add.f32 [tilespmem:s17], [sflag:$0x2], $0x10, s18, s24, $0xb8;
	[tilespmem:$0x1FE00] =	vst v63  }
0x133: {  	v3 =	vld [tilespmem:s12+$0xFFFFFFC0]  }
0x134: {  	p0 =	sne.s32 s6, $0x1;
	v5 =	vld [tilespmem:s12+$0xFFFFFFD0]  }
.Ltmp4:
0x135: {  	v4 =	vld [tilespmem:s12+$0xFFFFFFE0];
	(pc) =	sbr.rel @!p0 .LBB2_10-.Ltmp4, $4  }
0x136: {  	v2 =	vld [tilespmem:s12+$0x0]  }
0x137: {  	v1 =	vld [tilespmem:s12+$0x10]  }
0x138: {  	v6 =	vadd.s32 $0x1, v3;
	v3 =	vld [tilespmem:s12+$0x20]  }
0x139: {  	s15 =	simm.s32 $0x40;
	s13 =	rddreg [dreg:$0x16];
	[tilespmem:s12+$0xFFFFFFC0] =	vst v6;
	v6 =	vadd.s32 $0x1, v5;
	v5 =	vld [tilespmem:s12+$0x30]  }
.LBB2_9:
0x13a: {  	p0 =	sne.s32 s13, $0x1;
	[tilespmem:s12+$0xFFFFFFD0] =	vst v6;
	v4 =	vadd.s32 $0x1, v4;
	v6 =	vld [tilespmem:s12+$0xFFFFFFF0];
	s15 =	sadd.s32 $0x80, s15  }
0x13b: {  	v7 =	vld [tilespmem:s15+$0xFFFFFFC0];
	[tilespmem:s12+$0xFFFFFFE0] =	vst v4;
	v2 =	vadd.s32 $0x1, v2  }
0x13c: {  	v8 =	vld [tilespmem:s15+$0xFFFFFFD0];
	[tilespmem:s12+$0x0] =	vst v2;
	v1 =	vadd.s32 $0x1, v1  }
.Ltmp5:
0x13d: {  	v4 =	vld [tilespmem:s15+$0xFFFFFFE0];
	[tilespmem:s12+$0x10] =	vst v1;
	v1 =	vadd.s32 $0x1, v3;
	(pc) =	sbr.rel @p0 .LBB2_9-.Ltmp5, $4  }
0x13e: {  	v2 =	vld [tilespmem:s15+$0x0];
	[tilespmem:s12+$0x20] =	vst v1;
	v3 =	vadd.s32 $0x1, v5  }
0x13f: {  	v1 =	vld [tilespmem:s15+$0x10];
	v5 =	vadd.s32 $0x1, v6;
	[tilespmem:s12+$0x30] =	vst v3  }
0x140: {  	v6 =	vadd.s32 $0x1, v7;
	v3 =	vld [tilespmem:s15+$0x20];
	[tilespmem:s12+$0xFFFFFFF0] =	vst v5;
	s12 =	smov.u32 s15  }
0x141: {  	s13 =	sadd.s32 $0xFFFFFFFF, s13;
	[tilespmem:s15+$0xFFFFFFC0] =	vst v6;
	v6 =	vadd.s32 $0x1, v8;
	v5 =	vld [tilespmem:s15+$0x30]  }
.LBB2_10:
0x142: {  	[tilespmem:s12+$0xFFFFFFD0] =	vst v6;
	v4 =	vadd.s32 $0x1, v4;
	v63 =	vld [tilespmem:s12+$0xFFFFFFF0]  }
0x143: {  	[tilespmem:s12+$0xFFFFFFE0] =	vst v4;
	v2 =	vadd.s32 $0x1, v2  }
0x144: {  	[tilespmem:s12+$0x0] =	vst v2;
	v1 =	vadd.s32 $0x1, v1  }
0x145: {  	[tilespmem:s12+$0x10] =	vst v1;
	v1 =	vadd.s32 $0x1, v3  }
0x146: {  	[tilespmem:s12+$0x20] =	vst v1;
	v1 =	vadd.s32 $0x1, v5  }
0x147: {  	v2 =	vadd.s32 $0x1, v63;
	[tilespmem:s12+$0x30] =	vst v1  }
0x148: {  	[tilespmem:s12+$0xFFFFFFF0] =	vst v2;
	s12 =	sadd.s32 $0x1, s0  }
0x149: {  	p0 =	slt.u32 s12, s6  }
.Ltmp6:
0x14a: {  	_ = 	snop;
	(pc) =	sbr.rel @!p0 .LBB2_12-.Ltmp6, $3  }
0x14b: {  	_ =	sdelay $0x1  }
0x14c: {  	_ =	swait.ge [sflag:s14], $0x800  }
0x14d: {  	[sflag:s14] =	ssyncset.done $0x0  }
.LBB2_11:
0x14e: {  	s12 =	sadd.s32 $0x1, s12  }
0x14f: {  	[sflag:s14] =	ssyncadd.s32 $0xFFFFF800;
	p0 =	slt.u32 s12, s6  }
.Ltmp7:
0x150: {  	(pc) =	sbr.rel @p0 .LBB2_11-.Ltmp7, $3  }
0x151: {  	_ =	sdelay $0x1  }
0x152: {  	_ =	swait.ge [sflag:s14], $0x800  }
0x153: {  	[sflag:s14] =	ssyncset.done $0x0  }
.LBB2_12:
0x154: {  	s12 =	sshll.u32 s11, $0x4;
	s13 =	rddreg [dreg:$0x6]  }
0x155: {  	[sflag:s14] =	ssyncadd.s32 $0xFFFFF800;
	s15 =	stileid.u32;
	s13 =	sadd.s32 s13, s12  }
0x156: {  	s16 =	sshrl.u32 s9, $0x3;
	s15 =	sshll.u32 s15, $0x6;
	s13 =	sshrl.u32 s13, $0x3  }
0x157: {  	[bflag:$0x0] =	sbarrier.arrive $0xFFFF;
	s15 =	sor.u32 $0x1C03, s15;
	s13 =	sadd.s32 s5, s13  }
0x158: {  	[hbm:s13@s10], [sflag:s15] =	dma.strided [spmem:s16@s14], $0xA00, s3, $0x2   }
0x159: {  	s13 =	rddreg [dreg:$0x7]  }
0x15a: {  	s13 =	sadd.s32 s13, s12  }
0x15b: {  	s13 =	sshrl.u32 s13, $0x3  }
0x15c: {  	s16 =	rddreg [dreg:$0x1c];
	s13 =	sadd.s32 s5, s13  }
0x15d: {  	[hbm:s13@s10], [sflag:s15] =	dma.strided [spmem:s16@s14], $0xA00, s3, $0x2   }
0x15e: {  	s13 =	rddreg [dreg:$0x8]  }
0x15f: {  	s13 =	sadd.s32 s13, s12  }
0x160: {  	s11 =	sadd.s32 $0x1, s11;
	s13 =	sshrl.u32 s13, $0x3  }
0x161: {  	p0 =	sne.s32 s11, $0x10;
	s16 =	rddreg [dreg:$0x1d];
	s13 =	sadd.s32 s5, s13  }
0x162: {  	[hbm:s13@s10], [sflag:s15] =	dma.strided [spmem:s16@s14], $0xA00, s3, $0x2   }
.Ltmp8:
0x163: {  	s13 =	rddreg [dreg:$0x9];
	(pc) =	sbr.rel @p0 .LBB2_4-.Ltmp8, $4  }
0x164: {  	s12 =	sadd.s32 s13, s12  }
0x165: {  	s12 =	sshrl.u32 s12, $0x3  }
0x166: {  	s18 =	rddreg [dreg:$0x1e];
	s12 =	sadd.s32 s5, s12  }
0x167: {  	[hbm:s12@s10], [sflag:s15] =	dma.strided [spmem:s18@s14], $0xA00, s3, $0x2   }
0x168: {  	s12 =	simm.s32 $0x3  }
0x169: {  	_ =	swait.ge [sflag:s12], $0xA00  }
0x16a: {  	[sflag:s12] =	ssyncset.done $0x0  }
0x16b: {  	[sflag:s12] =	ssyncadd.s32 $0xFFFFF600  }
0x16c: {  	_ =	swait.ge [sflag:s12], $0xA00  }
0x16d: {  	[sflag:s12] =	ssyncset.done $0x0  }
0x16e: {  	[sflag:s12] =	ssyncadd.s32 $0xFFFFF600  }
0x16f: {  	_ =	swait.ge [sflag:s12], $0xA00  }
0x170: {  	[sflag:s12] =	ssyncset.done $0x0  }
0x171: {  	[sflag:s12] =	ssyncadd.s32 $0xFFFFF600  }
0x172: {  	_ =	swait.ge [sflag:s12], $0xA00  }
0x173: {  	s13 =	sld [smem:$0x7DC];
	_ =	sdelay $0x2  }
0x174: {  	s11 =	rddreg [dreg:$0xa];
	s13 =	sadd.s32 $0x1, s13  }
0x175: {  	p0 =	sne.s32 s13, s11  }
.Ltmp9:
0x176: {  	_ = 	snop;
	(pc) =	sbr.rel @p0 .LBB2_1-.Ltmp9, $3  }
0x177: {  	_ =	sdelay $0x1  }
0x178: {  	[sflag:s12] =	ssyncset.done $0x0  }
0x179: {  	[sflag:s12] =	ssyncadd.s32 $0xFFFFF600  }
0x17a: {  	_ =	sfence.sel $0x180000  }
0x17b: {  	[bflag:$0x0] =	sbarrier.arrive $0xFFFF  }
0x17c: {  	_ =	strace $0x9000004D  }
0x17d: {  	s0 =	stileid.u32;
	[bflag:$0x2] =	sbarrier.arrive $0xFFFF  }
0x17e: {  	p0 =	sne.s32 s0, $0x0;
	s0 =	rddreg [dreg:$0x3]  }
0x17f: {  	s0 =	sadd.s32 @!p0 $0x100000, s0  }
0x180: {  	[sflag:s0] =	ssyncadd.tile.s32 @!p0 $0x1;
	_ =	shalt  }
.Lfunc_end2:
_tile_overlayer_lowered:
.L_overlay_start_2:
0x181: {  	(tag) =	ssettag $0x2  }
0x182: {  	s0 =	rddreg [dreg:$0x0];
	s2 =	stileid.u32  }
0x183: {  	s1 =	rddreg [dreg:$0x1];
	p0 =	sne.s32 s2, $0x0  }
0x184: {  	s3 =	rddreg [dreg:$0x2];
	[bflag:$0x3] =	sbarrier.arrive $0xFFFF;
	s2 =	simm.s32 @!p0 $0x1C04  }
0x185: {  	[timem:s3], [sflag:s2] =	dma.local @!p0 [hbm:s0], s1  }
0x186: {  	s0 =	simm.s32 @!p0 $0x4  }
0x187: {  	_ =	swait.ge @!p0 [sflag:s0], s1  }
0x188: {  	s1 =	ssub.s32 @!p0 $0x0, s1;
	[sflag:s0] =	ssyncset.done @!p0 $0x0  }
0x189: {  	[sflag:s0] =	ssyncadd.s32 @!p0 s1  }
0x18a: {  	[bflag:$0x3] =	sbarrier.arrive $0xFFFF  }
0x18b: {  	_ =	shalt  }

// kernel: kernel.7.cloned.1.call-start
scs
__scs_entry_jumppad:
0x0: {  	(pc) =	sbr.rel $0x88, $3  }
0x1: {  	(tag) =	ssettag $0x0;
	lr =	simm.s32 $0x1  }
0x2: {  	[smem:$0x3F92] =	sst lr;
	_ =	strace $0xD0000000  }
0x3: {  	_ = 	snop  }
0x4: {  	_ = 	snop  }
0x5: {  	_ = 	snop  }
0x6: {  	_ = 	snop  }
0x7: {  	_ = 	snop  }
__scs_overlays_trampoline_lowered:
0x8: {  	[smem:$0x3FA1] =	sst s0  }
0x9: {  	[smem:$0x3FA2] =	sst s1  }
0xa: {  	[smem:$0x3FA3] =	sst s2  }
0xb: {  	[smem:$0x3FA4] =	sst s3  }
0xc: {  	[smem:$0x3FA5] =	sst s4  }
0xd: {  	[smem:$0x3FA6] =	sst s5  }
0xe: {  	[smem:$0x3FA7] =	sst s6  }
0xf: {  	[smem:$0x3FA8] =	sst s7  }
0x10: {  	[smem:$0x3FA9] =	sst s8  }
0x11: {  	[smem:$0x3FAA] =	sst s9;
	s0 =	simm.s32 @!p0 $0x0  }
0x12: {  	s1 =	sld [smem:$0x3F90];
	s0 =	simm.s32 @p0 $0x1  }
0x13: {  	[smem:$0x3FAB] =	sst s0;
	s0 =	simm.s32 @!p1 $0x0  }
0x14: {  	s2 =	sld [smem:$0x3F8F];
	s0 =	simm.s32 @p1 $0x1  }
0x15: {  	[smem:$0x3FAC] =	sst s0;
	s0 =	simm.s32 @!p2 $0x0  }
0x16: {  	s3 =	sld [smem:$0x3FDB];
	s0 =	simm.s32 @p2 $0x1  }
0x17: {  	s4 =	simm.s32 $0x1BF5;
	[smem:$0x3FAE] =	sst s0  }
0x18: {  	s0 =	sld [smem:$0x3F91];
	_ =	swait.ge [sflag:s4], $0x0  }
0x19: {  	s7 =	sld [smem:$0x3F92]  }
0x1a: {  	s8 =	sadd.s32 $0xFFFFE003, lr  }
0x1b: {  	s9 =	sadd.s32 $0xFFFFFEF7, lr;
	s5 =	simm.s32 $0xFFFFFFFF;
	p2 =	slt.u32 s8, $0xFFFFF086  }
0x1c: {  	p1 =	slt.u32 s9, $0xF7A;
	s5 =	simm.s32 @!p2 $0x0  }
0x1d: {  	s5 =	simm.s32 @p1 $0x1;
	p0 =	seq.s32 s7, s2  }
0x1e: {  	s7 =	smul.u32 @!p0 $0xF7A, s2;
	p2 =	seq.s32 @!p0 s5, $0x0  }
0x1f: {  	s9 =	smul.u32 $0xF7A, s1;
	s8 =	simm.s32 @!p0 $0x1BF5;
	p2 =	por !p2, p0  }
0x20: {  	[sflag:s8] =	ssyncset.s32 @!p0 $0xFFFFF086;
	s6 =	sadd.s32 @!p0 s3, s7;
	s7 =	simm.s32 @!p0 $0x108  }
0x21: {  	s3 =	sadd.s32 s3, s9;
	s6 =	sadd.s32 @!p0 $0x88, s6;
	s7 =	simm.s32 @p2 $0x1082  }
0x22: {  	[simem:s7], [sflag:s8] =	dma.local @!p0 [hbm:s6], $0xF7A  }
0x23: {  	s9 =	sor.u32 $0xD0000000, s2;
	s6 =	simm.s32 $0x108;
	_ =	swait.ge @!p0 [sflag:s8], $0x0  }
0x24: {  	s3 =	sadd.s32 $0x88, s3;
	s6 =	simm.s32 @!p1 $0x1082;
	[sflag:s4] =	ssyncset.s32 $0xFFFFF086  }
0x25: {  	[simem:s6], [sflag:s4] =	dma.local [hbm:s3], $0xF7A  }
0x26: {  	[smem:$0x3F92] =	sst s1;
	(tag) =	ssettag s2;
	_ =	strace s9  }
0x27: {  	s1 =	sld [smem:$0x3FA2]  }
0x28: {  	s2 =	sld [smem:$0x3FA3]  }
0x29: {  	s4 =	sld [smem:$0x3FA5]  }
0x2a: {  	p0 =	seq.s32 s5, $0x0;
	s5 =	sld [smem:$0x3FA6]  }
0x2b: {  	s6 =	sld [smem:$0x3FA7]  }
0x2c: {  	s7 =	sld [smem:$0x3FA8]  }
0x2d: {  	s3 =	simm.s32 $0x108;
	s8 =	sld [smem:$0x3FA9]  }
0x2e: {  	s3 =	simm.s32 @!p0 $0x1082;
	s9 =	sld [smem:$0x3FAA]  }
0x2f: {  	lr =	sadd.s32 s0, s3;
	s0 =	sld [smem:$0x3FA1]  }
0x30: {  	s3 =	sld [smem:$0x3FA4]  }
0x31: {  	[smem:$0x3FAD] =	sst s10  }
0x32: {  	s10 =	sld [smem:$0x3FAB];
	_ =	sdelay $0x3  }
0x33: {  	p0 =	seq.s32 s10, $0x1;
	s10 =	sld [smem:$0x3FAD];
	_ =	sdelay $0x3  }
0x34: {  	[smem:$0x3FAD] =	sst s10  }
0x35: {  	s10 =	sld [smem:$0x3FAC];
	_ =	sdelay $0x3  }
0x36: {  	p1 =	seq.s32 s10, $0x1;
	s10 =	sld [smem:$0x3FAD];
	_ =	sdelay $0x3  }
0x37: {  	[smem:$0x3FAD] =	sst s10  }
0x38: {  	s10 =	sld [smem:$0x3FAE]  }
0x39: {  	_ = 	snop;
	(pc) =	sbr.ind lr, $3  }
0x3a: {  	_ = 	snop  }
0x3b: {  	_ = 	snop  }
0x3c: {  	p2 =	seq.s32 s10, $0x1;
	s10 =	sld [smem:$0x3FAD]  }
0x3d: {  	_ =	shalt  }
0x3e: {  	_ =	shalt  }
0x3f: {  	_ =	shalt  }
0x40: {  	_ =	shalt  }
0x41: {  	_ =	shalt  }
0x42: {  	_ =	shalt  }
0x43: {  	_ =	shalt  }
0x44: {  	_ =	shalt  }
0x45: {  	_ =	shalt  }
0x46: {  	_ =	shalt  }
0x47: {  	_ =	shalt  }
0x48: {  	_ =	shalt  }
0x49: {  	_ =	shalt  }
0x4a: {  	_ =	shalt  }
0x4b: {  	_ =	shalt  }
0x4c: {  	_ =	shalt  }
0x4d: {  	_ =	shalt  }
0x4e: {  	_ =	shalt  }
0x4f: {  	_ =	shalt  }
0x50: {  	_ =	shalt  }
0x51: {  	_ =	shalt  }
0x52: {  	_ =	shalt  }
0x53: {  	_ =	shalt  }
0x54: {  	_ =	shalt  }
0x55: {  	_ =	shalt  }
0x56: {  	_ =	shalt  }
0x57: {  	_ =	shalt  }
0x58: {  	_ =	shalt  }
0x59: {  	_ =	shalt  }
0x5a: {  	_ =	shalt  }
0x5b: {  	_ =	shalt  }
0x5c: {  	_ =	shalt  }
0x5d: {  	_ =	shalt  }
0x5e: {  	_ =	shalt  }
0x5f: {  	_ =	shalt  }
0x60: {  	_ =	shalt  }
0x61: {  	_ =	shalt  }
0x62: {  	_ =	shalt  }
0x63: {  	_ =	shalt  }
0x64: {  	_ =	shalt  }
0x65: {  	_ =	shalt  }
0x66: {  	_ =	shalt  }
0x67: {  	_ =	shalt  }
0x68: {  	_ =	shalt  }
0x69: {  	_ =	shalt  }
0x6a: {  	_ =	shalt  }
0x6b: {  	_ =	shalt  }
0x6c: {  	_ =	shalt  }
0x6d: {  	_ =	shalt  }
0x6e: {  	_ =	shalt  }
0x6f: {  	_ =	shalt  }
0x70: {  	_ =	shalt  }
0x71: {  	_ =	shalt  }
0x72: {  	_ =	shalt  }
0x73: {  	_ =	shalt  }
0x74: {  	_ =	shalt  }
0x75: {  	_ =	shalt  }
0x76: {  	_ =	shalt  }
0x77: {  	_ =	shalt  }
0x78: {  	_ =	shalt  }
0x79: {  	_ =	shalt  }
0x7a: {  	_ =	shalt  }
0x7b: {  	_ =	shalt  }
0x7c: {  	_ =	shalt  }
0x7d: {  	_ =	shalt  }
0x7e: {  	_ =	shalt  }
0x7f: {  	_ =	shalt  }
0x80: {  	_ =	shalt  }
0x81: {  	_ =	shalt  }
0x82: {  	_ =	shalt  }
0x83: {  	_ =	shalt  }
0x84: {  	_ =	shalt  }
0x85: {  	_ =	shalt  }
0x86: {  	_ =	shalt  }
0x87: {  	_ =	shalt  }
.Lfunc_end0:
.L_simem_size_0:
called_computation_lowered:
.L_overlay_start_0:
0x88: {  	s2 =	sld [smem:$0x3FD9]  }
0x89: {  	s3 =	sld [smem:$0x3FFE];
	_ =	sdelay $0x1  }
0x8a: {  	s1 =	srdreg.scid  }
0x8b: {  	s0 =	sand.u32 $0x1, s1  }
0x8c: {  	s17 =	sshll.u32 s0, $0xA;
	s2 =	sadd.s32 s3, s2  }
0x8d: {  	s2 =	sadd.s32 s2, s17  }
0x8e: {  	[smem:$0x3FB9] =	sst s2  }
0x8f: {  	_ = 	snop  }
0x90: {  	(tm) =	ssettm $0x1  }
0x91: {  	s18 =	sld [smem:$0x3FFB];
	_ =	sdelay $0x3  }
0x92: {  	_ =	strace s18  }
0x93: {  	s2 =	sld [smem:$0x3FFC];
	_ =	sdelay $0x3  }
0x94: {  	_ =	strace s2  }
0x95: {  	s2 =	sld [smem:$0x3FFD];
	_ =	sdelay $0x3  }
0x96: {  	_ =	strace s2  }
0x97: {  	_ =	strace $0x8FFFFFFF  }
0x98: {  	s19 =	sld [smem:$0x3FDB];
	_ =	sdelay $0x1  }
0x99: {  	s20 =	simm.s32 $_scs_section_size  }
0x9a: {  	s4 =	simm.s32 $_size__tile_overlayer_lowered;
	s5 =	simm.s32 $_tile_overlayer_lowered  }
0x9b: {  	s6 =	simm.s32 $0x1BFF;
	s21 =	sshll.u32 s5, $0x1;
	s3 =	sadd.s32 s20, s19  }
0x9c: {  	s22 =	simm.s32 $0x0;
	s4 =	sshll.u32 s4, $0x1;
	s5 =	sadd.s32 s21, s3  }
0x9d: {  	[timem:s22], [sflag:s6] =	dma.local [hbm:s5], s4  }
0x9e: {  	_ =	swait.ge [sflag:s6], s4  }
0x9f: {  	s4 =	ssub.s32 $0x0, s4;
	[sflag:s6] =	ssyncset.done $0x0  }
0xa0: {  	[sflag:s6] =	ssyncadd.s32 s4;
	_ =	sdelay $0x1  }
0xa1: {  	s23 =	simm.s32 $0x1B8B  }
0xa2: {  	_ =	swait.ge [sflag:s23], $0x1  }
0xa3: {  	[sflag:s23] =	ssyncset.done $0x0  }
0xa4: {  	[sflag:s23] =	ssyncadd.s32 $0xFFFFFFFF  }
0xa5: {  	s4 =	sld [smem:$0x0]  }
0xa6: {  	s5 =	sand.u32 $0xFFFFFFFE, s1  }
0xa7: {  	p0 =	sne.s32 s1, s5  }
0xa8: {  	s5 =	sshll.u32 @p0 s5, $0xE  }
0xa9: {  	s5 =	sadd.s32 @p0 $0x11B8D, s5;
	s6 =	sshll.u32 @p0 s4, $0x11  }
0xaa: {  	s5 =	sor.u32 @p0 s6, s5  }
0xab: {  	[sflag:s5] =	ssyncadd.remote.s32 @p0 $0x1;
	_ =	sdelay $0x1  }
0xac: {  	s5 =	simm.s32 @p0 $0x1B8D  }
0xad: {  	_ =	swait.eq @p0 [sflag:s5], $0x1  }
0xae: {  	[sflag:s5] =	ssyncadd.s32 @p0 $0xFFFFFFFF  }
0xaf: {  	s6 =	sshll.u32 @!p0 s1, $0xE  }
0xb0: {  	s6 =	sor.u32 @!p0 $0x4000, s6;
	s5 =	simm.s32 @!p0 $0x1B8D  }
0xb1: {  	s4 =	sshll.u32 @!p0 s4, $0x11;
	s6 =	sadd.s32 @!p0 $0x11B8D, s6;
	_ =	swait.eq @!p0 [sflag:s5], $0x1  }
0xb2: {  	s4 =	sor.u32 @!p0 s4, s6;
	[sflag:s5] =	ssyncadd.s32 @!p0 $0xFFFFFFFF  }
0xb3: {  	s25 =	simm.s32 $0x1B8E;
	s24 =	sld [smem:$0x3FFE];
	[sflag:s4] =	ssyncadd.remote.s32 @!p0 $0x1  }
0xb4: {  	s26 =	simm.s32 $execute0_lowered;
	[smem:$0x3FD2] =	sst s25  }
0xb5: {  	s5 =	sshll.u32 s26, $0x1;
	_ =	strace $0x80000049;
	[dreg:$0x1] =	wrdreg $0xFFFFFFFF  }
0xb6: {  	s28 =	simm.s32 $_size_execute0_lowered;
	s3 =	sadd.s32 s3, s5;
	[dreg:$0x0] =	wrdreg $0x0  }
0xb7: {  	s5 =	sshll.u32 s28, $0x1;
	[dreg:$0x2] =	wrdreg s3  }
0xb8: {  	[dreg:$0x3] =	wrdreg s5  }
0xb9: {  	[dreg:$0x4] =	wrdreg $0xC0  }
0xba: {  	_ =	task [dreg:s22], $0x5FFFF  }
0xbb: {  	[dreg:$0x1] =	wrdreg $0xFFFFFFFF  }
0xbc: {  	[dreg:$0x0] =	wrdreg $0x60  }
0xbd: {  	[dreg:$0x2] =	wrdreg s24  }
0xbe: {  	[dreg:$0x3] =	wrdreg $0x2B000  }
0xbf: {  	[dreg:$0x4] =	wrdreg $0x9  }
0xc0: {  	_ =	task.clear_ibuf [dreg:s22], $0x5FFFF;
	_ =	strace $0x90000049  }
0xc1: {  	s29 =	simm.s32 $0x9;
	_ =	strace $0x8000004B  }
0xc2: {  	_ =	swait.ge [sflag:s29], $0x1  }
0xc3: {  	[sflag:s29] =	ssyncadd.s32 $0xFFFFFFFF  }
0xc4: {  	_ =	strace $0x9000004B  }
0xc5: {  	_ =	sfence  }
0xc6: {  	s30 =	sld [smem:$0x0];
	_ =	sdelay $0x2  }
0xc7: {  	s31 =	sshll.u32 s1, $0xD;
	s1 =	sshrl.u32 s1, $0x2  }
0xc8: {  	s4 =	sand.u32 $0x4000, s31;
	s1 =	sadd.s32 s1, s30  }
0xc9: {  	s0 =	sor.u32 s4, s0;
	s1 =	sshll.u32 s1, $0x11  }
0xca: {  	s0 =	sor.u32 s1, s0  }
0xcb: {  	s0 =	sadd.s32 $0x8F2B, s0  }
0xcc: {  	[sflag:s0] =	ssyncadd.remote.s32 $0x1  }
0xcd: {  	_ =	sfence.sel $0xFFFF  }
0xce: {  	[dreg:$0x0] =	wrdreg $0xFFFFFFFF;
	(pc) =	sbr.abs _section_cstart, $3  }
0xcf: {  	[dreg:$0x1] =	wrdreg $0xFFFFFFFF  }
0xd0: {  	_ =	task.clear_ibuf [dreg:s22], $0x2FFFF;
	_ =	strace $0x9FFFFFFF  }
0xd1: {  	(tm) =	ssettm $0x7FFFFFFF  }
tec
execute0_lowered:
.L_overlay_start_1:
0x0: {  	(tag) =	ssettag $0x1  }
0x1: {  	s1 =	srdreg.scid;
	s5 =	rddreg [dreg:$0x0]  }
0x2: {  	s0 =	stileid.u32;
	s2 =	rddreg [dreg:$0x1];
	s3 =	simm.s32 $0x0  }
0x3: {  	s11 =	simm.s32 $0x80;
	s12 =	simm.s32 $0x1B00;
	s13 =	simm.s32 $0x1  }
0x4: {  	s15 =	simm.s32 $0x0;
	s4 =	sand.u32 $0x1, s1;
	s8 =	smul.u32 $0x14000, s0  }
0x5: {  	s29 =	sshll.u32 s0, $0x1;
	s1 =	rddreg [dreg:$0x2];
	s31 =	smul.u32 $0x50000, s0  }
0x6: {  	[smem:$0x7FF] =	sst s3;
	s6 =	smul.u32 $0x140000, s4;
	s7 =	sor.u32 s4, s29  }
0x7: {  	_ =	strace $0x8000004A;
	s30 =	ssub.s32 $0x2, s4;
	p0 =	seq.s32 s4, $0x0  }
0x8: {  	s4 =	simm.s32 $0x19;
	s7 =	smul.u32 $0x360, s7;
	s10 =	sshrl.u32 s30, $0x1  }
0x9: {  	s4 =	simm.s32 @!p0 $0x36;
	s14 =	sadd.s32 s8, s2;
	s6 =	sadd.s32 s8, s6  }
0xa: {  	s10 =	ssub.s32 s30, s10;
	s14 =	sshrl.u32 s14, $0x3;
	s7 =	sadd.s32 s7, s5  }
0xb: {  	s6 =	sshrl.u32 s6, $0x3;
	s8 =	smax.u32 s10, $0x1;
	s10 =	simm.s32 $0x2300  }
0xc: {  	s9 =	sadd.s32 s6, s5;
	s6 =	sshrl.u32 s31, $0x2;
	s5 =	sadd.s32 $0x3400, s7  }
0xd: {  	v0 =	vimm.f32 $0.0e+00;
	v1 =	vimm.f32 $1.000000000e+00;
	s6 =	sadd.s32 s6, s2;
	s7 =	sadd.s32 $0x5AA000, s9;
	s9 =	simm.s32 $0x2  }
.LBB2_1:
0xe: {  	[tilespmem:s3], [sflag:$0x2] =	stream.linear.gather [hbm4b:s5+s3], $0x1B00, $0x38;
	[tilespmem:$0x16B00] =	vst v63  }
0xf: {  	_ =	swait.ge [sflag:s9], $0x1B00  }
0x10: {  	[sflag:s9] =	ssyncset.done $0x0  }
0x11: {  	s16 =	simm.s32 $0x40;
	s17 =	simm.s32 $0x0;
	[sflag:s9] =	ssyncadd.s32 $0xFFFFE500  }
.LBB2_2:
0x12: {  	p0 =	sne.s32 s16, $0x1FC0;
	[tilespmem:s17+$0x2300] =	vst v0;
	s17 =	smov.u32 s16;
	s16 =	sadd.s32 $0x40, s16  }
.Ltmp0:
0x13: {  	(pc) =	sbr.rel @p0 .LBB2_2-.Ltmp0, $2  }
0x14: {  	_ =	sdelay $0x2  }
0x15: {  	s17 =	sshra.s32 s17, $0x2  }
0x16: {  	[tilespmem:s17+$0x2300] =	vst v0;
	s16 =	simm.s32 $0x40;
	s17 =	simm.s32 $0x0  }
.LBB2_4:
0x17: {  	p0 =	sne.s32 s16, $0x1FC0;
	[tilespmem:s17+$0x1B00] =	vst v1;
	s17 =	smov.u32 s16;
	s16 =	sadd.s32 $0x40, s16  }
.Ltmp1:
0x18: {  	(pc) =	sbr.rel @p0 .LBB2_4-.Ltmp1, $2  }
0x19: {  	_ =	sdelay $0x2  }
0x1a: {  	s17 =	sshra.s32 s17, $0x2  }
0x1b: {  	[tilespmem:s17+$0x1B00] =	vst v1;
	s16 =	sadd.s32 $0x0, s6  }
0x1c: {  	[spmem:s16] =	stream.linear.scatter [tilespmem:s10], [sflag:$0x2], $0x800, $0x38;
	[tilespmem:$0x16B00] =	vst v63  }
0x1d: {  	s16 =	simm.s32 $0x2000;
	_ =	swait.ge [sflag:s9], $0x800  }
.LBB2_6:
0x1e: {  	s17 =	sshra.s32 s16, $0x2;
	[sflag:s9] =	ssyncset.done $0x0;
	p0 =	sne.s32 s16, $0x4E000  }
.Ltmp2:
0x1f: {  	s17 =	sadd.s32 s17, s6;
	[sflag:s9] =	ssyncadd.s32 $0xFFFFF800;
	(pc) =	sbr.rel @p0 .LBB2_6-.Ltmp2, $3  }
0x20: {  	[spmem:s17] =	stream.linear.scatter [tilespmem:s10], [sflag:$0x2], $0x800, $0x38;
	[tilespmem:$0x16B00] =	vst v63  }
0x21: {  	s16 =	sadd.s32 $0x2000, s16;
	_ =	sdelay $0x1  }
0x22: {  	_ =	swait.ge [sflag:s9], $0x800  }
0x23: {  	p0 =	sne.s32 s4, $0x1  }
.Ltmp3:
0x24: {  	_ = 	snop;
	(pc) =	sbr.rel @!p0 .LBB2_9-.Ltmp3, $4  }
0x25: {  	[sflag:s9] =	ssyncset.done $0x0  }
0x26: {  	[sflag:s9] =	ssyncadd.s32 $0xFFFFF800  }
0x27: {  	s16 =	simm.s32 $0x0;
	s17 =	sadd.s32 $0xFFFFFFFF, s4;
	[bflag:$0x0] =	sbarrier.arrive $0xFFFF  }
0x28: {  	[spmem:s2] =	stream.indirect.scatter.add.f32 [tilespmem:s12], [sflag:$0x1], $0x10, s16, s11, $0xb8;
	[tilespmem:$0x16B00] =	vst v63  }
.LBB2_8:
0x29: {  	p1 =	sne.s32 s17, $0x1  }
.Ltmp4:
0x2a: {  	_ = 	snop;
	(pc) =	sbr.rel @p1 .LBB2_8-.Ltmp4, $3  }
0x2b: {  	_ = 	snop  }
0x2c: {  	s17 =	sadd.s32 $0xFFFFFFFF, s17;
	s16 =	sadd.s32 $0x80, s16;
	_ =	sdelay $0x1  }
0x2d: {  	[spmem:s2] =	stream.indirect.scatter.add.f32 [tilespmem:s12], [sflag:$0x1], $0x10, s16, s11, $0xb8;
	[tilespmem:$0x16B00] =	vst v63  }
.LBB2_9:
.Ltmp5:
0x2e: {  	(pc) =	sbr.rel @!p0 .LBB2_11-.Ltmp5, $3  }
0x2f: {  	_ =	sdelay $0x1  }
0x30: {  	_ =	swait.ge [sflag:s13], $0x800  }
0x31: {  	s16 =	sadd.s32 $0xFFFFFFFF, s4;
	[sflag:s13] =	ssyncset.done $0x0  }
.LBB2_10:
0x32: {  	p0 =	sne.s32 s16, $0x1;
	s16 =	sadd.s32 $0xFFFFFFFF, s16;
	[sflag:s13] =	ssyncadd.s32 $0xFFFFF800  }
.Ltmp6:
0x33: {  	(pc) =	sbr.rel @p0 .LBB2_10-.Ltmp6, $3  }
0x34: {  	_ =	sdelay $0x1  }
0x35: {  	_ =	swait.ge [sflag:s13], $0x800  }
0x36: {  	[sflag:s13] =	ssyncset.done $0x0  }
.LBB2_11:
0x37: {  	s15 =	sadd.s32 $0x1, s15  }
0x38: {  	[sflag:s13] =	ssyncadd.s32 $0xFFFFF800;
	s16 =	sshll.u32 s0, $0x6;
	p0 =	sne.s32 s15, s8  }
.Ltmp7:
0x39: {  	[bflag:$0x0] =	sbarrier.arrive $0xFFFF;
	s16 =	sor.u32 $0x1C02, s16;
	(pc) =	sbr.rel @p0 .LBB2_1-.Ltmp7, $4  }
0x3a: {  	[hbm:s7], [sflag:s16] =	dma.local [spmem:s14], $0x2800  }
0x3b: {  	_ =	swait.ge [sflag:s9], $0x2800  }
0x3c: {  	[sflag:s9] =	ssyncset.done $0x0  }
0x3d: {  	[sflag:s9] =	ssyncadd.s32 $0xFFFFD800  }
0x3e: {  	_ =	sfence.sel $0x180000  }
0x3f: {  	[bflag:$0x0] =	sbarrier.arrive $0xFFFF  }
0x40: {  	p0 =	sne.s32 s0, $0x0;
	_ =	strace $0x9000004A  }
0x41: {  	s0 =	sadd.s32 @!p0 $0x100000, s1;
	[bflag:$0x2] =	sbarrier.arrive $0xFFFF  }
0x42: {  	[sflag:s0] =	ssyncadd.tile.s32 @!p0 $0x1;
	_ =	shalt  }
.Lfunc_end2:
_tile_overlayer_lowered:
.L_overlay_start_2:
0x43: {  	(tag) =	ssettag $0x2  }
0x44: {  	s0 =	rddreg [dreg:$0x0];
	s2 =	stileid.u32  }
0x45: {  	s1 =	rddreg [dreg:$0x1];
	p0 =	sne.s32 s2, $0x0  }
0x46: {  	s3 =	rddreg [dreg:$0x2];
	[bflag:$0x3] =	sbarrier.arrive $0xFFFF;
	s2 =	simm.s32 @!p0 $0x1C02  }
0x47: {  	[timem:s3], [sflag:s2] =	dma.local @!p0 [hbm:s0], s1  }
0x48: {  	s0 =	simm.s32 @!p0 $0x2  }
0x49: {  	_ =	swait.ge @!p0 [sflag:s0], s1  }
0x4a: {  	s1 =	ssub.s32 @!p0 $0x0, s1;
	[sflag:s0] =	ssyncset.done @!p0 $0x0  }
0x4b: {  	[sflag:s0] =	ssyncadd.s32 @!p0 s1  }
0x4c: {  	[bflag:$0x3] =	sbarrier.arrive $0xFFFF  }
0x4d: {  	_ =	shalt  }

</sc_bundles>
